<compile_context>
chip_gen: v7x
topology: tpu7x:2x2x1
jax: 0.10.2.dev20260603
libtpu: 0.0.44.dev20260713+nightly
codegen_flags: <defaults>
</compile_context>

<pallas_src>
import functools

import jax
import jax.numpy as jnp
import numpy as np
from jax import lax
from jax.experimental import pallas as pl
from jax.experimental.pallas import tpu as pltpu
from jax.experimental.pallas import tpu_sc as plsc

N = 10000
NP = 10240
E = 320000
EP = 327680
G = 16
DUMMY = N
NC, NS = 2, 16
NW = NC * NS
EPW = EP // NW
CH = 128
NCH = EPW // CH
SUBR = NP // NS
BLK = 512
NEB = EP // BLK
NNB = NP // BLK
F32 = jnp.float32
I32 = jnp.int32


def _mesh():
    return plsc.VectorSubcoreMesh(core_axis_name="c", subcore_axis_name="s")



def _sc_gather2(table, send, recv):
    @functools.partial(
        pl.kernel,
        out_type=[
            jax.ShapeDtypeStruct((EP, 128), F32),
            jax.ShapeDtypeStruct((EP, 128), F32),
        ],
        mesh=_mesh(),
        scratch_types=[
            pltpu.VMEM((CH,), I32),
            pltpu.VMEM((CH,), I32),
            pltpu.VMEM((CH, 128), F32),
            pltpu.VMEM((CH, 128), F32),
            pltpu.SemaphoreType.DMA,
        ],
    )
    def k(tab, sidx, ridx, xs_o, xr_o, si_v, ri_v, sr_v, rr_v, sem):
        wid = lax.axis_index("s") * NC + lax.axis_index("c")
        base = wid * EPW

        def body(c, carry):
            off = pl.multiple_of(base + c * CH, CH)
            pltpu.sync_copy(sidx.at[pl.ds(off, CH)], si_v)
            pltpu.sync_copy(ridx.at[pl.ds(off, CH)], ri_v)
            pltpu.async_copy(tab.at[si_v], sr_v, sem).wait()
            pltpu.async_copy(tab.at[ri_v], rr_v, sem).wait()
            pltpu.sync_copy(sr_v, xs_o.at[pl.ds(off, CH)])
            pltpu.sync_copy(rr_v, xr_o.at[pl.ds(off, CH)])
            return carry

        lax.fori_loop(0, NCH, body, 0)

    return k(table, send, recv)


def _sc_scatter(msgs, midx):
    zeros = jnp.zeros((NP, 128), F32)

    @functools.partial(
        pl.kernel,
        out_type=jax.ShapeDtypeStruct((NC, NP, 128), F32),
        mesh=_mesh(),
        scratch_types=[
            pltpu.VMEM((CH,), I32),
            pltpu.VMEM((CH, 128), F32),
            pltpu.VMEM_SHARED((NP, 128), F32),
            pltpu.SemaphoreType.DMA,
        ],
    )
    def k(m_h, mi_h, z_h, out_h, idx_v, rows_v, acc, sem):
        cid = lax.axis_index("c")
        sid = lax.axis_index("s")
        wid = sid * NC + cid
        base = wid * EPW
        pltpu.sync_copy(z_h.at[pl.ds(sid * SUBR, SUBR)],
                        acc.at[pl.ds(sid * SUBR, SUBR)])
        plsc.subcore_barrier()

        def body(c, carry):
            off = pl.multiple_of(base + c * CH, CH)
            pltpu.sync_copy(mi_h.at[pl.ds(off, CH)], idx_v)
            pltpu.sync_copy(m_h.at[pl.ds(off, CH)], rows_v)
            pltpu.sync_copy(rows_v, acc.at[idx_v], add=True)
            return carry

        lax.fori_loop(0, NCH, body, 0)
        plsc.subcore_barrier()
        pltpu.sync_copy(acc.at[pl.ds(sid * SUBR, SUBR)],
                        out_h.at[cid, pl.ds(sid * SUBR, SUBR)])

    return k(msgs, midx, zeros)


def _sc_sage(tables, send, midx):
    nh = len(tables)
    zeros = jnp.zeros((NP, 128), F32)

    @functools.partial(
        pl.kernel,
        out_type=jax.ShapeDtypeStruct((NC, nh, NP, 128), F32),
        mesh=_mesh(),
        scratch_types=[
            pltpu.VMEM((CH,), I32),
            pltpu.VMEM((CH,), I32),
            pltpu.VMEM((CH, 128), F32),
            pltpu.VMEM_SHARED((NP, 128), F32),
            pltpu.SemaphoreType.DMA,
        ],
    )
    def k(*args):
        tabs = args[:nh]
        sidx, mi_h, z_h, out_h, gi_v, si_v, rows_v, acc, sem = args[nh:]
        cid = lax.axis_index("c")
        sid = lax.axis_index("s")
        wid = sid * NC + cid
        base = wid * EPW
        for h in range(nh):
            pltpu.sync_copy(z_h.at[pl.ds(sid * SUBR, SUBR)],
                            acc.at[pl.ds(sid * SUBR, SUBR)])
            plsc.subcore_barrier()

            def body(c, carry):
                off = pl.multiple_of(base + c * CH, CH)
                pltpu.sync_copy(sidx.at[pl.ds(off, CH)], gi_v)
                pltpu.sync_copy(mi_h.at[pl.ds(off, CH)], si_v)
                pltpu.async_copy(tabs[h].at[gi_v], rows_v, sem).wait()
                pltpu.sync_copy(rows_v, acc.at[si_v], add=True)
                return carry

            lax.fori_loop(0, NCH, body, 0)
            plsc.subcore_barrier()
            pltpu.sync_copy(acc.at[pl.ds(sid * SUBR, SUBR)],
                            out_h.at[cid, h, pl.ds(sid * SUBR, SUBR)])
            plsc.subcore_barrier()

    return k(*tables, send, midx, zeros)



def _full(shape):
    return pl.BlockSpec(shape, lambda i: tuple(0 for _ in shape))


def _rows(shape):
    return pl.BlockSpec(shape, lambda i: (i,) + tuple(0 for _ in shape[1:]))


def _relu(v):
    return jnp.maximum(v, 0.0)


def _dot(a, b):
    return jnp.dot(a, b, preferred_element_type=F32)


def _tc_edge0(xr, xs, recv2d, wr, ws, we, b1, w2, b2):
    def body(xr_r, xs_r, rv_r, wr_r, ws_r, we_r, b1_r, w2_r, b2_r,
             e_r, m_r, mi_r):
        a = xr_r[...]
        b = xs_r[...]
        d = a - b
        d0 = d[:, 0:1]
        d1 = d[:, 1:2]
        d2 = d[:, 2:3]
        dist = jnp.sqrt(d0 * d0 + d1 * d1 + d2 * d2)
        inv = jnp.where(dist > 0.0, 1.0 / jnp.where(dist == 0.0, 1.0, dist),
                        0.0)
        e_r[:, 0:3] = d[:, 3:6]
        e_r[:, 3:4] = dist
        e_r[:, 4:7] = d[:, 0:3] * inv
        e_r[:, 7:8] = jnp.zeros_like(dist)
        e = e_r[...]
        h = _relu(_dot(a, wr_r[...]) + _dot(b, ws_r[...]) + _dot(e, we_r[...])
                  + b1_r[...])
        m_r[...] = _relu(_dot(h, w2_r[...]) + b2_r[...])
        mi_r[...] = jnp.where(b[:, 3:4] <= a[:, 3:4], rv_r[...], DUMMY)

    return pl.pallas_call(
        body,
        grid=(NEB,),
        in_specs=[_rows((BLK, 128)), _rows((BLK, 128)), _rows((BLK, 1)),
                  _full((128, 256)), _full((128, 256)), _full((8, 256)),
                  _full((1, 256)), _full((256, 128)), _full((1, 128))],
        out_specs=[_rows((BLK, 8)), _rows((BLK, 128)), _rows((BLK, 1))],
        out_shape=[jax.ShapeDtypeStruct((EP, 8), F32),
                   jax.ShapeDtypeStruct((EP, 128), F32),
                   jax.ShapeDtypeStruct((EP, 1), I32)],
    )(xr, xs, recv2d, wr, ws, we, b1, w2, b2)


def _tc_edge_mlp(xr, xs, e8, wr, ws, we, b1, w2, b2):
    def body(xr_r, xs_r, e_r, wr_r, ws_r, we_r, b1_r, w2_r, b2_r, m_r):
        h = _relu(_dot(xr_r[...], wr_r[...]) + _dot(xs_r[...], ws_r[...])
                  + _dot(e_r[...], we_r[...]) + b1_r[...])
        m_r[...] = _relu(_dot(h, w2_r[...]) + b2_r[...])

    return pl.pallas_call(
        body,
        grid=(NEB,),
        in_specs=[_rows((BLK, 128)), _rows((BLK, 128)), _rows((BLK, 8)),
                  _full((128, 256)), _full((128, 256)), _full((8, 256)),
                  _full((1, 256)), _full((256, 128)), _full((1, 128))],
        out_specs=_rows((BLK, 128)),
        out_shape=jax.ShapeDtypeStruct((EP, 128), F32),
    )(xr, xs, e8, wr, ws, we, b1, w2, b2)


def _tc_upd(a, w1, b1, w2, b2, cnt_flag):
    def body(a0_r, a1_r, w1_r, b1_r, w2_r, b2_r, o_r):
        s = a0_r[0] + a1_r[0]
        h = _relu(_dot(s, w1_r[...]) + b1_r[...])
        h = _relu(_dot(h, w2_r[...]) + b2_r[...])
        o_r[:, 0:64] = h
        cc = lax.broadcasted_iota(I32, (BLK, 64), 1)
        o_r[:, 64:128] = jnp.where(cc == 0, cnt_flag, 0.0)

    return pl.pallas_call(
        body,
        grid=(NNB,),
        in_specs=[pl.BlockSpec((1, BLK, 128), lambda i: (0, i, 0)),
                  pl.BlockSpec((1, BLK, 128), lambda i: (1, i, 0)),
                  _full((128, 128)), _full((1, 128)),
                  _full((128, 64)), _full((1, 64))],
        out_specs=_rows((BLK, 128)),
        out_shape=jax.ShapeDtypeStruct((NP, 128), F32),
    )(a, a, w1, b1, w2, b2)


def _tc_add(a):
    def body(a0_r, a1_r, o_r):
        o_r[...] = a0_r[0] + a1_r[0]

    return pl.pallas_call(
        body,
        grid=(NNB,),
        in_specs=[pl.BlockSpec((1, BLK, 128), lambda i: (0, i, 0)),
                  pl.BlockSpec((1, BLK, 128), lambda i: (1, i, 0))],
        out_specs=_rows((BLK, 128)),
        out_shape=jax.ShapeDtypeStruct((NP, 128), F32),
    )(a, a)


def _tc_sage1(h2t, s1, wx, wa, b):
    def body(h_r, s0_r, s1_r, wx_r, wa_r, b_r, o1_r, o2_r, c_r):
        s = s0_r[0, 0] + s1_r[0, 0]
        cnt = s[:, 64:72]
        c = jnp.maximum(cnt[:, 0:1], 1.0)
        agg = s[:, 0:64] / c
        z = (b_r[...] + _dot(h_r[:, 0:64], wx_r[...]) + _dot(agg, wa_r[...]))
        z = z * lax.rsqrt(jnp.maximum(jnp.sum(z * z, axis=1, keepdims=True),
                                      1e-12))
        z = _relu(z)
        o1_r[...] = z[:, 0:128]
        o2_r[...] = z[:, 128:256]
        c_r[...] = cnt

    return pl.pallas_call(
        body,
        grid=(NNB,),
        in_specs=[_rows((BLK, 128)),
                  pl.BlockSpec((1, 1, BLK, 128), lambda i: (0, 0, i, 0)),
                  pl.BlockSpec((1, 1, BLK, 128), lambda i: (1, 0, i, 0)),
                  _full((64, 256)), _full((64, 256)), _full((1, 256))],
        out_specs=[_rows((BLK, 128)), _rows((BLK, 128)), _rows((BLK, 8))],
        out_shape=[jax.ShapeDtypeStruct((NP, 128), F32),
                   jax.ShapeDtypeStruct((NP, 128), F32),
                   jax.ShapeDtypeStruct((NP, 8), F32)],
    )(h2t, s1, s1, wx, wa, b)


def _tc_sage2(h3a, h3b, s2, cnt8, wx, wa, b):
    def body(ha_r, hb_r, s00_r, s10_r, s01_r, s11_r, c_r, wx_r, wa_r, b_r,
             *outs):
        c = jnp.maximum(c_r[:, 0:1], 1.0)
        agg0 = (s00_r[0, 0] + s10_r[0, 0]) / c
        agg1 = (s01_r[0, 0] + s11_r[0, 0]) / c
        z = (b_r[...]
             + _dot(ha_r[...], wx_r[pl.ds(0, 128)])
             + _dot(hb_r[...], wx_r[pl.ds(128, 128)])
             + _dot(agg0, wa_r[pl.ds(0, 128)])
             + _dot(agg1, wa_r[pl.ds(128, 128)]))
        z = z * lax.rsqrt(jnp.maximum(jnp.sum(z * z, axis=1, keepdims=True),
                                      1e-12))
        z = _relu(z)
        for o in range(4):
            outs[o][...] = z[:, o * 128:(o + 1) * 128]

    def spec(cc, hh):
        return pl.BlockSpec((1, 1, BLK, 128), lambda i: (cc, hh, i, 0))

    return pl.pallas_call(
        body,
        grid=(NNB,),
        in_specs=[_rows((BLK, 128)), _rows((BLK, 128)),
                  spec(0, 0), spec(1, 0), spec(0, 1), spec(1, 1),
                  _rows((BLK, 8)),
                  _full((256, 512)), _full((256, 512)), _full((1, 512))],
        out_specs=[_rows((BLK, 128))] * 4,
        out_shape=[jax.ShapeDtypeStruct((NP, 128), F32)] * 4,
    )(h3a, h3b, s2, s2, s2, s2, cnt8, wx, wa, b)


def _tc_pool(h4a, h4b, h4c, h4d, xpad, bcol):
    def body(ha_r, hb_r, hc_r, hd_r, x_r, b_r,
             hmax_r, hsum_r, xs_r, xq_r, xmx_r, xmn_r, cg_r):
        i = pl.program_id(0)

        @pl.when(i == 0)
        def _init():
            hmax_r[...] = jnp.full((G, 512), -jnp.inf, F32)
            hsum_r[...] = jnp.zeros((G, 512), F32)
            xs_r[...] = jnp.zeros((G, 8), F32)
            xq_r[...] = jnp.zeros((G, 8), F32)
            xmx_r[...] = jnp.full((G, 8), -jnp.inf, F32)
            xmn_r[...] = jnp.full((G, 8), jnp.inf, F32)
            cg_r[...] = jnp.zeros((G, 8), F32)

        hv = jnp.concatenate([ha_r[...], hb_r[...], hc_r[...], hd_r[...]],
                             axis=1)
        xv = x_r[...]
        bc = b_r[:, 0:1]
        giota = lax.broadcasted_iota(I32, (1, G), 1).astype(F32)
        oht = (bc == giota).astype(F32)
        dn = (((0,), (0,)), ((), ()))
        hsum_r[...] += lax.dot_general(oht, hv, dn, preferred_element_type=F32)
        xs_r[...] += lax.dot_general(oht, xv, dn, preferred_element_type=F32)
        xq_r[...] += lax.dot_general(oht, xv * xv, dn,
                                     preferred_element_type=F32)
        cg_r[...] += lax.dot_general(oht, jnp.ones((BLK, 8), F32), dn,
                                     preferred_element_type=F32)
        for g in range(G):
            mk = bc == float(g)
            hm = jnp.max(jnp.where(mk, hv, -jnp.inf), axis=0, keepdims=True)
            hmax_r[pl.ds(g, 1), :] = jnp.maximum(hmax_r[pl.ds(g, 1), :], hm)
            xm = jnp.max(jnp.where(mk, xv, -jnp.inf), axis=0, keepdims=True)
            xmx_r[pl.ds(g, 1), :] = jnp.maximum(xmx_r[pl.ds(g, 1), :], xm)
            xn = jnp.min(jnp.where(mk, xv, jnp.inf), axis=0, keepdims=True)
            xmn_r[pl.ds(g, 1), :] = jnp.minimum(xmn_r[pl.ds(g, 1), :], xn)

    shapes = [jax.ShapeDtypeStruct((G, 512), F32),
              jax.ShapeDtypeStruct((G, 512), F32)] + \
             [jax.ShapeDtypeStruct((G, 8), F32)] * 5
    return pl.pallas_call(
        body,
        grid=(NNB,),
        in_specs=[_rows((BLK, 128))] * 4 + [_rows((BLK, 8)), _rows((BLK, 8))],
        out_specs=[_full((G, 512)), _full((G, 512))] + [_full((G, 8))] * 5,
        out_shape=shapes,
    )(h4a, h4b, h4c, h4d, xpad, bcol)


def _tc_decoder(pools, wts):
    hmax, hsum, xs_, xq, xmx, xmn, cg = pools

    def body(hmax_r, hsum_r, xs_r, xq_r, xmx_r, xmn_r, cg_r, *o):
        (wp1_r, wp2_r, wps_r, wav_r, wvr_r, wmx_r, wmn_r, bd1_r, s1_r, t1_r,
         wd2_r, bd2_r, s2_r, t2_r,
         l0_r, lb0_r, l1_r, lb1_r, l2_r, lb2_r,
         a0_r, ab0_r, a1_r, ab1_r, a2_r, ab2_r, sc_r, scb_r,
         q0_r, qb0_r, q1_r, qb1_r, q2_r, qb2_r,
         loge_r, za_r, sig_r) = o
        cnt = jnp.maximum(cg_r[...], 1.0)
        c1 = cnt[:, 0:1]
        avg = xs_r[...] / cnt
        var = jnp.abs(xq_r[...] / cnt - avg * avg)
        p2 = hsum_r[...] / c1
        g1 = (_dot(hmax_r[...], wp1_r[...]) + _dot(p2, wp2_r[...])
              + _dot(hsum_r[...], wps_r[...]) + _dot(avg, wav_r[...])
              + _dot(var, wvr_r[...]) + _dot(xmx_r[...], wmx_r[...])
              + _dot(xmn_r[...], wmn_r[...]) + bd1_r[...])
        g1 = jnp.where(g1 >= 0.0, g1, 0.15 * g1) * s1_r[...] + t1_r[...]
        g2 = _dot(g1, wd2_r[...]) + bd2_r[...]
        g2 = jnp.where(g2 >= 0.0, g2, 0.15 * g2) * s2_r[...] + t2_r[...]
        loge = _dot(_dot(_dot(g2, l0_r[...]) + lb0_r[...], l1_r[...])
                    + lb1_r[...], l2_r[...]) + lb2_r[...]
        ang = _dot(_dot(_dot(g2, a0_r[...]) + ab0_r[...], a1_r[...])
                   + ab1_r[...], a2_r[...]) + ab2_r[...]
        za = jax.nn.sigmoid(_dot(ang, sc_r[...]) + scb_r[...])
        sig = jnp.abs(_dot(_dot(_dot(g2, q0_r[...]) + qb0_r[...], q1_r[...])
                           + qb1_r[...], q2_r[...]) + qb2_r[...]) + 1e-05
        loge_r[...] = loge
        za_r[...] = za
        sig_r[...] = sig

    out_shape = [jax.ShapeDtypeStruct((G, 8), F32)] * 3
    return pl.pallas_call(
        body,
        out_shape=out_shape,
    )(hmax, hsum, xs_, xq, xmx, xmn, cg, *wts)



def _pad_rows(w, rows):
    return jnp.pad(w, ((0, rows - w.shape[0]), (0, 0)))


def _split_msg(mp, d, sg, sb, dpad):
    w1 = mp["l1"]["w"]
    b1 = mp["l1"]["b"]
    wr = _pad_rows(w1[0:d], dpad)
    ws = _pad_rows(w1[d:2 * d], dpad)
    we = w1[2 * d:2 * d + 7]
    b1f = b1 + sb @ we
    wef = _pad_rows(sg[:, None] * we, 8)
    return (wr, ws, wef, b1f[None, :], mp["l2"]["w"], mp["l2"]["b"][None, :])


def kernel(x, edge_index, batch_index, params):
    p = params
    xpad8 = jnp.pad(x, ((0, NP - N), (0, 2)))
    xpad128 = jnp.pad(x, ((0, NP - N), (0, 128 - 6)))
    send = jnp.concatenate([edge_index[0],
                            jnp.full((EP - E,), DUMMY, I32)])
    recv = jnp.concatenate([edge_index[1],
                            jnp.full((EP - E,), DUMMY, I32)])
    bcol = jnp.broadcast_to(
        jnp.concatenate([batch_index,
                         jnp.full((NP - N,), G, I32)]).astype(F32)[:, None],
        (NP, 8))

    sg = p["e_bn"]["gamma"] / np.sqrt(1.0 + 1e-3)
    sb = p["e_bn"]["beta"]

    xs8, xr8 = _sc_gather2(xpad128, send, recv)

    m1w = _split_msg(p["mp1"]["msg"][0], 6, sg, sb, 128)
    e8, m1, midx2d = _tc_edge0(xr8, xs8, recv[:, None], *m1w)
    midx = midx2d.reshape(EP)
    a1 = _sc_scatter(m1, midx)
    u1 = p["mp1"]["upd"]
    h1t = _tc_upd(a1, u1["l1"]["w"], u1["l1"]["b"][None, :],
                  u1["l2"]["w"], u1["l2"]["b"][None, :], 0.0)

    hs1, hr1 = _sc_gather2(h1t, send, recv)
    m2w = _split_msg(p["mp2"]["msg"][0], 64, sg, sb, 128)
    m2 = _tc_edge_mlp(hr1, hs1, e8, *m2w)
    a2 = _sc_scatter(m2, midx)
    x2 = _tc_add(a2)

    xs2, xr2 = _sc_gather2(x2, send, recv)
    m3w = _split_msg(p["mp2"]["msg"][1], 128, sg, sb, 128)
    m3 = _tc_edge_mlp(xr2, xs2, e8, *m3w)
    a3 = _sc_scatter(m3, midx)
    u2 = p["mp2"]["upd"]
    h2t = _tc_upd(a3, u2["l1"]["w"], u2["l1"]["b"][None, :],
                  u2["l2"]["w"], u2["l2"]["b"][None, :], 1.0)

    s1 = _sc_sage([h2t], send, midx)
    g1w = p["gcn1"]["w"]
    h3a, h3b, cnt8 = _tc_sage1(h2t, s1, g1w[0:64], g1w[64:128],
                               p["gcn1"]["b"][None, :])

    s2 = _sc_sage([h3a, h3b], send, midx)
    g2w = p["gcn2"]["w"]
    h4a, h4b, h4c, h4d = _tc_sage2(h3a, h3b, s2, cnt8,
                                   g2w[0:256], g2w[256:512],
                                   p["gcn2"]["b"][None, :])

    pools = _tc_pool(h4a, h4b, h4c, h4d, xpad8, bcol)

    d1w = p["dec1"]["w"]
    wavg = _pad_rows(d1w[1536:1542], 8)
    wvar = _pad_rows(d1w[1542:1548], 8)
    wmax = _pad_rows(d1w[1548:1554], 8)
    wmin = _pad_rows(d1w[1554:1560], 8)
    s1v = (p["bn1"]["gamma"] / np.sqrt(1.0 + 1e-3))[None, :]
    t1v = p["bn1"]["beta"][None, :]
    s2v = (p["bn2"]["gamma"] / np.sqrt(1.0 + 1e-3))[None, :]
    t2v = p["bn2"]["beta"][None, :]

    def head(pref):
        return [p[pref + "0"]["w"], p[pref + "0"]["b"][None, :],
                p[pref + "1"]["w"], p[pref + "1"]["b"][None, :],
                jnp.pad(p[pref + "_out"]["w"],
                        ((0, 0), (0, 8 - p[pref + "_out"]["w"].shape[1]))),
                jnp.pad(p[pref + "_out"]["b"],
                        (0, 8 - p[pref + "_out"]["b"].shape[0]))[None, :]]

    sc8 = jnp.pad(p["ang_scale"]["w"], ((0, 6), (0, 6)))
    scb8 = jnp.pad(p["ang_scale"]["b"], (0, 6))[None, :]
    wts = ([d1w[0:512], d1w[512:1024], d1w[1024:1536], wavg, wvar, wmax, wmin,
            p["dec1"]["b"][None, :], s1v, t1v,
            p["dec2"]["w"], p["dec2"]["b"][None, :], s2v, t2v]
           + head("loge") + head("ang") + [sc8, scb8] + head("sig"))
    loge8, za8, sig8 = _tc_decoder(pools, wts)

    xs_out = jnp.stack([loge8[:, 0], za8[:, 0] * np.pi,
                        za8[:, 1] * 2.0 * np.pi], axis=1)
    return jnp.concatenate([xs_out, sig8[:, 0:2]], axis=1)

# --- scband reference (transcript-rebuilt; emitter-appended) ---
"""Pipeline reference for scband-dev-edge-24395414241576 (READ-ONLY COPY).

The authoritative reference and input builder live on the scoring server;
editing this copy changes nothing except your own understanding.
"""

import jax, jax.numpy as jnp
import numpy as np

N_NODES = 10000
N_EDGES = 320000
F_IN = 6
H = 64
N_GRAPHS = 16
E_DIM = 7
BN_EPS = 1e-3


def _dense_p(key, din, dout):
    kw, kb = jax.random.split(key)
    w = jax.random.normal(kw, (din, dout), jnp.float32) / np.sqrt(din)
    b = jnp.zeros((dout,), jnp.float32)
    return {"w": w, "b": b}


def _mlp_p(key, din, hidden, dout):
    k1, k2 = jax.random.split(key)
    return {"l1": _dense_p(k1, din, hidden), "l2": _dense_p(k2, hidden, dout)}


def _bn_p(dim):
    return {"gamma": jnp.ones((dim,), jnp.float32), "beta": jnp.zeros((dim,), jnp.float32)}


def make_params(key):
    ks = jax.random.split(key, 19)
    return {
        "e_bn": _bn_p(E_DIM),
        "mp1": {"msg": [_mlp_p(ks[0], F_IN * 2 + E_DIM, H * 4, H * 2)],
                "upd": _mlp_p(ks[1], H * 2, H * 2, H)},
        "mp2": {"msg": [_mlp_p(ks[2], H * 2 + E_DIM, H * 4, H * 2),
                         _mlp_p(ks[3], H * 4 + E_DIM, H * 4, H * 2)],
                "upd": _mlp_p(ks[4], H * 2, H * 2, H)},
        "gcn1": _dense_p(ks[5], H * 2, H * 4),
        "gcn2": _dense_p(ks[6], H * 8, H * 8),
        "dec1": _dense_p(ks[7], H * 8 * 3 + F_IN * 4, H * 16),
        "bn1": _bn_p(H * 16),
        "dec2": _dense_p(ks[8], H * 16, H * 8),
        "bn2": _bn_p(H * 8),
        "loge0": _dense_p(ks[9], H * 8, H), "loge1": _dense_p(ks[10], H, H), "loge_out": _dense_p(ks[11], H, 1),
        "ang0": _dense_p(ks[12], H * 8, H), "ang1": _dense_p(ks[13], H, H), "ang_out": _dense_p(ks[14], H, 2),
        "ang_scale": _dense_p(ks[15], 2, 2),
        "sig0": _dense_p(ks[16], H * 8, H), "sig1": _dense_p(ks[17], H, H), "sig_out": _dense_p(ks[18], H, 2),
    }


def setup_inputs(seed: int = 0):
    key = jax.random.key(seed)
    kx, ke, ki, kp = jax.random.split(key, 4)
    x = jax.random.normal(kx, (N_NODES, F_IN), jnp.float32)
    edge_index = jax.random.randint(ke, (2, N_EDGES), 0, N_NODES, jnp.int32)
    batch_index = jnp.sort(jax.random.randint(ki, (N_NODES,), 0, N_GRAPHS, jnp.int32))
    params = make_params(kp)
    return {"x": x, "edge_index": edge_index, "batch_index": batch_index, "params": params}


def _dense(x, p):
    return x @ p["w"] + p["b"]


def _mlp(x, p):
    return jax.nn.relu(_dense(jax.nn.relu(_dense(x, p["l1"])), p["l2"]))


def _bn(x, p):
    # inference-mode BatchNorm with moving_mean=0, moving_var=1 (Keras eps=1e-3)
    return x * (p["gamma"] / np.sqrt(1.0 + BN_EPS)) + p["beta"]


def _leaky(x):
    return jnp.where(x >= 0, x, 0.15 * x)


def _sgconv(x, send, recv, e, p, n):
    # SGConv: K hops of edge-MLP message + scatter-sum aggregate, then update MLP
    for mp in p["msg"]:
        m = _mlp(jnp.concatenate([x[recv], x[send], e], axis=1), mp)
        x = jax.ops.segment_sum(m, recv, num_segments=n)
    return _mlp(x, p["upd"])


def _sage(x, send, recv, p, n):
    # GraphSageConv: mean neighbor aggregate, concat, dense, l2-normalize, relu
    s = jax.ops.segment_sum(x[send], recv, num_segments=n)
    c = jax.ops.segment_sum(jnp.ones((send.shape[0],), jnp.float32), recv, num_segments=n)
    agg = s / jnp.maximum(c, 1.0)[:, None]
    out = _dense(jnp.concatenate([x, agg], axis=1), p)
    out = out * jax.lax.rsqrt(jnp.maximum(jnp.sum(out * out, axis=-1, keepdims=True), 1e-12))
    return jax.nn.relu(out)


def _forward(x, send, recv, batch_index, params):
    n = x.shape[0]
    cnt = jax.ops.segment_sum(jnp.ones((n,), jnp.float32), batch_index, num_segments=N_GRAPHS)
    cnt = jnp.maximum(cnt, 1.0)[:, None]
    ssum = jax.ops.segment_sum(x, batch_index, num_segments=N_GRAPHS)
    glob_avg = ssum / cnt
    glob_var = jnp.abs(jax.ops.segment_sum(x * x, batch_index, num_segments=N_GRAPHS) / cnt - glob_avg * glob_avg)
    glob_max = jax.ops.segment_max(x, batch_index, num_segments=N_GRAPHS)
    glob_min = jax.ops.segment_min(x, batch_index, num_segments=N_GRAPHS)
    xglob = jnp.concatenate([glob_avg, glob_var, glob_max, glob_min], axis=1)
    # edge features (edgetype == 0)
    diff = x[recv] - x[send]
    dists = jnp.sqrt(jnp.sum(diff[:, :3] ** 2, axis=1))
    safe = jnp.where(dists[:, None] == 0, 1.0, dists[:, None])
    vects = jnp.where(dists[:, None] > 0, diff[:, :3] / safe, 0.0)
    e = jnp.concatenate([diff[:, 3:], dists[:, None], vects], axis=1)
    e = _bn(e, params["e_bn"])
    h = _sgconv(x, send, recv, e, params["mp1"], n)
    h = _sgconv(h, send, recv, e, params["mp2"], n)
    h = _sage(h, send, recv, params["gcn1"], n)
    h = _sage(h, send, recv, params["gcn2"], n)
    p1 = jax.ops.segment_max(h, batch_index, num_segments=N_GRAPHS)
    psum = jax.ops.segment_sum(h, batch_index, num_segments=N_GRAPHS)
    p2 = psum / cnt
    g = jnp.concatenate([p1, p2, psum, xglob], axis=1)
    g = _bn(_leaky(_dense(g, params["dec1"])), params["bn1"])
    g = _bn(_leaky(_dense(g, params["dec2"])), params["bn2"])
    x_loge = _dense(_dense(_dense(g, params["loge0"]), params["loge1"]), params["loge_out"])
    x_ang = _dense(_dense(_dense(g, params["ang0"]), params["ang1"]), params["ang_out"])
    zeniazi = jax.nn.sigmoid(_dense(x_ang, params["ang_scale"]))
    x_sigs = jnp.abs(_dense(_dense(_dense(g, params["sig0"]), params["sig1"]), params["sig_out"])) + 1e-05
    xs = jnp.stack([x_loge[:, 0], zeniazi[:, 0] * np.pi, zeniazi[:, 1] * 2.0 * np.pi], axis=1)
    return jnp.concatenate([xs, x_sigs], axis=1)


def reference(x, edge_index, batch_index, params):
    send = edge_index[0]
    recv = edge_index[1]
    # forward-in-time edge filter: keep edges with t[send] <= t[recv]
    mask = x[send, 3] <= x[recv, 3]
    recv = jnp.where(mask, recv, jnp.int32(x.shape[0]))
    return _forward(x, send, recv, batch_index, params)

if __name__ == "__main__":
    import jax
    _d = setup_inputs()
    print(jax.jit(kernel)(*tuple(_d.values())))

</pallas_src>

<mosaic_0001>
#map = affine_map<(d0, d1) -> (0, 0)>
#map1 = affine_map<(d0, d1) -> (0)>
module attributes {stable_mosaic.version = 14 : i64} {
  func.func @k(%arg0: i32, %arg1: i32, %arg2: memref<10240x128xf32, #tpu.memory_space<hbm>>, %arg3: memref<327680xi32, #tpu.memory_space<hbm>>, %arg4: memref<327680xi32, #tpu.memory_space<hbm>>, %arg5: memref<327680x128xf32, #tpu.memory_space<hbm>>, %arg6: memref<327680x128xf32, #tpu.memory_space<hbm>>, %arg7: memref<128xi32, #tpu.memory_space<vmem>>, %arg8: memref<128xi32, #tpu.memory_space<vmem>>, %arg9: memref<128x128xf32, #tpu.memory_space<vmem>>, %arg10: memref<128x128xf32, #tpu.memory_space<vmem>>, %arg11: memref<!tpu.dma_semaphore, #tpu.memory_space<semaphore_mem>>) attributes {dimension_semantics = [#tpu.dimension_semantics<core_parallel>, #tpu.dimension_semantics<subcore_parallel>], iteration_bounds = array<i64: 2, 16>, scalar_prefetch = 0 : i64, scratch_operands = 5 : i64, tpu.core_type = #tpu.core_type<sc_vector_subcore>, window_params = [{transform_indices = #map}, {transform_indices = #map1}, {transform_indices = #map1}, {transform_indices = #map}, {transform_indices = #map}]} {
    %mul3A = arith.constant 2 : i32
    %mul3A_0 = arith.muli %arg1, %mul3A : i32
    %add3A = arith.addi %mul3A_0, %arg0 : i32
    %mul3A_1 = arith.constant 10240 : i32
    %mul3A_2 = arith.muli %add3A, %mul3A_1 : i32
    %scan3A = arith.constant 0 : i32
    %scan3A_3 = arith.constant 0 : i32
    %scan3A_4 = arith.constant 80 : i32
    %scan3A_5 = arith.addi %scan3A_3, %scan3A_4 : i32
    %scan3A_6 = arith.constant 1 : i32
    scf.for %scan3A_8 = %scan3A_3 to %scan3A_5 step %scan3A_6  : i32 {
      %mul3A_9 = arith.constant 128 : i32
      %mul3A_10 = arith.muli %scan3A_8, %mul3A_9 : i32
      %add3A_11 = arith.addi %mul3A_2, %mul3A_10 : i32
      %multiple_of3A = tpu.assume_multiple %add3A_11, 128 : i32
      "tpu.region"() ({
        %run_scoped3A = tpu.sem_alloc : memref<!tpu.dma_semaphore, #tpu.memory_space<semaphore_mem>>
        %dma_start3A_22 = tpu.memref_slice %arg3[%multiple_of3A] : memref<327680xi32, #tpu.memory_space<hbm>> -> memref<128xi32, #tpu.memory_space<hbm>>
        %dma_start3A_23 = tpu.memref_slice %arg3[%multiple_of3A] : memref<327680xi32, #tpu.memory_space<hbm>> -> memref<128xi32, #tpu.memory_space<hbm>>
        tpu.enqueue_dma source(%dma_start3A_23 : memref<128xi32, #tpu.memory_space<hbm>>) target(%arg7 : memref<128xi32, #tpu.memory_space<vmem>>) target_semaphore(%run_scoped3A : memref<!tpu.dma_semaphore, #tpu.memory_space<semaphore_mem>>)
        %dma_wait3A_24 = tpu.memref_slice %arg3[%multiple_of3A] : memref<327680xi32, #tpu.memory_space<hbm>> -> memref<128xi32, #tpu.memory_space<hbm>>
        %dma_wait3A_25 = tpu.memref_slice %arg3[%multiple_of3A] : memref<327680xi32, #tpu.memory_space<hbm>> -> memref<128xi32, #tpu.memory_space<hbm>>
        tpu.wait_dma2 semaphore(%run_scoped3A : memref<!tpu.dma_semaphore, #tpu.memory_space<semaphore_mem>>) src(%dma_wait3A_25 : memref<128xi32, #tpu.memory_space<hbm>>) dst(%arg7 : memref<128xi32, #tpu.memory_space<vmem>>)
        tpu.yield
      }) : () -> ()
      "tpu.region"() ({
        %run_scoped3A = tpu.sem_alloc : memref<!tpu.dma_semaphore, #tpu.memory_space<semaphore_mem>>
        %dma_start3A_22 = tpu.memref_slice %arg4[%multiple_of3A] : memref<327680xi32, #tpu.memory_space<hbm>> -> memref<128xi32, #tpu.memory_space<hbm>>
        %dma_start3A_23 = tpu.memref_slice %arg4[%multiple_of3A] : memref<327680xi32, #tpu.memory_space<hbm>> -> memref<128xi32, #tpu.memory_space<hbm>>
        tpu.enqueue_dma source(%dma_start3A_23 : memref<128xi32, #tpu.memory_space<hbm>>) target(%arg8 : memref<128xi32, #tpu.memory_space<vmem>>) target_semaphore(%run_scoped3A : memref<!tpu.dma_semaphore, #tpu.memory_space<semaphore_mem>>)
        %dma_wait3A_24 = tpu.memref_slice %arg4[%multiple_of3A] : memref<327680xi32, #tpu.memory_space<hbm>> -> memref<128xi32, #tpu.memory_space<hbm>>
        %dma_wait3A_25 = tpu.memref_slice %arg4[%multiple_of3A] : memref<327680xi32, #tpu.memory_space<hbm>> -> memref<128xi32, #tpu.memory_space<hbm>>
        tpu.wait_dma2 semaphore(%run_scoped3A : memref<!tpu.dma_semaphore, #tpu.memory_space<semaphore_mem>>) src(%dma_wait3A_25 : memref<128xi32, #tpu.memory_space<hbm>>) dst(%arg8 : memref<128xi32, #tpu.memory_space<vmem>>)
        tpu.yield
      }) : () -> ()
      %dma_start3A = arith.constant 0 : i32
      %dma_start3A_12 = arith.constant 0 : i32
      %dma_start3A_13 = tpu.memref_slice %arg2[%dma_start3A, %dma_start3A_12] : memref<10240x128xf32, #tpu.memory_space<hbm>> -> memref<10240x128xf32, #tpu.memory_space<hbm>>
      tpu.enqueue_indirect_dma source(%dma_start3A_13 : memref<10240x128xf32, #tpu.memory_space<hbm>>) target(%arg9 : memref<128x128xf32, #tpu.memory_space<vmem>>) offsets(%arg7 : memref<128xi32, #tpu.memory_space<vmem>>) semaphore(%arg11 : memref<!tpu.dma_semaphore, #tpu.memory_space<semaphore_mem>>)
      %dma_wait3A = arith.constant 0 : i32
      %dma_wait3A_14 = arith.constant 0 : i32
      %dma_wait3A_15 = tpu.memref_slice %arg2[%dma_wait3A, %dma_wait3A_14] : memref<10240x128xf32, #tpu.memory_space<hbm>> -> memref<10240x128xf32, #tpu.memory_space<hbm>>
      tpu.wait_indirect_dma semaphore(%arg11 : memref<!tpu.dma_semaphore, #tpu.memory_space<semaphore_mem>>) src(%dma_wait3A_15 : memref<10240x128xf32, #tpu.memory_space<hbm>>) dst(%arg9 : memref<128x128xf32, #tpu.memory_space<vmem>>)
      %dma_start3A_16 = arith.constant 0 : i32
      %dma_start3A_17 = arith.constant 0 : i32
      %dma_start3A_18 = tpu.memref_slice %arg2[%dma_start3A_16, %dma_start3A_17] : memref<10240x128xf32, #tpu.memory_space<hbm>> -> memref<10240x128xf32, #tpu.memory_space<hbm>>
      tpu.enqueue_indirect_dma source(%dma_start3A_18 : memref<10240x128xf32, #tpu.memory_space<hbm>>) target(%arg10 : memref<128x128xf32, #tpu.memory_space<vmem>>) offsets(%arg8 : memref<128xi32, #tpu.memory_space<vmem>>) semaphore(%arg11 : memref<!tpu.dma_semaphore, #tpu.memory_space<semaphore_mem>>)
      %dma_wait3A_19 = arith.constant 0 : i32
      %dma_wait3A_20 = arith.constant 0 : i32
      %dma_wait3A_21 = tpu.memref_slice %arg2[%dma_wait3A_19, %dma_wait3A_20] : memref<10240x128xf32, #tpu.memory_space<hbm>> -> memref<10240x128xf32, #tpu.memory_space<hbm>>
      tpu.wait_indirect_dma semaphore(%arg11 : memref<!tpu.dma_semaphore, #tpu.memory_space<semaphore_mem>>) src(%dma_wait3A_21 : memref<10240x128xf32, #tpu.memory_space<hbm>>) dst(%arg10 : memref<128x128xf32, #tpu.memory_space<vmem>>)
      "tpu.region"() ({
        %run_scoped3A = tpu.sem_alloc : memref<!tpu.dma_semaphore, #tpu.memory_space<semaphore_mem>>
        %dma_start3A_22 = arith.constant 0 : i32
        %dma_start3A_23 = tpu.memref_slice %arg5[%multiple_of3A, %dma_start3A_22] : memref<327680x128xf32, #tpu.memory_space<hbm>> -> memref<128x128xf32, #tpu.memory_space<hbm>>
        %dma_start3A_24 = arith.constant 0 : i32
        %dma_start3A_25 = tpu.memref_slice %arg5[%multiple_of3A, %dma_start3A_24] : memref<327680x128xf32, #tpu.memory_space<hbm>> -> memref<128x128xf32, #tpu.memory_space<hbm>>
        tpu.enqueue_dma source(%arg9 : memref<128x128xf32, #tpu.memory_space<vmem>>) target(%dma_start3A_25 : memref<128x128xf32, #tpu.memory_space<hbm>>) target_semaphore(%run_scoped3A : memref<!tpu.dma_semaphore, #tpu.memory_space<semaphore_mem>>)
        %dma_wait3A_26 = arith.constant 0 : i32
        %dma_wait3A_27 = tpu.memref_slice %arg5[%multiple_of3A, %dma_wait3A_26] : memref<327680x128xf32, #tpu.memory_space<hbm>> -> memref<128x128xf32, #tpu.memory_space<hbm>>
        %dma_wait3A_28 = arith.constant 0 : i32
        %dma_wait3A_29 = tpu.memref_slice %arg5[%multiple_of3A, %dma_wait3A_28] : memref<327680x128xf32, #tpu.memory_space<hbm>> -> memref<128x128xf32, #tpu.memory_space<hbm>>
        tpu.wait_dma2 semaphore(%run_scoped3A : memref<!tpu.dma_semaphore, #tpu.memory_space<semaphore_mem>>) src(%arg9 : memref<128x128xf32, #tpu.memory_space<vmem>>) dst(%dma_wait3A_29 : memref<128x128xf32, #tpu.memory_space<hbm>>)
        tpu.yield
      }) : () -> ()
      "tpu.region"() ({
        %run_scoped3A = tpu.sem_alloc : memref<!tpu.dma_semaphore, #tpu.memory_space<semaphore_mem>>
        %dma_start3A_22 = arith.constant 0 : i32
        %dma_start3A_23 = tpu.memref_slice %arg6[%multiple_of3A, %dma_start3A_22] : memref<327680x128xf32, #tpu.memory_space<hbm>> -> memref<128x128xf32, #tpu.memory_space<hbm>>
        %dma_start3A_24 = arith.constant 0 : i32
        %dma_start3A_25 = tpu.memref_slice %arg6[%multiple_of3A, %dma_start3A_24] : memref<327680x128xf32, #tpu.memory_space<hbm>> -> memref<128x128xf32, #tpu.memory_space<hbm>>
        tpu.enqueue_dma source(%arg10 : memref<128x128xf32, #tpu.memory_space<vmem>>) target(%dma_start3A_25 : memref<128x128xf32, #tpu.memory_space<hbm>>) target_semaphore(%run_scoped3A : memref<!tpu.dma_semaphore, #tpu.memory_space<semaphore_mem>>)
        %dma_wait3A_26 = arith.constant 0 : i32
        %dma_wait3A_27 = tpu.memref_slice %arg6[%multiple_of3A, %dma_wait3A_26] : memref<327680x128xf32, #tpu.memory_space<hbm>> -> memref<128x128xf32, #tpu.memory_space<hbm>>
        %dma_wait3A_28 = arith.constant 0 : i32
        %dma_wait3A_29 = tpu.memref_slice %arg6[%multiple_of3A, %dma_wait3A_28] : memref<327680x128xf32, #tpu.memory_space<hbm>> -> memref<128x128xf32, #tpu.memory_space<hbm>>
        tpu.wait_dma2 semaphore(%run_scoped3A : memref<!tpu.dma_semaphore, #tpu.memory_space<semaphore_mem>>) src(%arg10 : memref<128x128xf32, #tpu.memory_space<vmem>>) dst(%dma_wait3A_29 : memref<128x128xf32, #tpu.memory_space<hbm>>)
        tpu.yield
      }) : () -> ()
    }
    %scan3A_7 = arith.constant 80 : i32
    return
  }
}

#map = affine_map<(d0, d1) -> (0, 0)>
#map1 = affine_map<(d0, d1) -> (0)>
#map2 = affine_map<(d0, d1) -> (0, 0, 0)>
module attributes {stable_mosaic.version = 14 : i64} {
  func.func @k(%arg0: i32, %arg1: i32, %arg2: memref<327680x128xf32, #tpu.memory_space<hbm>>, %arg3: memref<327680xi32, #tpu.memory_space<hbm>>, %arg4: memref<10240x128xf32, #tpu.memory_space<hbm>>, %arg5: memref<2x10240x128xf32, #tpu.memory_space<hbm>>, %arg6: memref<128xi32, #tpu.memory_space<vmem>>, %arg7: memref<128x128xf32, #tpu.memory_space<vmem>>, %arg8: memref<10240x128xf32, #tpu.memory_space<vmem_shared>>, %arg9: memref<!tpu.dma_semaphore, #tpu.memory_space<semaphore_mem>>) attributes {dimension_semantics = [#tpu.dimension_semantics<core_parallel>, #tpu.dimension_semantics<subcore_parallel>], iteration_bounds = array<i64: 2, 16>, scalar_prefetch = 0 : i64, scratch_operands = 4 : i64, tpu.core_type = #tpu.core_type<sc_vector_subcore>, window_params = [{transform_indices = #map}, {transform_indices = #map1}, {transform_indices = #map}, {transform_indices = #map2}]} {
    %mul3A = arith.constant 2 : i32
    %mul3A_0 = arith.muli %arg1, %mul3A : i32
    %add3A = arith.addi %mul3A_0, %arg0 : i32
    %mul3A_1 = arith.constant 10240 : i32
    %mul3A_2 = arith.muli %add3A, %mul3A_1 : i32
    %mul3A_3 = arith.constant 640 : i32
    %mul3A_4 = arith.muli %arg1, %mul3A_3 : i32
    %mul3A_5 = arith.constant 640 : i32
    %mul3A_6 = arith.muli %arg1, %mul3A_5 : i32
    "tpu.region"() ({
      %run_scoped3A = tpu.sem_alloc : memref<!tpu.dma_semaphore, #tpu.memory_space<semaphore_mem>>
      %dma_start3A = arith.constant 0 : i32
      %dma_start3A_17 = tpu.memref_slice %arg8[%mul3A_6, %dma_start3A] : memref<10240x128xf32, #tpu.memory_space<vmem_shared>> -> memref<640x128xf32, #tpu.memory_space<vmem_shared>>
      %dma_start3A_18 = arith.constant 0 : i32
      %dma_start3A_19 = tpu.memref_slice %arg4[%mul3A_4, %dma_start3A_18] : memref<10240x128xf32, #tpu.memory_space<hbm>> -> memref<640x128xf32, #tpu.memory_space<hbm>>
      tpu.enqueue_dma source(%dma_start3A_19 : memref<640x128xf32, #tpu.memory_space<hbm>>) target(%dma_start3A_17 : memref<640x128xf32, #tpu.memory_space<vmem_shared>>) target_semaphore(%run_scoped3A : memref<!tpu.dma_semaphore, #tpu.memory_space<semaphore_mem>>)
      %dma_wait3A = arith.constant 0 : i32
      %dma_wait3A_20 = tpu.memref_slice %arg8[%mul3A_6, %dma_wait3A] : memref<10240x128xf32, #tpu.memory_space<vmem_shared>> -> memref<640x128xf32, #tpu.memory_space<vmem_shared>>
      %dma_wait3A_21 = arith.constant 0 : i32
      %dma_wait3A_22 = tpu.memref_slice %arg4[%mul3A_4, %dma_wait3A_21] : memref<10240x128xf32, #tpu.memory_space<hbm>> -> memref<640x128xf32, #tpu.memory_space<hbm>>
      tpu.wait_dma2 semaphore(%run_scoped3A : memref<!tpu.dma_semaphore, #tpu.memory_space<semaphore_mem>>) src(%dma_wait3A_22 : memref<640x128xf32, #tpu.memory_space<hbm>>) dst(%dma_wait3A_20 : memref<640x128xf32, #tpu.memory_space<vmem_shared>>)
      tpu.yield
    }) : () -> ()
    %barrier3A = arith.constant 0 : index
    tpu.barrier barrier_id(%barrier3A)
    %scan3A = arith.constant 0 : i32
    %scan3A_7 = arith.constant 0 : i32
    %scan3A_8 = arith.constant 80 : i32
    %scan3A_9 = arith.addi %scan3A_7, %scan3A_8 : i32
    %scan3A_10 = arith.constant 1 : i32
    scf.for %scan3A_17 = %scan3A_7 to %scan3A_9 step %scan3A_10  : i32 {
      %mul3A_18 = arith.constant 128 : i32
      %mul3A_19 = arith.muli %scan3A_17, %mul3A_18 : i32
      %add3A_20 = arith.addi %mul3A_2, %mul3A_19 : i32
      %multiple_of3A = tpu.assume_multiple %add3A_20, 128 : i32
      "tpu.region"() ({
        %run_scoped3A = tpu.sem_alloc : memref<!tpu.dma_semaphore, #tpu.memory_space<semaphore_mem>>
        %dma_start3A = tpu.memref_slice %arg3[%multiple_of3A] : memref<327680xi32, #tpu.memory_space<hbm>> -> memref<128xi32, #tpu.memory_space<hbm>>
        %dma_start3A_21 = tpu.memref_slice %arg3[%multiple_of3A] : memref<327680xi32, #tpu.memory_space<hbm>> -> memref<128xi32, #tpu.memory_space<hbm>>
        tpu.enqueue_dma source(%dma_start3A_21 : memref<128xi32, #tpu.memory_space<hbm>>) target(%arg6 : memref<128xi32, #tpu.memory_space<vmem>>) target_semaphore(%run_scoped3A : memref<!tpu.dma_semaphore, #tpu.memory_space<semaphore_mem>>)
        %dma_wait3A = tpu.memref_slice %arg3[%multiple_of3A] : memref<327680xi32, #tpu.memory_space<hbm>> -> memref<128xi32, #tpu.memory_space<hbm>>
        %dma_wait3A_22 = tpu.memref_slice %arg3[%multiple_of3A] : memref<327680xi32, #tpu.memory_space<hbm>> -> memref<128xi32, #tpu.memory_space<hbm>>
        tpu.wait_dma2 semaphore(%run_scoped3A : memref<!tpu.dma_semaphore, #tpu.memory_space<semaphore_mem>>) src(%dma_wait3A_22 : memref<128xi32, #tpu.memory_space<hbm>>) dst(%arg6 : memref<128xi32, #tpu.memory_space<vmem>>)
        tpu.yield
      }) : () -> ()
      "tpu.region"() ({
        %run_scoped3A = tpu.sem_alloc : memref<!tpu.dma_semaphore, #tpu.memory_space<semaphore_mem>>
        %dma_start3A = arith.constant 0 : i32
        %dma_start3A_21 = tpu.memref_slice %arg2[%multiple_of3A, %dma_start3A] : memref<327680x128xf32, #tpu.memory_space<hbm>> -> memref<128x128xf32, #tpu.memory_space<hbm>>
        %dma_start3A_22 = arith.constant 0 : i32
        %dma_start3A_23 = tpu.memref_slice %arg2[%multiple_of3A, %dma_start3A_22] : memref<327680x128xf32, #tpu.memory_space<hbm>> -> memref<128x128xf32, #tpu.memory_space<hbm>>
        tpu.enqueue_dma source(%dma_start3A_23 : memref<128x128xf32, #tpu.memory_space<hbm>>) target(%arg7 : memref<128x128xf32, #tpu.memory_space<vmem>>) target_semaphore(%run_scoped3A : memref<!tpu.dma_semaphore, #tpu.memory_space<semaphore_mem>>)
        %dma_wait3A = arith.constant 0 : i32
        %dma_wait3A_24 = tpu.memref_slice %arg2[%multiple_of3A, %dma_wait3A] : memref<327680x128xf32, #tpu.memory_space<hbm>> -> memref<128x128xf32, #tpu.memory_space<hbm>>
        %dma_wait3A_25 = arith.constant 0 : i32
        %dma_wait3A_26 = tpu.memref_slice %arg2[%multiple_of3A, %dma_wait3A_25] : memref<327680x128xf32, #tpu.memory_space<hbm>> -> memref<128x128xf32, #tpu.memory_space<hbm>>
        tpu.wait_dma2 semaphore(%run_scoped3A : memref<!tpu.dma_semaphore, #tpu.memory_space<semaphore_mem>>) src(%dma_wait3A_26 : memref<128x128xf32, #tpu.memory_space<hbm>>) dst(%arg7 : memref<128x128xf32, #tpu.memory_space<vmem>>)
        tpu.yield
      }) : () -> ()
      "tpu.region"() ({
        %run_scoped3A = tpu.sem_alloc : memref<!tpu.dma_semaphore, #tpu.memory_space<semaphore_mem>>
        %dma_start3A = arith.constant 0 : i32
        %dma_start3A_21 = arith.constant 0 : i32
        %dma_start3A_22 = tpu.memref_slice %arg8[%dma_start3A, %dma_start3A_21] : memref<10240x128xf32, #tpu.memory_space<vmem_shared>> -> memref<10240x128xf32, #tpu.memory_space<vmem_shared>>
        tpu.enqueue_indirect_dma source(%arg7 : memref<128x128xf32, #tpu.memory_space<vmem>>) target(%dma_start3A_22 : memref<10240x128xf32, #tpu.memory_space<vmem_shared>>) offsets(%arg6 : memref<128xi32, #tpu.memory_space<vmem>>) semaphore(%run_scoped3A : memref<!tpu.dma_semaphore, #tpu.memory_space<semaphore_mem>>) {add = true}
        %dma_wait3A = arith.constant 0 : i32
        %dma_wait3A_23 = arith.constant 0 : i32
        %dma_wait3A_24 = tpu.memref_slice %arg8[%dma_wait3A, %dma_wait3A_23] : memref<10240x128xf32, #tpu.memory_space<vmem_shared>> -> memref<10240x128xf32, #tpu.memory_space<vmem_shared>>
        tpu.wait_indirect_dma semaphore(%run_scoped3A : memref<!tpu.dma_semaphore, #tpu.memory_space<semaphore_mem>>) src(%arg7 : memref<128x128xf32, #tpu.memory_space<vmem>>) dst(%dma_wait3A_24 : memref<10240x128xf32, #tpu.memory_space<vmem_shared>>)
        tpu.yield
      }) : () -> ()
    }
    %scan3A_11 = arith.constant 80 : i32
    %barrier3A_12 = arith.constant 0 : index
    tpu.barrier barrier_id(%barrier3A_12)
    %mul3A_13 = arith.constant 640 : i32
    %mul3A_14 = arith.muli %arg1, %mul3A_13 : i32
    %mul3A_15 = arith.constant 640 : i32
    %mul3A_16 = arith.muli %arg1, %mul3A_15 : i32
    "tpu.region"() ({
      %run_scoped3A = tpu.sem_alloc : memref<!tpu.dma_semaphore, #tpu.memory_space<semaphore_mem>>
      %dma_start3A = arith.constant 0 : i32
      %dma_start3A_17 = tpu.memref_slice %arg5[%arg0, %mul3A_16, %dma_start3A] : memref<2x10240x128xf32, #tpu.memory_space<hbm>> -> memref<1x640x128xf32, #tpu.memory_space<hbm>>
      %dma_start3A_18 = tpu.memref_squeeze %dma_start3A_17 : memref<1x640x128xf32, #tpu.memory_space<hbm>> -> memref<640x128xf32, #tpu.memory_space<hbm>>
      %dma_start3A_19 = arith.constant 0 : i32
      %dma_start3A_20 = tpu.memref_slice %arg8[%mul3A_14, %dma_start3A_19] : memref<10240x128xf32, #tpu.memory_space<vmem_shared>> -> memref<640x128xf32, #tpu.memory_space<vmem_shared>>
      tpu.enqueue_dma source(%dma_start3A_20 : memref<640x128xf32, #tpu.memory_space<vmem_shared>>) target(%dma_start3A_18 : memref<640x128xf32, #tpu.memory_space<hbm>>) target_semaphore(%run_scoped3A : memref<!tpu.dma_semaphore, #tpu.memory_space<semaphore_mem>>)
      %dma_wait3A = arith.constant 0 : i32
      %dma_wait3A_21 = tpu.memref_slice %arg5[%arg0, %mul3A_16, %dma_wait3A] : memref<2x10240x128xf32, #tpu.memory_space<hbm>> -> memref<1x640x128xf32, #tpu.memory_space<hbm>>
      %dma_wait3A_22 = tpu.memref_squeeze %dma_wait3A_21 : memref<1x640x128xf32, #tpu.memory_space<hbm>> -> memref<640x128xf32, #tpu.memory_space<hbm>>
      %dma_wait3A_23 = arith.constant 0 : i32
      %dma_wait3A_24 = tpu.memref_slice %arg8[%mul3A_14, %dma_wait3A_23] : memref<10240x128xf32, #tpu.memory_space<vmem_shared>> -> memref<640x128xf32, #tpu.memory_space<vmem_shared>>
      tpu.wait_dma2 semaphore(%run_scoped3A : memref<!tpu.dma_semaphore, #tpu.memory_space<semaphore_mem>>) src(%dma_wait3A_24 : memref<640x128xf32, #tpu.memory_space<vmem_shared>>) dst(%dma_wait3A_22 : memref<640x128xf32, #tpu.memory_space<hbm>>)
      tpu.yield
    }) : () -> ()
    return
  }
}

#map = affine_map<(d0, d1) -> (0, 0)>
#map1 = affine_map<(d0, d1) -> (0)>
module attributes {stable_mosaic.version = 14 : i64} {
  func.func @k(%arg0: i32, %arg1: i32, %arg2: memref<10240x128xf32, #tpu.memory_space<hbm>>, %arg3: memref<327680xi32, #tpu.memory_space<hbm>>, %arg4: memref<327680xi32, #tpu.memory_space<hbm>>, %arg5: memref<327680x128xf32, #tpu.memory_space<hbm>>, %arg6: memref<327680x128xf32, #tpu.memory_space<hbm>>, %arg7: memref<128xi32, #tpu.memory_space<vmem>>, %arg8: memref<128xi32, #tpu.memory_space<vmem>>, %arg9: memref<128x128xf32, #tpu.memory_space<vmem>>, %arg10: memref<128x128xf32, #tpu.memory_space<vmem>>, %arg11: memref<!tpu.dma_semaphore, #tpu.memory_space<semaphore_mem>>) attributes {dimension_semantics = [#tpu.dimension_semantics<core_parallel>, #tpu.dimension_semantics<subcore_parallel>], iteration_bounds = array<i64: 2, 16>, scalar_prefetch = 0 : i64, scratch_operands = 5 : i64, tpu.core_type = #tpu.core_type<sc_vector_subcore>, window_params = [{transform_indices = #map}, {transform_indices = #map1}, {transform_indices = #map1}, {transform_indices = #map}, {transform_indices = #map}]} {
    %mul3A = arith.constant 2 : i32
    %mul3A_0 = arith.muli %arg1, %mul3A : i32
    %add3A = arith.addi %mul3A_0, %arg0 : i32
    %mul3A_1 = arith.constant 10240 : i32
    %mul3A_2 = arith.muli %add3A, %mul3A_1 : i32
    %scan3A = arith.constant 0 : i32
    %scan3A_3 = arith.constant 0 : i32
    %scan3A_4 = arith.constant 80 : i32
    %scan3A_5 = arith.addi %scan3A_3, %scan3A_4 : i32
    %scan3A_6 = arith.constant 1 : i32
    scf.for %scan3A_8 = %scan3A_3 to %scan3A_5 step %scan3A_6  : i32 {
      %mul3A_9 = arith.constant 128 : i32
      %mul3A_10 = arith.muli %scan3A_8, %mul3A_9 : i32
      %add3A_11 = arith.addi %mul3A_2, %mul3A_10 : i32
      %multiple_of3A = tpu.assume_multiple %add3A_11, 128 : i32
      "tpu.region"() ({
        %run_scoped3A = tpu.sem_alloc : memref<!tpu.dma_semaphore, #tpu.memory_space<semaphore_mem>>
        %dma_start3A_22 = tpu.memref_slice %arg3[%multiple_of3A] : memref<327680xi32, #tpu.memory_space<hbm>> -> memref<128xi32, #tpu.memory_space<hbm>>
        %dma_start3A_23 = tpu.memref_slice %arg3[%multiple_of3A] : memref<327680xi32, #tpu.memory_space<hbm>> -> memref<128xi32, #tpu.memory_space<hbm>>
        tpu.enqueue_dma source(%dma_start3A_23 : memref<128xi32, #tpu.memory_space<hbm>>) target(%arg7 : memref<128xi32, #tpu.memory_space<vmem>>) target_semaphore(%run_scoped3A : memref<!tpu.dma_semaphore, #tpu.memory_space<semaphore_mem>>)
        %dma_wait3A_24 = tpu.memref_slice %arg3[%multiple_of3A] : memref<327680xi32, #tpu.memory_space<hbm>> -> memref<128xi32, #tpu.memory_space<hbm>>
        %dma_wait3A_25 = tpu.memref_slice %arg3[%multiple_of3A] : memref<327680xi32, #tpu.memory_space<hbm>> -> memref<128xi32, #tpu.memory_space<hbm>>
        tpu.wait_dma2 semaphore(%run_scoped3A : memref<!tpu.dma_semaphore, #tpu.memory_space<semaphore_mem>>) src(%dma_wait3A_25 : memref<128xi32, #tpu.memory_space<hbm>>) dst(%arg7 : memref<128xi32, #tpu.memory_space<vmem>>)
        tpu.yield
      }) : () -> ()
      "tpu.region"() ({
        %run_scoped3A = tpu.sem_alloc : memref<!tpu.dma_semaphore, #tpu.memory_space<semaphore_mem>>
        %dma_start3A_22 = tpu.memref_slice %arg4[%multiple_of3A] : memref<327680xi32, #tpu.memory_space<hbm>> -> memref<128xi32, #tpu.memory_space<hbm>>
        %dma_start3A_23 = tpu.memref_slice %arg4[%multiple_of3A] : memref<327680xi32, #tpu.memory_space<hbm>> -> memref<128xi32, #tpu.memory_space<hbm>>
        tpu.enqueue_dma source(%dma_start3A_23 : memref<128xi32, #tpu.memory_space<hbm>>) target(%arg8 : memref<128xi32, #tpu.memory_space<vmem>>) target_semaphore(%run_scoped3A : memref<!tpu.dma_semaphore, #tpu.memory_space<semaphore_mem>>)
        %dma_wait3A_24 = tpu.memref_slice %arg4[%multiple_of3A] : memref<327680xi32, #tpu.memory_space<hbm>> -> memref<128xi32, #tpu.memory_space<hbm>>
        %dma_wait3A_25 = tpu.memref_slice %arg4[%multiple_of3A] : memref<327680xi32, #tpu.memory_space<hbm>> -> memref<128xi32, #tpu.memory_space<hbm>>
        tpu.wait_dma2 semaphore(%run_scoped3A : memref<!tpu.dma_semaphore, #tpu.memory_space<semaphore_mem>>) src(%dma_wait3A_25 : memref<128xi32, #tpu.memory_space<hbm>>) dst(%arg8 : memref<128xi32, #tpu.memory_space<vmem>>)
        tpu.yield
      }) : () -> ()
      %dma_start3A = arith.constant 0 : i32
      %dma_start3A_12 = arith.constant 0 : i32
      %dma_start3A_13 = tpu.memref_slice %arg2[%dma_start3A, %dma_start3A_12] : memref<10240x128xf32, #tpu.memory_space<hbm>> -> memref<10240x128xf32, #tpu.memory_space<hbm>>
      tpu.enqueue_indirect_dma source(%dma_start3A_13 : memref<10240x128xf32, #tpu.memory_space<hbm>>) target(%arg9 : memref<128x128xf32, #tpu.memory_space<vmem>>) offsets(%arg7 : memref<128xi32, #tpu.memory_space<vmem>>) semaphore(%arg11 : memref<!tpu.dma_semaphore, #tpu.memory_space<semaphore_mem>>)
      %dma_wait3A = arith.constant 0 : i32
      %dma_wait3A_14 = arith.constant 0 : i32
      %dma_wait3A_15 = tpu.memref_slice %arg2[%dma_wait3A, %dma_wait3A_14] : memref<10240x128xf32, #tpu.memory_space<hbm>> -> memref<10240x128xf32, #tpu.memory_space<hbm>>
      tpu.wait_indirect_dma semaphore(%arg11 : memref<!tpu.dma_semaphore, #tpu.memory_space<semaphore_mem>>) src(%dma_wait3A_15 : memref<10240x128xf32, #tpu.memory_space<hbm>>) dst(%arg9 : memref<128x128xf32, #tpu.memory_space<vmem>>)
      %dma_start3A_16 = arith.constant 0 : i32
      %dma_start3A_17 = arith.constant 0 : i32
      %dma_start3A_18 = tpu.memref_slice %arg2[%dma_start3A_16, %dma_start3A_17] : memref<10240x128xf32, #tpu.memory_space<hbm>> -> memref<10240x128xf32, #tpu.memory_space<hbm>>
      tpu.enqueue_indirect_dma source(%dma_start3A_18 : memref<10240x128xf32, #tpu.memory_space<hbm>>) target(%arg10 : memref<128x128xf32, #tpu.memory_space<vmem>>) offsets(%arg8 : memref<128xi32, #tpu.memory_space<vmem>>) semaphore(%arg11 : memref<!tpu.dma_semaphore, #tpu.memory_space<semaphore_mem>>)
      %dma_wait3A_19 = arith.constant 0 : i32
      %dma_wait3A_20 = arith.constant 0 : i32
      %dma_wait3A_21 = tpu.memref_slice %arg2[%dma_wait3A_19, %dma_wait3A_20] : memref<10240x128xf32, #tpu.memory_space<hbm>> -> memref<10240x128xf32, #tpu.memory_space<hbm>>
      tpu.wait_indirect_dma semaphore(%arg11 : memref<!tpu.dma_semaphore, #tpu.memory_space<semaphore_mem>>) src(%dma_wait3A_21 : memref<10240x128xf32, #tpu.memory_space<hbm>>) dst(%arg10 : memref<128x128xf32, #tpu.memory_space<vmem>>)
      "tpu.region"() ({
        %run_scoped3A = tpu.sem_alloc : memref<!tpu.dma_semaphore, #tpu.memory_space<semaphore_mem>>
        %dma_start3A_22 = arith.constant 0 : i32
        %dma_start3A_23 = tpu.memref_slice %arg5[%multiple_of3A, %dma_start3A_22] : memref<327680x128xf32, #tpu.memory_space<hbm>> -> memref<128x128xf32, #tpu.memory_space<hbm>>
        %dma_start3A_24 = arith.constant 0 : i32
        %dma_start3A_25 = tpu.memref_slice %arg5[%multiple_of3A, %dma_start3A_24] : memref<327680x128xf32, #tpu.memory_space<hbm>> -> memref<128x128xf32, #tpu.memory_space<hbm>>
        tpu.enqueue_dma source(%arg9 : memref<128x128xf32, #tpu.memory_space<vmem>>) target(%dma_start3A_25 : memref<128x128xf32, #tpu.memory_space<hbm>>) target_semaphore(%run_scoped3A : memref<!tpu.dma_semaphore, #tpu.memory_space<semaphore_mem>>)
        %dma_wait3A_26 = arith.constant 0 : i32
        %dma_wait3A_27 = tpu.memref_slice %arg5[%multiple_of3A, %dma_wait3A_26] : memref<327680x128xf32, #tpu.memory_space<hbm>> -> memref<128x128xf32, #tpu.memory_space<hbm>>
        %dma_wait3A_28 = arith.constant 0 : i32
        %dma_wait3A_29 = tpu.memref_slice %arg5[%multiple_of3A, %dma_wait3A_28] : memref<327680x128xf32, #tpu.memory_space<hbm>> -> memref<128x128xf32, #tpu.memory_space<hbm>>
        tpu.wait_dma2 semaphore(%run_scoped3A : memref<!tpu.dma_semaphore, #tpu.memory_space<semaphore_mem>>) src(%arg9 : memref<128x128xf32, #tpu.memory_space<vmem>>) dst(%dma_wait3A_29 : memref<128x128xf32, #tpu.memory_space<hbm>>)
        tpu.yield
      }) : () -> ()
      "tpu.region"() ({
        %run_scoped3A = tpu.sem_alloc : memref<!tpu.dma_semaphore, #tpu.memory_space<semaphore_mem>>
        %dma_start3A_22 = arith.constant 0 : i32
        %dma_start3A_23 = tpu.memref_slice %arg6[%multiple_of3A, %dma_start3A_22] : memref<327680x128xf32, #tpu.memory_space<hbm>> -> memref<128x128xf32, #tpu.memory_space<hbm>>
        %dma_start3A_24 = arith.constant 0 : i32
        %dma_start3A_25 = tpu.memref_slice %arg6[%multiple_of3A, %dma_start3A_24] : memref<327680x128xf32, #tpu.memory_space<hbm>> -> memref<128x128xf32, #tpu.memory_space<hbm>>
        tpu.enqueue_dma source(%arg10 : memref<128x128xf32, #tpu.memory_space<vmem>>) target(%dma_start3A_25 : memref<128x128xf32, #tpu.memory_space<hbm>>) target_semaphore(%run_scoped3A : memref<!tpu.dma_semaphore, #tpu.memory_space<semaphore_mem>>)
        %dma_wait3A_26 = arith.constant 0 : i32
        %dma_wait3A_27 = tpu.memref_slice %arg6[%multiple_of3A, %dma_wait3A_26] : memref<327680x128xf32, #tpu.memory_space<hbm>> -> memref<128x128xf32, #tpu.memory_space<hbm>>
        %dma_wait3A_28 = arith.constant 0 : i32
        %dma_wait3A_29 = tpu.memref_slice %arg6[%multiple_of3A, %dma_wait3A_28] : memref<327680x128xf32, #tpu.memory_space<hbm>> -> memref<128x128xf32, #tpu.memory_space<hbm>>
        tpu.wait_dma2 semaphore(%run_scoped3A : memref<!tpu.dma_semaphore, #tpu.memory_space<semaphore_mem>>) src(%arg10 : memref<128x128xf32, #tpu.memory_space<vmem>>) dst(%dma_wait3A_29 : memref<128x128xf32, #tpu.memory_space<hbm>>)
        tpu.yield
      }) : () -> ()
    }
    %scan3A_7 = arith.constant 80 : i32
    return
  }
}

#map = affine_map<(d0, d1) -> (0, 0)>
#map1 = affine_map<(d0, d1) -> (0)>
#map2 = affine_map<(d0, d1) -> (0, 0, 0)>
module attributes {stable_mosaic.version = 14 : i64} {
  func.func @k(%arg0: i32, %arg1: i32, %arg2: memref<327680x128xf32, #tpu.memory_space<hbm>>, %arg3: memref<327680xi32, #tpu.memory_space<hbm>>, %arg4: memref<10240x128xf32, #tpu.memory_space<hbm>>, %arg5: memref<2x10240x128xf32, #tpu.memory_space<hbm>>, %arg6: memref<128xi32, #tpu.memory_space<vmem>>, %arg7: memref<128x128xf32, #tpu.memory_space<vmem>>, %arg8: memref<10240x128xf32, #tpu.memory_space<vmem_shared>>, %arg9: memref<!tpu.dma_semaphore, #tpu.memory_space<semaphore_mem>>) attributes {dimension_semantics = [#tpu.dimension_semantics<core_parallel>, #tpu.dimension_semantics<subcore_parallel>], iteration_bounds = array<i64: 2, 16>, scalar_prefetch = 0 : i64, scratch_operands = 4 : i64, tpu.core_type = #tpu.core_type<sc_vector_subcore>, window_params = [{transform_indices = #map}, {transform_indices = #map1}, {transform_indices = #map}, {transform_indices = #map2}]} {
    %mul3A = arith.constant 2 : i32
    %mul3A_0 = arith.muli %arg1, %mul3A : i32
    %add3A = arith.addi %mul3A_0, %arg0 : i32
    %mul3A_1 = arith.constant 10240 : i32
    %mul3A_2 = arith.muli %add3A, %mul3A_1 : i32
    %mul3A_3 = arith.constant 640 : i32
    %mul3A_4 = arith.muli %arg1, %mul3A_3 : i32
    %mul3A_5 = arith.constant 640 : i32
    %mul3A_6 = arith.muli %arg1, %mul3A_5 : i32
    "tpu.region"() ({
      %run_scoped3A = tpu.sem_alloc : memref<!tpu.dma_semaphore, #tpu.memory_space<semaphore_mem>>
      %dma_start3A = arith.constant 0 : i32
      %dma_start3A_17 = tpu.memref_slice %arg8[%mul3A_6, %dma_start3A] : memref<10240x128xf32, #tpu.memory_space<vmem_shared>> -> memref<640x128xf32, #tpu.memory_space<vmem_shared>>
      %dma_start3A_18 = arith.constant 0 : i32
      %dma_start3A_19 = tpu.memref_slice %arg4[%mul3A_4, %dma_start3A_18] : memref<10240x128xf32, #tpu.memory_space<hbm>> -> memref<640x128xf32, #tpu.memory_space<hbm>>
      tpu.enqueue_dma source(%dma_start3A_19 : memref<640x128xf32, #tpu.memory_space<hbm>>) target(%dma_start3A_17 : memref<640x128xf32, #tpu.memory_space<vmem_shared>>) target_semaphore(%run_scoped3A : memref<!tpu.dma_semaphore, #tpu.memory_space<semaphore_mem>>)
      %dma_wait3A = arith.constant 0 : i32
      %dma_wait3A_20 = tpu.memref_slice %arg8[%mul3A_6, %dma_wait3A] : memref<10240x128xf32, #tpu.memory_space<vmem_shared>> -> memref<640x128xf32, #tpu.memory_space<vmem_shared>>
      %dma_wait3A_21 = arith.constant 0 : i32
      %dma_wait3A_22 = tpu.memref_slice %arg4[%mul3A_4, %dma_wait3A_21] : memref<10240x128xf32, #tpu.memory_space<hbm>> -> memref<640x128xf32, #tpu.memory_space<hbm>>
      tpu.wait_dma2 semaphore(%run_scoped3A : memref<!tpu.dma_semaphore, #tpu.memory_space<semaphore_mem>>) src(%dma_wait3A_22 : memref<640x128xf32, #tpu.memory_space<hbm>>) dst(%dma_wait3A_20 : memref<640x128xf32, #tpu.memory_space<vmem_shared>>)
      tpu.yield
    }) : () -> ()
    %barrier3A = arith.constant 0 : index
    tpu.barrier barrier_id(%barrier3A)
    %scan3A = arith.constant 0 : i32
    %scan3A_7 = arith.constant 0 : i32
    %scan3A_8 = arith.constant 80 : i32
    %scan3A_9 = arith.addi %scan3A_7, %scan3A_8 : i32
    %scan3A_10 = arith.constant 1 : i32
    scf.for %scan3A_17 = %scan3A_7 to %scan3A_9 step %scan3A_10  : i32 {
      %mul3A_18 = arith.constant 128 : i32
      %mul3A_19 = arith.muli %scan3A_17, %mul3A_18 : i32
      %add3A_20 = arith.addi %mul3A_2, %mul3A_19 : i32
      %multiple_of3A = tpu.assume_multiple %add3A_20, 128 : i32
      "tpu.region"() ({
        %run_scoped3A = tpu.sem_alloc : memref<!tpu.dma_semaphore, #tpu.memory_space<semaphore_mem>>
        %dma_start3A = tpu.memref_slice %arg3[%multiple_of3A] : memref<327680xi32, #tpu.memory_space<hbm>> -> memref<128xi32, #tpu.memory_space<hbm>>
        %dma_start3A_21 = tpu.memref_slice %arg3[%multiple_of3A] : memref<327680xi32, #tpu.memory_space<hbm>> -> memref<128xi32, #tpu.memory_space<hbm>>
        tpu.enqueue_dma source(%dma_start3A_21 : memref<128xi32, #tpu.memory_space<hbm>>) target(%arg6 : memref<128xi32, #tpu.memory_space<vmem>>) target_semaphore(%run_scoped3A : memref<!tpu.dma_semaphore, #tpu.memory_space<semaphore_mem>>)
        %dma_wait3A = tpu.memref_slice %arg3[%multiple_of3A] : memref<327680xi32, #tpu.memory_space<hbm>> -> memref<128xi32, #tpu.memory_space<hbm>>
        %dma_wait3A_22 = tpu.memref_slice %arg3[%multiple_of3A] : memref<327680xi32, #tpu.memory_space<hbm>> -> memref<128xi32, #tpu.memory_space<hbm>>
        tpu.wait_dma2 semaphore(%run_scoped3A : memref<!tpu.dma_semaphore, #tpu.memory_space<semaphore_mem>>) src(%dma_wait3A_22 : memref<128xi32, #tpu.memory_space<hbm>>) dst(%arg6 : memref<128xi32, #tpu.memory_space<vmem>>)
        tpu.yield
      }) : () -> ()
      "tpu.region"() ({
        %run_scoped3A = tpu.sem_alloc : memref<!tpu.dma_semaphore, #tpu.memory_space<semaphore_mem>>
        %dma_start3A = arith.constant 0 : i32
        %dma_start3A_21 = tpu.memref_slice %arg2[%multiple_of3A, %dma_start3A] : memref<327680x128xf32, #tpu.memory_space<hbm>> -> memref<128x128xf32, #tpu.memory_space<hbm>>
        %dma_start3A_22 = arith.constant 0 : i32
        %dma_start3A_23 = tpu.memref_slice %arg2[%multiple_of3A, %dma_start3A_22] : memref<327680x128xf32, #tpu.memory_space<hbm>> -> memref<128x128xf32, #tpu.memory_space<hbm>>
        tpu.enqueue_dma source(%dma_start3A_23 : memref<128x128xf32, #tpu.memory_space<hbm>>) target(%arg7 : memref<128x128xf32, #tpu.memory_space<vmem>>) target_semaphore(%run_scoped3A : memref<!tpu.dma_semaphore, #tpu.memory_space<semaphore_mem>>)
        %dma_wait3A = arith.constant 0 : i32
        %dma_wait3A_24 = tpu.memref_slice %arg2[%multiple_of3A, %dma_wait3A] : memref<327680x128xf32, #tpu.memory_space<hbm>> -> memref<128x128xf32, #tpu.memory_space<hbm>>
        %dma_wait3A_25 = arith.constant 0 : i32
        %dma_wait3A_26 = tpu.memref_slice %arg2[%multiple_of3A, %dma_wait3A_25] : memref<327680x128xf32, #tpu.memory_space<hbm>> -> memref<128x128xf32, #tpu.memory_space<hbm>>
        tpu.wait_dma2 semaphore(%run_scoped3A : memref<!tpu.dma_semaphore, #tpu.memory_space<semaphore_mem>>) src(%dma_wait3A_26 : memref<128x128xf32, #tpu.memory_space<hbm>>) dst(%arg7 : memref<128x128xf32, #tpu.memory_space<vmem>>)
        tpu.yield
      }) : () -> ()
      "tpu.region"() ({
        %run_scoped3A = tpu.sem_alloc : memref<!tpu.dma_semaphore, #tpu.memory_space<semaphore_mem>>
        %dma_start3A = arith.constant 0 : i32
        %dma_start3A_21 = arith.constant 0 : i32
        %dma_start3A_22 = tpu.memref_slice %arg8[%dma_start3A, %dma_start3A_21] : memref<10240x128xf32, #tpu.memory_space<vmem_shared>> -> memref<10240x128xf32, #tpu.memory_space<vmem_shared>>
        tpu.enqueue_indirect_dma source(%arg7 : memref<128x128xf32, #tpu.memory_space<vmem>>) target(%dma_start3A_22 : memref<10240x128xf32, #tpu.memory_space<vmem_shared>>) offsets(%arg6 : memref<128xi32, #tpu.memory_space<vmem>>) semaphore(%run_scoped3A : memref<!tpu.dma_semaphore, #tpu.memory_space<semaphore_mem>>) {add = true}
        %dma_wait3A = arith.constant 0 : i32
        %dma_wait3A_23 = arith.constant 0 : i32
        %dma_wait3A_24 = tpu.memref_slice %arg8[%dma_wait3A, %dma_wait3A_23] : memref<10240x128xf32, #tpu.memory_space<vmem_shared>> -> memref<10240x128xf32, #tpu.memory_space<vmem_shared>>
        tpu.wait_indirect_dma semaphore(%run_scoped3A : memref<!tpu.dma_semaphore, #tpu.memory_space<semaphore_mem>>) src(%arg7 : memref<128x128xf32, #tpu.memory_space<vmem>>) dst(%dma_wait3A_24 : memref<10240x128xf32, #tpu.memory_space<vmem_shared>>)
        tpu.yield
      }) : () -> ()
    }
    %scan3A_11 = arith.constant 80 : i32
    %barrier3A_12 = arith.constant 0 : index
    tpu.barrier barrier_id(%barrier3A_12)
    %mul3A_13 = arith.constant 640 : i32
    %mul3A_14 = arith.muli %arg1, %mul3A_13 : i32
    %mul3A_15 = arith.constant 640 : i32
    %mul3A_16 = arith.muli %arg1, %mul3A_15 : i32
    "tpu.region"() ({
      %run_scoped3A = tpu.sem_alloc : memref<!tpu.dma_semaphore, #tpu.memory_space<semaphore_mem>>
      %dma_start3A = arith.constant 0 : i32
      %dma_start3A_17 = tpu.memref_slice %arg5[%arg0, %mul3A_16, %dma_start3A] : memref<2x10240x128xf32, #tpu.memory_space<hbm>> -> memref<1x640x128xf32, #tpu.memory_space<hbm>>
      %dma_start3A_18 = tpu.memref_squeeze %dma_start3A_17 : memref<1x640x128xf32, #tpu.memory_space<hbm>> -> memref<640x128xf32, #tpu.memory_space<hbm>>
      %dma_start3A_19 = arith.constant 0 : i32
      %dma_start3A_20 = tpu.memref_slice %arg8[%mul3A_14, %dma_start3A_19] : memref<10240x128xf32, #tpu.memory_space<vmem_shared>> -> memref<640x128xf32, #tpu.memory_space<vmem_shared>>
      tpu.enqueue_dma source(%dma_start3A_20 : memref<640x128xf32, #tpu.memory_space<vmem_shared>>) target(%dma_start3A_18 : memref<640x128xf32, #tpu.memory_space<hbm>>) target_semaphore(%run_scoped3A : memref<!tpu.dma_semaphore, #tpu.memory_space<semaphore_mem>>)
      %dma_wait3A = arith.constant 0 : i32
      %dma_wait3A_21 = tpu.memref_slice %arg5[%arg0, %mul3A_16, %dma_wait3A] : memref<2x10240x128xf32, #tpu.memory_space<hbm>> -> memref<1x640x128xf32, #tpu.memory_space<hbm>>
      %dma_wait3A_22 = tpu.memref_squeeze %dma_wait3A_21 : memref<1x640x128xf32, #tpu.memory_space<hbm>> -> memref<640x128xf32, #tpu.memory_space<hbm>>
      %dma_wait3A_23 = arith.constant 0 : i32
      %dma_wait3A_24 = tpu.memref_slice %arg8[%mul3A_14, %dma_wait3A_23] : memref<10240x128xf32, #tpu.memory_space<vmem_shared>> -> memref<640x128xf32, #tpu.memory_space<vmem_shared>>
      tpu.wait_dma2 semaphore(%run_scoped3A : memref<!tpu.dma_semaphore, #tpu.memory_space<semaphore_mem>>) src(%dma_wait3A_24 : memref<640x128xf32, #tpu.memory_space<vmem_shared>>) dst(%dma_wait3A_22 : memref<640x128xf32, #tpu.memory_space<hbm>>)
      tpu.yield
    }) : () -> ()
    return
  }
}

#map = affine_map<(d0, d1) -> (0, 0)>
#map1 = affine_map<(d0, d1) -> (0)>
module attributes {stable_mosaic.version = 14 : i64} {
  func.func @k(%arg0: i32, %arg1: i32, %arg2: memref<10240x128xf32, #tpu.memory_space<hbm>>, %arg3: memref<327680xi32, #tpu.memory_space<hbm>>, %arg4: memref<327680xi32, #tpu.memory_space<hbm>>, %arg5: memref<327680x128xf32, #tpu.memory_space<hbm>>, %arg6: memref<327680x128xf32, #tpu.memory_space<hbm>>, %arg7: memref<128xi32, #tpu.memory_space<vmem>>, %arg8: memref<128xi32, #tpu.memory_space<vmem>>, %arg9: memref<128x128xf32, #tpu.memory_space<vmem>>, %arg10: memref<128x128xf32, #tpu.memory_space<vmem>>, %arg11: memref<!tpu.dma_semaphore, #tpu.memory_space<semaphore_mem>>) attributes {dimension_semantics = [#tpu.dimension_semantics<core_parallel>, #tpu.dimension_semantics<subcore_parallel>], iteration_bounds = array<i64: 2, 16>, scalar_prefetch = 0 : i64, scratch_operands = 5 : i64, tpu.core_type = #tpu.core_type<sc_vector_subcore>, window_params = [{transform_indices = #map}, {transform_indices = #map1}, {transform_indices = #map1}, {transform_indices = #map}, {transform_indices = #map}]} {
    %mul3A = arith.constant 2 : i32
    %mul3A_0 = arith.muli %arg1, %mul3A : i32
    %add3A = arith.addi %mul3A_0, %arg0 : i32
    %mul3A_1 = arith.constant 10240 : i32
    %mul3A_2 = arith.muli %add3A, %mul3A_1 : i32
    %scan3A = arith.constant 0 : i32
    %scan3A_3 = arith.constant 0 : i32
    %scan3A_4 = arith.constant 80 : i32
    %scan3A_5 = arith.addi %scan3A_3, %scan3A_4 : i32
    %scan3A_6 = arith.constant 1 : i32
    scf.for %scan3A_8 = %scan3A_3 to %scan3A_5 step %scan3A_6  : i32 {
      %mul3A_9 = arith.constant 128 : i32
      %mul3A_10 = arith.muli %scan3A_8, %mul3A_9 : i32
      %add3A_11 = arith.addi %mul3A_2, %mul3A_10 : i32
      %multiple_of3A = tpu.assume_multiple %add3A_11, 128 : i32
      "tpu.region"() ({
        %run_scoped3A = tpu.sem_alloc : memref<!tpu.dma_semaphore, #tpu.memory_space<semaphore_mem>>
        %dma_start3A_22 = tpu.memref_slice %arg3[%multiple_of3A] : memref<327680xi32, #tpu.memory_space<hbm>> -> memref<128xi32, #tpu.memory_space<hbm>>
        %dma_start3A_23 = tpu.memref_slice %arg3[%multiple_of3A] : memref<327680xi32, #tpu.memory_space<hbm>> -> memref<128xi32, #tpu.memory_space<hbm>>
        tpu.enqueue_dma source(%dma_start3A_23 : memref<128xi32, #tpu.memory_space<hbm>>) target(%arg7 : memref<128xi32, #tpu.memory_space<vmem>>) target_semaphore(%run_scoped3A : memref<!tpu.dma_semaphore, #tpu.memory_space<semaphore_mem>>)
        %dma_wait3A_24 = tpu.memref_slice %arg3[%multiple_of3A] : memref<327680xi32, #tpu.memory_space<hbm>> -> memref<128xi32, #tpu.memory_space<hbm>>
        %dma_wait3A_25 = tpu.memref_slice %arg3[%multiple_of3A] : memref<327680xi32, #tpu.memory_space<hbm>> -> memref<128xi32, #tpu.memory_space<hbm>>
        tpu.wait_dma2 semaphore(%run_scoped3A : memref<!tpu.dma_semaphore, #tpu.memory_space<semaphore_mem>>) src(%dma_wait3A_25 : memref<128xi32, #tpu.memory_space<hbm>>) dst(%arg7 : memref<128xi32, #tpu.memory_space<vmem>>)
        tpu.yield
      }) : () -> ()
      "tpu.region"() ({
        %run_scoped3A = tpu.sem_alloc : memref<!tpu.dma_semaphore, #tpu.memory_space<semaphore_mem>>
        %dma_start3A_22 = tpu.memref_slice %arg4[%multiple_of3A] : memref<327680xi32, #tpu.memory_space<hbm>> -> memref<128xi32, #tpu.memory_space<hbm>>
        %dma_start3A_23 = tpu.memref_slice %arg4[%multiple_of3A] : memref<327680xi32, #tpu.memory_space<hbm>> -> memref<128xi32, #tpu.memory_space<hbm>>
        tpu.enqueue_dma source(%dma_start3A_23 : memref<128xi32, #tpu.memory_space<hbm>>) target(%arg8 : memref<128xi32, #tpu.memory_space<vmem>>) target_semaphore(%run_scoped3A : memref<!tpu.dma_semaphore, #tpu.memory_space<semaphore_mem>>)
        %dma_wait3A_24 = tpu.memref_slice %arg4[%multiple_of3A] : memref<327680xi32, #tpu.memory_space<hbm>> -> memref<128xi32, #tpu.memory_space<hbm>>
        %dma_wait3A_25 = tpu.memref_slice %arg4[%multiple_of3A] : memref<327680xi32, #tpu.memory_space<hbm>> -> memref<128xi32, #tpu.memory_space<hbm>>
        tpu.wait_dma2 semaphore(%run_scoped3A : memref<!tpu.dma_semaphore, #tpu.memory_space<semaphore_mem>>) src(%dma_wait3A_25 : memref<128xi32, #tpu.memory_space<hbm>>) dst(%arg8 : memref<128xi32, #tpu.memory_space<vmem>>)
        tpu.yield
      }) : () -> ()
      %dma_start3A = arith.constant 0 : i32
      %dma_start3A_12 = arith.constant 0 : i32
      %dma_start3A_13 = tpu.memref_slice %arg2[%dma_start3A, %dma_start3A_12] : memref<10240x128xf32, #tpu.memory_space<hbm>> -> memref<10240x128xf32, #tpu.memory_space<hbm>>
      tpu.enqueue_indirect_dma source(%dma_start3A_13 : memref<10240x128xf32, #tpu.memory_space<hbm>>) target(%arg9 : memref<128x128xf32, #tpu.memory_space<vmem>>) offsets(%arg7 : memref<128xi32, #tpu.memory_space<vmem>>) semaphore(%arg11 : memref<!tpu.dma_semaphore, #tpu.memory_space<semaphore_mem>>)
      %dma_wait3A = arith.constant 0 : i32
      %dma_wait3A_14 = arith.constant 0 : i32
      %dma_wait3A_15 = tpu.memref_slice %arg2[%dma_wait3A, %dma_wait3A_14] : memref<10240x128xf32, #tpu.memory_space<hbm>> -> memref<10240x128xf32, #tpu.memory_space<hbm>>
      tpu.wait_indirect_dma semaphore(%arg11 : memref<!tpu.dma_semaphore, #tpu.memory_space<semaphore_mem>>) src(%dma_wait3A_15 : memref<10240x128xf32, #tpu.memory_space<hbm>>) dst(%arg9 : memref<128x128xf32, #tpu.memory_space<vmem>>)
      %dma_start3A_16 = arith.constant 0 : i32
      %dma_start3A_17 = arith.constant 0 : i32
      %dma_start3A_18 = tpu.memref_slice %arg2[%dma_start3A_16, %dma_start3A_17] : memref<10240x128xf32, #tpu.memory_space<hbm>> -> memref<10240x128xf32, #tpu.memory_space<hbm>>
      tpu.enqueue_indirect_dma source(%dma_start3A_18 : memref<10240x128xf32, #tpu.memory_space<hbm>>) target(%arg10 : memref<128x128xf32, #tpu.memory_space<vmem>>) offsets(%arg8 : memref<128xi32, #tpu.memory_space<vmem>>) semaphore(%arg11 : memref<!tpu.dma_semaphore, #tpu.memory_space<semaphore_mem>>)
      %dma_wait3A_19 = arith.constant 0 : i32
      %dma_wait3A_20 = arith.constant 0 : i32
      %dma_wait3A_21 = tpu.memref_slice %arg2[%dma_wait3A_19, %dma_wait3A_20] : memref<10240x128xf32, #tpu.memory_space<hbm>> -> memref<10240x128xf32, #tpu.memory_space<hbm>>
      tpu.wait_indirect_dma semaphore(%arg11 : memref<!tpu.dma_semaphore, #tpu.memory_space<semaphore_mem>>) src(%dma_wait3A_21 : memref<10240x128xf32, #tpu.memory_space<hbm>>) dst(%arg10 : memref<128x128xf32, #tpu.memory_space<vmem>>)
      "tpu.region"() ({
        %run_scoped3A = tpu.sem_alloc : memref<!tpu.dma_semaphore, #tpu.memory_space<semaphore_mem>>
        %dma_start3A_22 = arith.constant 0 : i32
        %dma_start3A_23 = tpu.memref_slice %arg5[%multiple_of3A, %dma_start3A_22] : memref<327680x128xf32, #tpu.memory_space<hbm>> -> memref<128x128xf32, #tpu.memory_space<hbm>>
        %dma_start3A_24 = arith.constant 0 : i32
        %dma_start3A_25 = tpu.memref_slice %arg5[%multiple_of3A, %dma_start3A_24] : memref<327680x128xf32, #tpu.memory_space<hbm>> -> memref<128x128xf32, #tpu.memory_space<hbm>>
        tpu.enqueue_dma source(%arg9 : memref<128x128xf32, #tpu.memory_space<vmem>>) target(%dma_start3A_25 : memref<128x128xf32, #tpu.memory_space<hbm>>) target_semaphore(%run_scoped3A : memref<!tpu.dma_semaphore, #tpu.memory_space<semaphore_mem>>)
        %dma_wait3A_26 = arith.constant 0 : i32
        %dma_wait3A_27 = tpu.memref_slice %arg5[%multiple_of3A, %dma_wait3A_26] : memref<327680x128xf32, #tpu.memory_space<hbm>> -> memref<128x128xf32, #tpu.memory_space<hbm>>
        %dma_wait3A_28 = arith.constant 0 : i32
        %dma_wait3A_29 = tpu.memref_slice %arg5[%multiple_of3A, %dma_wait3A_28] : memref<327680x128xf32, #tpu.memory_space<hbm>> -> memref<128x128xf32, #tpu.memory_space<hbm>>
        tpu.wait_dma2 semaphore(%run_scoped3A : memref<!tpu.dma_semaphore, #tpu.memory_space<semaphore_mem>>) src(%arg9 : memref<128x128xf32, #tpu.memory_space<vmem>>) dst(%dma_wait3A_29 : memref<128x128xf32, #tpu.memory_space<hbm>>)
        tpu.yield
      }) : () -> ()
      "tpu.region"() ({
        %run_scoped3A = tpu.sem_alloc : memref<!tpu.dma_semaphore, #tpu.memory_space<semaphore_mem>>
        %dma_start3A_22 = arith.constant 0 : i32
        %dma_start3A_23 = tpu.memref_slice %arg6[%multiple_of3A, %dma_start3A_22] : memref<327680x128xf32, #tpu.memory_space<hbm>> -> memref<128x128xf32, #tpu.memory_space<hbm>>
        %dma_start3A_24 = arith.constant 0 : i32
        %dma_start3A_25 = tpu.memref_slice %arg6[%multiple_of3A, %dma_start3A_24] : memref<327680x128xf32, #tpu.memory_space<hbm>> -> memref<128x128xf32, #tpu.memory_space<hbm>>
        tpu.enqueue_dma source(%arg10 : memref<128x128xf32, #tpu.memory_space<vmem>>) target(%dma_start3A_25 : memref<128x128xf32, #tpu.memory_space<hbm>>) target_semaphore(%run_scoped3A : memref<!tpu.dma_semaphore, #tpu.memory_space<semaphore_mem>>)
        %dma_wait3A_26 = arith.constant 0 : i32
        %dma_wait3A_27 = tpu.memref_slice %arg6[%multiple_of3A, %dma_wait3A_26] : memref<327680x128xf32, #tpu.memory_space<hbm>> -> memref<128x128xf32, #tpu.memory_space<hbm>>
        %dma_wait3A_28 = arith.constant 0 : i32
        %dma_wait3A_29 = tpu.memref_slice %arg6[%multiple_of3A, %dma_wait3A_28] : memref<327680x128xf32, #tpu.memory_space<hbm>> -> memref<128x128xf32, #tpu.memory_space<hbm>>
        tpu.wait_dma2 semaphore(%run_scoped3A : memref<!tpu.dma_semaphore, #tpu.memory_space<semaphore_mem>>) src(%arg10 : memref<128x128xf32, #tpu.memory_space<vmem>>) dst(%dma_wait3A_29 : memref<128x128xf32, #tpu.memory_space<hbm>>)
        tpu.yield
      }) : () -> ()
    }
    %scan3A_7 = arith.constant 80 : i32
    return
  }
}

#map = affine_map<(d0, d1) -> (0, 0)>
#map1 = affine_map<(d0, d1) -> (0)>
#map2 = affine_map<(d0, d1) -> (0, 0, 0)>
module attributes {stable_mosaic.version = 14 : i64} {
  func.func @k(%arg0: i32, %arg1: i32, %arg2: memref<327680x128xf32, #tpu.memory_space<hbm>>, %arg3: memref<327680xi32, #tpu.memory_space<hbm>>, %arg4: memref<10240x128xf32, #tpu.memory_space<hbm>>, %arg5: memref<2x10240x128xf32, #tpu.memory_space<hbm>>, %arg6: memref<128xi32, #tpu.memory_space<vmem>>, %arg7: memref<128x128xf32, #tpu.memory_space<vmem>>, %arg8: memref<10240x128xf32, #tpu.memory_space<vmem_shared>>, %arg9: memref<!tpu.dma_semaphore, #tpu.memory_space<semaphore_mem>>) attributes {dimension_semantics = [#tpu.dimension_semantics<core_parallel>, #tpu.dimension_semantics<subcore_parallel>], iteration_bounds = array<i64: 2, 16>, scalar_prefetch = 0 : i64, scratch_operands = 4 : i64, tpu.core_type = #tpu.core_type<sc_vector_subcore>, window_params = [{transform_indices = #map}, {transform_indices = #map1}, {transform_indices = #map}, {transform_indices = #map2}]} {
    %mul3A = arith.constant 2 : i32
    %mul3A_0 = arith.muli %arg1, %mul3A : i32
    %add3A = arith.addi %mul3A_0, %arg0 : i32
    %mul3A_1 = arith.constant 10240 : i32
    %mul3A_2 = arith.muli %add3A, %mul3A_1 : i32
    %mul3A_3 = arith.constant 640 : i32
    %mul3A_4 = arith.muli %arg1, %mul3A_3 : i32
    %mul3A_5 = arith.constant 640 : i32
    %mul3A_6 = arith.muli %arg1, %mul3A_5 : i32
    "tpu.region"() ({
      %run_scoped3A = tpu.sem_alloc : memref<!tpu.dma_semaphore, #tpu.memory_space<semaphore_mem>>
      %dma_start3A = arith.constant 0 : i32
      %dma_start3A_17 = tpu.memref_slice %arg8[%mul3A_6, %dma_start3A] : memref<10240x128xf32, #tpu.memory_space<vmem_shared>> -> memref<640x128xf32, #tpu.memory_space<vmem_shared>>
      %dma_start3A_18 = arith.constant 0 : i32
      %dma_start3A_19 = tpu.memref_slice %arg4[%mul3A_4, %dma_start3A_18] : memref<10240x128xf32, #tpu.memory_space<hbm>> -> memref<640x128xf32, #tpu.memory_space<hbm>>
      tpu.enqueue_dma source(%dma_start3A_19 : memref<640x128xf32, #tpu.memory_space<hbm>>) target(%dma_start3A_17 : memref<640x128xf32, #tpu.memory_space<vmem_shared>>) target_semaphore(%run_scoped3A : memref<!tpu.dma_semaphore, #tpu.memory_space<semaphore_mem>>)
      %dma_wait3A = arith.constant 0 : i32
      %dma_wait3A_20 = tpu.memref_slice %arg8[%mul3A_6, %dma_wait3A] : memref<10240x128xf32, #tpu.memory_space<vmem_shared>> -> memref<640x128xf32, #tpu.memory_space<vmem_shared>>
      %dma_wait3A_21 = arith.constant 0 : i32
      %dma_wait3A_22 = tpu.memref_slice %arg4[%mul3A_4, %dma_wait3A_21] : memref<10240x128xf32, #tpu.memory_space<hbm>> -> memref<640x128xf32, #tpu.memory_space<hbm>>
      tpu.wait_dma2 semaphore(%run_scoped3A : memref<!tpu.dma_semaphore, #tpu.memory_space<semaphore_mem>>) src(%dma_wait3A_22 : memref<640x128xf32, #tpu.memory_space<hbm>>) dst(%dma_wait3A_20 : memref<640x128xf32, #tpu.memory_space<vmem_shared>>)
      tpu.yield
    }) : () -> ()
    %barrier3A = arith.constant 0 : index
    tpu.barrier barrier_id(%barrier3A)
    %scan3A = arith.constant 0 : i32
    %scan3A_7 = arith.constant 0 : i32
    %scan3A_8 = arith.constant 80 : i32
    %scan3A_9 = arith.addi %scan3A_7, %scan3A_8 : i32
    %scan3A_10 = arith.constant 1 : i32
    scf.for %scan3A_17 = %scan3A_7 to %scan3A_9 step %scan3A_10  : i32 {
      %mul3A_18 = arith.constant 128 : i32
      %mul3A_19 = arith.muli %scan3A_17, %mul3A_18 : i32
      %add3A_20 = arith.addi %mul3A_2, %mul3A_19 : i32
      %multiple_of3A = tpu.assume_multiple %add3A_20, 128 : i32
      "tpu.region"() ({
        %run_scoped3A = tpu.sem_alloc : memref<!tpu.dma_semaphore, #tpu.memory_space<semaphore_mem>>
        %dma_start3A = tpu.memref_slice %arg3[%multiple_of3A] : memref<327680xi32, #tpu.memory_space<hbm>> -> memref<128xi32, #tpu.memory_space<hbm>>
        %dma_start3A_21 = tpu.memref_slice %arg3[%multiple_of3A] : memref<327680xi32, #tpu.memory_space<hbm>> -> memref<128xi32, #tpu.memory_space<hbm>>
        tpu.enqueue_dma source(%dma_start3A_21 : memref<128xi32, #tpu.memory_space<hbm>>) target(%arg6 : memref<128xi32, #tpu.memory_space<vmem>>) target_semaphore(%run_scoped3A : memref<!tpu.dma_semaphore, #tpu.memory_space<semaphore_mem>>)
        %dma_wait3A = tpu.memref_slice %arg3[%multiple_of3A] : memref<327680xi32, #tpu.memory_space<hbm>> -> memref<128xi32, #tpu.memory_space<hbm>>
        %dma_wait3A_22 = tpu.memref_slice %arg3[%multiple_of3A] : memref<327680xi32, #tpu.memory_space<hbm>> -> memref<128xi32, #tpu.memory_space<hbm>>
        tpu.wait_dma2 semaphore(%run_scoped3A : memref<!tpu.dma_semaphore, #tpu.memory_space<semaphore_mem>>) src(%dma_wait3A_22 : memref<128xi32, #tpu.memory_space<hbm>>) dst(%arg6 : memref<128xi32, #tpu.memory_space<vmem>>)
        tpu.yield
      }) : () -> ()
      "tpu.region"() ({
        %run_scoped3A = tpu.sem_alloc : memref<!tpu.dma_semaphore, #tpu.memory_space<semaphore_mem>>
        %dma_start3A = arith.constant 0 : i32
        %dma_start3A_21 = tpu.memref_slice %arg2[%multiple_of3A, %dma_start3A] : memref<327680x128xf32, #tpu.memory_space<hbm>> -> memref<128x128xf32, #tpu.memory_space<hbm>>
        %dma_start3A_22 = arith.constant 0 : i32
        %dma_start3A_23 = tpu.memref_slice %arg2[%multiple_of3A, %dma_start3A_22] : memref<327680x128xf32, #tpu.memory_space<hbm>> -> memref<128x128xf32, #tpu.memory_space<hbm>>
        tpu.enqueue_dma source(%dma_start3A_23 : memref<128x128xf32, #tpu.memory_space<hbm>>) target(%arg7 : memref<128x128xf32, #tpu.memory_space<vmem>>) target_semaphore(%run_scoped3A : memref<!tpu.dma_semaphore, #tpu.memory_space<semaphore_mem>>)
        %dma_wait3A = arith.constant 0 : i32
        %dma_wait3A_24 = tpu.memref_slice %arg2[%multiple_of3A, %dma_wait3A] : memref<327680x128xf32, #tpu.memory_space<hbm>> -> memref<128x128xf32, #tpu.memory_space<hbm>>
        %dma_wait3A_25 = arith.constant 0 : i32
        %dma_wait3A_26 = tpu.memref_slice %arg2[%multiple_of3A, %dma_wait3A_25] : memref<327680x128xf32, #tpu.memory_space<hbm>> -> memref<128x128xf32, #tpu.memory_space<hbm>>
        tpu.wait_dma2 semaphore(%run_scoped3A : memref<!tpu.dma_semaphore, #tpu.memory_space<semaphore_mem>>) src(%dma_wait3A_26 : memref<128x128xf32, #tpu.memory_space<hbm>>) dst(%arg7 : memref<128x128xf32, #tpu.memory_space<vmem>>)
        tpu.yield
      }) : () -> ()
      "tpu.region"() ({
        %run_scoped3A = tpu.sem_alloc : memref<!tpu.dma_semaphore, #tpu.memory_space<semaphore_mem>>
        %dma_start3A = arith.constant 0 : i32
        %dma_start3A_21 = arith.constant 0 : i32
        %dma_start3A_22 = tpu.memref_slice %arg8[%dma_start3A, %dma_start3A_21] : memref<10240x128xf32, #tpu.memory_space<vmem_shared>> -> memref<10240x128xf32, #tpu.memory_space<vmem_shared>>
        tpu.enqueue_indirect_dma source(%arg7 : memref<128x128xf32, #tpu.memory_space<vmem>>) target(%dma_start3A_22 : memref<10240x128xf32, #tpu.memory_space<vmem_shared>>) offsets(%arg6 : memref<128xi32, #tpu.memory_space<vmem>>) semaphore(%run_scoped3A : memref<!tpu.dma_semaphore, #tpu.memory_space<semaphore_mem>>) {add = true}
        %dma_wait3A = arith.constant 0 : i32
        %dma_wait3A_23 = arith.constant 0 : i32
        %dma_wait3A_24 = tpu.memref_slice %arg8[%dma_wait3A, %dma_wait3A_23] : memref<10240x128xf32, #tpu.memory_space<vmem_shared>> -> memref<10240x128xf32, #tpu.memory_space<vmem_shared>>
        tpu.wait_indirect_dma semaphore(%run_scoped3A : memref<!tpu.dma_semaphore, #tpu.memory_space<semaphore_mem>>) src(%arg7 : memref<128x128xf32, #tpu.memory_space<vmem>>) dst(%dma_wait3A_24 : memref<10240x128xf32, #tpu.memory_space<vmem_shared>>)
        tpu.yield
      }) : () -> ()
    }
    %scan3A_11 = arith.constant 80 : i32
    %barrier3A_12 = arith.constant 0 : index
    tpu.barrier barrier_id(%barrier3A_12)
    %mul3A_13 = arith.constant 640 : i32
    %mul3A_14 = arith.muli %arg1, %mul3A_13 : i32
    %mul3A_15 = arith.constant 640 : i32
    %mul3A_16 = arith.muli %arg1, %mul3A_15 : i32
    "tpu.region"() ({
      %run_scoped3A = tpu.sem_alloc : memref<!tpu.dma_semaphore, #tpu.memory_space<semaphore_mem>>
      %dma_start3A = arith.constant 0 : i32
      %dma_start3A_17 = tpu.memref_slice %arg5[%arg0, %mul3A_16, %dma_start3A] : memref<2x10240x128xf32, #tpu.memory_space<hbm>> -> memref<1x640x128xf32, #tpu.memory_space<hbm>>
      %dma_start3A_18 = tpu.memref_squeeze %dma_start3A_17 : memref<1x640x128xf32, #tpu.memory_space<hbm>> -> memref<640x128xf32, #tpu.memory_space<hbm>>
      %dma_start3A_19 = arith.constant 0 : i32
      %dma_start3A_20 = tpu.memref_slice %arg8[%mul3A_14, %dma_start3A_19] : memref<10240x128xf32, #tpu.memory_space<vmem_shared>> -> memref<640x128xf32, #tpu.memory_space<vmem_shared>>
      tpu.enqueue_dma source(%dma_start3A_20 : memref<640x128xf32, #tpu.memory_space<vmem_shared>>) target(%dma_start3A_18 : memref<640x128xf32, #tpu.memory_space<hbm>>) target_semaphore(%run_scoped3A : memref<!tpu.dma_semaphore, #tpu.memory_space<semaphore_mem>>)
      %dma_wait3A = arith.constant 0 : i32
      %dma_wait3A_21 = tpu.memref_slice %arg5[%arg0, %mul3A_16, %dma_wait3A] : memref<2x10240x128xf32, #tpu.memory_space<hbm>> -> memref<1x640x128xf32, #tpu.memory_space<hbm>>
      %dma_wait3A_22 = tpu.memref_squeeze %dma_wait3A_21 : memref<1x640x128xf32, #tpu.memory_space<hbm>> -> memref<640x128xf32, #tpu.memory_space<hbm>>
      %dma_wait3A_23 = arith.constant 0 : i32
      %dma_wait3A_24 = tpu.memref_slice %arg8[%mul3A_14, %dma_wait3A_23] : memref<10240x128xf32, #tpu.memory_space<vmem_shared>> -> memref<640x128xf32, #tpu.memory_space<vmem_shared>>
      tpu.wait_dma2 semaphore(%run_scoped3A : memref<!tpu.dma_semaphore, #tpu.memory_space<semaphore_mem>>) src(%dma_wait3A_24 : memref<640x128xf32, #tpu.memory_space<vmem_shared>>) dst(%dma_wait3A_22 : memref<640x128xf32, #tpu.memory_space<hbm>>)
      tpu.yield
    }) : () -> ()
    return
  }
}

#map = affine_map<(d0, d1) -> (0, 0)>
#map1 = affine_map<(d0, d1) -> (0)>
#map2 = affine_map<(d0, d1) -> (0, 0, 0, 0)>
module attributes {stable_mosaic.version = 14 : i64} {
  func.func @k(%arg0: i32, %arg1: i32, %arg2: memref<10240x128xf32, #tpu.memory_space<hbm>>, %arg3: memref<327680xi32, #tpu.memory_space<hbm>>, %arg4: memref<327680xi32, #tpu.memory_space<hbm>>, %arg5: memref<10240x128xf32, #tpu.memory_space<hbm>>, %arg6: memref<2x1x10240x128xf32, #tpu.memory_space<hbm>>, %arg7: memref<128xi32, #tpu.memory_space<vmem>>, %arg8: memref<128xi32, #tpu.memory_space<vmem>>, %arg9: memref<128x128xf32, #tpu.memory_space<vmem>>, %arg10: memref<10240x128xf32, #tpu.memory_space<vmem_shared>>, %arg11: memref<!tpu.dma_semaphore, #tpu.memory_space<semaphore_mem>>) attributes {dimension_semantics = [#tpu.dimension_semantics<core_parallel>, #tpu.dimension_semantics<subcore_parallel>], iteration_bounds = array<i64: 2, 16>, scalar_prefetch = 0 : i64, scratch_operands = 5 : i64, tpu.core_type = #tpu.core_type<sc_vector_subcore>, window_params = [{transform_indices = #map}, {transform_indices = #map1}, {transform_indices = #map1}, {transform_indices = #map}, {transform_indices = #map2}]} {
    %mul3A = arith.constant 2 : i32
    %mul3A_0 = arith.muli %arg1, %mul3A : i32
    %add3A = arith.addi %mul3A_0, %arg0 : i32
    %mul3A_1 = arith.constant 10240 : i32
    %mul3A_2 = arith.muli %add3A, %mul3A_1 : i32
    %mul3A_3 = arith.constant 640 : i32
    %mul3A_4 = arith.muli %arg1, %mul3A_3 : i32
    %mul3A_5 = arith.constant 640 : i32
    %mul3A_6 = arith.muli %arg1, %mul3A_5 : i32
    "tpu.region"() ({
      %run_scoped3A_18 = tpu.sem_alloc : memref<!tpu.dma_semaphore, #tpu.memory_space<semaphore_mem>>
      %dma_start3A = arith.constant 0 : i32
      %dma_start3A_19 = tpu.memref_slice %arg10[%mul3A_6, %dma_start3A] : memref<10240x128xf32, #tpu.memory_space<vmem_shared>> -> memref<640x128xf32, #tpu.memory_space<vmem_shared>>
      %dma_start3A_20 = arith.constant 0 : i32
      %dma_start3A_21 = tpu.memref_slice %arg5[%mul3A_4, %dma_start3A_20] : memref<10240x128xf32, #tpu.memory_space<hbm>> -> memref<640x128xf32, #tpu.memory_space<hbm>>
      tpu.enqueue_dma source(%dma_start3A_21 : memref<640x128xf32, #tpu.memory_space<hbm>>) target(%dma_start3A_19 : memref<640x128xf32, #tpu.memory_space<vmem_shared>>) target_semaphore(%run_scoped3A_18 : memref<!tpu.dma_semaphore, #tpu.memory_space<semaphore_mem>>)
      %dma_wait3A = arith.constant 0 : i32
      %dma_wait3A_22 = tpu.memref_slice %arg10[%mul3A_6, %dma_wait3A] : memref<10240x128xf32, #tpu.memory_space<vmem_shared>> -> memref<640x128xf32, #tpu.memory_space<vmem_shared>>
      %dma_wait3A_23 = arith.constant 0 : i32
      %dma_wait3A_24 = tpu.memref_slice %arg5[%mul3A_4, %dma_wait3A_23] : memref<10240x128xf32, #tpu.memory_space<hbm>> -> memref<640x128xf32, #tpu.memory_space<hbm>>
      tpu.wait_dma2 semaphore(%run_scoped3A_18 : memref<!tpu.dma_semaphore, #tpu.memory_space<semaphore_mem>>) src(%dma_wait3A_24 : memref<640x128xf32, #tpu.memory_space<hbm>>) dst(%dma_wait3A_22 : memref<640x128xf32, #tpu.memory_space<vmem_shared>>)
      tpu.yield
    }) : () -> ()
    %barrier3A = arith.constant 0 : index
    tpu.barrier barrier_id(%barrier3A)
    %scan3A = arith.constant 0 : i32
    %scan3A_7 = arith.constant 0 : i32
    %scan3A_8 = arith.constant 80 : i32
    %scan3A_9 = arith.addi %scan3A_7, %scan3A_8 : i32
    %scan3A_10 = arith.constant 1 : i32
    scf.for %scan3A_18 = %scan3A_7 to %scan3A_9 step %scan3A_10  : i32 {
      %mul3A_19 = arith.constant 128 : i32
      %mul3A_20 = arith.muli %scan3A_18, %mul3A_19 : i32
      %add3A_21 = arith.addi %mul3A_2, %mul3A_20 : i32
      %multiple_of3A = tpu.assume_multiple %add3A_21, 128 : i32
      "tpu.region"() ({
        %run_scoped3A_26 = tpu.sem_alloc : memref<!tpu.dma_semaphore, #tpu.memory_space<semaphore_mem>>
        %dma_start3A_27 = tpu.memref_slice %arg3[%multiple_of3A] : memref<327680xi32, #tpu.memory_space<hbm>> -> memref<128xi32, #tpu.memory_space<hbm>>
        %dma_start3A_28 = tpu.memref_slice %arg3[%multiple_of3A] : memref<327680xi32, #tpu.memory_space<hbm>> -> memref<128xi32, #tpu.memory_space<hbm>>
        tpu.enqueue_dma source(%dma_start3A_28 : memref<128xi32, #tpu.memory_space<hbm>>) target(%arg7 : memref<128xi32, #tpu.memory_space<vmem>>) target_semaphore(%run_scoped3A_26 : memref<!tpu.dma_semaphore, #tpu.memory_space<semaphore_mem>>)
        %dma_wait3A_29 = tpu.memref_slice %arg3[%multiple_of3A] : memref<327680xi32, #tpu.memory_space<hbm>> -> memref<128xi32, #tpu.memory_space<hbm>>
        %dma_wait3A_30 = tpu.memref_slice %arg3[%multiple_of3A] : memref<327680xi32, #tpu.memory_space<hbm>> -> memref<128xi32, #tpu.memory_space<hbm>>
        tpu.wait_dma2 semaphore(%run_scoped3A_26 : memref<!tpu.dma_semaphore, #tpu.memory_space<semaphore_mem>>) src(%dma_wait3A_30 : memref<128xi32, #tpu.memory_space<hbm>>) dst(%arg7 : memref<128xi32, #tpu.memory_space<vmem>>)
        tpu.yield
      }) : () -> ()
      "tpu.region"() ({
        %run_scoped3A_26 = tpu.sem_alloc : memref<!tpu.dma_semaphore, #tpu.memory_space<semaphore_mem>>
        %dma_start3A_27 = tpu.memref_slice %arg4[%multiple_of3A] : memref<327680xi32, #tpu.memory_space<hbm>> -> memref<128xi32, #tpu.memory_space<hbm>>
        %dma_start3A_28 = tpu.memref_slice %arg4[%multiple_of3A] : memref<327680xi32, #tpu.memory_space<hbm>> -> memref<128xi32, #tpu.memory_space<hbm>>
        tpu.enqueue_dma source(%dma_start3A_28 : memref<128xi32, #tpu.memory_space<hbm>>) target(%arg8 : memref<128xi32, #tpu.memory_space<vmem>>) target_semaphore(%run_scoped3A_26 : memref<!tpu.dma_semaphore, #tpu.memory_space<semaphore_mem>>)
        %dma_wait3A_29 = tpu.memref_slice %arg4[%multiple_of3A] : memref<327680xi32, #tpu.memory_space<hbm>> -> memref<128xi32, #tpu.memory_space<hbm>>
        %dma_wait3A_30 = tpu.memref_slice %arg4[%multiple_of3A] : memref<327680xi32, #tpu.memory_space<hbm>> -> memref<128xi32, #tpu.memory_space<hbm>>
        tpu.wait_dma2 semaphore(%run_scoped3A_26 : memref<!tpu.dma_semaphore, #tpu.memory_space<semaphore_mem>>) src(%dma_wait3A_30 : memref<128xi32, #tpu.memory_space<hbm>>) dst(%arg8 : memref<128xi32, #tpu.memory_space<vmem>>)
        tpu.yield
      }) : () -> ()
      %dma_start3A = arith.constant 0 : i32
      %dma_start3A_22 = arith.constant 0 : i32
      %dma_start3A_23 = tpu.memref_slice %arg2[%dma_start3A, %dma_start3A_22] : memref<10240x128xf32, #tpu.memory_space<hbm>> -> memref<10240x128xf32, #tpu.memory_space<hbm>>
      tpu.enqueue_indirect_dma source(%dma_start3A_23 : memref<10240x128xf32, #tpu.memory_space<hbm>>) target(%arg9 : memref<128x128xf32, #tpu.memory_space<vmem>>) offsets(%arg7 : memref<128xi32, #tpu.memory_space<vmem>>) semaphore(%arg11 : memref<!tpu.dma_semaphore, #tpu.memory_space<semaphore_mem>>)
      %dma_wait3A = arith.constant 0 : i32
      %dma_wait3A_24 = arith.constant 0 : i32
      %dma_wait3A_25 = tpu.memref_slice %arg2[%dma_wait3A, %dma_wait3A_24] : memref<10240x128xf32, #tpu.memory_space<hbm>> -> memref<10240x128xf32, #tpu.memory_space<hbm>>
      tpu.wait_indirect_dma semaphore(%arg11 : memref<!tpu.dma_semaphore, #tpu.memory_space<semaphore_mem>>) src(%dma_wait3A_25 : memref<10240x128xf32, #tpu.memory_space<hbm>>) dst(%arg9 : memref<128x128xf32, #tpu.memory_space<vmem>>)
      "tpu.region"() ({
        %run_scoped3A_26 = tpu.sem_alloc : memref<!tpu.dma_semaphore, #tpu.memory_space<semaphore_mem>>
        %dma_start3A_27 = arith.constant 0 : i32
        %dma_start3A_28 = arith.constant 0 : i32
        %dma_start3A_29 = tpu.memref_slice %arg10[%dma_start3A_27, %dma_start3A_28] : memref<10240x128xf32, #tpu.memory_space<vmem_shared>> -> memref<10240x128xf32, #tpu.memory_space<vmem_shared>>
        tpu.enqueue_indirect_dma source(%arg9 : memref<128x128xf32, #tpu.memory_space<vmem>>) target(%dma_start3A_29 : memref<10240x128xf32, #tpu.memory_space<vmem_shared>>) offsets(%arg8 : memref<128xi32, #tpu.memory_space<vmem>>) semaphore(%run_scoped3A_26 : memref<!tpu.dma_semaphore, #tpu.memory_space<semaphore_mem>>) {add = true}
        %dma_wait3A_30 = arith.constant 0 : i32
        %dma_wait3A_31 = arith.constant 0 : i32
        %dma_wait3A_32 = tpu.memref_slice %arg10[%dma_wait3A_30, %dma_wait3A_31] : memref<10240x128xf32, #tpu.memory_space<vmem_shared>> -> memref<10240x128xf32, #tpu.memory_space<vmem_shared>>
        tpu.wait_indirect_dma semaphore(%run_scoped3A_26 : memref<!tpu.dma_semaphore, #tpu.memory_space<semaphore_mem>>) src(%arg9 : memref<128x128xf32, #tpu.memory_space<vmem>>) dst(%dma_wait3A_32 : memref<10240x128xf32, #tpu.memory_space<vmem_shared>>)
        tpu.yield
      }) : () -> ()
    }
    %scan3A_11 = arith.constant 80 : i32
    %barrier3A_12 = arith.constant 0 : index
    tpu.barrier barrier_id(%barrier3A_12)
    %mul3A_13 = arith.constant 640 : i32
    %mul3A_14 = arith.muli %arg1, %mul3A_13 : i32
    %mul3A_15 = arith.constant 640 : i32
    %mul3A_16 = arith.muli %arg1, %mul3A_15 : i32
    %run_scoped3A = arith.constant 0 : i32
    "tpu.region"() ({
      %run_scoped3A_18 = tpu.sem_alloc : memref<!tpu.dma_semaphore, #tpu.memory_space<semaphore_mem>>
      %dma_start3A = arith.constant 0 : i32
      %dma_start3A_19 = tpu.memref_slice %arg6[%arg0, %run_scoped3A, %mul3A_16, %dma_start3A] : memref<2x1x10240x128xf32, #tpu.memory_space<hbm>> -> memref<1x1x640x128xf32, #tpu.memory_space<hbm>>
      %dma_start3A_20 = tpu.memref_squeeze %dma_start3A_19 : memref<1x1x640x128xf32, #tpu.memory_space<hbm>> -> memref<640x128xf32, #tpu.memory_space<hbm>>
      %dma_start3A_21 = arith.constant 0 : i32
      %dma_start3A_22 = tpu.memref_slice %arg10[%mul3A_14, %dma_start3A_21] : memref<10240x128xf32, #tpu.memory_space<vmem_shared>> -> memref<640x128xf32, #tpu.memory_space<vmem_shared>>
      tpu.enqueue_dma source(%dma_start3A_22 : memref<640x128xf32, #tpu.memory_space<vmem_shared>>) target(%dma_start3A_20 : memref<640x128xf32, #tpu.memory_space<hbm>>) target_semaphore(%run_scoped3A_18 : memref<!tpu.dma_semaphore, #tpu.memory_space<semaphore_mem>>)
      %dma_wait3A = arith.constant 0 : i32
      %dma_wait3A_23 = tpu.memref_slice %arg6[%arg0, %run_scoped3A, %mul3A_16, %dma_wait3A] : memref<2x1x10240x128xf32, #tpu.memory_space<hbm>> -> memref<1x1x640x128xf32, #tpu.memory_space<hbm>>
      %dma_wait3A_24 = tpu.memref_squeeze %dma_wait3A_23 : memref<1x1x640x128xf32, #tpu.memory_space<hbm>> -> memref<640x128xf32, #tpu.memory_space<hbm>>
      %dma_wait3A_25 = arith.constant 0 : i32
      %dma_wait3A_26 = tpu.memref_slice %arg10[%mul3A_14, %dma_wait3A_25] : memref<10240x128xf32, #tpu.memory_space<vmem_shared>> -> memref<640x128xf32, #tpu.memory_space<vmem_shared>>
      tpu.wait_dma2 semaphore(%run_scoped3A_18 : memref<!tpu.dma_semaphore, #tpu.memory_space<semaphore_mem>>) src(%dma_wait3A_26 : memref<640x128xf32, #tpu.memory_space<vmem_shared>>) dst(%dma_wait3A_24 : memref<640x128xf32, #tpu.memory_space<hbm>>)
      tpu.yield
    }) : () -> ()
    %barrier3A_17 = arith.constant 0 : index
    tpu.barrier barrier_id(%barrier3A_17)
    return
  }
}

#map = affine_map<(d0, d1) -> (0, 0)>
#map1 = affine_map<(d0, d1) -> (0)>
#map2 = affine_map<(d0, d1) -> (0, 0, 0, 0)>
module attributes {stable_mosaic.version = 14 : i64} {
  func.func @k(%arg0: i32, %arg1: i32, %arg2: memref<10240x128xf32, #tpu.memory_space<hbm>>, %arg3: memref<10240x128xf32, #tpu.memory_space<hbm>>, %arg4: memref<327680xi32, #tpu.memory_space<hbm>>, %arg5: memref<327680xi32, #tpu.memory_space<hbm>>, %arg6: memref<10240x128xf32, #tpu.memory_space<hbm>>, %arg7: memref<2x2x10240x128xf32, #tpu.memory_space<hbm>>, %arg8: memref<128xi32, #tpu.memory_space<vmem>>, %arg9: memref<128xi32, #tpu.memory_space<vmem>>, %arg10: memref<128x128xf32, #tpu.memory_space<vmem>>, %arg11: memref<10240x128xf32, #tpu.memory_space<vmem_shared>>, %arg12: memref<!tpu.dma_semaphore, #tpu.memory_space<semaphore_mem>>) attributes {dimension_semantics = [#tpu.dimension_semantics<core_parallel>, #tpu.dimension_semantics<subcore_parallel>], iteration_bounds = array<i64: 2, 16>, scalar_prefetch = 0 : i64, scratch_operands = 5 : i64, tpu.core_type = #tpu.core_type<sc_vector_subcore>, window_params = [{transform_indices = #map}, {transform_indices = #map}, {transform_indices = #map1}, {transform_indices = #map1}, {transform_indices = #map}, {transform_indices = #map2}]} {
    %mul3A = arith.constant 2 : i32
    %mul3A_0 = arith.muli %arg1, %mul3A : i32
    %add3A = arith.addi %mul3A_0, %arg0 : i32
    %mul3A_1 = arith.constant 10240 : i32
    %mul3A_2 = arith.muli %add3A, %mul3A_1 : i32
    %mul3A_3 = arith.constant 640 : i32
    %mul3A_4 = arith.muli %arg1, %mul3A_3 : i32
    %mul3A_5 = arith.constant 640 : i32
    %mul3A_6 = arith.muli %arg1, %mul3A_5 : i32
    "tpu.region"() ({
      %run_scoped3A_36 = tpu.sem_alloc : memref<!tpu.dma_semaphore, #tpu.memory_space<semaphore_mem>>
      %dma_start3A = arith.constant 0 : i32
      %dma_start3A_37 = tpu.memref_slice %arg11[%mul3A_6, %dma_start3A] : memref<10240x128xf32, #tpu.memory_space<vmem_shared>> -> memref<640x128xf32, #tpu.memory_space<vmem_shared>>
      %dma_start3A_38 = arith.constant 0 : i32
      %dma_start3A_39 = tpu.memref_slice %arg6[%mul3A_4, %dma_start3A_38] : memref<10240x128xf32, #tpu.memory_space<hbm>> -> memref<640x128xf32, #tpu.memory_space<hbm>>
      tpu.enqueue_dma source(%dma_start3A_39 : memref<640x128xf32, #tpu.memory_space<hbm>>) target(%dma_start3A_37 : memref<640x128xf32, #tpu.memory_space<vmem_shared>>) target_semaphore(%run_scoped3A_36 : memref<!tpu.dma_semaphore, #tpu.memory_space<semaphore_mem>>)
      %dma_wait3A = arith.constant 0 : i32
      %dma_wait3A_40 = tpu.memref_slice %arg11[%mul3A_6, %dma_wait3A] : memref<10240x128xf32, #tpu.memory_space<vmem_shared>> -> memref<640x128xf32, #tpu.memory_space<vmem_shared>>
      %dma_wait3A_41 = arith.constant 0 : i32
      %dma_wait3A_42 = tpu.memref_slice %arg6[%mul3A_4, %dma_wait3A_41] : memref<10240x128xf32, #tpu.memory_space<hbm>> -> memref<640x128xf32, #tpu.memory_space<hbm>>
      tpu.wait_dma2 semaphore(%run_scoped3A_36 : memref<!tpu.dma_semaphore, #tpu.memory_space<semaphore_mem>>) src(%dma_wait3A_42 : memref<640x128xf32, #tpu.memory_space<hbm>>) dst(%dma_wait3A_40 : memref<640x128xf32, #tpu.memory_space<vmem_shared>>)
      tpu.yield
    }) : () -> ()
    %barrier3A = arith.constant 0 : index
    tpu.barrier barrier_id(%barrier3A)
    %scan3A = arith.constant 0 : i32
    %scan3A_7 = arith.constant 0 : i32
    %scan3A_8 = arith.constant 80 : i32
    %scan3A_9 = arith.addi %scan3A_7, %scan3A_8 : i32
    %scan3A_10 = arith.constant 1 : i32
    scf.for %scan3A_36 = %scan3A_7 to %scan3A_9 step %scan3A_10  : i32 {
      %mul3A_37 = arith.constant 128 : i32
      %mul3A_38 = arith.muli %scan3A_36, %mul3A_37 : i32
      %add3A_39 = arith.addi %mul3A_2, %mul3A_38 : i32
      %multiple_of3A = tpu.assume_multiple %add3A_39, 128 : i32
      "tpu.region"() ({
        %run_scoped3A_44 = tpu.sem_alloc : memref<!tpu.dma_semaphore, #tpu.memory_space<semaphore_mem>>
        %dma_start3A_45 = tpu.memref_slice %arg4[%multiple_of3A] : memref<327680xi32, #tpu.memory_space<hbm>> -> memref<128xi32, #tpu.memory_space<hbm>>
        %dma_start3A_46 = tpu.memref_slice %arg4[%multiple_of3A] : memref<327680xi32, #tpu.memory_space<hbm>> -> memref<128xi32, #tpu.memory_space<hbm>>
        tpu.enqueue_dma source(%dma_start3A_46 : memref<128xi32, #tpu.memory_space<hbm>>) target(%arg8 : memref<128xi32, #tpu.memory_space<vmem>>) target_semaphore(%run_scoped3A_44 : memref<!tpu.dma_semaphore, #tpu.memory_space<semaphore_mem>>)
        %dma_wait3A_47 = tpu.memref_slice %arg4[%multiple_of3A] : memref<327680xi32, #tpu.memory_space<hbm>> -> memref<128xi32, #tpu.memory_space<hbm>>
        %dma_wait3A_48 = tpu.memref_slice %arg4[%multiple_of3A] : memref<327680xi32, #tpu.memory_space<hbm>> -> memref<128xi32, #tpu.memory_space<hbm>>
        tpu.wait_dma2 semaphore(%run_scoped3A_44 : memref<!tpu.dma_semaphore, #tpu.memory_space<semaphore_mem>>) src(%dma_wait3A_48 : memref<128xi32, #tpu.memory_space<hbm>>) dst(%arg8 : memref<128xi32, #tpu.memory_space<vmem>>)
        tpu.yield
      }) : () -> ()
      "tpu.region"() ({
        %run_scoped3A_44 = tpu.sem_alloc : memref<!tpu.dma_semaphore, #tpu.memory_space<semaphore_mem>>
        %dma_start3A_45 = tpu.memref_slice %arg5[%multiple_of3A] : memref<327680xi32, #tpu.memory_space<hbm>> -> memref<128xi32, #tpu.memory_space<hbm>>
        %dma_start3A_46 = tpu.memref_slice %arg5[%multiple_of3A] : memref<327680xi32, #tpu.memory_space<hbm>> -> memref<128xi32, #tpu.memory_space<hbm>>
        tpu.enqueue_dma source(%dma_start3A_46 : memref<128xi32, #tpu.memory_space<hbm>>) target(%arg9 : memref<128xi32, #tpu.memory_space<vmem>>) target_semaphore(%run_scoped3A_44 : memref<!tpu.dma_semaphore, #tpu.memory_space<semaphore_mem>>)
        %dma_wait3A_47 = tpu.memref_slice %arg5[%multiple_of3A] : memref<327680xi32, #tpu.memory_space<hbm>> -> memref<128xi32, #tpu.memory_space<hbm>>
        %dma_wait3A_48 = tpu.memref_slice %arg5[%multiple_of3A] : memref<327680xi32, #tpu.memory_space<hbm>> -> memref<128xi32, #tpu.memory_space<hbm>>
        tpu.wait_dma2 semaphore(%run_scoped3A_44 : memref<!tpu.dma_semaphore, #tpu.memory_space<semaphore_mem>>) src(%dma_wait3A_48 : memref<128xi32, #tpu.memory_space<hbm>>) dst(%arg9 : memref<128xi32, #tpu.memory_space<vmem>>)
        tpu.yield
      }) : () -> ()
      %dma_start3A = arith.constant 0 : i32
      %dma_start3A_40 = arith.constant 0 : i32
      %dma_start3A_41 = tpu.memref_slice %arg2[%dma_start3A, %dma_start3A_40] : memref<10240x128xf32, #tpu.memory_space<hbm>> -> memref<10240x128xf32, #tpu.memory_space<hbm>>
      tpu.enqueue_indirect_dma source(%dma_start3A_41 : memref<10240x128xf32, #tpu.memory_space<hbm>>) target(%arg10 : memref<128x128xf32, #tpu.memory_space<vmem>>) offsets(%arg8 : memref<128xi32, #tpu.memory_space<vmem>>) semaphore(%arg12 : memref<!tpu.dma_semaphore, #tpu.memory_space<semaphore_mem>>)
      %dma_wait3A = arith.constant 0 : i32
      %dma_wait3A_42 = arith.constant 0 : i32
      %dma_wait3A_43 = tpu.memref_slice %arg2[%dma_wait3A, %dma_wait3A_42] : memref<10240x128xf32, #tpu.memory_space<hbm>> -> memref<10240x128xf32, #tpu.memory_space<hbm>>
      tpu.wait_indirect_dma semaphore(%arg12 : memref<!tpu.dma_semaphore, #tpu.memory_space<semaphore_mem>>) src(%dma_wait3A_43 : memref<10240x128xf32, #tpu.memory_space<hbm>>) dst(%arg10 : memref<128x128xf32, #tpu.memory_space<vmem>>)
      "tpu.region"() ({
        %run_scoped3A_44 = tpu.sem_alloc : memref<!tpu.dma_semaphore, #tpu.memory_space<semaphore_mem>>
        %dma_start3A_45 = arith.constant 0 : i32
        %dma_start3A_46 = arith.constant 0 : i32
        %dma_start3A_47 = tpu.memref_slice %arg11[%dma_start3A_45, %dma_start3A_46] : memref<10240x128xf32, #tpu.memory_space<vmem_shared>> -> memref<10240x128xf32, #tpu.memory_space<vmem_shared>>
        tpu.enqueue_indirect_dma source(%arg10 : memref<128x128xf32, #tpu.memory_space<vmem>>) target(%dma_start3A_47 : memref<10240x128xf32, #tpu.memory_space<vmem_shared>>) offsets(%arg9 : memref<128xi32, #tpu.memory_space<vmem>>) semaphore(%run_scoped3A_44 : memref<!tpu.dma_semaphore, #tpu.memory_space<semaphore_mem>>) {add = true}
        %dma_wait3A_48 = arith.constant 0 : i32
        %dma_wait3A_49 = arith.constant 0 : i32
        %dma_wait3A_50 = tpu.memref_slice %arg11[%dma_wait3A_48, %dma_wait3A_49] : memref<10240x128xf32, #tpu.memory_space<vmem_shared>> -> memref<10240x128xf32, #tpu.memory_space<vmem_shared>>
        tpu.wait_indirect_dma semaphore(%run_scoped3A_44 : memref<!tpu.dma_semaphore, #tpu.memory_space<semaphore_mem>>) src(%arg10 : memref<128x128xf32, #tpu.memory_space<vmem>>) dst(%dma_wait3A_50 : memref<10240x128xf32, #tpu.memory_space<vmem_shared>>)
        tpu.yield
      }) : () -> ()
    }
    %scan3A_11 = arith.constant 80 : i32
    %barrier3A_12 = arith.constant 0 : index
    tpu.barrier barrier_id(%barrier3A_12)
    %mul3A_13 = arith.constant 640 : i32
    %mul3A_14 = arith.muli %arg1, %mul3A_13 : i32
    %mul3A_15 = arith.constant 640 : i32
    %mul3A_16 = arith.muli %arg1, %mul3A_15 : i32
    %run_scoped3A = arith.constant 0 : i32
    "tpu.region"() ({
      %run_scoped3A_36 = tpu.sem_alloc : memref<!tpu.dma_semaphore, #tpu.memory_space<semaphore_mem>>
      %dma_start3A = arith.constant 0 : i32
      %dma_start3A_37 = tpu.memref_slice %arg7[%arg0, %run_scoped3A, %mul3A_16, %dma_start3A] : memref<2x2x10240x128xf32, #tpu.memory_space<hbm>> -> memref<1x1x640x128xf32, #tpu.memory_space<hbm>>
      %dma_start3A_38 = tpu.memref_squeeze %dma_start3A_37 : memref<1x1x640x128xf32, #tpu.memory_space<hbm>> -> memref<640x128xf32, #tpu.memory_space<hbm>>
      %dma_start3A_39 = arith.constant 0 : i32
      %dma_start3A_40 = tpu.memref_slice %arg11[%mul3A_14, %dma_start3A_39] : memref<10240x128xf32, #tpu.memory_space<vmem_shared>> -> memref<640x128xf32, #tpu.memory_space<vmem_shared>>
      tpu.enqueue_dma source(%dma_start3A_40 : memref<640x128xf32, #tpu.memory_space<vmem_shared>>) target(%dma_start3A_38 : memref<640x128xf32, #tpu.memory_space<hbm>>) target_semaphore(%run_scoped3A_36 : memref<!tpu.dma_semaphore, #tpu.memory_space<semaphore_mem>>)
      %dma_wait3A = arith.constant 0 : i32
      %dma_wait3A_41 = tpu.memref_slice %arg7[%arg0, %run_scoped3A, %mul3A_16, %dma_wait3A] : memref<2x2x10240x128xf32, #tpu.memory_space<hbm>> -> memref<1x1x640x128xf32, #tpu.memory_space<hbm>>
      %dma_wait3A_42 = tpu.memref_squeeze %dma_wait3A_41 : memref<1x1x640x128xf32, #tpu.memory_space<hbm>> -> memref<640x128xf32, #tpu.memory_space<hbm>>
      %dma_wait3A_43 = arith.constant 0 : i32
      %dma_wait3A_44 = tpu.memref_slice %arg11[%mul3A_14, %dma_wait3A_43] : memref<10240x128xf32, #tpu.memory_space<vmem_shared>> -> memref<640x128xf32, #tpu.memory_space<vmem_shared>>
      tpu.wait_dma2 semaphore(%run_scoped3A_36 : memref<!tpu.dma_semaphore, #tpu.memory_space<semaphore_mem>>) src(%dma_wait3A_44 : memref<640x128xf32, #tpu.memory_space<vmem_shared>>) dst(%dma_wait3A_42 : memref<640x128xf32, #tpu.memory_space<hbm>>)
      tpu.yield
    }) : () -> ()
    %barrier3A_17 = arith.constant 0 : index
    tpu.barrier barrier_id(%barrier3A_17)
    %mul3A_18 = arith.constant 640 : i32
    %mul3A_19 = arith.muli %arg1, %mul3A_18 : i32
    %mul3A_20 = arith.constant 640 : i32
    %mul3A_21 = arith.muli %arg1, %mul3A_20 : i32
    "tpu.region"() ({
      %run_scoped3A_36 = tpu.sem_alloc : memref<!tpu.dma_semaphore, #tpu.memory_space<semaphore_mem>>
      %dma_start3A = arith.constant 0 : i32
      %dma_start3A_37 = tpu.memref_slice %arg11[%mul3A_21, %dma_start3A] : memref<10240x128xf32, #tpu.memory_space<vmem_shared>> -> memref<640x128xf32, #tpu.memory_space<vmem_shared>>
      %dma_start3A_38 = arith.constant 0 : i32
      %dma_start3A_39 = tpu.memref_slice %arg6[%mul3A_19, %dma_start3A_38] : memref<10240x128xf32, #tpu.memory_space<hbm>> -> memref<640x128xf32, #tpu.memory_space<hbm>>
      tpu.enqueue_dma source(%dma_start3A_39 : memref<640x128xf32, #tpu.memory_space<hbm>>) target(%dma_start3A_37 : memref<640x128xf32, #tpu.memory_space<vmem_shared>>) target_semaphore(%run_scoped3A_36 : memref<!tpu.dma_semaphore, #tpu.memory_space<semaphore_mem>>)
      %dma_wait3A = arith.constant 0 : i32
      %dma_wait3A_40 = tpu.memref_slice %arg11[%mul3A_21, %dma_wait3A] : memref<10240x128xf32, #tpu.memory_space<vmem_shared>> -> memref<640x128xf32, #tpu.memory_space<vmem_shared>>
      %dma_wait3A_41 = arith.constant 0 : i32
      %dma_wait3A_42 = tpu.memref_slice %arg6[%mul3A_19, %dma_wait3A_41] : memref<10240x128xf32, #tpu.memory_space<hbm>> -> memref<640x128xf32, #tpu.memory_space<hbm>>
      tpu.wait_dma2 semaphore(%run_scoped3A_36 : memref<!tpu.dma_semaphore, #tpu.memory_space<semaphore_mem>>) src(%dma_wait3A_42 : memref<640x128xf32, #tpu.memory_space<hbm>>) dst(%dma_wait3A_40 : memref<640x128xf32, #tpu.memory_space<vmem_shared>>)
      tpu.yield
    }) : () -> ()
    %barrier3A_22 = arith.constant 0 : index
    tpu.barrier barrier_id(%barrier3A_22)
    %scan3A_23 = arith.constant 0 : i32
    %scan3A_24 = arith.constant 0 : i32
    %scan3A_25 = arith.constant 80 : i32
    %scan3A_26 = arith.addi %scan3A_24, %scan3A_25 : i32
    %scan3A_27 = arith.constant 1 : i32
    scf.for %scan3A_36 = %scan3A_24 to %scan3A_26 step %scan3A_27  : i32 {
      %mul3A_37 = arith.constant 128 : i32
      %mul3A_38 = arith.muli %scan3A_36, %mul3A_37 : i32
      %add3A_39 = arith.addi %mul3A_2, %mul3A_38 : i32
      %multiple_of3A = tpu.assume_multiple %add3A_39, 128 : i32
      "tpu.region"() ({
        %run_scoped3A_44 = tpu.sem_alloc : memref<!tpu.dma_semaphore, #tpu.memory_space<semaphore_mem>>
        %dma_start3A_45 = tpu.memref_slice %arg4[%multiple_of3A] : memref<327680xi32, #tpu.memory_space<hbm>> -> memref<128xi32, #tpu.memory_space<hbm>>
        %dma_start3A_46 = tpu.memref_slice %arg4[%multiple_of3A] : memref<327680xi32, #tpu.memory_space<hbm>> -> memref<128xi32, #tpu.memory_space<hbm>>
        tpu.enqueue_dma source(%dma_start3A_46 : memref<128xi32, #tpu.memory_space<hbm>>) target(%arg8 : memref<128xi32, #tpu.memory_space<vmem>>) target_semaphore(%run_scoped3A_44 : memref<!tpu.dma_semaphore, #tpu.memory_space<semaphore_mem>>)
        %dma_wait3A_47 = tpu.memref_slice %arg4[%multiple_of3A] : memref<327680xi32, #tpu.memory_space<hbm>> -> memref<128xi32, #tpu.memory_space<hbm>>
        %dma_wait3A_48 = tpu.memref_slice %arg4[%multiple_of3A] : memref<327680xi32, #tpu.memory_space<hbm>> -> memref<128xi32, #tpu.memory_space<hbm>>
        tpu.wait_dma2 semaphore(%run_scoped3A_44 : memref<!tpu.dma_semaphore, #tpu.memory_space<semaphore_mem>>) src(%dma_wait3A_48 : memref<128xi32, #tpu.memory_space<hbm>>) dst(%arg8 : memref<128xi32, #tpu.memory_space<vmem>>)
        tpu.yield
      }) : () -> ()
      "tpu.region"() ({
        %run_scoped3A_44 = tpu.sem_alloc : memref<!tpu.dma_semaphore, #tpu.memory_space<semaphore_mem>>
        %dma_start3A_45 = tpu.memref_slice %arg5[%multiple_of3A] : memref<327680xi32, #tpu.memory_space<hbm>> -> memref<128xi32, #tpu.memory_space<hbm>>
        %dma_start3A_46 = tpu.memref_slice %arg5[%multiple_of3A] : memref<327680xi32, #tpu.memory_space<hbm>> -> memref<128xi32, #tpu.memory_space<hbm>>
        tpu.enqueue_dma source(%dma_start3A_46 : memref<128xi32, #tpu.memory_space<hbm>>) target(%arg9 : memref<128xi32, #tpu.memory_space<vmem>>) target_semaphore(%run_scoped3A_44 : memref<!tpu.dma_semaphore, #tpu.memory_space<semaphore_mem>>)
        %dma_wait3A_47 = tpu.memref_slice %arg5[%multiple_of3A] : memref<327680xi32, #tpu.memory_space<hbm>> -> memref<128xi32, #tpu.memory_space<hbm>>
        %dma_wait3A_48 = tpu.memref_slice %arg5[%multiple_of3A] : memref<327680xi32, #tpu.memory_space<hbm>> -> memref<128xi32, #tpu.memory_space<hbm>>
        tpu.wait_dma2 semaphore(%run_scoped3A_44 : memref<!tpu.dma_semaphore, #tpu.memory_space<semaphore_mem>>) src(%dma_wait3A_48 : memref<128xi32, #tpu.memory_space<hbm>>) dst(%arg9 : memref<128xi32, #tpu.memory_space<vmem>>)
        tpu.yield
      }) : () -> ()
      %dma_start3A = arith.constant 0 : i32
      %dma_start3A_40 = arith.constant 0 : i32
      %dma_start3A_41 = tpu.memref_slice %arg3[%dma_start3A, %dma_start3A_40] : memref<10240x128xf32, #tpu.memory_space<hbm>> -> memref<10240x128xf32, #tpu.memory_space<hbm>>
      tpu.enqueue_indirect_dma source(%dma_start3A_41 : memref<10240x128xf32, #tpu.memory_space<hbm>>) target(%arg10 : memref<128x128xf32, #tpu.memory_space<vmem>>) offsets(%arg8 : memref<128xi32, #tpu.memory_space<vmem>>) semaphore(%arg12 : memref<!tpu.dma_semaphore, #tpu.memory_space<semaphore_mem>>)
      %dma_wait3A = arith.constant 0 : i32
      %dma_wait3A_42 = arith.constant 0 : i32
      %dma_wait3A_43 = tpu.memref_slice %arg3[%dma_wait3A, %dma_wait3A_42] : memref<10240x128xf32, #tpu.memory_space<hbm>> -> memref<10240x128xf32, #tpu.memory_space<hbm>>
      tpu.wait_indirect_dma semaphore(%arg12 : memref<!tpu.dma_semaphore, #tpu.memory_space<semaphore_mem>>) src(%dma_wait3A_43 : memref<10240x128xf32, #tpu.memory_space<hbm>>) dst(%arg10 : memref<128x128xf32, #tpu.memory_space<vmem>>)
      "tpu.region"() ({
        %run_scoped3A_44 = tpu.sem_alloc : memref<!tpu.dma_semaphore, #tpu.memory_space<semaphore_mem>>
        %dma_start3A_45 = arith.constant 0 : i32
        %dma_start3A_46 = arith.constant 0 : i32
        %dma_start3A_47 = tpu.memref_slice %arg11[%dma_start3A_45, %dma_start3A_46] : memref<10240x128xf32, #tpu.memory_space<vmem_shared>> -> memref<10240x128xf32, #tpu.memory_space<vmem_shared>>
        tpu.enqueue_indirect_dma source(%arg10 : memref<128x128xf32, #tpu.memory_space<vmem>>) target(%dma_start3A_47 : memref<10240x128xf32, #tpu.memory_space<vmem_shared>>) offsets(%arg9 : memref<128xi32, #tpu.memory_space<vmem>>) semaphore(%run_scoped3A_44 : memref<!tpu.dma_semaphore, #tpu.memory_space<semaphore_mem>>) {add = true}
        %dma_wait3A_48 = arith.constant 0 : i32
        %dma_wait3A_49 = arith.constant 0 : i32
        %dma_wait3A_50 = tpu.memref_slice %arg11[%dma_wait3A_48, %dma_wait3A_49] : memref<10240x128xf32, #tpu.memory_space<vmem_shared>> -> memref<10240x128xf32, #tpu.memory_space<vmem_shared>>
        tpu.wait_indirect_dma semaphore(%run_scoped3A_44 : memref<!tpu.dma_semaphore, #tpu.memory_space<semaphore_mem>>) src(%arg10 : memref<128x128xf32, #tpu.memory_space<vmem>>) dst(%dma_wait3A_50 : memref<10240x128xf32, #tpu.memory_space<vmem_shared>>)
        tpu.yield
      }) : () -> ()
    }
    %scan3A_28 = arith.constant 80 : i32
    %barrier3A_29 = arith.constant 0 : index
    tpu.barrier barrier_id(%barrier3A_29)
    %mul3A_30 = arith.constant 640 : i32
    %mul3A_31 = arith.muli %arg1, %mul3A_30 : i32
    %mul3A_32 = arith.constant 640 : i32
    %mul3A_33 = arith.muli %arg1, %mul3A_32 : i32
    %run_scoped3A_34 = arith.constant 1 : i32
    "tpu.region"() ({
      %run_scoped3A_36 = tpu.sem_alloc : memref<!tpu.dma_semaphore, #tpu.memory_space<semaphore_mem>>
      %dma_start3A = arith.constant 0 : i32
      %dma_start3A_37 = tpu.memref_slice %arg7[%arg0, %run_scoped3A_34, %mul3A_33, %dma_start3A] : memref<2x2x10240x128xf32, #tpu.memory_space<hbm>> -> memref<1x1x640x128xf32, #tpu.memory_space<hbm>>
      %dma_start3A_38 = tpu.memref_squeeze %dma_start3A_37 : memref<1x1x640x128xf32, #tpu.memory_space<hbm>> -> memref<640x128xf32, #tpu.memory_space<hbm>>
      %dma_start3A_39 = arith.constant 0 : i32
      %dma_start3A_40 = tpu.memref_slice %arg11[%mul3A_31, %dma_start3A_39] : memref<10240x128xf32, #tpu.memory_space<vmem_shared>> -> memref<640x128xf32, #tpu.memory_space<vmem_shared>>
      tpu.enqueue_dma source(%dma_start3A_40 : memref<640x128xf32, #tpu.memory_space<vmem_shared>>) target(%dma_start3A_38 : memref<640x128xf32, #tpu.memory_space<hbm>>) target_semaphore(%run_scoped3A_36 : memref<!tpu.dma_semaphore, #tpu.memory_space<semaphore_mem>>)
      %dma_wait3A = arith.constant 0 : i32
      %dma_wait3A_41 = tpu.memref_slice %arg7[%arg0, %run_scoped3A_34, %mul3A_33, %dma_wait3A] : memref<2x2x10240x128xf32, #tpu.memory_space<hbm>> -> memref<1x1x640x128xf32, #tpu.memory_space<hbm>>
      %dma_wait3A_42 = tpu.memref_squeeze %dma_wait3A_41 : memref<1x1x640x128xf32, #tpu.memory_space<hbm>> -> memref<640x128xf32, #tpu.memory_space<hbm>>
      %dma_wait3A_43 = arith.constant 0 : i32
      %dma_wait3A_44 = tpu.memref_slice %arg11[%mul3A_31, %dma_wait3A_43] : memref<10240x128xf32, #tpu.memory_space<vmem_shared>> -> memref<640x128xf32, #tpu.memory_space<vmem_shared>>
      tpu.wait_dma2 semaphore(%run_scoped3A_36 : memref<!tpu.dma_semaphore, #tpu.memory_space<semaphore_mem>>) src(%dma_wait3A_44 : memref<640x128xf32, #tpu.memory_space<vmem_shared>>) dst(%dma_wait3A_42 : memref<640x128xf32, #tpu.memory_space<hbm>>)
      tpu.yield
    }) : () -> ()
    %barrier3A_35 = arith.constant 0 : index
    tpu.barrier barrier_id(%barrier3A_35)
    return
  }
}

module attributes {stable_mosaic.version = 14 : i64} {
  func.func @body(%arg0: i32, %arg1: memref<512x128xf32, #tpu.memory_space<vmem>>, %arg2: memref<512x128xf32, #tpu.memory_space<vmem>>, %arg3: memref<512x1xi32, #tpu.memory_space<vmem>>, %arg4: memref<128x256xf32, #tpu.memory_space<vmem>>, %arg5: memref<128x256xf32, #tpu.memory_space<vmem>>, %arg6: memref<8x256xf32, #tpu.memory_space<vmem>>, %arg7: memref<1x256xf32, #tpu.memory_space<vmem>>, %arg8: memref<256x128xf32, #tpu.memory_space<vmem>>, %arg9: memref<1x128xf32, #tpu.memory_space<vmem>>, %arg10: memref<512x8xf32, #tpu.memory_space<vmem>>, %arg11: memref<512x128xf32, #tpu.memory_space<vmem>>, %arg12: memref<512x1xi32, #tpu.memory_space<vmem>>) attributes {dimension_semantics = [#tpu.dimension_semantics<arbitrary>], iteration_bounds = array<i64: 640>, scalar_prefetch = 0 : i64, scratch_operands = 0 : i64, tpu.core_type = #tpu.core_type<tc>, window_params = [{transform_indices = @transform_0, window_bounds = array<i64: 512, 128>}, {transform_indices = @transform_1, window_bounds = array<i64: 512, 128>}, {transform_indices = @transform_2, window_bounds = array<i64: 512, 1>}, {pipeline_mode = #tpu.pipeline_mode<synchronous>, transform_indices = @transform_3, window_bounds = array<i64: 128, 256>}, {pipeline_mode = #tpu.pipeline_mode<synchronous>, transform_indices = @transform_4, window_bounds = array<i64: 128, 256>}, {pipeline_mode = #tpu.pipeline_mode<synchronous>, transform_indices = @transform_5, window_bounds = array<i64: 8, 256>}, {pipeline_mode = #tpu.pipeline_mode<synchronous>, transform_indices = @transform_6, window_bounds = array<i64: 1, 256>}, {pipeline_mode = #tpu.pipeline_mode<synchronous>, transform_indices = @transform_7, window_bounds = array<i64: 256, 128>}, {pipeline_mode = #tpu.pipeline_mode<synchronous>, transform_indices = @transform_8, window_bounds = array<i64: 1, 128>}, {transform_indices = @transform_9, window_bounds = array<i64: 512, 8>}, {transform_indices = @transform_10, window_bounds = array<i64: 512, 128>}, {transform_indices = @transform_11, window_bounds = array<i64: 512, 1>}]} {
    %get3A = arith.constant 0 : index
    %get3A_0 = arith.constant 0 : index
    %get3A_1 = vector.load %arg1[%get3A, %get3A_0] : memref<512x128xf32, #tpu.memory_space<vmem>>, vector<512x128xf32>
    %get3A_2 = arith.constant 0 : index
    %get3A_3 = arith.constant 0 : index
    %get3A_4 = vector.load %arg2[%get3A_2, %get3A_3] : memref<512x128xf32, #tpu.memory_space<vmem>>, vector<512x128xf32>
    %sub3A = arith.subf %get3A_1, %get3A_4 : vector<512x128xf32>
    %slice3A = vector.extract_strided_slice %sub3A {offsets = [0, 0], sizes = [512, 1], strides = [1, 1]} : vector<512x128xf32> to vector<512x1xf32>
    %slice3A_5 = vector.extract_strided_slice %sub3A {offsets = [0, 1], sizes = [512, 1], strides = [1, 1]} : vector<512x128xf32> to vector<512x1xf32>
    %slice3A_6 = vector.extract_strided_slice %sub3A {offsets = [0, 2], sizes = [512, 1], strides = [1, 1]} : vector<512x128xf32> to vector<512x1xf32>
    %mul3A = arith.mulf %slice3A, %slice3A : vector<512x1xf32>
    %mul3A_7 = arith.mulf %slice3A_5, %slice3A_5 : vector<512x1xf32>
    %add3A = arith.addf %mul3A, %mul3A_7 : vector<512x1xf32>
    %mul3A_8 = arith.mulf %slice3A_6, %slice3A_6 : vector<512x1xf32>
    %add3A_9 = arith.addf %add3A, %mul3A_8 : vector<512x1xf32>
    %sqrt3A = math.sqrt %add3A_9 : vector<512x1xf32>
    %gt3A = arith.constant 0.000000e+00 : f32
    %gt3A_10 = vector.broadcast %gt3A : f32 to vector<512x1xf32>
    %gt3A_11 = arith.cmpf ogt, %sqrt3A, %gt3A_10 : vector<512x1xf32>
    %eq3A = arith.constant 0.000000e+00 : f32
    %eq3A_12 = vector.broadcast %eq3A : f32 to vector<512x1xf32>
    %eq3A_13 = arith.cmpf oeq, %sqrt3A, %eq3A_12 : vector<512x1xf32>
    %jit3A = arith.constant 1.000000e+00 : f32
    %broadcast_in_dim3A = vector.broadcast %jit3A : f32 to vector<512x1xf32>
    %select_n3A = arith.select %eq3A_13, %broadcast_in_dim3A, %sqrt3A : vector<512x1xi1>, vector<512x1xf32>
    %div3A = arith.constant 1.000000e+00 : f32
    %div3A_14 = vector.broadcast %div3A : f32 to vector<512x1xf32>
    %div3A_15 = arith.divf %div3A_14, %select_n3A : vector<512x1xf32>
    %jit3A_16 = arith.constant 0.000000e+00 : f32
    %broadcast_in_dim3A_17 = vector.broadcast %jit3A_16 : f32 to vector<512x1xf32>
    %select_n3A_18 = arith.select %gt3A_11, %div3A_15, %broadcast_in_dim3A_17 : vector<512x1xi1>, vector<512x1xf32>
    %slice3A_19 = vector.extract_strided_slice %sub3A {offsets = [0, 3], sizes = [512, 3], strides = [1, 1]} : vector<512x128xf32> to vector<512x3xf32>
    %swap3A = arith.constant 0 : index
    %swap3A_20 = arith.constant 0 : index
    %swap3A_21 = vector.load %arg10[%swap3A, %swap3A_20] : memref<512x8xf32, #tpu.memory_space<vmem>>, vector<512x3xf32>
    tpu.vector_store %arg10[%swap3A, %swap3A_20], %slice3A_19 {strides = array<i32>} : memref<512x8xf32, #tpu.memory_space<vmem>>, vector<512x3xf32>,
    %swap3A_22 = arith.constant 0 : index
    %swap3A_23 = arith.constant 3 : index
    %swap3A_24 = vector.load %arg10[%swap3A_22, %swap3A_23] : memref<512x8xf32, #tpu.memory_space<vmem>>, vector<512x1xf32>
    tpu.vector_store %arg10[%swap3A_22, %swap3A_23], %sqrt3A {strides = array<i32>} : memref<512x8xf32, #tpu.memory_space<vmem>>, vector<512x1xf32>,
    %slice3A_25 = vector.extract_strided_slice %sub3A {offsets = [0, 0], sizes = [512, 3], strides = [1, 1]} : vector<512x128xf32> to vector<512x3xf32>
    %mul3A_26 = vector.broadcast %select_n3A_18 : vector<512x1xf32> to vector<512x3xf32>
    %mul3A_27 = arith.mulf %slice3A_25, %mul3A_26 : vector<512x3xf32>
    %swap3A_28 = arith.constant 0 : index
    %swap3A_29 = arith.constant 4 : index
    %swap3A_30 = vector.load %arg10[%swap3A_28, %swap3A_29] : memref<512x8xf32, #tpu.memory_space<vmem>>, vector<512x3xf32>
    tpu.vector_store %arg10[%swap3A_28, %swap3A_29], %mul3A_27 {strides = array<i32>} : memref<512x8xf32, #tpu.memory_space<vmem>>, vector<512x3xf32>,
    %broadcast_in_dim3A_31 = arith.constant 0.000000e+00 : f32
    %broadcast_in_dim3A_32 = vector.broadcast %broadcast_in_dim3A_31 : f32 to vector<512x1xf32>
    %swap3A_33 = arith.constant 0 : index
    %swap3A_34 = arith.constant 7 : index
    %swap3A_35 = vector.load %arg10[%swap3A_33, %swap3A_34] : memref<512x8xf32, #tpu.memory_space<vmem>>, vector<512x1xf32>
    tpu.vector_store %arg10[%swap3A_33, %swap3A_34], %broadcast_in_dim3A_32 {strides = array<i32>} : memref<512x8xf32, #tpu.memory_space<vmem>>, vector<512x1xf32>,
    %get3A_36 = arith.constant 0 : index
    %get3A_37 = arith.constant 0 : index
    %get3A_38 = vector.load %arg10[%get3A_36, %get3A_37] : memref<512x8xf32, #tpu.memory_space<vmem>>, vector<512x8xf32>
    %get3A_39 = arith.constant 0 : index
    %get3A_40 = arith.constant 0 : index
    %get3A_41 = vector.load %arg4[%get3A_39, %get3A_40] : memref<128x256xf32, #tpu.memory_space<vmem>>, vector<128x256xf32>
    %dot_general3A = arith.constant dense<0.000000e+00> : vector<512x256xf32>
    %dot_general3A_42 = tpu.matmul %get3A_1, %get3A_41, %dot_general3A {dimension_numbers = #tpu.dot_dimension_numbers<[1], [0], [0], [1], [0, 0, 1, 1], [], []>, transpose_lhs_hint = false} : vector<512x128xf32>, vector<128x256xf32>, vector<512x256xf32> -> vector<512x256xf32>
    %get3A_43 = arith.constant 0 : index
    %get3A_44 = arith.constant 0 : index
    %get3A_45 = vector.load %arg5[%get3A_43, %get3A_44] : memref<128x256xf32, #tpu.memory_space<vmem>>, vector<128x256xf32>
    %dot_general3A_46 = arith.constant dense<0.000000e+00> : vector<512x256xf32>
    %dot_general3A_47 = tpu.matmul %get3A_4, %get3A_45, %dot_general3A_46 {dimension_numbers = #tpu.dot_dimension_numbers<[1], [0], [0], [1], [0, 0, 1, 1], [], []>, transpose_lhs_hint = false} : vector<512x128xf32>, vector<128x256xf32>, vector<512x256xf32> -> vector<512x256xf32>
    %add3A_48 = arith.addf %dot_general3A_42, %dot_general3A_47 : vector<512x256xf32>
    %get3A_49 = arith.constant 0 : index
    %get3A_50 = arith.constant 0 : index
    %get3A_51 = vector.load %arg6[%get3A_49, %get3A_50] : memref<8x256xf32, #tpu.memory_space<vmem>>, vector<8x256xf32>
    %dot_general3A_52 = arith.constant dense<0.000000e+00> : vector<512x256xf32>
    %dot_general3A_53 = tpu.matmul %get3A_38, %get3A_51, %dot_general3A_52 {dimension_numbers = #tpu.dot_dimension_numbers<[1], [0], [0], [1], [0, 0, 1, 1], [], []>, transpose_lhs_hint = false} : vector<512x8xf32>, vector<8x256xf32>, vector<512x256xf32> -> vector<512x256xf32>
    %add3A_54 = arith.addf %add3A_48, %dot_general3A_53 : vector<512x256xf32>
    %get3A_55 = arith.constant 0 : index
    %get3A_56 = arith.constant 0 : index
    %get3A_57 = vector.load %arg7[%get3A_55, %get3A_56] : memref<1x256xf32, #tpu.memory_space<vmem>>, vector<1x256xf32>
    %add3A_58 = vector.broadcast %get3A_57 : vector<1x256xf32> to vector<512x256xf32>
    %add3A_59 = arith.addf %add3A_54, %add3A_58 : vector<512x256xf32>
    %max3A = arith.constant 0.000000e+00 : f32
    %max3A_60 = vector.broadcast %max3A : f32 to vector<512x256xf32>
    %max3A_61 = arith.maximumf %add3A_59, %max3A_60 : vector<512x256xf32>
    %get3A_62 = arith.constant 0 : index
    %get3A_63 = arith.constant 0 : index
    %get3A_64 = vector.load %arg8[%get3A_62, %get3A_63] : memref<256x128xf32, #tpu.memory_space<vmem>>, vector<256x128xf32>
    %dot_general3A_65 = arith.constant dense<0.000000e+00> : vector<512x128xf32>
    %dot_general3A_66 = tpu.matmul %max3A_61, %get3A_64, %dot_general3A_65 {dimension_numbers = #tpu.dot_dimension_numbers<[1], [0], [0], [1], [0, 0, 1, 1], [], []>, transpose_lhs_hint = false} : vector<512x256xf32>, vector<256x128xf32>, vector<512x128xf32> -> vector<512x128xf32>
    %get3A_67 = arith.constant 0 : index
    %get3A_68 = arith.constant 0 : index
    %get3A_69 = vector.load %arg9[%get3A_67, %get3A_68] : memref<1x128xf32, #tpu.memory_space<vmem>>, vector<1x128xf32>
    %add3A_70 = vector.broadcast %get3A_69 : vector<1x128xf32> to vector<512x128xf32>
    %add3A_71 = arith.addf %dot_general3A_66, %add3A_70 : vector<512x128xf32>
    %max3A_72 = arith.constant 0.000000e+00 : f32
    %max3A_73 = vector.broadcast %max3A_72 : f32 to vector<512x128xf32>
    %max3A_74 = arith.maximumf %add3A_71, %max3A_73 : vector<512x128xf32>
    %swap3A_75 = arith.constant 0 : index
    %swap3A_76 = arith.constant 0 : index
    %swap3A_77 = vector.load %arg11[%swap3A_75, %swap3A_76] : memref<512x128xf32, #tpu.memory_space<vmem>>, vector<512x128xf32>
    tpu.vector_store %arg11[%swap3A_75, %swap3A_76], %max3A_74 {strides = array<i32>} : memref<512x128xf32, #tpu.memory_space<vmem>>, vector<512x128xf32>,
    %slice3A_78 = vector.extract_strided_slice %get3A_4 {offsets = [0, 3], sizes = [512, 1], strides = [1, 1]} : vector<512x128xf32> to vector<512x1xf32>
    %slice3A_79 = vector.extract_strided_slice %get3A_1 {offsets = [0, 3], sizes = [512, 1], strides = [1, 1]} : vector<512x128xf32> to vector<512x1xf32>
    %le3A = arith.cmpf ole, %slice3A_78, %slice3A_79 : vector<512x1xf32>
    %get3A_80 = arith.constant 0 : index
    %get3A_81 = arith.constant 0 : index
    %get3A_82 = vector.load %arg3[%get3A_80, %get3A_81] : memref<512x1xi32, #tpu.memory_space<vmem>>, vector<512x1xi32>
    %jit3A_83 = arith.constant 10000 : i32
    %broadcast_in_dim3A_84 = vector.broadcast %jit3A_83 : i32 to vector<512x1xi32>
    %select_n3A_85 = arith.select %le3A, %get3A_82, %broadcast_in_dim3A_84 : vector<512x1xi1>, vector<512x1xi32>
    %swap3A_86 = arith.constant 0 : index
    %swap3A_87 = arith.constant 0 : index
    %swap3A_88 = vector.load %arg12[%swap3A_86, %swap3A_87] : memref<512x1xi32, #tpu.memory_space<vmem>>, vector<512x1xi32>
    tpu.vector_store %arg12[%swap3A_86, %swap3A_87], %select_n3A_85 {strides = array<i32>} : memref<512x1xi32, #tpu.memory_space<vmem>>, vector<512x1xi32>,
    return
  }
  func.func @transform_0(%arg0: i32) -> (i32, i32) {
    %c0_i32 = arith.constant 0 : i32
    %c0_i32_0 = arith.constant 0 : i32
    return %arg0, %c0_i32 : i32, i32
  }
  func.func @transform_1(%arg0: i32) -> (i32, i32) {
    %c0_i32 = arith.constant 0 : i32
    %c0_i32_0 = arith.constant 0 : i32
    return %arg0, %c0_i32 : i32, i32
  }
  func.func @transform_2(%arg0: i32) -> (i32, i32) {
    %c0_i32 = arith.constant 0 : i32
    %c0_i32_0 = arith.constant 0 : i32
    return %arg0, %c0_i32 : i32, i32
  }
  func.func @transform_3(%arg0: i32) -> (i32, i32) {
    %c0_i32 = arith.constant 0 : i32
    %c0_i32_0 = arith.constant 0 : i32
    %c0_i32_1 = arith.constant 0 : i32
    return %c0_i32, %c0_i32_0 : i32, i32
  }
  func.func @transform_4(%arg0: i32) -> (i32, i32) {
    %c0_i32 = arith.constant 0 : i32
    %c0_i32_0 = arith.constant 0 : i32
    %c0_i32_1 = arith.constant 0 : i32
    return %c0_i32, %c0_i32_0 : i32, i32
  }
  func.func @transform_5(%arg0: i32) -> (i32, i32) {
    %c0_i32 = arith.constant 0 : i32
    %c0_i32_0 = arith.constant 0 : i32
    %c0_i32_1 = arith.constant 0 : i32
    return %c0_i32, %c0_i32_0 : i32, i32
  }
  func.func @transform_6(%arg0: i32) -> (i32, i32) {
    %c0_i32 = arith.constant 0 : i32
    %c0_i32_0 = arith.constant 0 : i32
    %c0_i32_1 = arith.constant 0 : i32
    return %c0_i32, %c0_i32_0 : i32, i32
  }
  func.func @transform_7(%arg0: i32) -> (i32, i32) {
    %c0_i32 = arith.constant 0 : i32
    %c0_i32_0 = arith.constant 0 : i32
    %c0_i32_1 = arith.constant 0 : i32
    return %c0_i32, %c0_i32_0 : i32, i32
  }
  func.func @transform_8(%arg0: i32) -> (i32, i32) {
    %c0_i32 = arith.constant 0 : i32
    %c0_i32_0 = arith.constant 0 : i32
    %c0_i32_1 = arith.constant 0 : i32
    return %c0_i32, %c0_i32_0 : i32, i32
  }
  func.func @transform_9(%arg0: i32) -> (i32, i32) {
    %c0_i32 = arith.constant 0 : i32
    %c0_i32_0 = arith.constant 0 : i32
    return %arg0, %c0_i32 : i32, i32
  }
  func.func @transform_10(%arg0: i32) -> (i32, i32) {
    %c0_i32 = arith.constant 0 : i32
    %c0_i32_0 = arith.constant 0 : i32
    return %arg0, %c0_i32 : i32, i32
  }
  func.func @transform_11(%arg0: i32) -> (i32, i32) {
    %c0_i32 = arith.constant 0 : i32
    %c0_i32_0 = arith.constant 0 : i32
    return %arg0, %c0_i32 : i32, i32
  }
}

module attributes {stable_mosaic.version = 14 : i64} {
  func.func @body(%arg0: i32, %arg1: memref<1x512x128xf32, #tpu.memory_space<vmem>>, %arg2: memref<1x512x128xf32, #tpu.memory_space<vmem>>, %arg3: memref<128x128xf32, #tpu.memory_space<vmem>>, %arg4: memref<1x128xf32, #tpu.memory_space<vmem>>, %arg5: memref<128x64xf32, #tpu.memory_space<vmem>>, %arg6: memref<1x64xf32, #tpu.memory_space<vmem>>, %arg7: memref<512x128xf32, #tpu.memory_space<vmem>>) attributes {dimension_semantics = [#tpu.dimension_semantics<arbitrary>], iteration_bounds = array<i64: 20>, scalar_prefetch = 0 : i64, scratch_operands = 0 : i64, tpu.core_type = #tpu.core_type<tc>, window_params = [{transform_indices = @transform_0, window_bounds = array<i64: 1, 512, 128>}, {transform_indices = @transform_1, window_bounds = array<i64: 1, 512, 128>}, {pipeline_mode = #tpu.pipeline_mode<synchronous>, transform_indices = @transform_2, window_bounds = array<i64: 128, 128>}, {pipeline_mode = #tpu.pipeline_mode<synchronous>, transform_indices = @transform_3, window_bounds = array<i64: 1, 128>}, {pipeline_mode = #tpu.pipeline_mode<synchronous>, transform_indices = @transform_4, window_bounds = array<i64: 128, 64>}, {pipeline_mode = #tpu.pipeline_mode<synchronous>, transform_indices = @transform_5, window_bounds = array<i64: 1, 64>}, {transform_indices = @transform_6, window_bounds = array<i64: 512, 128>}]} {
    %get3A = arith.constant 0 : index
    %get3A_0 = arith.constant 0 : index
    %get3A_1 = arith.constant 0 : index
    %get3A_2 = vector.load %arg1[%get3A, %get3A_0, %get3A_1] : memref<1x512x128xf32, #tpu.memory_space<vmem>>, vector<1x512x128xf32>
    %get3A_3 = vector.shape_cast %get3A_2 : vector<1x512x128xf32> to vector<512x128xf32>
    %get3A_4 = arith.constant 0 : index
    %get3A_5 = arith.constant 0 : index
    %get3A_6 = arith.constant 0 : index
    %get3A_7 = vector.load %arg2[%get3A_4, %get3A_5, %get3A_6] : memref<1x512x128xf32, #tpu.memory_space<vmem>>, vector<1x512x128xf32>
    %get3A_8 = vector.shape_cast %get3A_7 : vector<1x512x128xf32> to vector<512x128xf32>
    %add3A = arith.addf %get3A_3, %get3A_8 : vector<512x128xf32>
    %get3A_9 = arith.constant 0 : index
    %get3A_10 = arith.constant 0 : index
    %get3A_11 = vector.load %arg3[%get3A_9, %get3A_10] : memref<128x128xf32, #tpu.memory_space<vmem>>, vector<128x128xf32>
    %dot_general3A = arith.constant dense<0.000000e+00> : vector<512x128xf32>
    %dot_general3A_12 = tpu.matmul %add3A, %get3A_11, %dot_general3A {dimension_numbers = #tpu.dot_dimension_numbers<[1], [0], [0], [1], [0, 0, 1, 1], [], []>, transpose_lhs_hint = false} : vector<512x128xf32>, vector<128x128xf32>, vector<512x128xf32> -> vector<512x128xf32>
    %get3A_13 = arith.constant 0 : index
    %get3A_14 = arith.constant 0 : index
    %get3A_15 = vector.load %arg4[%get3A_13, %get3A_14] : memref<1x128xf32, #tpu.memory_space<vmem>>, vector<1x128xf32>
    %add3A_16 = vector.broadcast %get3A_15 : vector<1x128xf32> to vector<512x128xf32>
    %add3A_17 = arith.addf %dot_general3A_12, %add3A_16 : vector<512x128xf32>
    %max3A = arith.constant 0.000000e+00 : f32
    %max3A_18 = vector.broadcast %max3A : f32 to vector<512x128xf32>
    %max3A_19 = arith.maximumf %add3A_17, %max3A_18 : vector<512x128xf32>
    %get3A_20 = arith.constant 0 : index
    %get3A_21 = arith.constant 0 : index
    %get3A_22 = vector.load %arg5[%get3A_20, %get3A_21] : memref<128x64xf32, #tpu.memory_space<vmem>>, vector<128x64xf32>
    %dot_general3A_23 = arith.constant dense<0.000000e+00> : vector<512x64xf32>
    %dot_general3A_24 = tpu.matmul %max3A_19, %get3A_22, %dot_general3A_23 {dimension_numbers = #tpu.dot_dimension_numbers<[1], [0], [0], [1], [0, 0, 1, 1], [], []>, transpose_lhs_hint = false} : vector<512x128xf32>, vector<128x64xf32>, vector<512x64xf32> -> vector<512x64xf32>
    %get3A_25 = arith.constant 0 : index
    %get3A_26 = arith.constant 0 : index
    %get3A_27 = vector.load %arg6[%get3A_25, %get3A_26] : memref<1x64xf32, #tpu.memory_space<vmem>>, vector<1x64xf32>
    %add3A_28 = vector.broadcast %get3A_27 : vector<1x64xf32> to vector<512x64xf32>
    %add3A_29 = arith.addf %dot_general3A_24, %add3A_28 : vector<512x64xf32>
    %max3A_30 = arith.constant 0.000000e+00 : f32
    %max3A_31 = vector.broadcast %max3A_30 : f32 to vector<512x64xf32>
    %max3A_32 = arith.maximumf %add3A_29, %max3A_31 : vector<512x64xf32>
    %swap3A = arith.constant 0 : index
    %swap3A_33 = arith.constant 0 : index
    %swap3A_34 = vector.load %arg7[%swap3A, %swap3A_33] : memref<512x128xf32, #tpu.memory_space<vmem>>, vector<512x64xf32>
    tpu.vector_store %arg7[%swap3A, %swap3A_33], %max3A_32 {strides = array<i32>} : memref<512x128xf32, #tpu.memory_space<vmem>>, vector<512x64xf32>,
    %iota3A = tpu.iota {dimensions = array<i32: 1>} : vector<512x64xi32>
    %eq3A = arith.constant 0 : i32
    %eq3A_35 = vector.broadcast %eq3A : i32 to vector<512x64xi32>
    %eq3A_36 = arith.cmpi eq, %iota3A, %eq3A_35 : vector<512x64xi32>
    %jit3A = arith.constant 0.000000e+00 : f32
    %jit3A_37 = arith.constant 0.000000e+00 : f32
    %broadcast_in_dim3A = vector.broadcast %jit3A : f32 to vector<512x64xf32>
    %broadcast_in_dim3A_38 = vector.broadcast %jit3A_37 : f32 to vector<512x64xf32>
    %select_n3A = arith.select %eq3A_36, %broadcast_in_dim3A, %broadcast_in_dim3A_38 : vector<512x64xi1>, vector<512x64xf32>
    %swap3A_39 = arith.constant 0 : index
    %swap3A_40 = arith.constant 64 : index
    %swap3A_41 = vector.load %arg7[%swap3A_39, %swap3A_40] : memref<512x128xf32, #tpu.memory_space<vmem>>, vector<512x64xf32>
    tpu.vector_store %arg7[%swap3A_39, %swap3A_40], %select_n3A {strides = array<i32>} : memref<512x128xf32, #tpu.memory_space<vmem>>, vector<512x64xf32>,
    return
  }
  func.func @transform_0(%arg0: i32) -> (i32, i32, i32) {
    %c0_i32 = arith.constant 0 : i32
    %c0_i32_0 = arith.constant 0 : i32
    %c0_i32_1 = arith.constant 0 : i32
    return %c0_i32, %arg0, %c0_i32_0 : i32, i32, i32
  }
  func.func @transform_1(%arg0: i32) -> (i32, i32, i32) {
    %c1_i32 = arith.constant 1 : i32
    %c0_i32 = arith.constant 0 : i32
    %c0_i32_0 = arith.constant 0 : i32
    return %c1_i32, %arg0, %c0_i32 : i32, i32, i32
  }
  func.func @transform_2(%arg0: i32) -> (i32, i32) {
    %c0_i32 = arith.constant 0 : i32
    %c0_i32_0 = arith.constant 0 : i32
    %c0_i32_1 = arith.constant 0 : i32
    return %c0_i32, %c0_i32_0 : i32, i32
  }
  func.func @transform_3(%arg0: i32) -> (i32, i32) {
    %c0_i32 = arith.constant 0 : i32
    %c0_i32_0 = arith.constant 0 : i32
    %c0_i32_1 = arith.constant 0 : i32
    return %c0_i32, %c0_i32_0 : i32, i32
  }
  func.func @transform_4(%arg0: i32) -> (i32, i32) {
    %c0_i32 = arith.constant 0 : i32
    %c0_i32_0 = arith.constant 0 : i32
    %c0_i32_1 = arith.constant 0 : i32
    return %c0_i32, %c0_i32_0 : i32, i32
  }
  func.func @transform_5(%arg0: i32) -> (i32, i32) {
    %c0_i32 = arith.constant 0 : i32
    %c0_i32_0 = arith.constant 0 : i32
    %c0_i32_1 = arith.constant 0 : i32
    return %c0_i32, %c0_i32_0 : i32, i32
  }
  func.func @transform_6(%arg0: i32) -> (i32, i32) {
    %c0_i32 = arith.constant 0 : i32
    %c0_i32_0 = arith.constant 0 : i32
    return %arg0, %c0_i32 : i32, i32
  }
}

module attributes {stable_mosaic.version = 14 : i64} {
  func.func @body(%arg0: i32, %arg1: memref<512x128xf32, #tpu.memory_space<vmem>>, %arg2: memref<512x128xf32, #tpu.memory_space<vmem>>, %arg3: memref<512x8xf32, #tpu.memory_space<vmem>>, %arg4: memref<128x256xf32, #tpu.memory_space<vmem>>, %arg5: memref<128x256xf32, #tpu.memory_space<vmem>>, %arg6: memref<8x256xf32, #tpu.memory_space<vmem>>, %arg7: memref<1x256xf32, #tpu.memory_space<vmem>>, %arg8: memref<256x128xf32, #tpu.memory_space<vmem>>, %arg9: memref<1x128xf32, #tpu.memory_space<vmem>>, %arg10: memref<512x128xf32, #tpu.memory_space<vmem>>) attributes {dimension_semantics = [#tpu.dimension_semantics<arbitrary>], iteration_bounds = array<i64: 640>, scalar_prefetch = 0 : i64, scratch_operands = 0 : i64, tpu.core_type = #tpu.core_type<tc>, window_params = [{transform_indices = @transform_0, window_bounds = array<i64: 512, 128>}, {transform_indices = @transform_1, window_bounds = array<i64: 512, 128>}, {transform_indices = @transform_2, window_bounds = array<i64: 512, 8>}, {pipeline_mode = #tpu.pipeline_mode<synchronous>, transform_indices = @transform_3, window_bounds = array<i64: 128, 256>}, {pipeline_mode = #tpu.pipeline_mode<synchronous>, transform_indices = @transform_4, window_bounds = array<i64: 128, 256>}, {pipeline_mode = #tpu.pipeline_mode<synchronous>, transform_indices = @transform_5, window_bounds = array<i64: 8, 256>}, {pipeline_mode = #tpu.pipeline_mode<synchronous>, transform_indices = @transform_6, window_bounds = array<i64: 1, 256>}, {pipeline_mode = #tpu.pipeline_mode<synchronous>, transform_indices = @transform_7, window_bounds = array<i64: 256, 128>}, {pipeline_mode = #tpu.pipeline_mode<synchronous>, transform_indices = @transform_8, window_bounds = array<i64: 1, 128>}, {transform_indices = @transform_9, window_bounds = array<i64: 512, 128>}]} {
    %get3A = arith.constant 0 : index
    %get3A_0 = arith.constant 0 : index
    %get3A_1 = vector.load %arg1[%get3A, %get3A_0] : memref<512x128xf32, #tpu.memory_space<vmem>>, vector<512x128xf32>
    %get3A_2 = arith.constant 0 : index
    %get3A_3 = arith.constant 0 : index
    %get3A_4 = vector.load %arg4[%get3A_2, %get3A_3] : memref<128x256xf32, #tpu.memory_space<vmem>>, vector<128x256xf32>
    %dot_general3A = arith.constant dense<0.000000e+00> : vector<512x256xf32>
    %dot_general3A_5 = tpu.matmul %get3A_1, %get3A_4, %dot_general3A {dimension_numbers = #tpu.dot_dimension_numbers<[1], [0], [0], [1], [0, 0, 1, 1], [], []>, transpose_lhs_hint = false} : vector<512x128xf32>, vector<128x256xf32>, vector<512x256xf32> -> vector<512x256xf32>
    %get3A_6 = arith.constant 0 : index
    %get3A_7 = arith.constant 0 : index
    %get3A_8 = vector.load %arg2[%get3A_6, %get3A_7] : memref<512x128xf32, #tpu.memory_space<vmem>>, vector<512x128xf32>
    %get3A_9 = arith.constant 0 : index
    %get3A_10 = arith.constant 0 : index
    %get3A_11 = vector.load %arg5[%get3A_9, %get3A_10] : memref<128x256xf32, #tpu.memory_space<vmem>>, vector<128x256xf32>
    %dot_general3A_12 = arith.constant dense<0.000000e+00> : vector<512x256xf32>
    %dot_general3A_13 = tpu.matmul %get3A_8, %get3A_11, %dot_general3A_12 {dimension_numbers = #tpu.dot_dimension_numbers<[1], [0], [0], [1], [0, 0, 1, 1], [], []>, transpose_lhs_hint = false} : vector<512x128xf32>, vector<128x256xf32>, vector<512x256xf32> -> vector<512x256xf32>
    %add3A = arith.addf %dot_general3A_5, %dot_general3A_13 : vector<512x256xf32>
    %get3A_14 = arith.constant 0 : index
    %get3A_15 = arith.constant 0 : index
    %get3A_16 = vector.load %arg3[%get3A_14, %get3A_15] : memref<512x8xf32, #tpu.memory_space<vmem>>, vector<512x8xf32>
    %get3A_17 = arith.constant 0 : index
    %get3A_18 = arith.constant 0 : index
    %get3A_19 = vector.load %arg6[%get3A_17, %get3A_18] : memref<8x256xf32, #tpu.memory_space<vmem>>, vector<8x256xf32>
    %dot_general3A_20 = arith.constant dense<0.000000e+00> : vector<512x256xf32>
    %dot_general3A_21 = tpu.matmul %get3A_16, %get3A_19, %dot_general3A_20 {dimension_numbers = #tpu.dot_dimension_numbers<[1], [0], [0], [1], [0, 0, 1, 1], [], []>, transpose_lhs_hint = false} : vector<512x8xf32>, vector<8x256xf32>, vector<512x256xf32> -> vector<512x256xf32>
    %add3A_22 = arith.addf %add3A, %dot_general3A_21 : vector<512x256xf32>
    %get3A_23 = arith.constant 0 : index
    %get3A_24 = arith.constant 0 : index
    %get3A_25 = vector.load %arg7[%get3A_23, %get3A_24] : memref<1x256xf32, #tpu.memory_space<vmem>>, vector<1x256xf32>
    %add3A_26 = vector.broadcast %get3A_25 : vector<1x256xf32> to vector<512x256xf32>
    %add3A_27 = arith.addf %add3A_22, %add3A_26 : vector<512x256xf32>
    %max3A = arith.constant 0.000000e+00 : f32
    %max3A_28 = vector.broadcast %max3A : f32 to vector<512x256xf32>
    %max3A_29 = arith.maximumf %add3A_27, %max3A_28 : vector<512x256xf32>
    %get3A_30 = arith.constant 0 : index
    %get3A_31 = arith.constant 0 : index
    %get3A_32 = vector.load %arg8[%get3A_30, %get3A_31] : memref<256x128xf32, #tpu.memory_space<vmem>>, vector<256x128xf32>
    %dot_general3A_33 = arith.constant dense<0.000000e+00> : vector<512x128xf32>
    %dot_general3A_34 = tpu.matmul %max3A_29, %get3A_32, %dot_general3A_33 {dimension_numbers = #tpu.dot_dimension_numbers<[1], [0], [0], [1], [0, 0, 1, 1], [], []>, transpose_lhs_hint = false} : vector<512x256xf32>, vector<256x128xf32>, vector<512x128xf32> -> vector<512x128xf32>
    %get3A_35 = arith.constant 0 : index
    %get3A_36 = arith.constant 0 : index
    %get3A_37 = vector.load %arg9[%get3A_35, %get3A_36] : memref<1x128xf32, #tpu.memory_space<vmem>>, vector<1x128xf32>
    %add3A_38 = vector.broadcast %get3A_37 : vector<1x128xf32> to vector<512x128xf32>
    %add3A_39 = arith.addf %dot_general3A_34, %add3A_38 : vector<512x128xf32>
    %max3A_40 = arith.constant 0.000000e+00 : f32
    %max3A_41 = vector.broadcast %max3A_40 : f32 to vector<512x128xf32>
    %max3A_42 = arith.maximumf %add3A_39, %max3A_41 : vector<512x128xf32>
    %swap3A = arith.constant 0 : index
    %swap3A_43 = arith.constant 0 : index
    %swap3A_44 = vector.load %arg10[%swap3A, %swap3A_43] : memref<512x128xf32, #tpu.memory_space<vmem>>, vector<512x128xf32>
    tpu.vector_store %arg10[%swap3A, %swap3A_43], %max3A_42 {strides = array<i32>} : memref<512x128xf32, #tpu.memory_space<vmem>>, vector<512x128xf32>,
    return
  }
  func.func @transform_0(%arg0: i32) -> (i32, i32) {
    %c0_i32 = arith.constant 0 : i32
    %c0_i32_0 = arith.constant 0 : i32
    return %arg0, %c0_i32 : i32, i32
  }
  func.func @transform_1(%arg0: i32) -> (i32, i32) {
    %c0_i32 = arith.constant 0 : i32
    %c0_i32_0 = arith.constant 0 : i32
    return %arg0, %c0_i32 : i32, i32
  }
  func.func @transform_2(%arg0: i32) -> (i32, i32) {
    %c0_i32 = arith.constant 0 : i32
    %c0_i32_0 = arith.constant 0 : i32
    return %arg0, %c0_i32 : i32, i32
  }
  func.func @transform_3(%arg0: i32) -> (i32, i32) {
    %c0_i32 = arith.constant 0 : i32
    %c0_i32_0 = arith.constant 0 : i32
    %c0_i32_1 = arith.constant 0 : i32
    return %c0_i32, %c0_i32_0 : i32, i32
  }
  func.func @transform_4(%arg0: i32) -> (i32, i32) {
    %c0_i32 = arith.constant 0 : i32
    %c0_i32_0 = arith.constant 0 : i32
    %c0_i32_1 = arith.constant 0 : i32
    return %c0_i32, %c0_i32_0 : i32, i32
  }
  func.func @transform_5(%arg0: i32) -> (i32, i32) {
    %c0_i32 = arith.constant 0 : i32
    %c0_i32_0 = arith.constant 0 : i32
    %c0_i32_1 = arith.constant 0 : i32
    return %c0_i32, %c0_i32_0 : i32, i32
  }
  func.func @transform_6(%arg0: i32) -> (i32, i32) {
    %c0_i32 = arith.constant 0 : i32
    %c0_i32_0 = arith.constant 0 : i32
    %c0_i32_1 = arith.constant 0 : i32
    return %c0_i32, %c0_i32_0 : i32, i32
  }
  func.func @transform_7(%arg0: i32) -> (i32, i32) {
    %c0_i32 = arith.constant 0 : i32
    %c0_i32_0 = arith.constant 0 : i32
    %c0_i32_1 = arith.constant 0 : i32
    return %c0_i32, %c0_i32_0 : i32, i32
  }
  func.func @transform_8(%arg0: i32) -> (i32, i32) {
    %c0_i32 = arith.constant 0 : i32
    %c0_i32_0 = arith.constant 0 : i32
    %c0_i32_1 = arith.constant 0 : i32
    return %c0_i32, %c0_i32_0 : i32, i32
  }
  func.func @transform_9(%arg0: i32) -> (i32, i32) {
    %c0_i32 = arith.constant 0 : i32
    %c0_i32_0 = arith.constant 0 : i32
    return %arg0, %c0_i32 : i32, i32
  }
}

module attributes {stable_mosaic.version = 14 : i64} {
  func.func @body(%arg0: i32, %arg1: memref<1x512x128xf32, #tpu.memory_space<vmem>>, %arg2: memref<1x512x128xf32, #tpu.memory_space<vmem>>, %arg3: memref<512x128xf32, #tpu.memory_space<vmem>>) attributes {dimension_semantics = [#tpu.dimension_semantics<arbitrary>], iteration_bounds = array<i64: 20>, scalar_prefetch = 0 : i64, scratch_operands = 0 : i64, tpu.core_type = #tpu.core_type<tc>, window_params = [{transform_indices = @transform_0, window_bounds = array<i64: 1, 512, 128>}, {transform_indices = @transform_1, window_bounds = array<i64: 1, 512, 128>}, {transform_indices = @transform_2, window_bounds = array<i64: 512, 128>}]} {
    %get3A = arith.constant 0 : index
    %get3A_0 = arith.constant 0 : index
    %get3A_1 = arith.constant 0 : index
    %get3A_2 = vector.load %arg1[%get3A, %get3A_0, %get3A_1] : memref<1x512x128xf32, #tpu.memory_space<vmem>>, vector<1x512x128xf32>
    %get3A_3 = vector.shape_cast %get3A_2 : vector<1x512x128xf32> to vector<512x128xf32>
    %get3A_4 = arith.constant 0 : index
    %get3A_5 = arith.constant 0 : index
    %get3A_6 = arith.constant 0 : index
    %get3A_7 = vector.load %arg2[%get3A_4, %get3A_5, %get3A_6] : memref<1x512x128xf32, #tpu.memory_space<vmem>>, vector<1x512x128xf32>
    %get3A_8 = vector.shape_cast %get3A_7 : vector<1x512x128xf32> to vector<512x128xf32>
    %add3A = arith.addf %get3A_3, %get3A_8 : vector<512x128xf32>
    %swap3A = arith.constant 0 : index
    %swap3A_9 = arith.constant 0 : index
    %swap3A_10 = vector.load %arg3[%swap3A, %swap3A_9] : memref<512x128xf32, #tpu.memory_space<vmem>>, vector<512x128xf32>
    tpu.vector_store %arg3[%swap3A, %swap3A_9], %add3A {strides = array<i32>} : memref<512x128xf32, #tpu.memory_space<vmem>>, vector<512x128xf32>,
    return
  }
  func.func @transform_0(%arg0: i32) -> (i32, i32, i32) {
    %c0_i32 = arith.constant 0 : i32
    %c0_i32_0 = arith.constant 0 : i32
    %c0_i32_1 = arith.constant 0 : i32
    return %c0_i32, %arg0, %c0_i32_0 : i32, i32, i32
  }
  func.func @transform_1(%arg0: i32) -> (i32, i32, i32) {
    %c1_i32 = arith.constant 1 : i32
    %c0_i32 = arith.constant 0 : i32
    %c0_i32_0 = arith.constant 0 : i32
    return %c1_i32, %arg0, %c0_i32 : i32, i32, i32
  }
  func.func @transform_2(%arg0: i32) -> (i32, i32) {
    %c0_i32 = arith.constant 0 : i32
    %c0_i32_0 = arith.constant 0 : i32
    return %arg0, %c0_i32 : i32, i32
  }
}

module attributes {stable_mosaic.version = 14 : i64} {
  func.func @body(%arg0: i32, %arg1: memref<1x512x128xf32, #tpu.memory_space<vmem>>, %arg2: memref<1x512x128xf32, #tpu.memory_space<vmem>>, %arg3: memref<128x128xf32, #tpu.memory_space<vmem>>, %arg4: memref<1x128xf32, #tpu.memory_space<vmem>>, %arg5: memref<128x64xf32, #tpu.memory_space<vmem>>, %arg6: memref<1x64xf32, #tpu.memory_space<vmem>>, %arg7: memref<512x128xf32, #tpu.memory_space<vmem>>) attributes {dimension_semantics = [#tpu.dimension_semantics<arbitrary>], iteration_bounds = array<i64: 20>, scalar_prefetch = 0 : i64, scratch_operands = 0 : i64, tpu.core_type = #tpu.core_type<tc>, window_params = [{transform_indices = @transform_0, window_bounds = array<i64: 1, 512, 128>}, {transform_indices = @transform_1, window_bounds = array<i64: 1, 512, 128>}, {pipeline_mode = #tpu.pipeline_mode<synchronous>, transform_indices = @transform_2, window_bounds = array<i64: 128, 128>}, {pipeline_mode = #tpu.pipeline_mode<synchronous>, transform_indices = @transform_3, window_bounds = array<i64: 1, 128>}, {pipeline_mode = #tpu.pipeline_mode<synchronous>, transform_indices = @transform_4, window_bounds = array<i64: 128, 64>}, {pipeline_mode = #tpu.pipeline_mode<synchronous>, transform_indices = @transform_5, window_bounds = array<i64: 1, 64>}, {transform_indices = @transform_6, window_bounds = array<i64: 512, 128>}]} {
    %get3A = arith.constant 0 : index
    %get3A_0 = arith.constant 0 : index
    %get3A_1 = arith.constant 0 : index
    %get3A_2 = vector.load %arg1[%get3A, %get3A_0, %get3A_1] : memref<1x512x128xf32, #tpu.memory_space<vmem>>, vector<1x512x128xf32>
    %get3A_3 = vector.shape_cast %get3A_2 : vector<1x512x128xf32> to vector<512x128xf32>
    %get3A_4 = arith.constant 0 : index
    %get3A_5 = arith.constant 0 : index
    %get3A_6 = arith.constant 0 : index
    %get3A_7 = vector.load %arg2[%get3A_4, %get3A_5, %get3A_6] : memref<1x512x128xf32, #tpu.memory_space<vmem>>, vector<1x512x128xf32>
    %get3A_8 = vector.shape_cast %get3A_7 : vector<1x512x128xf32> to vector<512x128xf32>
    %add3A = arith.addf %get3A_3, %get3A_8 : vector<512x128xf32>
    %get3A_9 = arith.constant 0 : index
    %get3A_10 = arith.constant 0 : index
    %get3A_11 = vector.load %arg3[%get3A_9, %get3A_10] : memref<128x128xf32, #tpu.memory_space<vmem>>, vector<128x128xf32>
    %dot_general3A = arith.constant dense<0.000000e+00> : vector<512x128xf32>
    %dot_general3A_12 = tpu.matmul %add3A, %get3A_11, %dot_general3A {dimension_numbers = #tpu.dot_dimension_numbers<[1], [0], [0], [1], [0, 0, 1, 1], [], []>, transpose_lhs_hint = false} : vector<512x128xf32>, vector<128x128xf32>, vector<512x128xf32> -> vector<512x128xf32>
    %get3A_13 = arith.constant 0 : index
    %get3A_14 = arith.constant 0 : index
    %get3A_15 = vector.load %arg4[%get3A_13, %get3A_14] : memref<1x128xf32, #tpu.memory_space<vmem>>, vector<1x128xf32>
    %add3A_16 = vector.broadcast %get3A_15 : vector<1x128xf32> to vector<512x128xf32>
    %add3A_17 = arith.addf %dot_general3A_12, %add3A_16 : vector<512x128xf32>
    %max3A = arith.constant 0.000000e+00 : f32
    %max3A_18 = vector.broadcast %max3A : f32 to vector<512x128xf32>
    %max3A_19 = arith.maximumf %add3A_17, %max3A_18 : vector<512x128xf32>
    %get3A_20 = arith.constant 0 : index
    %get3A_21 = arith.constant 0 : index
    %get3A_22 = vector.load %arg5[%get3A_20, %get3A_21] : memref<128x64xf32, #tpu.memory_space<vmem>>, vector<128x64xf32>
    %dot_general3A_23 = arith.constant dense<0.000000e+00> : vector<512x64xf32>
    %dot_general3A_24 = tpu.matmul %max3A_19, %get3A_22, %dot_general3A_23 {dimension_numbers = #tpu.dot_dimension_numbers<[1], [0], [0], [1], [0, 0, 1, 1], [], []>, transpose_lhs_hint = false} : vector<512x128xf32>, vector<128x64xf32>, vector<512x64xf32> -> vector<512x64xf32>
    %get3A_25 = arith.constant 0 : index
    %get3A_26 = arith.constant 0 : index
    %get3A_27 = vector.load %arg6[%get3A_25, %get3A_26] : memref<1x64xf32, #tpu.memory_space<vmem>>, vector<1x64xf32>
    %add3A_28 = vector.broadcast %get3A_27 : vector<1x64xf32> to vector<512x64xf32>
    %add3A_29 = arith.addf %dot_general3A_24, %add3A_28 : vector<512x64xf32>
    %max3A_30 = arith.constant 0.000000e+00 : f32
    %max3A_31 = vector.broadcast %max3A_30 : f32 to vector<512x64xf32>
    %max3A_32 = arith.maximumf %add3A_29, %max3A_31 : vector<512x64xf32>
    %swap3A = arith.constant 0 : index
    %swap3A_33 = arith.constant 0 : index
    %swap3A_34 = vector.load %arg7[%swap3A, %swap3A_33] : memref<512x128xf32, #tpu.memory_space<vmem>>, vector<512x64xf32>
    tpu.vector_store %arg7[%swap3A, %swap3A_33], %max3A_32 {strides = array<i32>} : memref<512x128xf32, #tpu.memory_space<vmem>>, vector<512x64xf32>,
    %iota3A = tpu.iota {dimensions = array<i32: 1>} : vector<512x64xi32>
    %eq3A = arith.constant 0 : i32
    %eq3A_35 = vector.broadcast %eq3A : i32 to vector<512x64xi32>
    %eq3A_36 = arith.cmpi eq, %iota3A, %eq3A_35 : vector<512x64xi32>
    %jit3A = arith.constant 1.000000e+00 : f32
    %jit3A_37 = arith.constant 0.000000e+00 : f32
    %broadcast_in_dim3A = vector.broadcast %jit3A : f32 to vector<512x64xf32>
    %broadcast_in_dim3A_38 = vector.broadcast %jit3A_37 : f32 to vector<512x64xf32>
    %select_n3A = arith.select %eq3A_36, %broadcast_in_dim3A, %broadcast_in_dim3A_38 : vector<512x64xi1>, vector<512x64xf32>
    %swap3A_39 = arith.constant 0 : index
    %swap3A_40 = arith.constant 64 : index
    %swap3A_41 = vector.load %arg7[%swap3A_39, %swap3A_40] : memref<512x128xf32, #tpu.memory_space<vmem>>, vector<512x64xf32>
    tpu.vector_store %arg7[%swap3A_39, %swap3A_40], %select_n3A {strides = array<i32>} : memref<512x128xf32, #tpu.memory_space<vmem>>, vector<512x64xf32>,
    return
  }
  func.func @transform_0(%arg0: i32) -> (i32, i32, i32) {
    %c0_i32 = arith.constant 0 : i32
    %c0_i32_0 = arith.constant 0 : i32
    %c0_i32_1 = arith.constant 0 : i32
    return %c0_i32, %arg0, %c0_i32_0 : i32, i32, i32
  }
  func.func @transform_1(%arg0: i32) -> (i32, i32, i32) {
    %c1_i32 = arith.constant 1 : i32
    %c0_i32 = arith.constant 0 : i32
    %c0_i32_0 = arith.constant 0 : i32
    return %c1_i32, %arg0, %c0_i32 : i32, i32, i32
  }
  func.func @transform_2(%arg0: i32) -> (i32, i32) {
    %c0_i32 = arith.constant 0 : i32
    %c0_i32_0 = arith.constant 0 : i32
    %c0_i32_1 = arith.constant 0 : i32
    return %c0_i32, %c0_i32_0 : i32, i32
  }
  func.func @transform_3(%arg0: i32) -> (i32, i32) {
    %c0_i32 = arith.constant 0 : i32
    %c0_i32_0 = arith.constant 0 : i32
    %c0_i32_1 = arith.constant 0 : i32
    return %c0_i32, %c0_i32_0 : i32, i32
  }
  func.func @transform_4(%arg0: i32) -> (i32, i32) {
    %c0_i32 = arith.constant 0 : i32
    %c0_i32_0 = arith.constant 0 : i32
    %c0_i32_1 = arith.constant 0 : i32
    return %c0_i32, %c0_i32_0 : i32, i32
  }
  func.func @transform_5(%arg0: i32) -> (i32, i32) {
    %c0_i32 = arith.constant 0 : i32
    %c0_i32_0 = arith.constant 0 : i32
    %c0_i32_1 = arith.constant 0 : i32
    return %c0_i32, %c0_i32_0 : i32, i32
  }
  func.func @transform_6(%arg0: i32) -> (i32, i32) {
    %c0_i32 = arith.constant 0 : i32
    %c0_i32_0 = arith.constant 0 : i32
    return %arg0, %c0_i32 : i32, i32
  }
}

module attributes {stable_mosaic.version = 14 : i64} {
  func.func @body(%arg0: i32, %arg1: memref<512x128xf32, #tpu.memory_space<vmem>>, %arg2: memref<1x1x512x128xf32, #tpu.memory_space<vmem>>, %arg3: memref<1x1x512x128xf32, #tpu.memory_space<vmem>>, %arg4: memref<64x256xf32, #tpu.memory_space<vmem>>, %arg5: memref<64x256xf32, #tpu.memory_space<vmem>>, %arg6: memref<1x256xf32, #tpu.memory_space<vmem>>, %arg7: memref<512x128xf32, #tpu.memory_space<vmem>>, %arg8: memref<512x128xf32, #tpu.memory_space<vmem>>, %arg9: memref<512x8xf32, #tpu.memory_space<vmem>>) attributes {dimension_semantics = [#tpu.dimension_semantics<arbitrary>], iteration_bounds = array<i64: 20>, scalar_prefetch = 0 : i64, scratch_operands = 0 : i64, tpu.core_type = #tpu.core_type<tc>, window_params = [{transform_indices = @transform_0, window_bounds = array<i64: 512, 128>}, {transform_indices = @transform_1, window_bounds = array<i64: 1, 1, 512, 128>}, {transform_indices = @transform_2, window_bounds = array<i64: 1, 1, 512, 128>}, {pipeline_mode = #tpu.pipeline_mode<synchronous>, transform_indices = @transform_3, window_bounds = array<i64: 64, 256>}, {pipeline_mode = #tpu.pipeline_mode<synchronous>, transform_indices = @transform_4, window_bounds = array<i64: 64, 256>}, {pipeline_mode = #tpu.pipeline_mode<synchronous>, transform_indices = @transform_5, window_bounds = array<i64: 1, 256>}, {transform_indices = @transform_6, window_bounds = array<i64: 512, 128>}, {transform_indices = @transform_7, window_bounds = array<i64: 512, 128>}, {transform_indices = @transform_8, window_bounds = array<i64: 512, 8>}]} {
    %get3A = arith.constant 0 : index
    %get3A_0 = arith.constant 0 : index
    %get3A_1 = arith.constant 0 : index
    %get3A_2 = arith.constant 0 : index
    %get3A_3 = vector.load %arg2[%get3A, %get3A_0, %get3A_1, %get3A_2] : memref<1x1x512x128xf32, #tpu.memory_space<vmem>>, vector<1x1x512x128xf32>
    %get3A_4 = vector.shape_cast %get3A_3 : vector<1x1x512x128xf32> to vector<512x128xf32>
    %get3A_5 = arith.constant 0 : index
    %get3A_6 = arith.constant 0 : index
    %get3A_7 = arith.constant 0 : index
    %get3A_8 = arith.constant 0 : index
    %get3A_9 = vector.load %arg3[%get3A_5, %get3A_6, %get3A_7, %get3A_8] : memref<1x1x512x128xf32, #tpu.memory_space<vmem>>, vector<1x1x512x128xf32>
    %get3A_10 = vector.shape_cast %get3A_9 : vector<1x1x512x128xf32> to vector<512x128xf32>
    %add3A = arith.addf %get3A_4, %get3A_10 : vector<512x128xf32>
    %slice3A = vector.extract_strided_slice %add3A {offsets = [0, 64], sizes = [512, 8], strides = [1, 1]} : vector<512x128xf32> to vector<512x8xf32>
    %slice3A_11 = vector.extract_strided_slice %slice3A {offsets = [0, 0], sizes = [512, 1], strides = [1, 1]} : vector<512x8xf32> to vector<512x1xf32>
    %max3A = arith.constant 1.000000e+00 : f32
    %max3A_12 = vector.broadcast %max3A : f32 to vector<512x1xf32>
    %max3A_13 = arith.maximumf %slice3A_11, %max3A_12 : vector<512x1xf32>
    %slice3A_14 = vector.extract_strided_slice %add3A {offsets = [0, 0], sizes = [512, 64], strides = [1, 1]} : vector<512x128xf32> to vector<512x64xf32>
    %div3A = vector.broadcast %max3A_13 : vector<512x1xf32> to vector<512x64xf32>
    %div3A_15 = arith.divf %slice3A_14, %div3A : vector<512x64xf32>
    %get3A_16 = arith.constant 0 : index
    %get3A_17 = arith.constant 0 : index
    %get3A_18 = vector.load %arg6[%get3A_16, %get3A_17] : memref<1x256xf32, #tpu.memory_space<vmem>>, vector<1x256xf32>
    %get3A_19 = arith.constant 0 : index
    %get3A_20 = arith.constant 0 : index
    %get3A_21 = vector.load %arg1[%get3A_19, %get3A_20] : memref<512x128xf32, #tpu.memory_space<vmem>>, vector<512x64xf32>
    %get3A_22 = arith.constant 0 : index
    %get3A_23 = arith.constant 0 : index
    %get3A_24 = vector.load %arg4[%get3A_22, %get3A_23] : memref<64x256xf32, #tpu.memory_space<vmem>>, vector<64x256xf32>
    %dot_general3A = arith.constant dense<0.000000e+00> : vector<512x256xf32>
    %dot_general3A_25 = tpu.matmul %get3A_21, %get3A_24, %dot_general3A {dimension_numbers = #tpu.dot_dimension_numbers<[1], [0], [0], [1], [0, 0, 1, 1], [], []>, transpose_lhs_hint = false} : vector<512x64xf32>, vector<64x256xf32>, vector<512x256xf32> -> vector<512x256xf32>
    %add3A_26 = vector.broadcast %get3A_18 : vector<1x256xf32> to vector<512x256xf32>
    %add3A_27 = arith.addf %add3A_26, %dot_general3A_25 : vector<512x256xf32>
    %get3A_28 = arith.constant 0 : index
    %get3A_29 = arith.constant 0 : index
    %get3A_30 = vector.load %arg5[%get3A_28, %get3A_29] : memref<64x256xf32, #tpu.memory_space<vmem>>, vector<64x256xf32>
    %dot_general3A_31 = arith.constant dense<0.000000e+00> : vector<512x256xf32>
    %dot_general3A_32 = tpu.matmul %div3A_15, %get3A_30, %dot_general3A_31 {dimension_numbers = #tpu.dot_dimension_numbers<[1], [0], [0], [1], [0, 0, 1, 1], [], []>, transpose_lhs_hint = false} : vector<512x64xf32>, vector<64x256xf32>, vector<512x256xf32> -> vector<512x256xf32>
    %add3A_33 = arith.addf %add3A_27, %dot_general3A_32 : vector<512x256xf32>
    %mul3A = arith.mulf %add3A_33, %add3A_33 : vector<512x256xf32>
    %reduce_sum3A = arith.constant dense<0.000000e+00> : vector<512xf32>
    %reduce_sum3A_34 = vector.multi_reduction <add>, %mul3A, %reduce_sum3A [1] : vector<512x256xf32> to vector<512xf32>
    %broadcast_in_dim3A = vector.shape_cast %reduce_sum3A_34 : vector<512xf32> to vector<512x1xf32>
    %max3A_35 = arith.constant 9.99999996E-13 : f32
    %max3A_36 = vector.broadcast %max3A_35 : f32 to vector<512x1xf32>
    %max3A_37 = arith.maximumf %broadcast_in_dim3A, %max3A_36 : vector<512x1xf32>
    %rsqrt3A = math.rsqrt %max3A_37 : vector<512x1xf32>
    %mul3A_38 = vector.broadcast %rsqrt3A : vector<512x1xf32> to vector<512x256xf32>
    %mul3A_39 = arith.mulf %add3A_33, %mul3A_38 : vector<512x256xf32>
    %max3A_40 = arith.constant 0.000000e+00 : f32
    %max3A_41 = vector.broadcast %max3A_40 : f32 to vector<512x256xf32>
    %max3A_42 = arith.maximumf %mul3A_39, %max3A_41 : vector<512x256xf32>
    %slice3A_43 = vector.extract_strided_slice %max3A_42 {offsets = [0, 0], sizes = [512, 128], strides = [1, 1]} : vector<512x256xf32> to vector<512x128xf32>
    %swap3A = arith.constant 0 : index
    %swap3A_44 = arith.constant 0 : index
    %swap3A_45 = vector.load %arg7[%swap3A, %swap3A_44] : memref<512x128xf32, #tpu.memory_space<vmem>>, vector<512x128xf32>
    tpu.vector_store %arg7[%swap3A, %swap3A_44], %slice3A_43 {strides = array<i32>} : memref<512x128xf32, #tpu.memory_space<vmem>>, vector<512x128xf32>,
    %slice3A_46 = vector.extract_strided_slice %max3A_42 {offsets = [0, 128], sizes = [512, 128], strides = [1, 1]} : vector<512x256xf32> to vector<512x128xf32>
    %swap3A_47 = arith.constant 0 : index
    %swap3A_48 = arith.constant 0 : index
    %swap3A_49 = vector.load %arg8[%swap3A_47, %swap3A_48] : memref<512x128xf32, #tpu.memory_space<vmem>>, vector<512x128xf32>
    tpu.vector_store %arg8[%swap3A_47, %swap3A_48], %slice3A_46 {strides = array<i32>} : memref<512x128xf32, #tpu.memory_space<vmem>>, vector<512x128xf32>,
    %swap3A_50 = arith.constant 0 : index
    %swap3A_51 = arith.constant 0 : index
    %swap3A_52 = vector.load %arg9[%swap3A_50, %swap3A_51] : memref<512x8xf32, #tpu.memory_space<vmem>>, vector<512x8xf32>
    tpu.vector_store %arg9[%swap3A_50, %swap3A_51], %slice3A {strides = array<i32>} : memref<512x8xf32, #tpu.memory_space<vmem>>, vector<512x8xf32>,
    return
  }
  func.func @transform_0(%arg0: i32) -> (i32, i32) {
    %c0_i32 = arith.constant 0 : i32
    %c0_i32_0 = arith.constant 0 : i32
    return %arg0, %c0_i32 : i32, i32
  }
  func.func @transform_1(%arg0: i32) -> (i32, i32, i32, i32) {
    %c0_i32 = arith.constant 0 : i32
    %c0_i32_0 = arith.constant 0 : i32
    %c0_i32_1 = arith.constant 0 : i32
    %c0_i32_2 = arith.constant 0 : i32
    return %c0_i32, %c0_i32_0, %arg0, %c0_i32_1 : i32, i32, i32, i32
  }
  func.func @transform_2(%arg0: i32) -> (i32, i32, i32, i32) {
    %c1_i32 = arith.constant 1 : i32
    %c0_i32 = arith.constant 0 : i32
    %c0_i32_0 = arith.constant 0 : i32
    %c0_i32_1 = arith.constant 0 : i32
    return %c1_i32, %c0_i32, %arg0, %c0_i32_0 : i32, i32, i32, i32
  }
  func.func @transform_3(%arg0: i32) -> (i32, i32) {
    %c0_i32 = arith.constant 0 : i32
    %c0_i32_0 = arith.constant 0 : i32
    %c0_i32_1 = arith.constant 0 : i32
    return %c0_i32, %c0_i32_0 : i32, i32
  }
  func.func @transform_4(%arg0: i32) -> (i32, i32) {
    %c0_i32 = arith.constant 0 : i32
    %c0_i32_0 = arith.constant 0 : i32
    %c0_i32_1 = arith.constant 0 : i32
    return %c0_i32, %c0_i32_0 : i32, i32
  }
  func.func @transform_5(%arg0: i32) -> (i32, i32) {
    %c0_i32 = arith.constant 0 : i32
    %c0_i32_0 = arith.constant 0 : i32
    %c0_i32_1 = arith.constant 0 : i32
    return %c0_i32, %c0_i32_0 : i32, i32
  }
  func.func @transform_6(%arg0: i32) -> (i32, i32) {
    %c0_i32 = arith.constant 0 : i32
    %c0_i32_0 = arith.constant 0 : i32
    return %arg0, %c0_i32 : i32, i32
  }
  func.func @transform_7(%arg0: i32) -> (i32, i32) {
    %c0_i32 = arith.constant 0 : i32
    %c0_i32_0 = arith.constant 0 : i32
    return %arg0, %c0_i32 : i32, i32
  }
  func.func @transform_8(%arg0: i32) -> (i32, i32) {
    %c0_i32 = arith.constant 0 : i32
    %c0_i32_0 = arith.constant 0 : i32
    return %arg0, %c0_i32 : i32, i32
  }
}

module attributes {stable_mosaic.version = 14 : i64} {
  func.func @body(%arg0: i32, %arg1: memref<512x128xf32, #tpu.memory_space<vmem>>, %arg2: memref<512x128xf32, #tpu.memory_space<vmem>>, %arg3: memref<1x1x512x128xf32, #tpu.memory_space<vmem>>, %arg4: memref<1x1x512x128xf32, #tpu.memory_space<vmem>>, %arg5: memref<1x1x512x128xf32, #tpu.memory_space<vmem>>, %arg6: memref<1x1x512x128xf32, #tpu.memory_space<vmem>>, %arg7: memref<512x8xf32, #tpu.memory_space<vmem>>, %arg8: memref<256x512xf32, #tpu.memory_space<vmem>>, %arg9: memref<256x512xf32, #tpu.memory_space<vmem>>, %arg10: memref<1x512xf32, #tpu.memory_space<vmem>>, %arg11: memref<512x128xf32, #tpu.memory_space<vmem>>, %arg12: memref<512x128xf32, #tpu.memory_space<vmem>>, %arg13: memref<512x128xf32, #tpu.memory_space<vmem>>, %arg14: memref<512x128xf32, #tpu.memory_space<vmem>>) attributes {dimension_semantics = [#tpu.dimension_semantics<arbitrary>], iteration_bounds = array<i64: 20>, scalar_prefetch = 0 : i64, scratch_operands = 0 : i64, tpu.core_type = #tpu.core_type<tc>, window_params = [{transform_indices = @transform_0, window_bounds = array<i64: 512, 128>}, {transform_indices = @transform_1, window_bounds = array<i64: 512, 128>}, {transform_indices = @transform_2, window_bounds = array<i64: 1, 1, 512, 128>}, {transform_indices = @transform_3, window_bounds = array<i64: 1, 1, 512, 128>}, {transform_indices = @transform_4, window_bounds = array<i64: 1, 1, 512, 128>}, {transform_indices = @transform_5, window_bounds = array<i64: 1, 1, 512, 128>}, {transform_indices = @transform_6, window_bounds = array<i64: 512, 8>}, {pipeline_mode = #tpu.pipeline_mode<synchronous>, transform_indices = @transform_7, window_bounds = array<i64: 256, 512>}, {pipeline_mode = #tpu.pipeline_mode<synchronous>, transform_indices = @transform_8, window_bounds = array<i64: 256, 512>}, {pipeline_mode = #tpu.pipeline_mode<synchronous>, transform_indices = @transform_9, window_bounds = array<i64: 1, 512>}, {transform_indices = @transform_10, window_bounds = array<i64: 512, 128>}, {transform_indices = @transform_11, window_bounds = array<i64: 512, 128>}, {transform_indices = @transform_12, window_bounds = array<i64: 512, 128>}, {transform_indices = @transform_13, window_bounds = array<i64: 512, 128>}]} {
    %get3A = arith.constant 0 : index
    %get3A_0 = arith.constant 0 : index
    %get3A_1 = vector.load %arg7[%get3A, %get3A_0] : memref<512x8xf32, #tpu.memory_space<vmem>>, vector<512x1xf32>
    %max3A = arith.constant 1.000000e+00 : f32
    %max3A_2 = vector.broadcast %max3A : f32 to vector<512x1xf32>
    %max3A_3 = arith.maximumf %get3A_1, %max3A_2 : vector<512x1xf32>
    %get3A_4 = arith.constant 0 : index
    %get3A_5 = arith.constant 0 : index
    %get3A_6 = arith.constant 0 : index
    %get3A_7 = arith.constant 0 : index
    %get3A_8 = vector.load %arg3[%get3A_4, %get3A_5, %get3A_6, %get3A_7] : memref<1x1x512x128xf32, #tpu.memory_space<vmem>>, vector<1x1x512x128xf32>
    %get3A_9 = vector.shape_cast %get3A_8 : vector<1x1x512x128xf32> to vector<512x128xf32>
    %get3A_10 = arith.constant 0 : index
    %get3A_11 = arith.constant 0 : index
    %get3A_12 = arith.constant 0 : index
    %get3A_13 = arith.constant 0 : index
    %get3A_14 = vector.load %arg4[%get3A_10, %get3A_11, %get3A_12, %get3A_13] : memref<1x1x512x128xf32, #tpu.memory_space<vmem>>, vector<1x1x512x128xf32>
    %get3A_15 = vector.shape_cast %get3A_14 : vector<1x1x512x128xf32> to vector<512x128xf32>
    %add3A = arith.addf %get3A_9, %get3A_15 : vector<512x128xf32>
    %div3A = vector.broadcast %max3A_3 : vector<512x1xf32> to vector<512x128xf32>
    %div3A_16 = arith.divf %add3A, %div3A : vector<512x128xf32>
    %get3A_17 = arith.constant 0 : index
    %get3A_18 = arith.constant 0 : index
    %get3A_19 = arith.constant 0 : index
    %get3A_20 = arith.constant 0 : index
    %get3A_21 = vector.load %arg5[%get3A_17, %get3A_18, %get3A_19, %get3A_20] : memref<1x1x512x128xf32, #tpu.memory_space<vmem>>, vector<1x1x512x128xf32>
    %get3A_22 = vector.shape_cast %get3A_21 : vector<1x1x512x128xf32> to vector<512x128xf32>
    %get3A_23 = arith.constant 0 : index
    %get3A_24 = arith.constant 0 : index
    %get3A_25 = arith.constant 0 : index
    %get3A_26 = arith.constant 0 : index
    %get3A_27 = vector.load %arg6[%get3A_23, %get3A_24, %get3A_25, %get3A_26] : memref<1x1x512x128xf32, #tpu.memory_space<vmem>>, vector<1x1x512x128xf32>
    %get3A_28 = vector.shape_cast %get3A_27 : vector<1x1x512x128xf32> to vector<512x128xf32>
    %add3A_29 = arith.addf %get3A_22, %get3A_28 : vector<512x128xf32>
    %div3A_30 = vector.broadcast %max3A_3 : vector<512x1xf32> to vector<512x128xf32>
    %div3A_31 = arith.divf %add3A_29, %div3A_30 : vector<512x128xf32>
    %get3A_32 = arith.constant 0 : index
    %get3A_33 = arith.constant 0 : index
    %get3A_34 = vector.load %arg10[%get3A_32, %get3A_33] : memref<1x512xf32, #tpu.memory_space<vmem>>, vector<1x512xf32>
    %get3A_35 = arith.constant 0 : index
    %get3A_36 = arith.constant 0 : index
    %get3A_37 = vector.load %arg1[%get3A_35, %get3A_36] : memref<512x128xf32, #tpu.memory_space<vmem>>, vector<512x128xf32>
    %get3A_38 = arith.constant 0 : index
    %get3A_39 = arith.constant 0 : index
    %get3A_40 = vector.load %arg8[%get3A_38, %get3A_39] : memref<256x512xf32, #tpu.memory_space<vmem>>, vector<128x512xf32>
    %dot_general3A = arith.constant dense<0.000000e+00> : vector<512x512xf32>
    %dot_general3A_41 = tpu.matmul %get3A_37, %get3A_40, %dot_general3A {dimension_numbers = #tpu.dot_dimension_numbers<[1], [0], [0], [1], [0, 0, 1, 1], [], []>, transpose_lhs_hint = false} : vector<512x128xf32>, vector<128x512xf32>, vector<512x512xf32> -> vector<512x512xf32>
    %add3A_42 = vector.broadcast %get3A_34 : vector<1x512xf32> to vector<512x512xf32>
    %add3A_43 = arith.addf %add3A_42, %dot_general3A_41 : vector<512x512xf32>
    %get3A_44 = arith.constant 0 : index
    %get3A_45 = arith.constant 0 : index
    %get3A_46 = vector.load %arg2[%get3A_44, %get3A_45] : memref<512x128xf32, #tpu.memory_space<vmem>>, vector<512x128xf32>
    %get3A_47 = arith.constant 128 : index
    %get3A_48 = arith.constant 0 : index
    %get3A_49 = vector.load %arg8[%get3A_47, %get3A_48] : memref<256x512xf32, #tpu.memory_space<vmem>>, vector<128x512xf32>
    %dot_general3A_50 = arith.constant dense<0.000000e+00> : vector<512x512xf32>
    %dot_general3A_51 = tpu.matmul %get3A_46, %get3A_49, %dot_general3A_50 {dimension_numbers = #tpu.dot_dimension_numbers<[1], [0], [0], [1], [0, 0, 1, 1], [], []>, transpose_lhs_hint = false} : vector<512x128xf32>, vector<128x512xf32>, vector<512x512xf32> -> vector<512x512xf32>
    %add3A_52 = arith.addf %add3A_43, %dot_general3A_51 : vector<512x512xf32>
    %get3A_53 = arith.constant 0 : index
    %get3A_54 = arith.constant 0 : index
    %get3A_55 = vector.load %arg9[%get3A_53, %get3A_54] : memref<256x512xf32, #tpu.memory_space<vmem>>, vector<128x512xf32>
    %dot_general3A_56 = arith.constant dense<0.000000e+00> : vector<512x512xf32>
    %dot_general3A_57 = tpu.matmul %div3A_16, %get3A_55, %dot_general3A_56 {dimension_numbers = #tpu.dot_dimension_numbers<[1], [0], [0], [1], [0, 0, 1, 1], [], []>, transpose_lhs_hint = false} : vector<512x128xf32>, vector<128x512xf32>, vector<512x512xf32> -> vector<512x512xf32>
    %add3A_58 = arith.addf %add3A_52, %dot_general3A_57 : vector<512x512xf32>
    %get3A_59 = arith.constant 128 : index
    %get3A_60 = arith.constant 0 : index
    %get3A_61 = vector.load %arg9[%get3A_59, %get3A_60] : memref<256x512xf32, #tpu.memory_space<vmem>>, vector<128x512xf32>
    %dot_general3A_62 = arith.constant dense<0.000000e+00> : vector<512x512xf32>
    %dot_general3A_63 = tpu.matmul %div3A_31, %get3A_61, %dot_general3A_62 {dimension_numbers = #tpu.dot_dimension_numbers<[1], [0], [0], [1], [0, 0, 1, 1], [], []>, transpose_lhs_hint = false} : vector<512x128xf32>, vector<128x512xf32>, vector<512x512xf32> -> vector<512x512xf32>
    %add3A_64 = arith.addf %add3A_58, %dot_general3A_63 : vector<512x512xf32>
    %mul3A = arith.mulf %add3A_64, %add3A_64 : vector<512x512xf32>
    %reduce_sum3A = arith.constant dense<0.000000e+00> : vector<512xf32>
    %reduce_sum3A_65 = vector.multi_reduction <add>, %mul3A, %reduce_sum3A [1] : vector<512x512xf32> to vector<512xf32>
    %broadcast_in_dim3A = vector.shape_cast %reduce_sum3A_65 : vector<512xf32> to vector<512x1xf32>
    %max3A_66 = arith.constant 9.99999996E-13 : f32
    %max3A_67 = vector.broadcast %max3A_66 : f32 to vector<512x1xf32>
    %max3A_68 = arith.maximumf %broadcast_in_dim3A, %max3A_67 : vector<512x1xf32>
    %rsqrt3A = math.rsqrt %max3A_68 : vector<512x1xf32>
    %mul3A_69 = vector.broadcast %rsqrt3A : vector<512x1xf32> to vector<512x512xf32>
    %mul3A_70 = arith.mulf %add3A_64, %mul3A_69 : vector<512x512xf32>
    %max3A_71 = arith.constant 0.000000e+00 : f32
    %max3A_72 = vector.broadcast %max3A_71 : f32 to vector<512x512xf32>
    %max3A_73 = arith.maximumf %mul3A_70, %max3A_72 : vector<512x512xf32>
    %slice3A = vector.extract_strided_slice %max3A_73 {offsets = [0, 0], sizes = [512, 128], strides = [1, 1]} : vector<512x512xf32> to vector<512x128xf32>
    %swap3A = arith.constant 0 : index
    %swap3A_74 = arith.constant 0 : index
    %swap3A_75 = vector.load %arg11[%swap3A, %swap3A_74] : memref<512x128xf32, #tpu.memory_space<vmem>>, vector<512x128xf32>
    tpu.vector_store %arg11[%swap3A, %swap3A_74], %slice3A {strides = array<i32>} : memref<512x128xf32, #tpu.memory_space<vmem>>, vector<512x128xf32>,
    %slice3A_76 = vector.extract_strided_slice %max3A_73 {offsets = [0, 128], sizes = [512, 128], strides = [1, 1]} : vector<512x512xf32> to vector<512x128xf32>
    %swap3A_77 = arith.constant 0 : index
    %swap3A_78 = arith.constant 0 : index
    %swap3A_79 = vector.load %arg12[%swap3A_77, %swap3A_78] : memref<512x128xf32, #tpu.memory_space<vmem>>, vector<512x128xf32>
    tpu.vector_store %arg12[%swap3A_77, %swap3A_78], %slice3A_76 {strides = array<i32>} : memref<512x128xf32, #tpu.memory_space<vmem>>, vector<512x128xf32>,
    %slice3A_80 = vector.extract_strided_slice %max3A_73 {offsets = [0, 256], sizes = [512, 128], strides = [1, 1]} : vector<512x512xf32> to vector<512x128xf32>
    %swap3A_81 = arith.constant 0 : index
    %swap3A_82 = arith.constant 0 : index
    %swap3A_83 = vector.load %arg13[%swap3A_81, %swap3A_82] : memref<512x128xf32, #tpu.memory_space<vmem>>, vector<512x128xf32>
    tpu.vector_store %arg13[%swap3A_81, %swap3A_82], %slice3A_80 {strides = array<i32>} : memref<512x128xf32, #tpu.memory_space<vmem>>, vector<512x128xf32>,
    %slice3A_84 = vector.extract_strided_slice %max3A_73 {offsets = [0, 384], sizes = [512, 128], strides = [1, 1]} : vector<512x512xf32> to vector<512x128xf32>
    %swap3A_85 = arith.constant 0 : index
    %swap3A_86 = arith.constant 0 : index
    %swap3A_87 = vector.load %arg14[%swap3A_85, %swap3A_86] : memref<512x128xf32, #tpu.memory_space<vmem>>, vector<512x128xf32>
    tpu.vector_store %arg14[%swap3A_85, %swap3A_86], %slice3A_84 {strides = array<i32>} : memref<512x128xf32, #tpu.memory_space<vmem>>, vector<512x128xf32>,
    return
  }
  func.func @transform_0(%arg0: i32) -> (i32, i32) {
    %c0_i32 = arith.constant 0 : i32
    %c0_i32_0 = arith.constant 0 : i32
    return %arg0, %c0_i32 : i32, i32
  }
  func.func @transform_1(%arg0: i32) -> (i32, i32) {
    %c0_i32 = arith.constant 0 : i32
    %c0_i32_0 = arith.constant 0 : i32
    return %arg0, %c0_i32 : i32, i32
  }
  func.func @transform_2(%arg0: i32) -> (i32, i32, i32, i32) {
    %c0_i32 = arith.constant 0 : i32
    %c0_i32_0 = arith.constant 0 : i32
    %c0_i32_1 = arith.constant 0 : i32
    %c0_i32_2 = arith.constant 0 : i32
    return %c0_i32, %c0_i32_0, %arg0, %c0_i32_1 : i32, i32, i32, i32
  }
  func.func @transform_3(%arg0: i32) -> (i32, i32, i32, i32) {
    %c1_i32 = arith.constant 1 : i32
    %c0_i32 = arith.constant 0 : i32
    %c0_i32_0 = arith.constant 0 : i32
    %c0_i32_1 = arith.constant 0 : i32
    return %c1_i32, %c0_i32, %arg0, %c0_i32_0 : i32, i32, i32, i32
  }
  func.func @transform_4(%arg0: i32) -> (i32, i32, i32, i32) {
    %c0_i32 = arith.constant 0 : i32
    %c1_i32 = arith.constant 1 : i32
    %c0_i32_0 = arith.constant 0 : i32
    %c0_i32_1 = arith.constant 0 : i32
    return %c0_i32, %c1_i32, %arg0, %c0_i32_0 : i32, i32, i32, i32
  }
  func.func @transform_5(%arg0: i32) -> (i32, i32, i32, i32) {
    %c1_i32 = arith.constant 1 : i32
    %c1_i32_0 = arith.constant 1 : i32
    %c0_i32 = arith.constant 0 : i32
    %c0_i32_1 = arith.constant 0 : i32
    return %c1_i32, %c1_i32_0, %arg0, %c0_i32 : i32, i32, i32, i32
  }
  func.func @transform_6(%arg0: i32) -> (i32, i32) {
    %c0_i32 = arith.constant 0 : i32
    %c0_i32_0 = arith.constant 0 : i32
    return %arg0, %c0_i32 : i32, i32
  }
  func.func @transform_7(%arg0: i32) -> (i32, i32) {
    %c0_i32 = arith.constant 0 : i32
    %c0_i32_0 = arith.constant 0 : i32
    %c0_i32_1 = arith.constant 0 : i32
    return %c0_i32, %c0_i32_0 : i32, i32
  }
  func.func @transform_8(%arg0: i32) -> (i32, i32) {
    %c0_i32 = arith.constant 0 : i32
    %c0_i32_0 = arith.constant 0 : i32
    %c0_i32_1 = arith.constant 0 : i32
    return %c0_i32, %c0_i32_0 : i32, i32
  }
  func.func @transform_9(%arg0: i32) -> (i32, i32) {
    %c0_i32 = arith.constant 0 : i32
    %c0_i32_0 = arith.constant 0 : i32
    %c0_i32_1 = arith.constant 0 : i32
    return %c0_i32, %c0_i32_0 : i32, i32
  }
  func.func @transform_10(%arg0: i32) -> (i32, i32) {
    %c0_i32 = arith.constant 0 : i32
    %c0_i32_0 = arith.constant 0 : i32
    return %arg0, %c0_i32 : i32, i32
  }
  func.func @transform_11(%arg0: i32) -> (i32, i32) {
    %c0_i32 = arith.constant 0 : i32
    %c0_i32_0 = arith.constant 0 : i32
    return %arg0, %c0_i32 : i32, i32
  }
  func.func @transform_12(%arg0: i32) -> (i32, i32) {
    %c0_i32 = arith.constant 0 : i32
    %c0_i32_0 = arith.constant 0 : i32
    return %arg0, %c0_i32 : i32, i32
  }
  func.func @transform_13(%arg0: i32) -> (i32, i32) {
    %c0_i32 = arith.constant 0 : i32
    %c0_i32_0 = arith.constant 0 : i32
    return %arg0, %c0_i32 : i32, i32
  }
}

module attributes {stable_mosaic.version = 14 : i64} {
  func.func @body(%arg0: i32, %arg1: memref<512x128xf32, #tpu.memory_space<vmem>>, %arg2: memref<512x128xf32, #tpu.memory_space<vmem>>, %arg3: memref<512x128xf32, #tpu.memory_space<vmem>>, %arg4: memref<512x128xf32, #tpu.memory_space<vmem>>, %arg5: memref<512x8xf32, #tpu.memory_space<vmem>>, %arg6: memref<512x8xf32, #tpu.memory_space<vmem>>, %arg7: memref<16x512xf32, #tpu.memory_space<vmem>>, %arg8: memref<16x512xf32, #tpu.memory_space<vmem>>, %arg9: memref<16x8xf32, #tpu.memory_space<vmem>>, %arg10: memref<16x8xf32, #tpu.memory_space<vmem>>, %arg11: memref<16x8xf32, #tpu.memory_space<vmem>>, %arg12: memref<16x8xf32, #tpu.memory_space<vmem>>, %arg13: memref<16x8xf32, #tpu.memory_space<vmem>>) attributes {dimension_semantics = [#tpu.dimension_semantics<arbitrary>], iteration_bounds = array<i64: 20>, scalar_prefetch = 0 : i64, scratch_operands = 0 : i64, tpu.core_type = #tpu.core_type<tc>, window_params = [{transform_indices = @transform_0, window_bounds = array<i64: 512, 128>}, {transform_indices = @transform_1, window_bounds = array<i64: 512, 128>}, {transform_indices = @transform_2, window_bounds = array<i64: 512, 128>}, {transform_indices = @transform_3, window_bounds = array<i64: 512, 128>}, {transform_indices = @transform_4, window_bounds = array<i64: 512, 8>}, {transform_indices = @transform_5, window_bounds = array<i64: 512, 8>}, {pipeline_mode = #tpu.pipeline_mode<synchronous>, transform_indices = @transform_6, window_bounds = array<i64: 16, 512>}, {pipeline_mode = #tpu.pipeline_mode<synchronous>, transform_indices = @transform_7, window_bounds = array<i64: 16, 512>}, {pipeline_mode = #tpu.pipeline_mode<synchronous>, transform_indices = @transform_8, window_bounds = array<i64: 16, 8>}, {pipeline_mode = #tpu.pipeline_mode<synchronous>, transform_indices = @transform_9, window_bounds = array<i64: 16, 8>}, {pipeline_mode = #tpu.pipeline_mode<synchronous>, transform_indices = @transform_10, window_bounds = array<i64: 16, 8>}, {pipeline_mode = #tpu.pipeline_mode<synchronous>, transform_indices = @transform_11, window_bounds = array<i64: 16, 8>}, {pipeline_mode = #tpu.pipeline_mode<synchronous>, transform_indices = @transform_12, window_bounds = array<i64: 16, 8>}]} {
    %eq3A = arith.constant 0 : i32
    %eq3A_0 = arith.cmpi eq, %arg0, %eq3A : i32
    %convert_element_type3A = arith.extui %eq3A_0 : i1 to i32
    %cond3A = arith.constant 0 : i32
    %cond3A_1 = arith.cmpi ne, %convert_element_type3A, %cond3A : i32
    scf.if %cond3A_1 {
      %broadcast_in_dim3A_821 = arith.constant 0xFF800000 : f32
      %broadcast_in_dim3A_822 = vector.broadcast %broadcast_in_dim3A_821 : f32 to vector<16x512xf32>
      %swap3A_823 = arith.constant 0 : index
      %swap3A_824 = arith.constant 0 : index
      %swap3A_825 = vector.load %arg7[%swap3A_823, %swap3A_824] : memref<16x512xf32, #tpu.memory_space<vmem>>, vector<16x512xf32>
      tpu.vector_store %arg7[%swap3A_823, %swap3A_824], %broadcast_in_dim3A_822 {strides = array<i32>} : memref<16x512xf32, #tpu.memory_space<vmem>>, vector<16x512xf32>,
      %broadcast_in_dim3A_826 = arith.constant 0.000000e+00 : f32
      %broadcast_in_dim3A_827 = vector.broadcast %broadcast_in_dim3A_826 : f32 to vector<16x512xf32>
      %swap3A_828 = arith.constant 0 : index
      %swap3A_829 = arith.constant 0 : index
      %swap3A_830 = vector.load %arg8[%swap3A_828, %swap3A_829] : memref<16x512xf32, #tpu.memory_space<vmem>>, vector<16x512xf32>
      tpu.vector_store %arg8[%swap3A_828, %swap3A_829], %broadcast_in_dim3A_827 {strides = array<i32>} : memref<16x512xf32, #tpu.memory_space<vmem>>, vector<16x512xf32>,
      %broadcast_in_dim3A_831 = arith.constant 0.000000e+00 : f32
      %broadcast_in_dim3A_832 = vector.broadcast %broadcast_in_dim3A_831 : f32 to vector<16x8xf32>
      %swap3A_833 = arith.constant 0 : index
      %swap3A_834 = arith.constant 0 : index
      %swap3A_835 = vector.load %arg9[%swap3A_833, %swap3A_834] : memref<16x8xf32, #tpu.memory_space<vmem>>, vector<16x8xf32>
      tpu.vector_store %arg9[%swap3A_833, %swap3A_834], %broadcast_in_dim3A_832 {strides = array<i32>} : memref<16x8xf32, #tpu.memory_space<vmem>>, vector<16x8xf32>,
      %broadcast_in_dim3A_836 = arith.constant 0.000000e+00 : f32
      %broadcast_in_dim3A_837 = vector.broadcast %broadcast_in_dim3A_836 : f32 to vector<16x8xf32>
      %swap3A_838 = arith.constant 0 : index
      %swap3A_839 = arith.constant 0 : index
      %swap3A_840 = vector.load %arg10[%swap3A_838, %swap3A_839] : memref<16x8xf32, #tpu.memory_space<vmem>>, vector<16x8xf32>
      tpu.vector_store %arg10[%swap3A_838, %swap3A_839], %broadcast_in_dim3A_837 {strides = array<i32>} : memref<16x8xf32, #tpu.memory_space<vmem>>, vector<16x8xf32>,
      %broadcast_in_dim3A_841 = arith.constant 0xFF800000 : f32
      %broadcast_in_dim3A_842 = vector.broadcast %broadcast_in_dim3A_841 : f32 to vector<16x8xf32>
      %swap3A_843 = arith.constant 0 : index
      %swap3A_844 = arith.constant 0 : index
      %swap3A_845 = vector.load %arg11[%swap3A_843, %swap3A_844] : memref<16x8xf32, #tpu.memory_space<vmem>>, vector<16x8xf32>
      tpu.vector_store %arg11[%swap3A_843, %swap3A_844], %broadcast_in_dim3A_842 {strides = array<i32>} : memref<16x8xf32, #tpu.memory_space<vmem>>, vector<16x8xf32>,
      %broadcast_in_dim3A_846 = arith.constant 0x7F800000 : f32
      %broadcast_in_dim3A_847 = vector.broadcast %broadcast_in_dim3A_846 : f32 to vector<16x8xf32>
      %swap3A_848 = arith.constant 0 : index
      %swap3A_849 = arith.constant 0 : index
      %swap3A_850 = vector.load %arg12[%swap3A_848, %swap3A_849] : memref<16x8xf32, #tpu.memory_space<vmem>>, vector<16x8xf32>
      tpu.vector_store %arg12[%swap3A_848, %swap3A_849], %broadcast_in_dim3A_847 {strides = array<i32>} : memref<16x8xf32, #tpu.memory_space<vmem>>, vector<16x8xf32>,
      %broadcast_in_dim3A_851 = arith.constant 0.000000e+00 : f32
      %broadcast_in_dim3A_852 = vector.broadcast %broadcast_in_dim3A_851 : f32 to vector<16x8xf32>
      %swap3A_853 = arith.constant 0 : index
      %swap3A_854 = arith.constant 0 : index
      %swap3A_855 = vector.load %arg13[%swap3A_853, %swap3A_854] : memref<16x8xf32, #tpu.memory_space<vmem>>, vector<16x8xf32>
      tpu.vector_store %arg13[%swap3A_853, %swap3A_854], %broadcast_in_dim3A_852 {strides = array<i32>} : memref<16x8xf32, #tpu.memory_space<vmem>>, vector<16x8xf32>,
    } else {
    }
    %get3A = arith.constant 0 : index
    %get3A_2 = arith.constant 0 : index
    %get3A_3 = vector.load %arg1[%get3A, %get3A_2] : memref<512x128xf32, #tpu.memory_space<vmem>>, vector<512x128xf32>
    %get3A_4 = arith.constant 0 : index
    %get3A_5 = arith.constant 0 : index
    %get3A_6 = vector.load %arg2[%get3A_4, %get3A_5] : memref<512x128xf32, #tpu.memory_space<vmem>>, vector<512x128xf32>
    %get3A_7 = arith.constant 0 : index
    %get3A_8 = arith.constant 0 : index
    %get3A_9 = vector.load %arg3[%get3A_7, %get3A_8] : memref<512x128xf32, #tpu.memory_space<vmem>>, vector<512x128xf32>
    %get3A_10 = arith.constant 0 : index
    %get3A_11 = arith.constant 0 : index
    %get3A_12 = vector.load %arg4[%get3A_10, %get3A_11] : memref<512x128xf32, #tpu.memory_space<vmem>>, vector<512x128xf32>
    %concatenate3A = tpu.concatenate %get3A_3, %get3A_6, %get3A_9, %get3A_12 in 1 : vector<512x128xf32>, vector<512x128xf32>, vector<512x128xf32>, vector<512x128xf32> -> vector<512x512xf32>
    %get3A_13 = arith.constant 0 : index
    %get3A_14 = arith.constant 0 : index
    %get3A_15 = vector.load %arg5[%get3A_13, %get3A_14] : memref<512x8xf32, #tpu.memory_space<vmem>>, vector<512x8xf32>
    %get3A_16 = arith.constant 0 : index
    %get3A_17 = arith.constant 0 : index
    %get3A_18 = vector.load %arg6[%get3A_16, %get3A_17] : memref<512x8xf32, #tpu.memory_space<vmem>>, vector<512x1xf32>
    %iota3A = tpu.iota {dimensions = array<i32: 1>} : vector<1x16xi32>
    %convert_element_type3A_19 = arith.sitofp %iota3A : vector<1x16xi32> to vector<1x16xf32>
    %eq3A_20 = vector.broadcast %get3A_18 : vector<512x1xf32> to vector<512x16xf32>
    %eq3A_21 = vector.broadcast %convert_element_type3A_19 : vector<1x16xf32> to vector<512x16xf32>
    %eq3A_22 = arith.cmpf oeq, %eq3A_20, %eq3A_21 : vector<512x16xf32>
    %convert_element_type3A_23 = arith.extui %eq3A_22 : vector<512x16xi1> to vector<512x16xi32>
    %convert_element_type3A_24 = arith.sitofp %convert_element_type3A_23 : vector<512x16xi32> to vector<512x16xf32>
    %get3A_25 = arith.constant 0 : index
    %get3A_26 = arith.constant 0 : index
    %get3A_27 = vector.load %arg8[%get3A_25, %get3A_26] : memref<16x512xf32, #tpu.memory_space<vmem>>, vector<16x512xf32>
    %dot_general3A = arith.constant dense<0.000000e+00> : vector<16x512xf32>
    %dot_general3A_28 = tpu.matmul %convert_element_type3A_24, %concatenate3A, %dot_general3A {dimension_numbers = #tpu.dot_dimension_numbers<[0], [0], [1], [1], [0, 1, 1, 1], [], []>, transpose_lhs_hint = false} : vector<512x16xf32>, vector<512x512xf32>, vector<16x512xf32> -> vector<16x512xf32>
    %add3A = arith.addf %get3A_27, %dot_general3A_28 : vector<16x512xf32>
    %swap3A = arith.constant 0 : index
    %swap3A_29 = arith.constant 0 : index
    %swap3A_30 = vector.load %arg8[%swap3A, %swap3A_29] : memref<16x512xf32, #tpu.memory_space<vmem>>, vector<16x512xf32>
    tpu.vector_store %arg8[%swap3A, %swap3A_29], %add3A {strides = array<i32>} : memref<16x512xf32, #tpu.memory_space<vmem>>, vector<16x512xf32>,
    %get3A_31 = arith.constant 0 : index
    %get3A_32 = arith.constant 0 : index
    %get3A_33 = vector.load %arg9[%get3A_31, %get3A_32] : memref<16x8xf32, #tpu.memory_space<vmem>>, vector<16x8xf32>
    %dot_general3A_34 = arith.constant dense<0.000000e+00> : vector<16x8xf32>
    %dot_general3A_35 = tpu.matmul %convert_element_type3A_24, %get3A_15, %dot_general3A_34 {dimension_numbers = #tpu.dot_dimension_numbers<[0], [0], [1], [1], [0, 1, 1, 1], [], []>, transpose_lhs_hint = false} : vector<512x16xf32>, vector<512x8xf32>, vector<16x8xf32> -> vector<16x8xf32>
    %add3A_36 = arith.addf %get3A_33, %dot_general3A_35 : vector<16x8xf32>
    %swap3A_37 = arith.constant 0 : index
    %swap3A_38 = arith.constant 0 : index
    %swap3A_39 = vector.load %arg9[%swap3A_37, %swap3A_38] : memref<16x8xf32, #tpu.memory_space<vmem>>, vector<16x8xf32>
    tpu.vector_store %arg9[%swap3A_37, %swap3A_38], %add3A_36 {strides = array<i32>} : memref<16x8xf32, #tpu.memory_space<vmem>>, vector<16x8xf32>,
    %get3A_40 = arith.constant 0 : index
    %get3A_41 = arith.constant 0 : index
    %get3A_42 = vector.load %arg10[%get3A_40, %get3A_41] : memref<16x8xf32, #tpu.memory_space<vmem>>, vector<16x8xf32>
    %mul3A = arith.mulf %get3A_15, %get3A_15 : vector<512x8xf32>
    %dot_general3A_43 = arith.constant dense<0.000000e+00> : vector<16x8xf32>
    %dot_general3A_44 = tpu.matmul %convert_element_type3A_24, %mul3A, %dot_general3A_43 {dimension_numbers = #tpu.dot_dimension_numbers<[0], [0], [1], [1], [0, 1, 1, 1], [], []>, transpose_lhs_hint = false} : vector<512x16xf32>, vector<512x8xf32>, vector<16x8xf32> -> vector<16x8xf32>
    %add3A_45 = arith.addf %get3A_42, %dot_general3A_44 : vector<16x8xf32>
    %swap3A_46 = arith.constant 0 : index
    %swap3A_47 = arith.constant 0 : index
    %swap3A_48 = vector.load %arg10[%swap3A_46, %swap3A_47] : memref<16x8xf32, #tpu.memory_space<vmem>>, vector<16x8xf32>
    tpu.vector_store %arg10[%swap3A_46, %swap3A_47], %add3A_45 {strides = array<i32>} : memref<16x8xf32, #tpu.memory_space<vmem>>, vector<16x8xf32>,
    %get3A_49 = arith.constant 0 : index
    %get3A_50 = arith.constant 0 : index
    %get3A_51 = vector.load %arg13[%get3A_49, %get3A_50] : memref<16x8xf32, #tpu.memory_space<vmem>>, vector<16x8xf32>
    %broadcast_in_dim3A = arith.constant 1.000000e+00 : f32
    %broadcast_in_dim3A_52 = vector.broadcast %broadcast_in_dim3A : f32 to vector<512x8xf32>
    %dot_general3A_53 = arith.constant dense<0.000000e+00> : vector<16x8xf32>
    %dot_general3A_54 = tpu.matmul %convert_element_type3A_24, %broadcast_in_dim3A_52, %dot_general3A_53 {dimension_numbers = #tpu.dot_dimension_numbers<[0], [0], [1], [1], [0, 1, 1, 1], [], []>, transpose_lhs_hint = false} : vector<512x16xf32>, vector<512x8xf32>, vector<16x8xf32> -> vector<16x8xf32>
    %add3A_55 = arith.addf %get3A_51, %dot_general3A_54 : vector<16x8xf32>
    %swap3A_56 = arith.constant 0 : index
    %swap3A_57 = arith.constant 0 : index
    %swap3A_58 = vector.load %arg13[%swap3A_56, %swap3A_57] : memref<16x8xf32, #tpu.memory_space<vmem>>, vector<16x8xf32>
    tpu.vector_store %arg13[%swap3A_56, %swap3A_57], %add3A_55 {strides = array<i32>} : memref<16x8xf32, #tpu.memory_space<vmem>>, vector<16x8xf32>,
    %eq3A_59 = arith.constant 0.000000e+00 : f32
    %eq3A_60 = vector.broadcast %eq3A_59 : f32 to vector<512x1xf32>
    %eq3A_61 = arith.cmpf oeq, %get3A_18, %eq3A_60 : vector<512x1xf32>
    %jit3A = arith.constant 0xFF800000 : f32
    %broadcast_in_dim3A_62 = vector.shape_cast %eq3A_61 : vector<512x1xi1> to vector<512x1xi1>
    %broadcast_in_dim3A_63 = vector.broadcast %broadcast_in_dim3A_62 : vector<512x1xi1> to vector<512x512xi1>
    %broadcast_in_dim3A_64 = vector.broadcast %jit3A : f32 to vector<512x512xf32>
    %select_n3A = arith.select %broadcast_in_dim3A_63, %concatenate3A, %broadcast_in_dim3A_64 : vector<512x512xi1>, vector<512x512xf32>
    %reduce_max3A = arith.constant dense<0xFF800000> : vector<512xf32>
    %reduce_max3A_65 = vector.multi_reduction <maximumf>, %select_n3A, %reduce_max3A [0] : vector<512x512xf32> to vector<512xf32>
    %broadcast_in_dim3A_66 = vector.shape_cast %reduce_max3A_65 : vector<512xf32> to vector<1x512xf32>
    %get3A_67 = arith.constant 0 : index
    %get3A_68 = arith.constant 0 : index
    %get3A_69 = vector.load %arg7[%get3A_67, %get3A_68] : memref<16x512xf32, #tpu.memory_space<vmem>>, vector<1x512xf32>
    %max3A = arith.maximumf %get3A_69, %broadcast_in_dim3A_66 : vector<1x512xf32>
    %swap3A_70 = arith.constant 0 : index
    %swap3A_71 = arith.constant 0 : index
    %swap3A_72 = vector.load %arg7[%swap3A_70, %swap3A_71] : memref<16x512xf32, #tpu.memory_space<vmem>>, vector<1x512xf32>
    tpu.vector_store %arg7[%swap3A_70, %swap3A_71], %max3A {strides = array<i32>} : memref<16x512xf32, #tpu.memory_space<vmem>>, vector<1x512xf32>,
    %jit3A_73 = arith.constant 0xFF800000 : f32
    %broadcast_in_dim3A_74 = vector.shape_cast %eq3A_61 : vector<512x1xi1> to vector<512x1xi1>
    %broadcast_in_dim3A_75 = vector.broadcast %broadcast_in_dim3A_74 : vector<512x1xi1> to vector<512x8xi1>
    %broadcast_in_dim3A_76 = vector.broadcast %jit3A_73 : f32 to vector<512x8xf32>
    %select_n3A_77 = arith.select %broadcast_in_dim3A_75, %get3A_15, %broadcast_in_dim3A_76 : vector<512x8xi1>, vector<512x8xf32>
    %reduce_max3A_78 = arith.constant dense<0xFF800000> : vector<8xf32>
    %reduce_max3A_79 = vector.multi_reduction <maximumf>, %select_n3A_77, %reduce_max3A_78 [0] : vector<512x8xf32> to vector<8xf32>
    %broadcast_in_dim3A_80 = vector.shape_cast %reduce_max3A_79 : vector<8xf32> to vector<1x8xf32>
    %get3A_81 = arith.constant 0 : index
    %get3A_82 = arith.constant 0 : index
    %get3A_83 = vector.load %arg11[%get3A_81, %get3A_82] : memref<16x8xf32, #tpu.memory_space<vmem>>, vector<1x8xf32>
    %max3A_84 = arith.maximumf %get3A_83, %broadcast_in_dim3A_80 : vector<1x8xf32>
    %swap3A_85 = arith.constant 0 : index
    %swap3A_86 = arith.constant 0 : index
    %swap3A_87 = vector.load %arg11[%swap3A_85, %swap3A_86] : memref<16x8xf32, #tpu.memory_space<vmem>>, vector<1x8xf32>
    tpu.vector_store %arg11[%swap3A_85, %swap3A_86], %max3A_84 {strides = array<i32>} : memref<16x8xf32, #tpu.memory_space<vmem>>, vector<1x8xf32>,
    %jit3A_88 = arith.constant 0x7F800000 : f32
    %broadcast_in_dim3A_89 = vector.shape_cast %eq3A_61 : vector<512x1xi1> to vector<512x1xi1>
    %broadcast_in_dim3A_90 = vector.broadcast %broadcast_in_dim3A_89 : vector<512x1xi1> to vector<512x8xi1>
    %broadcast_in_dim3A_91 = vector.broadcast %jit3A_88 : f32 to vector<512x8xf32>
    %select_n3A_92 = arith.select %broadcast_in_dim3A_90, %get3A_15, %broadcast_in_dim3A_91 : vector<512x8xi1>, vector<512x8xf32>
    %reduce_min3A = arith.constant dense<0x7F800000> : vector<8xf32>
    %reduce_min3A_93 = vector.multi_reduction <minimumf>, %select_n3A_92, %reduce_min3A [0] : vector<512x8xf32> to vector<8xf32>
    %broadcast_in_dim3A_94 = vector.shape_cast %reduce_min3A_93 : vector<8xf32> to vector<1x8xf32>
    %get3A_95 = arith.constant 0 : index
    %get3A_96 = arith.constant 0 : index
    %get3A_97 = vector.load %arg12[%get3A_95, %get3A_96] : memref<16x8xf32, #tpu.memory_space<vmem>>, vector<1x8xf32>
    %min3A = arith.minimumf %get3A_97, %broadcast_in_dim3A_94 : vector<1x8xf32>
    %swap3A_98 = arith.constant 0 : index
    %swap3A_99 = arith.constant 0 : index
    %swap3A_100 = vector.load %arg12[%swap3A_98, %swap3A_99] : memref<16x8xf32, #tpu.memory_space<vmem>>, vector<1x8xf32>
    tpu.vector_store %arg12[%swap3A_98, %swap3A_99], %min3A {strides = array<i32>} : memref<16x8xf32, #tpu.memory_space<vmem>>, vector<1x8xf32>,
    %eq3A_101 = arith.constant 1.000000e+00 : f32
    %eq3A_102 = vector.broadcast %eq3A_101 : f32 to vector<512x1xf32>
    %eq3A_103 = arith.cmpf oeq, %get3A_18, %eq3A_102 : vector<512x1xf32>
    %jit3A_104 = arith.constant 0xFF800000 : f32
    %broadcast_in_dim3A_105 = vector.shape_cast %eq3A_103 : vector<512x1xi1> to vector<512x1xi1>
    %broadcast_in_dim3A_106 = vector.broadcast %broadcast_in_dim3A_105 : vector<512x1xi1> to vector<512x512xi1>
    %broadcast_in_dim3A_107 = vector.broadcast %jit3A_104 : f32 to vector<512x512xf32>
    %select_n3A_108 = arith.select %broadcast_in_dim3A_106, %concatenate3A, %broadcast_in_dim3A_107 : vector<512x512xi1>, vector<512x512xf32>
    %reduce_max3A_109 = arith.constant dense<0xFF800000> : vector<512xf32>
    %reduce_max3A_110 = vector.multi_reduction <maximumf>, %select_n3A_108, %reduce_max3A_109 [0] : vector<512x512xf32> to vector<512xf32>
    %broadcast_in_dim3A_111 = vector.shape_cast %reduce_max3A_110 : vector<512xf32> to vector<1x512xf32>
    %get3A_112 = arith.constant 1 : index
    %get3A_113 = arith.constant 0 : index
    %get3A_114 = vector.load %arg7[%get3A_112, %get3A_113] : memref<16x512xf32, #tpu.memory_space<vmem>>, vector<1x512xf32>
    %max3A_115 = arith.maximumf %get3A_114, %broadcast_in_dim3A_111 : vector<1x512xf32>
    %swap3A_116 = arith.constant 1 : index
    %swap3A_117 = arith.constant 0 : index
    %swap3A_118 = vector.load %arg7[%swap3A_116, %swap3A_117] : memref<16x512xf32, #tpu.memory_space<vmem>>, vector<1x512xf32>
    tpu.vector_store %arg7[%swap3A_116, %swap3A_117], %max3A_115 {strides = array<i32>} : memref<16x512xf32, #tpu.memory_space<vmem>>, vector<1x512xf32>,
    %jit3A_119 = arith.constant 0xFF800000 : f32
    %broadcast_in_dim3A_120 = vector.shape_cast %eq3A_103 : vector<512x1xi1> to vector<512x1xi1>
    %broadcast_in_dim3A_121 = vector.broadcast %broadcast_in_dim3A_120 : vector<512x1xi1> to vector<512x8xi1>
    %broadcast_in_dim3A_122 = vector.broadcast %jit3A_119 : f32 to vector<512x8xf32>
    %select_n3A_123 = arith.select %broadcast_in_dim3A_121, %get3A_15, %broadcast_in_dim3A_122 : vector<512x8xi1>, vector<512x8xf32>
    %reduce_max3A_124 = arith.constant dense<0xFF800000> : vector<8xf32>
    %reduce_max3A_125 = vector.multi_reduction <maximumf>, %select_n3A_123, %reduce_max3A_124 [0] : vector<512x8xf32> to vector<8xf32>
    %broadcast_in_dim3A_126 = vector.shape_cast %reduce_max3A_125 : vector<8xf32> to vector<1x8xf32>
    %get3A_127 = arith.constant 1 : index
    %get3A_128 = arith.constant 0 : index
    %get3A_129 = vector.load %arg11[%get3A_127, %get3A_128] : memref<16x8xf32, #tpu.memory_space<vmem>>, vector<1x8xf32>
    %max3A_130 = arith.maximumf %get3A_129, %broadcast_in_dim3A_126 : vector<1x8xf32>
    %swap3A_131 = arith.constant 1 : index
    %swap3A_132 = arith.constant 0 : index
    %swap3A_133 = vector.load %arg11[%swap3A_131, %swap3A_132] : memref<16x8xf32, #tpu.memory_space<vmem>>, vector<1x8xf32>
    tpu.vector_store %arg11[%swap3A_131, %swap3A_132], %max3A_130 {strides = array<i32>} : memref<16x8xf32, #tpu.memory_space<vmem>>, vector<1x8xf32>,
    %jit3A_134 = arith.constant 0x7F800000 : f32
    %broadcast_in_dim3A_135 = vector.shape_cast %eq3A_103 : vector<512x1xi1> to vector<512x1xi1>
    %broadcast_in_dim3A_136 = vector.broadcast %broadcast_in_dim3A_135 : vector<512x1xi1> to vector<512x8xi1>
    %broadcast_in_dim3A_137 = vector.broadcast %jit3A_134 : f32 to vector<512x8xf32>
    %select_n3A_138 = arith.select %broadcast_in_dim3A_136, %get3A_15, %broadcast_in_dim3A_137 : vector<512x8xi1>, vector<512x8xf32>
    %reduce_min3A_139 = arith.constant dense<0x7F800000> : vector<8xf32>
    %reduce_min3A_140 = vector.multi_reduction <minimumf>, %select_n3A_138, %reduce_min3A_139 [0] : vector<512x8xf32> to vector<8xf32>
    %broadcast_in_dim3A_141 = vector.shape_cast %reduce_min3A_140 : vector<8xf32> to vector<1x8xf32>
    %get3A_142 = arith.constant 1 : index
    %get3A_143 = arith.constant 0 : index
    %get3A_144 = vector.load %arg12[%get3A_142, %get3A_143] : memref<16x8xf32, #tpu.memory_space<vmem>>, vector<1x8xf32>
    %min3A_145 = arith.minimumf %get3A_144, %broadcast_in_dim3A_141 : vector<1x8xf32>
    %swap3A_146 = arith.constant 1 : index
    %swap3A_147 = arith.constant 0 : index
    %swap3A_148 = vector.load %arg12[%swap3A_146, %swap3A_147] : memref<16x8xf32, #tpu.memory_space<vmem>>, vector<1x8xf32>
    tpu.vector_store %arg12[%swap3A_146, %swap3A_147], %min3A_145 {strides = array<i32>} : memref<16x8xf32, #tpu.memory_space<vmem>>, vector<1x8xf32>,
    %eq3A_149 = arith.constant 2.000000e+00 : f32
    %eq3A_150 = vector.broadcast %eq3A_149 : f32 to vector<512x1xf32>
    %eq3A_151 = arith.cmpf oeq, %get3A_18, %eq3A_150 : vector<512x1xf32>
    %jit3A_152 = arith.constant 0xFF800000 : f32
    %broadcast_in_dim3A_153 = vector.shape_cast %eq3A_151 : vector<512x1xi1> to vector<512x1xi1>
    %broadcast_in_dim3A_154 = vector.broadcast %broadcast_in_dim3A_153 : vector<512x1xi1> to vector<512x512xi1>
    %broadcast_in_dim3A_155 = vector.broadcast %jit3A_152 : f32 to vector<512x512xf32>
    %select_n3A_156 = arith.select %broadcast_in_dim3A_154, %concatenate3A, %broadcast_in_dim3A_155 : vector<512x512xi1>, vector<512x512xf32>
    %reduce_max3A_157 = arith.constant dense<0xFF800000> : vector<512xf32>
    %reduce_max3A_158 = vector.multi_reduction <maximumf>, %select_n3A_156, %reduce_max3A_157 [0] : vector<512x512xf32> to vector<512xf32>
    %broadcast_in_dim3A_159 = vector.shape_cast %reduce_max3A_158 : vector<512xf32> to vector<1x512xf32>
    %get3A_160 = arith.constant 2 : index
    %get3A_161 = arith.constant 0 : index
    %get3A_162 = vector.load %arg7[%get3A_160, %get3A_161] : memref<16x512xf32, #tpu.memory_space<vmem>>, vector<1x512xf32>
    %max3A_163 = arith.maximumf %get3A_162, %broadcast_in_dim3A_159 : vector<1x512xf32>
    %swap3A_164 = arith.constant 2 : index
    %swap3A_165 = arith.constant 0 : index
    %swap3A_166 = vector.load %arg7[%swap3A_164, %swap3A_165] : memref<16x512xf32, #tpu.memory_space<vmem>>, vector<1x512xf32>
    tpu.vector_store %arg7[%swap3A_164, %swap3A_165], %max3A_163 {strides = array<i32>} : memref<16x512xf32, #tpu.memory_space<vmem>>, vector<1x512xf32>,
    %jit3A_167 = arith.constant 0xFF800000 : f32
    %broadcast_in_dim3A_168 = vector.shape_cast %eq3A_151 : vector<512x1xi1> to vector<512x1xi1>
    %broadcast_in_dim3A_169 = vector.broadcast %broadcast_in_dim3A_168 : vector<512x1xi1> to vector<512x8xi1>
    %broadcast_in_dim3A_170 = vector.broadcast %jit3A_167 : f32 to vector<512x8xf32>
    %select_n3A_171 = arith.select %broadcast_in_dim3A_169, %get3A_15, %broadcast_in_dim3A_170 : vector<512x8xi1>, vector<512x8xf32>
    %reduce_max3A_172 = arith.constant dense<0xFF800000> : vector<8xf32>
    %reduce_max3A_173 = vector.multi_reduction <maximumf>, %select_n3A_171, %reduce_max3A_172 [0] : vector<512x8xf32> to vector<8xf32>
    %broadcast_in_dim3A_174 = vector.shape_cast %reduce_max3A_173 : vector<8xf32> to vector<1x8xf32>
    %get3A_175 = arith.constant 2 : index
    %get3A_176 = arith.constant 0 : index
    %get3A_177 = vector.load %arg11[%get3A_175, %get3A_176] : memref<16x8xf32, #tpu.memory_space<vmem>>, vector<1x8xf32>
    %max3A_178 = arith.maximumf %get3A_177, %broadcast_in_dim3A_174 : vector<1x8xf32>
    %swap3A_179 = arith.constant 2 : index
    %swap3A_180 = arith.constant 0 : index
    %swap3A_181 = vector.load %arg11[%swap3A_179, %swap3A_180] : memref<16x8xf32, #tpu.memory_space<vmem>>, vector<1x8xf32>
    tpu.vector_store %arg11[%swap3A_179, %swap3A_180], %max3A_178 {strides = array<i32>} : memref<16x8xf32, #tpu.memory_space<vmem>>, vector<1x8xf32>,
    %jit3A_182 = arith.constant 0x7F800000 : f32
    %broadcast_in_dim3A_183 = vector.shape_cast %eq3A_151 : vector<512x1xi1> to vector<512x1xi1>
    %broadcast_in_dim3A_184 = vector.broadcast %broadcast_in_dim3A_183 : vector<512x1xi1> to vector<512x8xi1>
    %broadcast_in_dim3A_185 = vector.broadcast %jit3A_182 : f32 to vector<512x8xf32>
    %select_n3A_186 = arith.select %broadcast_in_dim3A_184, %get3A_15, %broadcast_in_dim3A_185 : vector<512x8xi1>, vector<512x8xf32>
    %reduce_min3A_187 = arith.constant dense<0x7F800000> : vector<8xf32>
    %reduce_min3A_188 = vector.multi_reduction <minimumf>, %select_n3A_186, %reduce_min3A_187 [0] : vector<512x8xf32> to vector<8xf32>
    %broadcast_in_dim3A_189 = vector.shape_cast %reduce_min3A_188 : vector<8xf32> to vector<1x8xf32>
    %get3A_190 = arith.constant 2 : index
    %get3A_191 = arith.constant 0 : index
    %get3A_192 = vector.load %arg12[%get3A_190, %get3A_191] : memref<16x8xf32, #tpu.memory_space<vmem>>, vector<1x8xf32>
    %min3A_193 = arith.minimumf %get3A_192, %broadcast_in_dim3A_189 : vector<1x8xf32>
    %swap3A_194 = arith.constant 2 : index
    %swap3A_195 = arith.constant 0 : index
    %swap3A_196 = vector.load %arg12[%swap3A_194, %swap3A_195] : memref<16x8xf32, #tpu.memory_space<vmem>>, vector<1x8xf32>
    tpu.vector_store %arg12[%swap3A_194, %swap3A_195], %min3A_193 {strides = array<i32>} : memref<16x8xf32, #tpu.memory_space<vmem>>, vector<1x8xf32>,
    %eq3A_197 = arith.constant 3.000000e+00 : f32
    %eq3A_198 = vector.broadcast %eq3A_197 : f32 to vector<512x1xf32>
    %eq3A_199 = arith.cmpf oeq, %get3A_18, %eq3A_198 : vector<512x1xf32>
    %jit3A_200 = arith.constant 0xFF800000 : f32
    %broadcast_in_dim3A_201 = vector.shape_cast %eq3A_199 : vector<512x1xi1> to vector<512x1xi1>
    %broadcast_in_dim3A_202 = vector.broadcast %broadcast_in_dim3A_201 : vector<512x1xi1> to vector<512x512xi1>
    %broadcast_in_dim3A_203 = vector.broadcast %jit3A_200 : f32 to vector<512x512xf32>
    %select_n3A_204 = arith.select %broadcast_in_dim3A_202, %concatenate3A, %broadcast_in_dim3A_203 : vector<512x512xi1>, vector<512x512xf32>
    %reduce_max3A_205 = arith.constant dense<0xFF800000> : vector<512xf32>
    %reduce_max3A_206 = vector.multi_reduction <maximumf>, %select_n3A_204, %reduce_max3A_205 [0] : vector<512x512xf32> to vector<512xf32>
    %broadcast_in_dim3A_207 = vector.shape_cast %reduce_max3A_206 : vector<512xf32> to vector<1x512xf32>
    %get3A_208 = arith.constant 3 : index
    %get3A_209 = arith.constant 0 : index
    %get3A_210 = vector.load %arg7[%get3A_208, %get3A_209] : memref<16x512xf32, #tpu.memory_space<vmem>>, vector<1x512xf32>
    %max3A_211 = arith.maximumf %get3A_210, %broadcast_in_dim3A_207 : vector<1x512xf32>
    %swap3A_212 = arith.constant 3 : index
    %swap3A_213 = arith.constant 0 : index
    %swap3A_214 = vector.load %arg7[%swap3A_212, %swap3A_213] : memref<16x512xf32, #tpu.memory_space<vmem>>, vector<1x512xf32>
    tpu.vector_store %arg7[%swap3A_212, %swap3A_213], %max3A_211 {strides = array<i32>} : memref<16x512xf32, #tpu.memory_space<vmem>>, vector<1x512xf32>,
    %jit3A_215 = arith.constant 0xFF800000 : f32
    %broadcast_in_dim3A_216 = vector.shape_cast %eq3A_199 : vector<512x1xi1> to vector<512x1xi1>
    %broadcast_in_dim3A_217 = vector.broadcast %broadcast_in_dim3A_216 : vector<512x1xi1> to vector<512x8xi1>
    %broadcast_in_dim3A_218 = vector.broadcast %jit3A_215 : f32 to vector<512x8xf32>
    %select_n3A_219 = arith.select %broadcast_in_dim3A_217, %get3A_15, %broadcast_in_dim3A_218 : vector<512x8xi1>, vector<512x8xf32>
    %reduce_max3A_220 = arith.constant dense<0xFF800000> : vector<8xf32>
    %reduce_max3A_221 = vector.multi_reduction <maximumf>, %select_n3A_219, %reduce_max3A_220 [0] : vector<512x8xf32> to vector<8xf32>
    %broadcast_in_dim3A_222 = vector.shape_cast %reduce_max3A_221 : vector<8xf32> to vector<1x8xf32>
    %get3A_223 = arith.constant 3 : index
    %get3A_224 = arith.constant 0 : index
    %get3A_225 = vector.load %arg11[%get3A_223, %get3A_224] : memref<16x8xf32, #tpu.memory_space<vmem>>, vector<1x8xf32>
    %max3A_226 = arith.maximumf %get3A_225, %broadcast_in_dim3A_222 : vector<1x8xf32>
    %swap3A_227 = arith.constant 3 : index
    %swap3A_228 = arith.constant 0 : index
    %swap3A_229 = vector.load %arg11[%swap3A_227, %swap3A_228] : memref<16x8xf32, #tpu.memory_space<vmem>>, vector<1x8xf32>
    tpu.vector_store %arg11[%swap3A_227, %swap3A_228], %max3A_226 {strides = array<i32>} : memref<16x8xf32, #tpu.memory_space<vmem>>, vector<1x8xf32>,
    %jit3A_230 = arith.constant 0x7F800000 : f32
    %broadcast_in_dim3A_231 = vector.shape_cast %eq3A_199 : vector<512x1xi1> to vector<512x1xi1>
    %broadcast_in_dim3A_232 = vector.broadcast %broadcast_in_dim3A_231 : vector<512x1xi1> to vector<512x8xi1>
    %broadcast_in_dim3A_233 = vector.broadcast %jit3A_230 : f32 to vector<512x8xf32>
    %select_n3A_234 = arith.select %broadcast_in_dim3A_232, %get3A_15, %broadcast_in_dim3A_233 : vector<512x8xi1>, vector<512x8xf32>
    %reduce_min3A_235 = arith.constant dense<0x7F800000> : vector<8xf32>
    %reduce_min3A_236 = vector.multi_reduction <minimumf>, %select_n3A_234, %reduce_min3A_235 [0] : vector<512x8xf32> to vector<8xf32>
    %broadcast_in_dim3A_237 = vector.shape_cast %reduce_min3A_236 : vector<8xf32> to vector<1x8xf32>
    %get3A_238 = arith.constant 3 : index
    %get3A_239 = arith.constant 0 : index
    %get3A_240 = vector.load %arg12[%get3A_238, %get3A_239] : memref<16x8xf32, #tpu.memory_space<vmem>>, vector<1x8xf32>
    %min3A_241 = arith.minimumf %get3A_240, %broadcast_in_dim3A_237 : vector<1x8xf32>
    %swap3A_242 = arith.constant 3 : index
    %swap3A_243 = arith.constant 0 : index
    %swap3A_244 = vector.load %arg12[%swap3A_242, %swap3A_243] : memref<16x8xf32, #tpu.memory_space<vmem>>, vector<1x8xf32>
    tpu.vector_store %arg12[%swap3A_242, %swap3A_243], %min3A_241 {strides = array<i32>} : memref<16x8xf32, #tpu.memory_space<vmem>>, vector<1x8xf32>,
    %eq3A_245 = arith.constant 4.000000e+00 : f32
    %eq3A_246 = vector.broadcast %eq3A_245 : f32 to vector<512x1xf32>
    %eq3A_247 = arith.cmpf oeq, %get3A_18, %eq3A_246 : vector<512x1xf32>
    %jit3A_248 = arith.constant 0xFF800000 : f32
    %broadcast_in_dim3A_249 = vector.shape_cast %eq3A_247 : vector<512x1xi1> to vector<512x1xi1>
    %broadcast_in_dim3A_250 = vector.broadcast %broadcast_in_dim3A_249 : vector<512x1xi1> to vector<512x512xi1>
    %broadcast_in_dim3A_251 = vector.broadcast %jit3A_248 : f32 to vector<512x512xf32>
    %select_n3A_252 = arith.select %broadcast_in_dim3A_250, %concatenate3A, %broadcast_in_dim3A_251 : vector<512x512xi1>, vector<512x512xf32>
    %reduce_max3A_253 = arith.constant dense<0xFF800000> : vector<512xf32>
    %reduce_max3A_254 = vector.multi_reduction <maximumf>, %select_n3A_252, %reduce_max3A_253 [0] : vector<512x512xf32> to vector<512xf32>
    %broadcast_in_dim3A_255 = vector.shape_cast %reduce_max3A_254 : vector<512xf32> to vector<1x512xf32>
    %get3A_256 = arith.constant 4 : index
    %get3A_257 = arith.constant 0 : index
    %get3A_258 = vector.load %arg7[%get3A_256, %get3A_257] : memref<16x512xf32, #tpu.memory_space<vmem>>, vector<1x512xf32>
    %max3A_259 = arith.maximumf %get3A_258, %broadcast_in_dim3A_255 : vector<1x512xf32>
    %swap3A_260 = arith.constant 4 : index
    %swap3A_261 = arith.constant 0 : index
    %swap3A_262 = vector.load %arg7[%swap3A_260, %swap3A_261] : memref<16x512xf32, #tpu.memory_space<vmem>>, vector<1x512xf32>
    tpu.vector_store %arg7[%swap3A_260, %swap3A_261], %max3A_259 {strides = array<i32>} : memref<16x512xf32, #tpu.memory_space<vmem>>, vector<1x512xf32>,
    %jit3A_263 = arith.constant 0xFF800000 : f32
    %broadcast_in_dim3A_264 = vector.shape_cast %eq3A_247 : vector<512x1xi1> to vector<512x1xi1>
    %broadcast_in_dim3A_265 = vector.broadcast %broadcast_in_dim3A_264 : vector<512x1xi1> to vector<512x8xi1>
    %broadcast_in_dim3A_266 = vector.broadcast %jit3A_263 : f32 to vector<512x8xf32>
    %select_n3A_267 = arith.select %broadcast_in_dim3A_265, %get3A_15, %broadcast_in_dim3A_266 : vector<512x8xi1>, vector<512x8xf32>
    %reduce_max3A_268 = arith.constant dense<0xFF800000> : vector<8xf32>
    %reduce_max3A_269 = vector.multi_reduction <maximumf>, %select_n3A_267, %reduce_max3A_268 [0] : vector<512x8xf32> to vector<8xf32>
    %broadcast_in_dim3A_270 = vector.shape_cast %reduce_max3A_269 : vector<8xf32> to vector<1x8xf32>
    %get3A_271 = arith.constant 4 : index
    %get3A_272 = arith.constant 0 : index
    %get3A_273 = vector.load %arg11[%get3A_271, %get3A_272] : memref<16x8xf32, #tpu.memory_space<vmem>>, vector<1x8xf32>
    %max3A_274 = arith.maximumf %get3A_273, %broadcast_in_dim3A_270 : vector<1x8xf32>
    %swap3A_275 = arith.constant 4 : index
    %swap3A_276 = arith.constant 0 : index
    %swap3A_277 = vector.load %arg11[%swap3A_275, %swap3A_276] : memref<16x8xf32, #tpu.memory_space<vmem>>, vector<1x8xf32>
    tpu.vector_store %arg11[%swap3A_275, %swap3A_276], %max3A_274 {strides = array<i32>} : memref<16x8xf32, #tpu.memory_space<vmem>>, vector<1x8xf32>,
    %jit3A_278 = arith.constant 0x7F800000 : f32
    %broadcast_in_dim3A_279 = vector.shape_cast %eq3A_247 : vector<512x1xi1> to vector<512x1xi1>
    %broadcast_in_dim3A_280 = vector.broadcast %broadcast_in_dim3A_279 : vector<512x1xi1> to vector<512x8xi1>
    %broadcast_in_dim3A_281 = vector.broadcast %jit3A_278 : f32 to vector<512x8xf32>
    %select_n3A_282 = arith.select %broadcast_in_dim3A_280, %get3A_15, %broadcast_in_dim3A_281 : vector<512x8xi1>, vector<512x8xf32>
    %reduce_min3A_283 = arith.constant dense<0x7F800000> : vector<8xf32>
    %reduce_min3A_284 = vector.multi_reduction <minimumf>, %select_n3A_282, %reduce_min3A_283 [0] : vector<512x8xf32> to vector<8xf32>
    %broadcast_in_dim3A_285 = vector.shape_cast %reduce_min3A_284 : vector<8xf32> to vector<1x8xf32>
    %get3A_286 = arith.constant 4 : index
    %get3A_287 = arith.constant 0 : index
    %get3A_288 = vector.load %arg12[%get3A_286, %get3A_287] : memref<16x8xf32, #tpu.memory_space<vmem>>, vector<1x8xf32>
    %min3A_289 = arith.minimumf %get3A_288, %broadcast_in_dim3A_285 : vector<1x8xf32>
    %swap3A_290 = arith.constant 4 : index
    %swap3A_291 = arith.constant 0 : index
    %swap3A_292 = vector.load %arg12[%swap3A_290, %swap3A_291] : memref<16x8xf32, #tpu.memory_space<vmem>>, vector<1x8xf32>
    tpu.vector_store %arg12[%swap3A_290, %swap3A_291], %min3A_289 {strides = array<i32>} : memref<16x8xf32, #tpu.memory_space<vmem>>, vector<1x8xf32>,
    %eq3A_293 = arith.constant 5.000000e+00 : f32
    %eq3A_294 = vector.broadcast %eq3A_293 : f32 to vector<512x1xf32>
    %eq3A_295 = arith.cmpf oeq, %get3A_18, %eq3A_294 : vector<512x1xf32>
    %jit3A_296 = arith.constant 0xFF800000 : f32
    %broadcast_in_dim3A_297 = vector.shape_cast %eq3A_295 : vector<512x1xi1> to vector<512x1xi1>
    %broadcast_in_dim3A_298 = vector.broadcast %broadcast_in_dim3A_297 : vector<512x1xi1> to vector<512x512xi1>
    %broadcast_in_dim3A_299 = vector.broadcast %jit3A_296 : f32 to vector<512x512xf32>
    %select_n3A_300 = arith.select %broadcast_in_dim3A_298, %concatenate3A, %broadcast_in_dim3A_299 : vector<512x512xi1>, vector<512x512xf32>
    %reduce_max3A_301 = arith.constant dense<0xFF800000> : vector<512xf32>
    %reduce_max3A_302 = vector.multi_reduction <maximumf>, %select_n3A_300, %reduce_max3A_301 [0] : vector<512x512xf32> to vector<512xf32>
    %broadcast_in_dim3A_303 = vector.shape_cast %reduce_max3A_302 : vector<512xf32> to vector<1x512xf32>
    %get3A_304 = arith.constant 5 : index
    %get3A_305 = arith.constant 0 : index
    %get3A_306 = vector.load %arg7[%get3A_304, %get3A_305] : memref<16x512xf32, #tpu.memory_space<vmem>>, vector<1x512xf32>
    %max3A_307 = arith.maximumf %get3A_306, %broadcast_in_dim3A_303 : vector<1x512xf32>
    %swap3A_308 = arith.constant 5 : index
    %swap3A_309 = arith.constant 0 : index
    %swap3A_310 = vector.load %arg7[%swap3A_308, %swap3A_309] : memref<16x512xf32, #tpu.memory_space<vmem>>, vector<1x512xf32>
    tpu.vector_store %arg7[%swap3A_308, %swap3A_309], %max3A_307 {strides = array<i32>} : memref<16x512xf32, #tpu.memory_space<vmem>>, vector<1x512xf32>,
    %jit3A_311 = arith.constant 0xFF800000 : f32
    %broadcast_in_dim3A_312 = vector.shape_cast %eq3A_295 : vector<512x1xi1> to vector<512x1xi1>
    %broadcast_in_dim3A_313 = vector.broadcast %broadcast_in_dim3A_312 : vector<512x1xi1> to vector<512x8xi1>
    %broadcast_in_dim3A_314 = vector.broadcast %jit3A_311 : f32 to vector<512x8xf32>
    %select_n3A_315 = arith.select %broadcast_in_dim3A_313, %get3A_15, %broadcast_in_dim3A_314 : vector<512x8xi1>, vector<512x8xf32>
    %reduce_max3A_316 = arith.constant dense<0xFF800000> : vector<8xf32>
    %reduce_max3A_317 = vector.multi_reduction <maximumf>, %select_n3A_315, %reduce_max3A_316 [0] : vector<512x8xf32> to vector<8xf32>
    %broadcast_in_dim3A_318 = vector.shape_cast %reduce_max3A_317 : vector<8xf32> to vector<1x8xf32>
    %get3A_319 = arith.constant 5 : index
    %get3A_320 = arith.constant 0 : index
    %get3A_321 = vector.load %arg11[%get3A_319, %get3A_320] : memref<16x8xf32, #tpu.memory_space<vmem>>, vector<1x8xf32>
    %max3A_322 = arith.maximumf %get3A_321, %broadcast_in_dim3A_318 : vector<1x8xf32>
    %swap3A_323 = arith.constant 5 : index
    %swap3A_324 = arith.constant 0 : index
    %swap3A_325 = vector.load %arg11[%swap3A_323, %swap3A_324] : memref<16x8xf32, #tpu.memory_space<vmem>>, vector<1x8xf32>
    tpu.vector_store %arg11[%swap3A_323, %swap3A_324], %max3A_322 {strides = array<i32>} : memref<16x8xf32, #tpu.memory_space<vmem>>, vector<1x8xf32>,
    %jit3A_326 = arith.constant 0x7F800000 : f32
    %broadcast_in_dim3A_327 = vector.shape_cast %eq3A_295 : vector<512x1xi1> to vector<512x1xi1>
    %broadcast_in_dim3A_328 = vector.broadcast %broadcast_in_dim3A_327 : vector<512x1xi1> to vector<512x8xi1>
    %broadcast_in_dim3A_329 = vector.broadcast %jit3A_326 : f32 to vector<512x8xf32>
    %select_n3A_330 = arith.select %broadcast_in_dim3A_328, %get3A_15, %broadcast_in_dim3A_329 : vector<512x8xi1>, vector<512x8xf32>
    %reduce_min3A_331 = arith.constant dense<0x7F800000> : vector<8xf32>
    %reduce_min3A_332 = vector.multi_reduction <minimumf>, %select_n3A_330, %reduce_min3A_331 [0] : vector<512x8xf32> to vector<8xf32>
    %broadcast_in_dim3A_333 = vector.shape_cast %reduce_min3A_332 : vector<8xf32> to vector<1x8xf32>
    %get3A_334 = arith.constant 5 : index
    %get3A_335 = arith.constant 0 : index
    %get3A_336 = vector.load %arg12[%get3A_334, %get3A_335] : memref<16x8xf32, #tpu.memory_space<vmem>>, vector<1x8xf32>
    %min3A_337 = arith.minimumf %get3A_336, %broadcast_in_dim3A_333 : vector<1x8xf32>
    %swap3A_338 = arith.constant 5 : index
    %swap3A_339 = arith.constant 0 : index
    %swap3A_340 = vector.load %arg12[%swap3A_338, %swap3A_339] : memref<16x8xf32, #tpu.memory_space<vmem>>, vector<1x8xf32>
    tpu.vector_store %arg12[%swap3A_338, %swap3A_339], %min3A_337 {strides = array<i32>} : memref<16x8xf32, #tpu.memory_space<vmem>>, vector<1x8xf32>,
    %eq3A_341 = arith.constant 6.000000e+00 : f32
    %eq3A_342 = vector.broadcast %eq3A_341 : f32 to vector<512x1xf32>
    %eq3A_343 = arith.cmpf oeq, %get3A_18, %eq3A_342 : vector<512x1xf32>
    %jit3A_344 = arith.constant 0xFF800000 : f32
    %broadcast_in_dim3A_345 = vector.shape_cast %eq3A_343 : vector<512x1xi1> to vector<512x1xi1>
    %broadcast_in_dim3A_346 = vector.broadcast %broadcast_in_dim3A_345 : vector<512x1xi1> to vector<512x512xi1>
    %broadcast_in_dim3A_347 = vector.broadcast %jit3A_344 : f32 to vector<512x512xf32>
    %select_n3A_348 = arith.select %broadcast_in_dim3A_346, %concatenate3A, %broadcast_in_dim3A_347 : vector<512x512xi1>, vector<512x512xf32>
    %reduce_max3A_349 = arith.constant dense<0xFF800000> : vector<512xf32>
    %reduce_max3A_350 = vector.multi_reduction <maximumf>, %select_n3A_348, %reduce_max3A_349 [0] : vector<512x512xf32> to vector<512xf32>
    %broadcast_in_dim3A_351 = vector.shape_cast %reduce_max3A_350 : vector<512xf32> to vector<1x512xf32>
    %get3A_352 = arith.constant 6 : index
    %get3A_353 = arith.constant 0 : index
    %get3A_354 = vector.load %arg7[%get3A_352, %get3A_353] : memref<16x512xf32, #tpu.memory_space<vmem>>, vector<1x512xf32>
    %max3A_355 = arith.maximumf %get3A_354, %broadcast_in_dim3A_351 : vector<1x512xf32>
    %swap3A_356 = arith.constant 6 : index
    %swap3A_357 = arith.constant 0 : index
    %swap3A_358 = vector.load %arg7[%swap3A_356, %swap3A_357] : memref<16x512xf32, #tpu.memory_space<vmem>>, vector<1x512xf32>
    tpu.vector_store %arg7[%swap3A_356, %swap3A_357], %max3A_355 {strides = array<i32>} : memref<16x512xf32, #tpu.memory_space<vmem>>, vector<1x512xf32>,
    %jit3A_359 = arith.constant 0xFF800000 : f32
    %broadcast_in_dim3A_360 = vector.shape_cast %eq3A_343 : vector<512x1xi1> to vector<512x1xi1>
    %broadcast_in_dim3A_361 = vector.broadcast %broadcast_in_dim3A_360 : vector<512x1xi1> to vector<512x8xi1>
    %broadcast_in_dim3A_362 = vector.broadcast %jit3A_359 : f32 to vector<512x8xf32>
    %select_n3A_363 = arith.select %broadcast_in_dim3A_361, %get3A_15, %broadcast_in_dim3A_362 : vector<512x8xi1>, vector<512x8xf32>
    %reduce_max3A_364 = arith.constant dense<0xFF800000> : vector<8xf32>
    %reduce_max3A_365 = vector.multi_reduction <maximumf>, %select_n3A_363, %reduce_max3A_364 [0] : vector<512x8xf32> to vector<8xf32>
    %broadcast_in_dim3A_366 = vector.shape_cast %reduce_max3A_365 : vector<8xf32> to vector<1x8xf32>
    %get3A_367 = arith.constant 6 : index
    %get3A_368 = arith.constant 0 : index
    %get3A_369 = vector.load %arg11[%get3A_367, %get3A_368] : memref<16x8xf32, #tpu.memory_space<vmem>>, vector<1x8xf32>
    %max3A_370 = arith.maximumf %get3A_369, %broadcast_in_dim3A_366 : vector<1x8xf32>
    %swap3A_371 = arith.constant 6 : index
    %swap3A_372 = arith.constant 0 : index
    %swap3A_373 = vector.load %arg11[%swap3A_371, %swap3A_372] : memref<16x8xf32, #tpu.memory_space<vmem>>, vector<1x8xf32>
    tpu.vector_store %arg11[%swap3A_371, %swap3A_372], %max3A_370 {strides = array<i32>} : memref<16x8xf32, #tpu.memory_space<vmem>>, vector<1x8xf32>,
    %jit3A_374 = arith.constant 0x7F800000 : f32
    %broadcast_in_dim3A_375 = vector.shape_cast %eq3A_343 : vector<512x1xi1> to vector<512x1xi1>
    %broadcast_in_dim3A_376 = vector.broadcast %broadcast_in_dim3A_375 : vector<512x1xi1> to vector<512x8xi1>
    %broadcast_in_dim3A_377 = vector.broadcast %jit3A_374 : f32 to vector<512x8xf32>
    %select_n3A_378 = arith.select %broadcast_in_dim3A_376, %get3A_15, %broadcast_in_dim3A_377 : vector<512x8xi1>, vector<512x8xf32>
    %reduce_min3A_379 = arith.constant dense<0x7F800000> : vector<8xf32>
    %reduce_min3A_380 = vector.multi_reduction <minimumf>, %select_n3A_378, %reduce_min3A_379 [0] : vector<512x8xf32> to vector<8xf32>
    %broadcast_in_dim3A_381 = vector.shape_cast %reduce_min3A_380 : vector<8xf32> to vector<1x8xf32>
    %get3A_382 = arith.constant 6 : index
    %get3A_383 = arith.constant 0 : index
    %get3A_384 = vector.load %arg12[%get3A_382, %get3A_383] : memref<16x8xf32, #tpu.memory_space<vmem>>, vector<1x8xf32>
    %min3A_385 = arith.minimumf %get3A_384, %broadcast_in_dim3A_381 : vector<1x8xf32>
    %swap3A_386 = arith.constant 6 : index
    %swap3A_387 = arith.constant 0 : index
    %swap3A_388 = vector.load %arg12[%swap3A_386, %swap3A_387] : memref<16x8xf32, #tpu.memory_space<vmem>>, vector<1x8xf32>
    tpu.vector_store %arg12[%swap3A_386, %swap3A_387], %min3A_385 {strides = array<i32>} : memref<16x8xf32, #tpu.memory_space<vmem>>, vector<1x8xf32>,
    %eq3A_389 = arith.constant 7.000000e+00 : f32
    %eq3A_390 = vector.broadcast %eq3A_389 : f32 to vector<512x1xf32>
    %eq3A_391 = arith.cmpf oeq, %get3A_18, %eq3A_390 : vector<512x1xf32>
    %jit3A_392 = arith.constant 0xFF800000 : f32
    %broadcast_in_dim3A_393 = vector.shape_cast %eq3A_391 : vector<512x1xi1> to vector<512x1xi1>
    %broadcast_in_dim3A_394 = vector.broadcast %broadcast_in_dim3A_393 : vector<512x1xi1> to vector<512x512xi1>
    %broadcast_in_dim3A_395 = vector.broadcast %jit3A_392 : f32 to vector<512x512xf32>
    %select_n3A_396 = arith.select %broadcast_in_dim3A_394, %concatenate3A, %broadcast_in_dim3A_395 : vector<512x512xi1>, vector<512x512xf32>
    %reduce_max3A_397 = arith.constant dense<0xFF800000> : vector<512xf32>
    %reduce_max3A_398 = vector.multi_reduction <maximumf>, %select_n3A_396, %reduce_max3A_397 [0] : vector<512x512xf32> to vector<512xf32>
    %broadcast_in_dim3A_399 = vector.shape_cast %reduce_max3A_398 : vector<512xf32> to vector<1x512xf32>
    %get3A_400 = arith.constant 7 : index
    %get3A_401 = arith.constant 0 : index
    %get3A_402 = vector.load %arg7[%get3A_400, %get3A_401] : memref<16x512xf32, #tpu.memory_space<vmem>>, vector<1x512xf32>
    %max3A_403 = arith.maximumf %get3A_402, %broadcast_in_dim3A_399 : vector<1x512xf32>
    %swap3A_404 = arith.constant 7 : index
    %swap3A_405 = arith.constant 0 : index
    %swap3A_406 = vector.load %arg7[%swap3A_404, %swap3A_405] : memref<16x512xf32, #tpu.memory_space<vmem>>, vector<1x512xf32>
    tpu.vector_store %arg7[%swap3A_404, %swap3A_405], %max3A_403 {strides = array<i32>} : memref<16x512xf32, #tpu.memory_space<vmem>>, vector<1x512xf32>,
    %jit3A_407 = arith.constant 0xFF800000 : f32
    %broadcast_in_dim3A_408 = vector.shape_cast %eq3A_391 : vector<512x1xi1> to vector<512x1xi1>
    %broadcast_in_dim3A_409 = vector.broadcast %broadcast_in_dim3A_408 : vector<512x1xi1> to vector<512x8xi1>
    %broadcast_in_dim3A_410 = vector.broadcast %jit3A_407 : f32 to vector<512x8xf32>
    %select_n3A_411 = arith.select %broadcast_in_dim3A_409, %get3A_15, %broadcast_in_dim3A_410 : vector<512x8xi1>, vector<512x8xf32>
    %reduce_max3A_412 = arith.constant dense<0xFF800000> : vector<8xf32>
    %reduce_max3A_413 = vector.multi_reduction <maximumf>, %select_n3A_411, %reduce_max3A_412 [0] : vector<512x8xf32> to vector<8xf32>
    %broadcast_in_dim3A_414 = vector.shape_cast %reduce_max3A_413 : vector<8xf32> to vector<1x8xf32>
    %get3A_415 = arith.constant 7 : index
    %get3A_416 = arith.constant 0 : index
    %get3A_417 = vector.load %arg11[%get3A_415, %get3A_416] : memref<16x8xf32, #tpu.memory_space<vmem>>, vector<1x8xf32>
    %max3A_418 = arith.maximumf %get3A_417, %broadcast_in_dim3A_414 : vector<1x8xf32>
    %swap3A_419 = arith.constant 7 : index
    %swap3A_420 = arith.constant 0 : index
    %swap3A_421 = vector.load %arg11[%swap3A_419, %swap3A_420] : memref<16x8xf32, #tpu.memory_space<vmem>>, vector<1x8xf32>
    tpu.vector_store %arg11[%swap3A_419, %swap3A_420], %max3A_418 {strides = array<i32>} : memref<16x8xf32, #tpu.memory_space<vmem>>, vector<1x8xf32>,
    %jit3A_422 = arith.constant 0x7F800000 : f32
    %broadcast_in_dim3A_423 = vector.shape_cast %eq3A_391 : vector<512x1xi1> to vector<512x1xi1>
    %broadcast_in_dim3A_424 = vector.broadcast %broadcast_in_dim3A_423 : vector<512x1xi1> to vector<512x8xi1>
    %broadcast_in_dim3A_425 = vector.broadcast %jit3A_422 : f32 to vector<512x8xf32>
    %select_n3A_426 = arith.select %broadcast_in_dim3A_424, %get3A_15, %broadcast_in_dim3A_425 : vector<512x8xi1>, vector<512x8xf32>
    %reduce_min3A_427 = arith.constant dense<0x7F800000> : vector<8xf32>
    %reduce_min3A_428 = vector.multi_reduction <minimumf>, %select_n3A_426, %reduce_min3A_427 [0] : vector<512x8xf32> to vector<8xf32>
    %broadcast_in_dim3A_429 = vector.shape_cast %reduce_min3A_428 : vector<8xf32> to vector<1x8xf32>
    %get3A_430 = arith.constant 7 : index
    %get3A_431 = arith.constant 0 : index
    %get3A_432 = vector.load %arg12[%get3A_430, %get3A_431] : memref<16x8xf32, #tpu.memory_space<vmem>>, vector<1x8xf32>
    %min3A_433 = arith.minimumf %get3A_432, %broadcast_in_dim3A_429 : vector<1x8xf32>
    %swap3A_434 = arith.constant 7 : index
    %swap3A_435 = arith.constant 0 : index
    %swap3A_436 = vector.load %arg12[%swap3A_434, %swap3A_435] : memref<16x8xf32, #tpu.memory_space<vmem>>, vector<1x8xf32>
    tpu.vector_store %arg12[%swap3A_434, %swap3A_435], %min3A_433 {strides = array<i32>} : memref<16x8xf32, #tpu.memory_space<vmem>>, vector<1x8xf32>,
    %eq3A_437 = arith.constant 8.000000e+00 : f32
    %eq3A_438 = vector.broadcast %eq3A_437 : f32 to vector<512x1xf32>
    %eq3A_439 = arith.cmpf oeq, %get3A_18, %eq3A_438 : vector<512x1xf32>
    %jit3A_440 = arith.constant 0xFF800000 : f32
    %broadcast_in_dim3A_441 = vector.shape_cast %eq3A_439 : vector<512x1xi1> to vector<512x1xi1>
    %broadcast_in_dim3A_442 = vector.broadcast %broadcast_in_dim3A_441 : vector<512x1xi1> to vector<512x512xi1>
    %broadcast_in_dim3A_443 = vector.broadcast %jit3A_440 : f32 to vector<512x512xf32>
    %select_n3A_444 = arith.select %broadcast_in_dim3A_442, %concatenate3A, %broadcast_in_dim3A_443 : vector<512x512xi1>, vector<512x512xf32>
    %reduce_max3A_445 = arith.constant dense<0xFF800000> : vector<512xf32>
    %reduce_max3A_446 = vector.multi_reduction <maximumf>, %select_n3A_444, %reduce_max3A_445 [0] : vector<512x512xf32> to vector<512xf32>
    %broadcast_in_dim3A_447 = vector.shape_cast %reduce_max3A_446 : vector<512xf32> to vector<1x512xf32>
    %get3A_448 = arith.constant 8 : index
    %get3A_449 = arith.constant 0 : index
    %get3A_450 = vector.load %arg7[%get3A_448, %get3A_449] : memref<16x512xf32, #tpu.memory_space<vmem>>, vector<1x512xf32>
    %max3A_451 = arith.maximumf %get3A_450, %broadcast_in_dim3A_447 : vector<1x512xf32>
    %swap3A_452 = arith.constant 8 : index
    %swap3A_453 = arith.constant 0 : index
    %swap3A_454 = vector.load %arg7[%swap3A_452, %swap3A_453] : memref<16x512xf32, #tpu.memory_space<vmem>>, vector<1x512xf32>
    tpu.vector_store %arg7[%swap3A_452, %swap3A_453], %max3A_451 {strides = array<i32>} : memref<16x512xf32, #tpu.memory_space<vmem>>, vector<1x512xf32>,
    %jit3A_455 = arith.constant 0xFF800000 : f32
    %broadcast_in_dim3A_456 = vector.shape_cast %eq3A_439 : vector<512x1xi1> to vector<512x1xi1>
    %broadcast_in_dim3A_457 = vector.broadcast %broadcast_in_dim3A_456 : vector<512x1xi1> to vector<512x8xi1>
    %broadcast_in_dim3A_458 = vector.broadcast %jit3A_455 : f32 to vector<512x8xf32>
    %select_n3A_459 = arith.select %broadcast_in_dim3A_457, %get3A_15, %broadcast_in_dim3A_458 : vector<512x8xi1>, vector<512x8xf32>
    %reduce_max3A_460 = arith.constant dense<0xFF800000> : vector<8xf32>
    %reduce_max3A_461 = vector.multi_reduction <maximumf>, %select_n3A_459, %reduce_max3A_460 [0] : vector<512x8xf32> to vector<8xf32>
    %broadcast_in_dim3A_462 = vector.shape_cast %reduce_max3A_461 : vector<8xf32> to vector<1x8xf32>
    %get3A_463 = arith.constant 8 : index
    %get3A_464 = arith.constant 0 : index
    %get3A_465 = vector.load %arg11[%get3A_463, %get3A_464] : memref<16x8xf32, #tpu.memory_space<vmem>>, vector<1x8xf32>
    %max3A_466 = arith.maximumf %get3A_465, %broadcast_in_dim3A_462 : vector<1x8xf32>
    %swap3A_467 = arith.constant 8 : index
    %swap3A_468 = arith.constant 0 : index
    %swap3A_469 = vector.load %arg11[%swap3A_467, %swap3A_468] : memref<16x8xf32, #tpu.memory_space<vmem>>, vector<1x8xf32>
    tpu.vector_store %arg11[%swap3A_467, %swap3A_468], %max3A_466 {strides = array<i32>} : memref<16x8xf32, #tpu.memory_space<vmem>>, vector<1x8xf32>,
    %jit3A_470 = arith.constant 0x7F800000 : f32
    %broadcast_in_dim3A_471 = vector.shape_cast %eq3A_439 : vector<512x1xi1> to vector<512x1xi1>
    %broadcast_in_dim3A_472 = vector.broadcast %broadcast_in_dim3A_471 : vector<512x1xi1> to vector<512x8xi1>
    %broadcast_in_dim3A_473 = vector.broadcast %jit3A_470 : f32 to vector<512x8xf32>
    %select_n3A_474 = arith.select %broadcast_in_dim3A_472, %get3A_15, %broadcast_in_dim3A_473 : vector<512x8xi1>, vector<512x8xf32>
    %reduce_min3A_475 = arith.constant dense<0x7F800000> : vector<8xf32>
    %reduce_min3A_476 = vector.multi_reduction <minimumf>, %select_n3A_474, %reduce_min3A_475 [0] : vector<512x8xf32> to vector<8xf32>
    %broadcast_in_dim3A_477 = vector.shape_cast %reduce_min3A_476 : vector<8xf32> to vector<1x8xf32>
    %get3A_478 = arith.constant 8 : index
    %get3A_479 = arith.constant 0 : index
    %get3A_480 = vector.load %arg12[%get3A_478, %get3A_479] : memref<16x8xf32, #tpu.memory_space<vmem>>, vector<1x8xf32>
    %min3A_481 = arith.minimumf %get3A_480, %broadcast_in_dim3A_477 : vector<1x8xf32>
    %swap3A_482 = arith.constant 8 : index
    %swap3A_483 = arith.constant 0 : index
    %swap3A_484 = vector.load %arg12[%swap3A_482, %swap3A_483] : memref<16x8xf32, #tpu.memory_space<vmem>>, vector<1x8xf32>
    tpu.vector_store %arg12[%swap3A_482, %swap3A_483], %min3A_481 {strides = array<i32>} : memref<16x8xf32, #tpu.memory_space<vmem>>, vector<1x8xf32>,
    %eq3A_485 = arith.constant 9.000000e+00 : f32
    %eq3A_486 = vector.broadcast %eq3A_485 : f32 to vector<512x1xf32>
    %eq3A_487 = arith.cmpf oeq, %get3A_18, %eq3A_486 : vector<512x1xf32>
    %jit3A_488 = arith.constant 0xFF800000 : f32
    %broadcast_in_dim3A_489 = vector.shape_cast %eq3A_487 : vector<512x1xi1> to vector<512x1xi1>
    %broadcast_in_dim3A_490 = vector.broadcast %broadcast_in_dim3A_489 : vector<512x1xi1> to vector<512x512xi1>
    %broadcast_in_dim3A_491 = vector.broadcast %jit3A_488 : f32 to vector<512x512xf32>
    %select_n3A_492 = arith.select %broadcast_in_dim3A_490, %concatenate3A, %broadcast_in_dim3A_491 : vector<512x512xi1>, vector<512x512xf32>
    %reduce_max3A_493 = arith.constant dense<0xFF800000> : vector<512xf32>
    %reduce_max3A_494 = vector.multi_reduction <maximumf>, %select_n3A_492, %reduce_max3A_493 [0] : vector<512x512xf32> to vector<512xf32>
    %broadcast_in_dim3A_495 = vector.shape_cast %reduce_max3A_494 : vector<512xf32> to vector<1x512xf32>
    %get3A_496 = arith.constant 9 : index
    %get3A_497 = arith.constant 0 : index
    %get3A_498 = vector.load %arg7[%get3A_496, %get3A_497] : memref<16x512xf32, #tpu.memory_space<vmem>>, vector<1x512xf32>
    %max3A_499 = arith.maximumf %get3A_498, %broadcast_in_dim3A_495 : vector<1x512xf32>
    %swap3A_500 = arith.constant 9 : index
    %swap3A_501 = arith.constant 0 : index
    %swap3A_502 = vector.load %arg7[%swap3A_500, %swap3A_501] : memref<16x512xf32, #tpu.memory_space<vmem>>, vector<1x512xf32>
    tpu.vector_store %arg7[%swap3A_500, %swap3A_501], %max3A_499 {strides = array<i32>} : memref<16x512xf32, #tpu.memory_space<vmem>>, vector<1x512xf32>,
    %jit3A_503 = arith.constant 0xFF800000 : f32
    %broadcast_in_dim3A_504 = vector.shape_cast %eq3A_487 : vector<512x1xi1> to vector<512x1xi1>
    %broadcast_in_dim3A_505 = vector.broadcast %broadcast_in_dim3A_504 : vector<512x1xi1> to vector<512x8xi1>
    %broadcast_in_dim3A_506 = vector.broadcast %jit3A_503 : f32 to vector<512x8xf32>
    %select_n3A_507 = arith.select %broadcast_in_dim3A_505, %get3A_15, %broadcast_in_dim3A_506 : vector<512x8xi1>, vector<512x8xf32>
    %reduce_max3A_508 = arith.constant dense<0xFF800000> : vector<8xf32>
    %reduce_max3A_509 = vector.multi_reduction <maximumf>, %select_n3A_507, %reduce_max3A_508 [0] : vector<512x8xf32> to vector<8xf32>
    %broadcast_in_dim3A_510 = vector.shape_cast %reduce_max3A_509 : vector<8xf32> to vector<1x8xf32>
    %get3A_511 = arith.constant 9 : index
    %get3A_512 = arith.constant 0 : index
    %get3A_513 = vector.load %arg11[%get3A_511, %get3A_512] : memref<16x8xf32, #tpu.memory_space<vmem>>, vector<1x8xf32>
    %max3A_514 = arith.maximumf %get3A_513, %broadcast_in_dim3A_510 : vector<1x8xf32>
    %swap3A_515 = arith.constant 9 : index
    %swap3A_516 = arith.constant 0 : index
    %swap3A_517 = vector.load %arg11[%swap3A_515, %swap3A_516] : memref<16x8xf32, #tpu.memory_space<vmem>>, vector<1x8xf32>
    tpu.vector_store %arg11[%swap3A_515, %swap3A_516], %max3A_514 {strides = array<i32>} : memref<16x8xf32, #tpu.memory_space<vmem>>, vector<1x8xf32>,
    %jit3A_518 = arith.constant 0x7F800000 : f32
    %broadcast_in_dim3A_519 = vector.shape_cast %eq3A_487 : vector<512x1xi1> to vector<512x1xi1>
    %broadcast_in_dim3A_520 = vector.broadcast %broadcast_in_dim3A_519 : vector<512x1xi1> to vector<512x8xi1>
    %broadcast_in_dim3A_521 = vector.broadcast %jit3A_518 : f32 to vector<512x8xf32>
    %select_n3A_522 = arith.select %broadcast_in_dim3A_520, %get3A_15, %broadcast_in_dim3A_521 : vector<512x8xi1>, vector<512x8xf32>
    %reduce_min3A_523 = arith.constant dense<0x7F800000> : vector<8xf32>
    %reduce_min3A_524 = vector.multi_reduction <minimumf>, %select_n3A_522, %reduce_min3A_523 [0] : vector<512x8xf32> to vector<8xf32>
    %broadcast_in_dim3A_525 = vector.shape_cast %reduce_min3A_524 : vector<8xf32> to vector<1x8xf32>
    %get3A_526 = arith.constant 9 : index
    %get3A_527 = arith.constant 0 : index
    %get3A_528 = vector.load %arg12[%get3A_526, %get3A_527] : memref<16x8xf32, #tpu.memory_space<vmem>>, vector<1x8xf32>
    %min3A_529 = arith.minimumf %get3A_528, %broadcast_in_dim3A_525 : vector<1x8xf32>
    %swap3A_530 = arith.constant 9 : index
    %swap3A_531 = arith.constant 0 : index
    %swap3A_532 = vector.load %arg12[%swap3A_530, %swap3A_531] : memref<16x8xf32, #tpu.memory_space<vmem>>, vector<1x8xf32>
    tpu.vector_store %arg12[%swap3A_530, %swap3A_531], %min3A_529 {strides = array<i32>} : memref<16x8xf32, #tpu.memory_space<vmem>>, vector<1x8xf32>,
    %eq3A_533 = arith.constant 1.000000e+01 : f32
    %eq3A_534 = vector.broadcast %eq3A_533 : f32 to vector<512x1xf32>
    %eq3A_535 = arith.cmpf oeq, %get3A_18, %eq3A_534 : vector<512x1xf32>
    %jit3A_536 = arith.constant 0xFF800000 : f32
    %broadcast_in_dim3A_537 = vector.shape_cast %eq3A_535 : vector<512x1xi1> to vector<512x1xi1>
    %broadcast_in_dim3A_538 = vector.broadcast %broadcast_in_dim3A_537 : vector<512x1xi1> to vector<512x512xi1>
    %broadcast_in_dim3A_539 = vector.broadcast %jit3A_536 : f32 to vector<512x512xf32>
    %select_n3A_540 = arith.select %broadcast_in_dim3A_538, %concatenate3A, %broadcast_in_dim3A_539 : vector<512x512xi1>, vector<512x512xf32>
    %reduce_max3A_541 = arith.constant dense<0xFF800000> : vector<512xf32>
    %reduce_max3A_542 = vector.multi_reduction <maximumf>, %select_n3A_540, %reduce_max3A_541 [0] : vector<512x512xf32> to vector<512xf32>
    %broadcast_in_dim3A_543 = vector.shape_cast %reduce_max3A_542 : vector<512xf32> to vector<1x512xf32>
    %get3A_544 = arith.constant 10 : index
    %get3A_545 = arith.constant 0 : index
    %get3A_546 = vector.load %arg7[%get3A_544, %get3A_545] : memref<16x512xf32, #tpu.memory_space<vmem>>, vector<1x512xf32>
    %max3A_547 = arith.maximumf %get3A_546, %broadcast_in_dim3A_543 : vector<1x512xf32>
    %swap3A_548 = arith.constant 10 : index
    %swap3A_549 = arith.constant 0 : index
    %swap3A_550 = vector.load %arg7[%swap3A_548, %swap3A_549] : memref<16x512xf32, #tpu.memory_space<vmem>>, vector<1x512xf32>
    tpu.vector_store %arg7[%swap3A_548, %swap3A_549], %max3A_547 {strides = array<i32>} : memref<16x512xf32, #tpu.memory_space<vmem>>, vector<1x512xf32>,
    %jit3A_551 = arith.constant 0xFF800000 : f32
    %broadcast_in_dim3A_552 = vector.shape_cast %eq3A_535 : vector<512x1xi1> to vector<512x1xi1>
    %broadcast_in_dim3A_553 = vector.broadcast %broadcast_in_dim3A_552 : vector<512x1xi1> to vector<512x8xi1>
    %broadcast_in_dim3A_554 = vector.broadcast %jit3A_551 : f32 to vector<512x8xf32>
    %select_n3A_555 = arith.select %broadcast_in_dim3A_553, %get3A_15, %broadcast_in_dim3A_554 : vector<512x8xi1>, vector<512x8xf32>
    %reduce_max3A_556 = arith.constant dense<0xFF800000> : vector<8xf32>
    %reduce_max3A_557 = vector.multi_reduction <maximumf>, %select_n3A_555, %reduce_max3A_556 [0] : vector<512x8xf32> to vector<8xf32>
    %broadcast_in_dim3A_558 = vector.shape_cast %reduce_max3A_557 : vector<8xf32> to vector<1x8xf32>
    %get3A_559 = arith.constant 10 : index
    %get3A_560 = arith.constant 0 : index
    %get3A_561 = vector.load %arg11[%get3A_559, %get3A_560] : memref<16x8xf32, #tpu.memory_space<vmem>>, vector<1x8xf32>
    %max3A_562 = arith.maximumf %get3A_561, %broadcast_in_dim3A_558 : vector<1x8xf32>
    %swap3A_563 = arith.constant 10 : index
    %swap3A_564 = arith.constant 0 : index
    %swap3A_565 = vector.load %arg11[%swap3A_563, %swap3A_564] : memref<16x8xf32, #tpu.memory_space<vmem>>, vector<1x8xf32>
    tpu.vector_store %arg11[%swap3A_563, %swap3A_564], %max3A_562 {strides = array<i32>} : memref<16x8xf32, #tpu.memory_space<vmem>>, vector<1x8xf32>,
    %jit3A_566 = arith.constant 0x7F800000 : f32
    %broadcast_in_dim3A_567 = vector.shape_cast %eq3A_535 : vector<512x1xi1> to vector<512x1xi1>
    %broadcast_in_dim3A_568 = vector.broadcast %broadcast_in_dim3A_567 : vector<512x1xi1> to vector<512x8xi1>
    %broadcast_in_dim3A_569 = vector.broadcast %jit3A_566 : f32 to vector<512x8xf32>
    %select_n3A_570 = arith.select %broadcast_in_dim3A_568, %get3A_15, %broadcast_in_dim3A_569 : vector<512x8xi1>, vector<512x8xf32>
    %reduce_min3A_571 = arith.constant dense<0x7F800000> : vector<8xf32>
    %reduce_min3A_572 = vector.multi_reduction <minimumf>, %select_n3A_570, %reduce_min3A_571 [0] : vector<512x8xf32> to vector<8xf32>
    %broadcast_in_dim3A_573 = vector.shape_cast %reduce_min3A_572 : vector<8xf32> to vector<1x8xf32>
    %get3A_574 = arith.constant 10 : index
    %get3A_575 = arith.constant 0 : index
    %get3A_576 = vector.load %arg12[%get3A_574, %get3A_575] : memref<16x8xf32, #tpu.memory_space<vmem>>, vector<1x8xf32>
    %min3A_577 = arith.minimumf %get3A_576, %broadcast_in_dim3A_573 : vector<1x8xf32>
    %swap3A_578 = arith.constant 10 : index
    %swap3A_579 = arith.constant 0 : index
    %swap3A_580 = vector.load %arg12[%swap3A_578, %swap3A_579] : memref<16x8xf32, #tpu.memory_space<vmem>>, vector<1x8xf32>
    tpu.vector_store %arg12[%swap3A_578, %swap3A_579], %min3A_577 {strides = array<i32>} : memref<16x8xf32, #tpu.memory_space<vmem>>, vector<1x8xf32>,
    %eq3A_581 = arith.constant 1.100000e+01 : f32
    %eq3A_582 = vector.broadcast %eq3A_581 : f32 to vector<512x1xf32>
    %eq3A_583 = arith.cmpf oeq, %get3A_18, %eq3A_582 : vector<512x1xf32>
    %jit3A_584 = arith.constant 0xFF800000 : f32
    %broadcast_in_dim3A_585 = vector.shape_cast %eq3A_583 : vector<512x1xi1> to vector<512x1xi1>
    %broadcast_in_dim3A_586 = vector.broadcast %broadcast_in_dim3A_585 : vector<512x1xi1> to vector<512x512xi1>
    %broadcast_in_dim3A_587 = vector.broadcast %jit3A_584 : f32 to vector<512x512xf32>
    %select_n3A_588 = arith.select %broadcast_in_dim3A_586, %concatenate3A, %broadcast_in_dim3A_587 : vector<512x512xi1>, vector<512x512xf32>
    %reduce_max3A_589 = arith.constant dense<0xFF800000> : vector<512xf32>
    %reduce_max3A_590 = vector.multi_reduction <maximumf>, %select_n3A_588, %reduce_max3A_589 [0] : vector<512x512xf32> to vector<512xf32>
    %broadcast_in_dim3A_591 = vector.shape_cast %reduce_max3A_590 : vector<512xf32> to vector<1x512xf32>
    %get3A_592 = arith.constant 11 : index
    %get3A_593 = arith.constant 0 : index
    %get3A_594 = vector.load %arg7[%get3A_592, %get3A_593] : memref<16x512xf32, #tpu.memory_space<vmem>>, vector<1x512xf32>
    %max3A_595 = arith.maximumf %get3A_594, %broadcast_in_dim3A_591 : vector<1x512xf32>
    %swap3A_596 = arith.constant 11 : index
    %swap3A_597 = arith.constant 0 : index
    %swap3A_598 = vector.load %arg7[%swap3A_596, %swap3A_597] : memref<16x512xf32, #tpu.memory_space<vmem>>, vector<1x512xf32>
    tpu.vector_store %arg7[%swap3A_596, %swap3A_597], %max3A_595 {strides = array<i32>} : memref<16x512xf32, #tpu.memory_space<vmem>>, vector<1x512xf32>,
    %jit3A_599 = arith.constant 0xFF800000 : f32
    %broadcast_in_dim3A_600 = vector.shape_cast %eq3A_583 : vector<512x1xi1> to vector<512x1xi1>
    %broadcast_in_dim3A_601 = vector.broadcast %broadcast_in_dim3A_600 : vector<512x1xi1> to vector<512x8xi1>
    %broadcast_in_dim3A_602 = vector.broadcast %jit3A_599 : f32 to vector<512x8xf32>
    %select_n3A_603 = arith.select %broadcast_in_dim3A_601, %get3A_15, %broadcast_in_dim3A_602 : vector<512x8xi1>, vector<512x8xf32>
    %reduce_max3A_604 = arith.constant dense<0xFF800000> : vector<8xf32>
    %reduce_max3A_605 = vector.multi_reduction <maximumf>, %select_n3A_603, %reduce_max3A_604 [0] : vector<512x8xf32> to vector<8xf32>
    %broadcast_in_dim3A_606 = vector.shape_cast %reduce_max3A_605 : vector<8xf32> to vector<1x8xf32>
    %get3A_607 = arith.constant 11 : index
    %get3A_608 = arith.constant 0 : index
    %get3A_609 = vector.load %arg11[%get3A_607, %get3A_608] : memref<16x8xf32, #tpu.memory_space<vmem>>, vector<1x8xf32>
    %max3A_610 = arith.maximumf %get3A_609, %broadcast_in_dim3A_606 : vector<1x8xf32>
    %swap3A_611 = arith.constant 11 : index
    %swap3A_612 = arith.constant 0 : index
    %swap3A_613 = vector.load %arg11[%swap3A_611, %swap3A_612] : memref<16x8xf32, #tpu.memory_space<vmem>>, vector<1x8xf32>
    tpu.vector_store %arg11[%swap3A_611, %swap3A_612], %max3A_610 {strides = array<i32>} : memref<16x8xf32, #tpu.memory_space<vmem>>, vector<1x8xf32>,
    %jit3A_614 = arith.constant 0x7F800000 : f32
    %broadcast_in_dim3A_615 = vector.shape_cast %eq3A_583 : vector<512x1xi1> to vector<512x1xi1>
    %broadcast_in_dim3A_616 = vector.broadcast %broadcast_in_dim3A_615 : vector<512x1xi1> to vector<512x8xi1>
    %broadcast_in_dim3A_617 = vector.broadcast %jit3A_614 : f32 to vector<512x8xf32>
    %select_n3A_618 = arith.select %broadcast_in_dim3A_616, %get3A_15, %broadcast_in_dim3A_617 : vector<512x8xi1>, vector<512x8xf32>
    %reduce_min3A_619 = arith.constant dense<0x7F800000> : vector<8xf32>
    %reduce_min3A_620 = vector.multi_reduction <minimumf>, %select_n3A_618, %reduce_min3A_619 [0] : vector<512x8xf32> to vector<8xf32>
    %broadcast_in_dim3A_621 = vector.shape_cast %reduce_min3A_620 : vector<8xf32> to vector<1x8xf32>
    %get3A_622 = arith.constant 11 : index
    %get3A_623 = arith.constant 0 : index
    %get3A_624 = vector.load %arg12[%get3A_622, %get3A_623] : memref<16x8xf32, #tpu.memory_space<vmem>>, vector<1x8xf32>
    %min3A_625 = arith.minimumf %get3A_624, %broadcast_in_dim3A_621 : vector<1x8xf32>
    %swap3A_626 = arith.constant 11 : index
    %swap3A_627 = arith.constant 0 : index
    %swap3A_628 = vector.load %arg12[%swap3A_626, %swap3A_627] : memref<16x8xf32, #tpu.memory_space<vmem>>, vector<1x8xf32>
    tpu.vector_store %arg12[%swap3A_626, %swap3A_627], %min3A_625 {strides = array<i32>} : memref<16x8xf32, #tpu.memory_space<vmem>>, vector<1x8xf32>,
    %eq3A_629 = arith.constant 1.200000e+01 : f32
    %eq3A_630 = vector.broadcast %eq3A_629 : f32 to vector<512x1xf32>
    %eq3A_631 = arith.cmpf oeq, %get3A_18, %eq3A_630 : vector<512x1xf32>
    %jit3A_632 = arith.constant 0xFF800000 : f32
    %broadcast_in_dim3A_633 = vector.shape_cast %eq3A_631 : vector<512x1xi1> to vector<512x1xi1>
    %broadcast_in_dim3A_634 = vector.broadcast %broadcast_in_dim3A_633 : vector<512x1xi1> to vector<512x512xi1>
    %broadcast_in_dim3A_635 = vector.broadcast %jit3A_632 : f32 to vector<512x512xf32>
    %select_n3A_636 = arith.select %broadcast_in_dim3A_634, %concatenate3A, %broadcast_in_dim3A_635 : vector<512x512xi1>, vector<512x512xf32>
    %reduce_max3A_637 = arith.constant dense<0xFF800000> : vector<512xf32>
    %reduce_max3A_638 = vector.multi_reduction <maximumf>, %select_n3A_636, %reduce_max3A_637 [0] : vector<512x512xf32> to vector<512xf32>
    %broadcast_in_dim3A_639 = vector.shape_cast %reduce_max3A_638 : vector<512xf32> to vector<1x512xf32>
    %get3A_640 = arith.constant 12 : index
    %get3A_641 = arith.constant 0 : index
    %get3A_642 = vector.load %arg7[%get3A_640, %get3A_641] : memref<16x512xf32, #tpu.memory_space<vmem>>, vector<1x512xf32>
    %max3A_643 = arith.maximumf %get3A_642, %broadcast_in_dim3A_639 : vector<1x512xf32>
    %swap3A_644 = arith.constant 12 : index
    %swap3A_645 = arith.constant 0 : index
    %swap3A_646 = vector.load %arg7[%swap3A_644, %swap3A_645] : memref<16x512xf32, #tpu.memory_space<vmem>>, vector<1x512xf32>
    tpu.vector_store %arg7[%swap3A_644, %swap3A_645], %max3A_643 {strides = array<i32>} : memref<16x512xf32, #tpu.memory_space<vmem>>, vector<1x512xf32>,
    %jit3A_647 = arith.constant 0xFF800000 : f32
    %broadcast_in_dim3A_648 = vector.shape_cast %eq3A_631 : vector<512x1xi1> to vector<512x1xi1>
    %broadcast_in_dim3A_649 = vector.broadcast %broadcast_in_dim3A_648 : vector<512x1xi1> to vector<512x8xi1>
    %broadcast_in_dim3A_650 = vector.broadcast %jit3A_647 : f32 to vector<512x8xf32>
    %select_n3A_651 = arith.select %broadcast_in_dim3A_649, %get3A_15, %broadcast_in_dim3A_650 : vector<512x8xi1>, vector<512x8xf32>
    %reduce_max3A_652 = arith.constant dense<0xFF800000> : vector<8xf32>
    %reduce_max3A_653 = vector.multi_reduction <maximumf>, %select_n3A_651, %reduce_max3A_652 [0] : vector<512x8xf32> to vector<8xf32>
    %broadcast_in_dim3A_654 = vector.shape_cast %reduce_max3A_653 : vector<8xf32> to vector<1x8xf32>
    %get3A_655 = arith.constant 12 : index
    %get3A_656 = arith.constant 0 : index
    %get3A_657 = vector.load %arg11[%get3A_655, %get3A_656] : memref<16x8xf32, #tpu.memory_space<vmem>>, vector<1x8xf32>
    %max3A_658 = arith.maximumf %get3A_657, %broadcast_in_dim3A_654 : vector<1x8xf32>
    %swap3A_659 = arith.constant 12 : index
    %swap3A_660 = arith.constant 0 : index
    %swap3A_661 = vector.load %arg11[%swap3A_659, %swap3A_660] : memref<16x8xf32, #tpu.memory_space<vmem>>, vector<1x8xf32>
    tpu.vector_store %arg11[%swap3A_659, %swap3A_660], %max3A_658 {strides = array<i32>} : memref<16x8xf32, #tpu.memory_space<vmem>>, vector<1x8xf32>,
    %jit3A_662 = arith.constant 0x7F800000 : f32
    %broadcast_in_dim3A_663 = vector.shape_cast %eq3A_631 : vector<512x1xi1> to vector<512x1xi1>
    %broadcast_in_dim3A_664 = vector.broadcast %broadcast_in_dim3A_663 : vector<512x1xi1> to vector<512x8xi1>
    %broadcast_in_dim3A_665 = vector.broadcast %jit3A_662 : f32 to vector<512x8xf32>
    %select_n3A_666 = arith.select %broadcast_in_dim3A_664, %get3A_15, %broadcast_in_dim3A_665 : vector<512x8xi1>, vector<512x8xf32>
    %reduce_min3A_667 = arith.constant dense<0x7F800000> : vector<8xf32>
    %reduce_min3A_668 = vector.multi_reduction <minimumf>, %select_n3A_666, %reduce_min3A_667 [0] : vector<512x8xf32> to vector<8xf32>
    %broadcast_in_dim3A_669 = vector.shape_cast %reduce_min3A_668 : vector<8xf32> to vector<1x8xf32>
    %get3A_670 = arith.constant 12 : index
    %get3A_671 = arith.constant 0 : index
    %get3A_672 = vector.load %arg12[%get3A_670, %get3A_671] : memref<16x8xf32, #tpu.memory_space<vmem>>, vector<1x8xf32>
    %min3A_673 = arith.minimumf %get3A_672, %broadcast_in_dim3A_669 : vector<1x8xf32>
    %swap3A_674 = arith.constant 12 : index
    %swap3A_675 = arith.constant 0 : index
    %swap3A_676 = vector.load %arg12[%swap3A_674, %swap3A_675] : memref<16x8xf32, #tpu.memory_space<vmem>>, vector<1x8xf32>
    tpu.vector_store %arg12[%swap3A_674, %swap3A_675], %min3A_673 {strides = array<i32>} : memref<16x8xf32, #tpu.memory_space<vmem>>, vector<1x8xf32>,
    %eq3A_677 = arith.constant 1.300000e+01 : f32
    %eq3A_678 = vector.broadcast %eq3A_677 : f32 to vector<512x1xf32>
    %eq3A_679 = arith.cmpf oeq, %get3A_18, %eq3A_678 : vector<512x1xf32>
    %jit3A_680 = arith.constant 0xFF800000 : f32
    %broadcast_in_dim3A_681 = vector.shape_cast %eq3A_679 : vector<512x1xi1> to vector<512x1xi1>
    %broadcast_in_dim3A_682 = vector.broadcast %broadcast_in_dim3A_681 : vector<512x1xi1> to vector<512x512xi1>
    %broadcast_in_dim3A_683 = vector.broadcast %jit3A_680 : f32 to vector<512x512xf32>
    %select_n3A_684 = arith.select %broadcast_in_dim3A_682, %concatenate3A, %broadcast_in_dim3A_683 : vector<512x512xi1>, vector<512x512xf32>
    %reduce_max3A_685 = arith.constant dense<0xFF800000> : vector<512xf32>
    %reduce_max3A_686 = vector.multi_reduction <maximumf>, %select_n3A_684, %reduce_max3A_685 [0] : vector<512x512xf32> to vector<512xf32>
    %broadcast_in_dim3A_687 = vector.shape_cast %reduce_max3A_686 : vector<512xf32> to vector<1x512xf32>
    %get3A_688 = arith.constant 13 : index
    %get3A_689 = arith.constant 0 : index
    %get3A_690 = vector.load %arg7[%get3A_688, %get3A_689] : memref<16x512xf32, #tpu.memory_space<vmem>>, vector<1x512xf32>
    %max3A_691 = arith.maximumf %get3A_690, %broadcast_in_dim3A_687 : vector<1x512xf32>
    %swap3A_692 = arith.constant 13 : index
    %swap3A_693 = arith.constant 0 : index
    %swap3A_694 = vector.load %arg7[%swap3A_692, %swap3A_693] : memref<16x512xf32, #tpu.memory_space<vmem>>, vector<1x512xf32>
    tpu.vector_store %arg7[%swap3A_692, %swap3A_693], %max3A_691 {strides = array<i32>} : memref<16x512xf32, #tpu.memory_space<vmem>>, vector<1x512xf32>,
    %jit3A_695 = arith.constant 0xFF800000 : f32
    %broadcast_in_dim3A_696 = vector.shape_cast %eq3A_679 : vector<512x1xi1> to vector<512x1xi1>
    %broadcast_in_dim3A_697 = vector.broadcast %broadcast_in_dim3A_696 : vector<512x1xi1> to vector<512x8xi1>
    %broadcast_in_dim3A_698 = vector.broadcast %jit3A_695 : f32 to vector<512x8xf32>
    %select_n3A_699 = arith.select %broadcast_in_dim3A_697, %get3A_15, %broadcast_in_dim3A_698 : vector<512x8xi1>, vector<512x8xf32>
    %reduce_max3A_700 = arith.constant dense<0xFF800000> : vector<8xf32>
    %reduce_max3A_701 = vector.multi_reduction <maximumf>, %select_n3A_699, %reduce_max3A_700 [0] : vector<512x8xf32> to vector<8xf32>
    %broadcast_in_dim3A_702 = vector.shape_cast %reduce_max3A_701 : vector<8xf32> to vector<1x8xf32>
    %get3A_703 = arith.constant 13 : index
    %get3A_704 = arith.constant 0 : index
    %get3A_705 = vector.load %arg11[%get3A_703, %get3A_704] : memref<16x8xf32, #tpu.memory_space<vmem>>, vector<1x8xf32>
    %max3A_706 = arith.maximumf %get3A_705, %broadcast_in_dim3A_702 : vector<1x8xf32>
    %swap3A_707 = arith.constant 13 : index
    %swap3A_708 = arith.constant 0 : index
    %swap3A_709 = vector.load %arg11[%swap3A_707, %swap3A_708] : memref<16x8xf32, #tpu.memory_space<vmem>>, vector<1x8xf32>
    tpu.vector_store %arg11[%swap3A_707, %swap3A_708], %max3A_706 {strides = array<i32>} : memref<16x8xf32, #tpu.memory_space<vmem>>, vector<1x8xf32>,
    %jit3A_710 = arith.constant 0x7F800000 : f32
    %broadcast_in_dim3A_711 = vector.shape_cast %eq3A_679 : vector<512x1xi1> to vector<512x1xi1>
    %broadcast_in_dim3A_712 = vector.broadcast %broadcast_in_dim3A_711 : vector<512x1xi1> to vector<512x8xi1>
    %broadcast_in_dim3A_713 = vector.broadcast %jit3A_710 : f32 to vector<512x8xf32>
    %select_n3A_714 = arith.select %broadcast_in_dim3A_712, %get3A_15, %broadcast_in_dim3A_713 : vector<512x8xi1>, vector<512x8xf32>
    %reduce_min3A_715 = arith.constant dense<0x7F800000> : vector<8xf32>
    %reduce_min3A_716 = vector.multi_reduction <minimumf>, %select_n3A_714, %reduce_min3A_715 [0] : vector<512x8xf32> to vector<8xf32>
    %broadcast_in_dim3A_717 = vector.shape_cast %reduce_min3A_716 : vector<8xf32> to vector<1x8xf32>
    %get3A_718 = arith.constant 13 : index
    %get3A_719 = arith.constant 0 : index
    %get3A_720 = vector.load %arg12[%get3A_718, %get3A_719] : memref<16x8xf32, #tpu.memory_space<vmem>>, vector<1x8xf32>
    %min3A_721 = arith.minimumf %get3A_720, %broadcast_in_dim3A_717 : vector<1x8xf32>
    %swap3A_722 = arith.constant 13 : index
    %swap3A_723 = arith.constant 0 : index
    %swap3A_724 = vector.load %arg12[%swap3A_722, %swap3A_723] : memref<16x8xf32, #tpu.memory_space<vmem>>, vector<1x8xf32>
    tpu.vector_store %arg12[%swap3A_722, %swap3A_723], %min3A_721 {strides = array<i32>} : memref<16x8xf32, #tpu.memory_space<vmem>>, vector<1x8xf32>,
    %eq3A_725 = arith.constant 1.400000e+01 : f32
    %eq3A_726 = vector.broadcast %eq3A_725 : f32 to vector<512x1xf32>
    %eq3A_727 = arith.cmpf oeq, %get3A_18, %eq3A_726 : vector<512x1xf32>
    %jit3A_728 = arith.constant 0xFF800000 : f32
    %broadcast_in_dim3A_729 = vector.shape_cast %eq3A_727 : vector<512x1xi1> to vector<512x1xi1>
    %broadcast_in_dim3A_730 = vector.broadcast %broadcast_in_dim3A_729 : vector<512x1xi1> to vector<512x512xi1>
    %broadcast_in_dim3A_731 = vector.broadcast %jit3A_728 : f32 to vector<512x512xf32>
    %select_n3A_732 = arith.select %broadcast_in_dim3A_730, %concatenate3A, %broadcast_in_dim3A_731 : vector<512x512xi1>, vector<512x512xf32>
    %reduce_max3A_733 = arith.constant dense<0xFF800000> : vector<512xf32>
    %reduce_max3A_734 = vector.multi_reduction <maximumf>, %select_n3A_732, %reduce_max3A_733 [0] : vector<512x512xf32> to vector<512xf32>
    %broadcast_in_dim3A_735 = vector.shape_cast %reduce_max3A_734 : vector<512xf32> to vector<1x512xf32>
    %get3A_736 = arith.constant 14 : index
    %get3A_737 = arith.constant 0 : index
    %get3A_738 = vector.load %arg7[%get3A_736, %get3A_737] : memref<16x512xf32, #tpu.memory_space<vmem>>, vector<1x512xf32>
    %max3A_739 = arith.maximumf %get3A_738, %broadcast_in_dim3A_735 : vector<1x512xf32>
    %swap3A_740 = arith.constant 14 : index
    %swap3A_741 = arith.constant 0 : index
    %swap3A_742 = vector.load %arg7[%swap3A_740, %swap3A_741] : memref<16x512xf32, #tpu.memory_space<vmem>>, vector<1x512xf32>
    tpu.vector_store %arg7[%swap3A_740, %swap3A_741], %max3A_739 {strides = array<i32>} : memref<16x512xf32, #tpu.memory_space<vmem>>, vector<1x512xf32>,
    %jit3A_743 = arith.constant 0xFF800000 : f32
    %broadcast_in_dim3A_744 = vector.shape_cast %eq3A_727 : vector<512x1xi1> to vector<512x1xi1>
    %broadcast_in_dim3A_745 = vector.broadcast %broadcast_in_dim3A_744 : vector<512x1xi1> to vector<512x8xi1>
    %broadcast_in_dim3A_746 = vector.broadcast %jit3A_743 : f32 to vector<512x8xf32>
    %select_n3A_747 = arith.select %broadcast_in_dim3A_745, %get3A_15, %broadcast_in_dim3A_746 : vector<512x8xi1>, vector<512x8xf32>
    %reduce_max3A_748 = arith.constant dense<0xFF800000> : vector<8xf32>
    %reduce_max3A_749 = vector.multi_reduction <maximumf>, %select_n3A_747, %reduce_max3A_748 [0] : vector<512x8xf32> to vector<8xf32>
    %broadcast_in_dim3A_750 = vector.shape_cast %reduce_max3A_749 : vector<8xf32> to vector<1x8xf32>
    %get3A_751 = arith.constant 14 : index
    %get3A_752 = arith.constant 0 : index
    %get3A_753 = vector.load %arg11[%get3A_751, %get3A_752] : memref<16x8xf32, #tpu.memory_space<vmem>>, vector<1x8xf32>
    %max3A_754 = arith.maximumf %get3A_753, %broadcast_in_dim3A_750 : vector<1x8xf32>
    %swap3A_755 = arith.constant 14 : index
    %swap3A_756 = arith.constant 0 : index
    %swap3A_757 = vector.load %arg11[%swap3A_755, %swap3A_756] : memref<16x8xf32, #tpu.memory_space<vmem>>, vector<1x8xf32>
    tpu.vector_store %arg11[%swap3A_755, %swap3A_756], %max3A_754 {strides = array<i32>} : memref<16x8xf32, #tpu.memory_space<vmem>>, vector<1x8xf32>,
    %jit3A_758 = arith.constant 0x7F800000 : f32
    %broadcast_in_dim3A_759 = vector.shape_cast %eq3A_727 : vector<512x1xi1> to vector<512x1xi1>
    %broadcast_in_dim3A_760 = vector.broadcast %broadcast_in_dim3A_759 : vector<512x1xi1> to vector<512x8xi1>
    %broadcast_in_dim3A_761 = vector.broadcast %jit3A_758 : f32 to vector<512x8xf32>
    %select_n3A_762 = arith.select %broadcast_in_dim3A_760, %get3A_15, %broadcast_in_dim3A_761 : vector<512x8xi1>, vector<512x8xf32>
    %reduce_min3A_763 = arith.constant dense<0x7F800000> : vector<8xf32>
    %reduce_min3A_764 = vector.multi_reduction <minimumf>, %select_n3A_762, %reduce_min3A_763 [0] : vector<512x8xf32> to vector<8xf32>
    %broadcast_in_dim3A_765 = vector.shape_cast %reduce_min3A_764 : vector<8xf32> to vector<1x8xf32>
    %get3A_766 = arith.constant 14 : index
    %get3A_767 = arith.constant 0 : index
    %get3A_768 = vector.load %arg12[%get3A_766, %get3A_767] : memref<16x8xf32, #tpu.memory_space<vmem>>, vector<1x8xf32>
    %min3A_769 = arith.minimumf %get3A_768, %broadcast_in_dim3A_765 : vector<1x8xf32>
    %swap3A_770 = arith.constant 14 : index
    %swap3A_771 = arith.constant 0 : index
    %swap3A_772 = vector.load %arg12[%swap3A_770, %swap3A_771] : memref<16x8xf32, #tpu.memory_space<vmem>>, vector<1x8xf32>
    tpu.vector_store %arg12[%swap3A_770, %swap3A_771], %min3A_769 {strides = array<i32>} : memref<16x8xf32, #tpu.memory_space<vmem>>, vector<1x8xf32>,
    %eq3A_773 = arith.constant 1.500000e+01 : f32
    %eq3A_774 = vector.broadcast %eq3A_773 : f32 to vector<512x1xf32>
    %eq3A_775 = arith.cmpf oeq, %get3A_18, %eq3A_774 : vector<512x1xf32>
    %jit3A_776 = arith.constant 0xFF800000 : f32
    %broadcast_in_dim3A_777 = vector.shape_cast %eq3A_775 : vector<512x1xi1> to vector<512x1xi1>
    %broadcast_in_dim3A_778 = vector.broadcast %broadcast_in_dim3A_777 : vector<512x1xi1> to vector<512x512xi1>
    %broadcast_in_dim3A_779 = vector.broadcast %jit3A_776 : f32 to vector<512x512xf32>
    %select_n3A_780 = arith.select %broadcast_in_dim3A_778, %concatenate3A, %broadcast_in_dim3A_779 : vector<512x512xi1>, vector<512x512xf32>
    %reduce_max3A_781 = arith.constant dense<0xFF800000> : vector<512xf32>
    %reduce_max3A_782 = vector.multi_reduction <maximumf>, %select_n3A_780, %reduce_max3A_781 [0] : vector<512x512xf32> to vector<512xf32>
    %broadcast_in_dim3A_783 = vector.shape_cast %reduce_max3A_782 : vector<512xf32> to vector<1x512xf32>
    %get3A_784 = arith.constant 15 : index
    %get3A_785 = arith.constant 0 : index
    %get3A_786 = vector.load %arg7[%get3A_784, %get3A_785] : memref<16x512xf32, #tpu.memory_space<vmem>>, vector<1x512xf32>
    %max3A_787 = arith.maximumf %get3A_786, %broadcast_in_dim3A_783 : vector<1x512xf32>
    %swap3A_788 = arith.constant 15 : index
    %swap3A_789 = arith.constant 0 : index
    %swap3A_790 = vector.load %arg7[%swap3A_788, %swap3A_789] : memref<16x512xf32, #tpu.memory_space<vmem>>, vector<1x512xf32>
    tpu.vector_store %arg7[%swap3A_788, %swap3A_789], %max3A_787 {strides = array<i32>} : memref<16x512xf32, #tpu.memory_space<vmem>>, vector<1x512xf32>,
    %jit3A_791 = arith.constant 0xFF800000 : f32
    %broadcast_in_dim3A_792 = vector.shape_cast %eq3A_775 : vector<512x1xi1> to vector<512x1xi1>
    %broadcast_in_dim3A_793 = vector.broadcast %broadcast_in_dim3A_792 : vector<512x1xi1> to vector<512x8xi1>
    %broadcast_in_dim3A_794 = vector.broadcast %jit3A_791 : f32 to vector<512x8xf32>
    %select_n3A_795 = arith.select %broadcast_in_dim3A_793, %get3A_15, %broadcast_in_dim3A_794 : vector<512x8xi1>, vector<512x8xf32>
    %reduce_max3A_796 = arith.constant dense<0xFF800000> : vector<8xf32>
    %reduce_max3A_797 = vector.multi_reduction <maximumf>, %select_n3A_795, %reduce_max3A_796 [0] : vector<512x8xf32> to vector<8xf32>
    %broadcast_in_dim3A_798 = vector.shape_cast %reduce_max3A_797 : vector<8xf32> to vector<1x8xf32>
    %get3A_799 = arith.constant 15 : index
    %get3A_800 = arith.constant 0 : index
    %get3A_801 = vector.load %arg11[%get3A_799, %get3A_800] : memref<16x8xf32, #tpu.memory_space<vmem>>, vector<1x8xf32>
    %max3A_802 = arith.maximumf %get3A_801, %broadcast_in_dim3A_798 : vector<1x8xf32>
    %swap3A_803 = arith.constant 15 : index
    %swap3A_804 = arith.constant 0 : index
    %swap3A_805 = vector.load %arg11[%swap3A_803, %swap3A_804] : memref<16x8xf32, #tpu.memory_space<vmem>>, vector<1x8xf32>
    tpu.vector_store %arg11[%swap3A_803, %swap3A_804], %max3A_802 {strides = array<i32>} : memref<16x8xf32, #tpu.memory_space<vmem>>, vector<1x8xf32>,
    %jit3A_806 = arith.constant 0x7F800000 : f32
    %broadcast_in_dim3A_807 = vector.shape_cast %eq3A_775 : vector<512x1xi1> to vector<512x1xi1>
    %broadcast_in_dim3A_808 = vector.broadcast %broadcast_in_dim3A_807 : vector<512x1xi1> to vector<512x8xi1>
    %broadcast_in_dim3A_809 = vector.broadcast %jit3A_806 : f32 to vector<512x8xf32>
    %select_n3A_810 = arith.select %broadcast_in_dim3A_808, %get3A_15, %broadcast_in_dim3A_809 : vector<512x8xi1>, vector<512x8xf32>
    %reduce_min3A_811 = arith.constant dense<0x7F800000> : vector<8xf32>
    %reduce_min3A_812 = vector.multi_reduction <minimumf>, %select_n3A_810, %reduce_min3A_811 [0] : vector<512x8xf32> to vector<8xf32>
    %broadcast_in_dim3A_813 = vector.shape_cast %reduce_min3A_812 : vector<8xf32> to vector<1x8xf32>
    %get3A_814 = arith.constant 15 : index
    %get3A_815 = arith.constant 0 : index
    %get3A_816 = vector.load %arg12[%get3A_814, %get3A_815] : memref<16x8xf32, #tpu.memory_space<vmem>>, vector<1x8xf32>
    %min3A_817 = arith.minimumf %get3A_816, %broadcast_in_dim3A_813 : vector<1x8xf32>
    %swap3A_818 = arith.constant 15 : index
    %swap3A_819 = arith.constant 0 : index
    %swap3A_820 = vector.load %arg12[%swap3A_818, %swap3A_819] : memref<16x8xf32, #tpu.memory_space<vmem>>, vector<1x8xf32>
    tpu.vector_store %arg12[%swap3A_818, %swap3A_819], %min3A_817 {strides = array<i32>} : memref<16x8xf32, #tpu.memory_space<vmem>>, vector<1x8xf32>,
    return
  }
  func.func @transform_0(%arg0: i32) -> (i32, i32) {
    %c0_i32 = arith.constant 0 : i32
    %c0_i32_0 = arith.constant 0 : i32
    return %arg0, %c0_i32 : i32, i32
  }
  func.func @transform_1(%arg0: i32) -> (i32, i32) {
    %c0_i32 = arith.constant 0 : i32
    %c0_i32_0 = arith.constant 0 : i32
    return %arg0, %c0_i32 : i32, i32
  }
  func.func @transform_2(%arg0: i32) -> (i32, i32) {
    %c0_i32 = arith.constant 0 : i32
    %c0_i32_0 = arith.constant 0 : i32
    return %arg0, %c0_i32 : i32, i32
  }
  func.func @transform_3(%arg0: i32) -> (i32, i32) {
    %c0_i32 = arith.constant 0 : i32
    %c0_i32_0 = arith.constant 0 : i32
    return %arg0, %c0_i32 : i32, i32
  }
  func.func @transform_4(%arg0: i32) -> (i32, i32) {
    %c0_i32 = arith.constant 0 : i32
    %c0_i32_0 = arith.constant 0 : i32
    return %arg0, %c0_i32 : i32, i32
  }
  func.func @transform_5(%arg0: i32) -> (i32, i32) {
    %c0_i32 = arith.constant 0 : i32
    %c0_i32_0 = arith.constant 0 : i32
    return %arg0, %c0_i32 : i32, i32
  }
  func.func @transform_6(%arg0: i32) -> (i32, i32) {
    %c0_i32 = arith.constant 0 : i32
    %c0_i32_0 = arith.constant 0 : i32
    %c0_i32_1 = arith.constant 0 : i32
    return %c0_i32, %c0_i32_0 : i32, i32
  }
  func.func @transform_7(%arg0: i32) -> (i32, i32) {
    %c0_i32 = arith.constant 0 : i32
    %c0_i32_0 = arith.constant 0 : i32
    %c0_i32_1 = arith.constant 0 : i32
    return %c0_i32, %c0_i32_0 : i32, i32
  }
  func.func @transform_8(%arg0: i32) -> (i32, i32) {
    %c0_i32 = arith.constant 0 : i32
    %c0_i32_0 = arith.constant 0 : i32
    %c0_i32_1 = arith.constant 0 : i32
    return %c0_i32, %c0_i32_0 : i32, i32
  }
  func.func @transform_9(%arg0: i32) -> (i32, i32) {
    %c0_i32 = arith.constant 0 : i32
    %c0_i32_0 = arith.constant 0 : i32
    %c0_i32_1 = arith.constant 0 : i32
    return %c0_i32, %c0_i32_0 : i32, i32
  }
  func.func @transform_10(%arg0: i32) -> (i32, i32) {
    %c0_i32 = arith.constant 0 : i32
    %c0_i32_0 = arith.constant 0 : i32
    %c0_i32_1 = arith.constant 0 : i32
    return %c0_i32, %c0_i32_0 : i32, i32
  }
  func.func @transform_11(%arg0: i32) -> (i32, i32) {
    %c0_i32 = arith.constant 0 : i32
    %c0_i32_0 = arith.constant 0 : i32
    %c0_i32_1 = arith.constant 0 : i32
    return %c0_i32, %c0_i32_0 : i32, i32
  }
  func.func @transform_12(%arg0: i32) -> (i32, i32) {
    %c0_i32 = arith.constant 0 : i32
    %c0_i32_0 = arith.constant 0 : i32
    %c0_i32_1 = arith.constant 0 : i32
    return %c0_i32, %c0_i32_0 : i32, i32
  }
}

module attributes {stable_mosaic.version = 14 : i64} {
  func.func @body(%arg0: memref<16x512xf32, #tpu.memory_space<vmem>>, %arg1: memref<16x512xf32, #tpu.memory_space<vmem>>, %arg2: memref<16x8xf32, #tpu.memory_space<vmem>>, %arg3: memref<16x8xf32, #tpu.memory_space<vmem>>, %arg4: memref<16x8xf32, #tpu.memory_space<vmem>>, %arg5: memref<16x8xf32, #tpu.memory_space<vmem>>, %arg6: memref<16x8xf32, #tpu.memory_space<vmem>>, %arg7: memref<512x1024xf32, #tpu.memory_space<vmem>>, %arg8: memref<512x1024xf32, #tpu.memory_space<vmem>>, %arg9: memref<512x1024xf32, #tpu.memory_space<vmem>>, %arg10: memref<8x1024xf32, #tpu.memory_space<vmem>>, %arg11: memref<8x1024xf32, #tpu.memory_space<vmem>>, %arg12: memref<8x1024xf32, #tpu.memory_space<vmem>>, %arg13: memref<8x1024xf32, #tpu.memory_space<vmem>>, %arg14: memref<1x1024xf32, #tpu.memory_space<vmem>>, %arg15: memref<1x1024xf32, #tpu.memory_space<vmem>>, %arg16: memref<1x1024xf32, #tpu.memory_space<vmem>>, %arg17: memref<1024x512xf32, #tpu.memory_space<vmem>>, %arg18: memref<1x512xf32, #tpu.memory_space<vmem>>, %arg19: memref<1x512xf32, #tpu.memory_space<vmem>>, %arg20: memref<1x512xf32, #tpu.memory_space<vmem>>, %arg21: memref<512x64xf32, #tpu.memory_space<vmem>>, %arg22: memref<1x64xf32, #tpu.memory_space<vmem>>, %arg23: memref<64x64xf32, #tpu.memory_space<vmem>>, %arg24: memref<1x64xf32, #tpu.memory_space<vmem>>, %arg25: memref<64x8xf32, #tpu.memory_space<vmem>>, %arg26: memref<1x8xf32, #tpu.memory_space<vmem>>, %arg27: memref<512x64xf32, #tpu.memory_space<vmem>>, %arg28: memref<1x64xf32, #tpu.memory_space<vmem>>, %arg29: memref<64x64xf32, #tpu.memory_space<vmem>>, %arg30: memref<1x64xf32, #tpu.memory_space<vmem>>, %arg31: memref<64x8xf32, #tpu.memory_space<vmem>>, %arg32: memref<1x8xf32, #tpu.memory_space<vmem>>, %arg33: memref<8x8xf32, #tpu.memory_space<vmem>>, %arg34: memref<1x8xf32, #tpu.memory_space<vmem>>, %arg35: memref<512x64xf32, #tpu.memory_space<vmem>>, %arg36: memref<1x64xf32, #tpu.memory_space<vmem>>, %arg37: memref<64x64xf32, #tpu.memory_space<vmem>>, %arg38: memref<1x64xf32, #tpu.memory_space<vmem>>, %arg39: memref<64x8xf32, #tpu.memory_space<vmem>>, %arg40: memref<1x8xf32, #tpu.memory_space<vmem>>, %arg41: memref<16x8xf32, #tpu.memory_space<vmem>>, %arg42: memref<16x8xf32, #tpu.memory_space<vmem>>, %arg43: memref<16x8xf32, #tpu.memory_space<vmem>>) attributes {dimension_semantics = [], scalar_prefetch = 0 : i64, scratch_operands = 0 : i64, tpu.core_type = #tpu.core_type<tc>} {
    %get3A = arith.constant 0 : index
    %get3A_0 = arith.constant 0 : index
    %get3A_1 = vector.load %arg6[%get3A, %get3A_0] : memref<16x8xf32, #tpu.memory_space<vmem>>, vector<16x8xf32>
    %max3A = arith.constant 1.000000e+00 : f32
    %max3A_2 = vector.broadcast %max3A : f32 to vector<16x8xf32>
    %max3A_3 = arith.maximumf %get3A_1, %max3A_2 : vector<16x8xf32>
    %slice3A = vector.extract_strided_slice %max3A_3 {offsets = [0, 0], sizes = [16, 1], strides = [1, 1]} : vector<16x8xf32> to vector<16x1xf32>
    %get3A_4 = arith.constant 0 : index
    %get3A_5 = arith.constant 0 : index
    %get3A_6 = vector.load %arg2[%get3A_4, %get3A_5] : memref<16x8xf32, #tpu.memory_space<vmem>>, vector<16x8xf32>
    %div3A = arith.divf %get3A_6, %max3A_3 : vector<16x8xf32>
    %get3A_7 = arith.constant 0 : index
    %get3A_8 = arith.constant 0 : index
    %get3A_9 = vector.load %arg3[%get3A_7, %get3A_8] : memref<16x8xf32, #tpu.memory_space<vmem>>, vector<16x8xf32>
    %div3A_10 = arith.divf %get3A_9, %max3A_3 : vector<16x8xf32>
    %mul3A = arith.mulf %div3A, %div3A : vector<16x8xf32>
    %sub3A = arith.subf %div3A_10, %mul3A : vector<16x8xf32>
    %abs3A = math.absf %sub3A : vector<16x8xf32>
    %get3A_11 = arith.constant 0 : index
    %get3A_12 = arith.constant 0 : index
    %get3A_13 = vector.load %arg1[%get3A_11, %get3A_12] : memref<16x512xf32, #tpu.memory_space<vmem>>, vector<16x512xf32>
    %div3A_14 = vector.broadcast %slice3A : vector<16x1xf32> to vector<16x512xf32>
    %div3A_15 = arith.divf %get3A_13, %div3A_14 : vector<16x512xf32>
    %get3A_16 = arith.constant 0 : index
    %get3A_17 = arith.constant 0 : index
    %get3A_18 = vector.load %arg0[%get3A_16, %get3A_17] : memref<16x512xf32, #tpu.memory_space<vmem>>, vector<16x512xf32>
    %get3A_19 = arith.constant 0 : index
    %get3A_20 = arith.constant 0 : index
    %get3A_21 = vector.load %arg7[%get3A_19, %get3A_20] : memref<512x1024xf32, #tpu.memory_space<vmem>>, vector<512x1024xf32>
    %dot_general3A = arith.constant dense<0.000000e+00> : vector<16x1024xf32>
    %dot_general3A_22 = tpu.matmul %get3A_18, %get3A_21, %dot_general3A {dimension_numbers = #tpu.dot_dimension_numbers<[1], [0], [0], [1], [0, 0, 1, 1], [], []>, transpose_lhs_hint = false} : vector<16x512xf32>, vector<512x1024xf32>, vector<16x1024xf32> -> vector<16x1024xf32>
    %get3A_23 = arith.constant 0 : index
    %get3A_24 = arith.constant 0 : index
    %get3A_25 = vector.load %arg8[%get3A_23, %get3A_24] : memref<512x1024xf32, #tpu.memory_space<vmem>>, vector<512x1024xf32>
    %dot_general3A_26 = arith.constant dense<0.000000e+00> : vector<16x1024xf32>
    %dot_general3A_27 = tpu.matmul %div3A_15, %get3A_25, %dot_general3A_26 {dimension_numbers = #tpu.dot_dimension_numbers<[1], [0], [0], [1], [0, 0, 1, 1], [], []>, transpose_lhs_hint = false} : vector<16x512xf32>, vector<512x1024xf32>, vector<16x1024xf32> -> vector<16x1024xf32>
    %add3A = arith.addf %dot_general3A_22, %dot_general3A_27 : vector<16x1024xf32>
    %get3A_28 = arith.constant 0 : index
    %get3A_29 = arith.constant 0 : index
    %get3A_30 = vector.load %arg1[%get3A_28, %get3A_29] : memref<16x512xf32, #tpu.memory_space<vmem>>, vector<16x512xf32>
    %get3A_31 = arith.constant 0 : index
    %get3A_32 = arith.constant 0 : index
    %get3A_33 = vector.load %arg9[%get3A_31, %get3A_32] : memref<512x1024xf32, #tpu.memory_space<vmem>>, vector<512x1024xf32>
    %dot_general3A_34 = arith.constant dense<0.000000e+00> : vector<16x1024xf32>
    %dot_general3A_35 = tpu.matmul %get3A_30, %get3A_33, %dot_general3A_34 {dimension_numbers = #tpu.dot_dimension_numbers<[1], [0], [0], [1], [0, 0, 1, 1], [], []>, transpose_lhs_hint = false} : vector<16x512xf32>, vector<512x1024xf32>, vector<16x1024xf32> -> vector<16x1024xf32>
    %add3A_36 = arith.addf %add3A, %dot_general3A_35 : vector<16x1024xf32>
    %get3A_37 = arith.constant 0 : index
    %get3A_38 = arith.constant 0 : index
    %get3A_39 = vector.load %arg10[%get3A_37, %get3A_38] : memref<8x1024xf32, #tpu.memory_space<vmem>>, vector<8x1024xf32>
    %dot_general3A_40 = arith.constant dense<0.000000e+00> : vector<16x1024xf32>
    %dot_general3A_41 = tpu.matmul %div3A, %get3A_39, %dot_general3A_40 {dimension_numbers = #tpu.dot_dimension_numbers<[1], [0], [0], [1], [0, 0, 1, 1], [], []>, transpose_lhs_hint = false} : vector<16x8xf32>, vector<8x1024xf32>, vector<16x1024xf32> -> vector<16x1024xf32>
    %add3A_42 = arith.addf %add3A_36, %dot_general3A_41 : vector<16x1024xf32>
    %get3A_43 = arith.constant 0 : index
    %get3A_44 = arith.constant 0 : index
    %get3A_45 = vector.load %arg11[%get3A_43, %get3A_44] : memref<8x1024xf32, #tpu.memory_space<vmem>>, vector<8x1024xf32>
    %dot_general3A_46 = arith.constant dense<0.000000e+00> : vector<16x1024xf32>
    %dot_general3A_47 = tpu.matmul %abs3A, %get3A_45, %dot_general3A_46 {dimension_numbers = #tpu.dot_dimension_numbers<[1], [0], [0], [1], [0, 0, 1, 1], [], []>, transpose_lhs_hint = false} : vector<16x8xf32>, vector<8x1024xf32>, vector<16x1024xf32> -> vector<16x1024xf32>
    %add3A_48 = arith.addf %add3A_42, %dot_general3A_47 : vector<16x1024xf32>
    %get3A_49 = arith.constant 0 : index
    %get3A_50 = arith.constant 0 : index
    %get3A_51 = vector.load %arg4[%get3A_49, %get3A_50] : memref<16x8xf32, #tpu.memory_space<vmem>>, vector<16x8xf32>
    %get3A_52 = arith.constant 0 : index
    %get3A_53 = arith.constant 0 : index
    %get3A_54 = vector.load %arg12[%get3A_52, %get3A_53] : memref<8x1024xf32, #tpu.memory_space<vmem>>, vector<8x1024xf32>
    %dot_general3A_55 = arith.constant dense<0.000000e+00> : vector<16x1024xf32>
    %dot_general3A_56 = tpu.matmul %get3A_51, %get3A_54, %dot_general3A_55 {dimension_numbers = #tpu.dot_dimension_numbers<[1], [0], [0], [1], [0, 0, 1, 1], [], []>, transpose_lhs_hint = false} : vector<16x8xf32>, vector<8x1024xf32>, vector<16x1024xf32> -> vector<16x1024xf32>
    %add3A_57 = arith.addf %add3A_48, %dot_general3A_56 : vector<16x1024xf32>
    %get3A_58 = arith.constant 0 : index
    %get3A_59 = arith.constant 0 : index
    %get3A_60 = vector.load %arg5[%get3A_58, %get3A_59] : memref<16x8xf32, #tpu.memory_space<vmem>>, vector<16x8xf32>
    %get3A_61 = arith.constant 0 : index
    %get3A_62 = arith.constant 0 : index
    %get3A_63 = vector.load %arg13[%get3A_61, %get3A_62] : memref<8x1024xf32, #tpu.memory_space<vmem>>, vector<8x1024xf32>
    %dot_general3A_64 = arith.constant dense<0.000000e+00> : vector<16x1024xf32>
    %dot_general3A_65 = tpu.matmul %get3A_60, %get3A_63, %dot_general3A_64 {dimension_numbers = #tpu.dot_dimension_numbers<[1], [0], [0], [1], [0, 0, 1, 1], [], []>, transpose_lhs_hint = false} : vector<16x8xf32>, vector<8x1024xf32>, vector<16x1024xf32> -> vector<16x1024xf32>
    %add3A_66 = arith.addf %add3A_57, %dot_general3A_65 : vector<16x1024xf32>
    %get3A_67 = arith.constant 0 : index
    %get3A_68 = arith.constant 0 : index
    %get3A_69 = vector.load %arg14[%get3A_67, %get3A_68] : memref<1x1024xf32, #tpu.memory_space<vmem>>, vector<1x1024xf32>
    %add3A_70 = vector.broadcast %get3A_69 : vector<1x1024xf32> to vector<16x1024xf32>
    %add3A_71 = arith.addf %add3A_66, %add3A_70 : vector<16x1024xf32>
    %ge3A = arith.constant 0.000000e+00 : f32
    %ge3A_72 = vector.broadcast %ge3A : f32 to vector<16x1024xf32>
    %ge3A_73 = arith.cmpf oge, %add3A_71, %ge3A_72 : vector<16x1024xf32>
    %mul3A_74 = arith.constant 1.500000e-01 : f32
    %mul3A_75 = vector.broadcast %mul3A_74 : f32 to vector<16x1024xf32>
    %mul3A_76 = arith.mulf %mul3A_75, %add3A_71 : vector<16x1024xf32>
    %select_n3A = arith.select %ge3A_73, %add3A_71, %mul3A_76 : vector<16x1024xi1>, vector<16x1024xf32>
    %get3A_77 = arith.constant 0 : index
    %get3A_78 = arith.constant 0 : index
    %get3A_79 = vector.load %arg15[%get3A_77, %get3A_78] : memref<1x1024xf32, #tpu.memory_space<vmem>>, vector<1x1024xf32>
    %mul3A_80 = vector.broadcast %get3A_79 : vector<1x1024xf32> to vector<16x1024xf32>
    %mul3A_81 = arith.mulf %select_n3A, %mul3A_80 : vector<16x1024xf32>
    %get3A_82 = arith.constant 0 : index
    %get3A_83 = arith.constant 0 : index
    %get3A_84 = vector.load %arg16[%get3A_82, %get3A_83] : memref<1x1024xf32, #tpu.memory_space<vmem>>, vector<1x1024xf32>
    %add3A_85 = vector.broadcast %get3A_84 : vector<1x1024xf32> to vector<16x1024xf32>
    %add3A_86 = arith.addf %mul3A_81, %add3A_85 : vector<16x1024xf32>
    %get3A_87 = arith.constant 0 : index
    %get3A_88 = arith.constant 0 : index
    %get3A_89 = vector.load %arg17[%get3A_87, %get3A_88] : memref<1024x512xf32, #tpu.memory_space<vmem>>, vector<1024x512xf32>
    %dot_general3A_90 = arith.constant dense<0.000000e+00> : vector<16x512xf32>
    %dot_general3A_91 = tpu.matmul %add3A_86, %get3A_89, %dot_general3A_90 {dimension_numbers = #tpu.dot_dimension_numbers<[1], [0], [0], [1], [0, 0, 1, 1], [], []>, transpose_lhs_hint = false} : vector<16x1024xf32>, vector<1024x512xf32>, vector<16x512xf32> -> vector<16x512xf32>
    %get3A_92 = arith.constant 0 : index
    %get3A_93 = arith.constant 0 : index
    %get3A_94 = vector.load %arg18[%get3A_92, %get3A_93] : memref<1x512xf32, #tpu.memory_space<vmem>>, vector<1x512xf32>
    %add3A_95 = vector.broadcast %get3A_94 : vector<1x512xf32> to vector<16x512xf32>
    %add3A_96 = arith.addf %dot_general3A_91, %add3A_95 : vector<16x512xf32>
    %ge3A_97 = arith.constant 0.000000e+00 : f32
    %ge3A_98 = vector.broadcast %ge3A_97 : f32 to vector<16x512xf32>
    %ge3A_99 = arith.cmpf oge, %add3A_96, %ge3A_98 : vector<16x512xf32>
    %mul3A_100 = arith.constant 1.500000e-01 : f32
    %mul3A_101 = vector.broadcast %mul3A_100 : f32 to vector<16x512xf32>
    %mul3A_102 = arith.mulf %mul3A_101, %add3A_96 : vector<16x512xf32>
    %select_n3A_103 = arith.select %ge3A_99, %add3A_96, %mul3A_102 : vector<16x512xi1>, vector<16x512xf32>
    %get3A_104 = arith.constant 0 : index
    %get3A_105 = arith.constant 0 : index
    %get3A_106 = vector.load %arg19[%get3A_104, %get3A_105] : memref<1x512xf32, #tpu.memory_space<vmem>>, vector<1x512xf32>
    %mul3A_107 = vector.broadcast %get3A_106 : vector<1x512xf32> to vector<16x512xf32>
    %mul3A_108 = arith.mulf %select_n3A_103, %mul3A_107 : vector<16x512xf32>
    %get3A_109 = arith.constant 0 : index
    %get3A_110 = arith.constant 0 : index
    %get3A_111 = vector.load %arg20[%get3A_109, %get3A_110] : memref<1x512xf32, #tpu.memory_space<vmem>>, vector<1x512xf32>
    %add3A_112 = vector.broadcast %get3A_111 : vector<1x512xf32> to vector<16x512xf32>
    %add3A_113 = arith.addf %mul3A_108, %add3A_112 : vector<16x512xf32>
    %get3A_114 = arith.constant 0 : index
    %get3A_115 = arith.constant 0 : index
    %get3A_116 = vector.load %arg21[%get3A_114, %get3A_115] : memref<512x64xf32, #tpu.memory_space<vmem>>, vector<512x64xf32>
    %dot_general3A_117 = arith.constant dense<0.000000e+00> : vector<16x64xf32>
    %dot_general3A_118 = tpu.matmul %add3A_113, %get3A_116, %dot_general3A_117 {dimension_numbers = #tpu.dot_dimension_numbers<[1], [0], [0], [1], [0, 0, 1, 1], [], []>, transpose_lhs_hint = false} : vector<16x512xf32>, vector<512x64xf32>, vector<16x64xf32> -> vector<16x64xf32>
    %get3A_119 = arith.constant 0 : index
    %get3A_120 = arith.constant 0 : index
    %get3A_121 = vector.load %arg22[%get3A_119, %get3A_120] : memref<1x64xf32, #tpu.memory_space<vmem>>, vector<1x64xf32>
    %add3A_122 = vector.broadcast %get3A_121 : vector<1x64xf32> to vector<16x64xf32>
    %add3A_123 = arith.addf %dot_general3A_118, %add3A_122 : vector<16x64xf32>
    %get3A_124 = arith.constant 0 : index
    %get3A_125 = arith.constant 0 : index
    %get3A_126 = vector.load %arg23[%get3A_124, %get3A_125] : memref<64x64xf32, #tpu.memory_space<vmem>>, vector<64x64xf32>
    %dot_general3A_127 = arith.constant dense<0.000000e+00> : vector<16x64xf32>
    %dot_general3A_128 = tpu.matmul %add3A_123, %get3A_126, %dot_general3A_127 {dimension_numbers = #tpu.dot_dimension_numbers<[1], [0], [0], [1], [0, 0, 1, 1], [], []>, transpose_lhs_hint = false} : vector<16x64xf32>, vector<64x64xf32>, vector<16x64xf32> -> vector<16x64xf32>
    %get3A_129 = arith.constant 0 : index
    %get3A_130 = arith.constant 0 : index
    %get3A_131 = vector.load %arg24[%get3A_129, %get3A_130] : memref<1x64xf32, #tpu.memory_space<vmem>>, vector<1x64xf32>
    %add3A_132 = vector.broadcast %get3A_131 : vector<1x64xf32> to vector<16x64xf32>
    %add3A_133 = arith.addf %dot_general3A_128, %add3A_132 : vector<16x64xf32>
    %get3A_134 = arith.constant 0 : index
    %get3A_135 = arith.constant 0 : index
    %get3A_136 = vector.load %arg25[%get3A_134, %get3A_135] : memref<64x8xf32, #tpu.memory_space<vmem>>, vector<64x8xf32>
    %dot_general3A_137 = arith.constant dense<0.000000e+00> : vector<16x8xf32>
    %dot_general3A_138 = tpu.matmul %add3A_133, %get3A_136, %dot_general3A_137 {dimension_numbers = #tpu.dot_dimension_numbers<[1], [0], [0], [1], [0, 0, 1, 1], [], []>, transpose_lhs_hint = false} : vector<16x64xf32>, vector<64x8xf32>, vector<16x8xf32> -> vector<16x8xf32>
    %get3A_139 = arith.constant 0 : index
    %get3A_140 = arith.constant 0 : index
    %get3A_141 = vector.load %arg26[%get3A_139, %get3A_140] : memref<1x8xf32, #tpu.memory_space<vmem>>, vector<1x8xf32>
    %add3A_142 = vector.broadcast %get3A_141 : vector<1x8xf32> to vector<16x8xf32>
    %add3A_143 = arith.addf %dot_general3A_138, %add3A_142 : vector<16x8xf32>
    %get3A_144 = arith.constant 0 : index
    %get3A_145 = arith.constant 0 : index
    %get3A_146 = vector.load %arg27[%get3A_144, %get3A_145] : memref<512x64xf32, #tpu.memory_space<vmem>>, vector<512x64xf32>
    %dot_general3A_147 = arith.constant dense<0.000000e+00> : vector<16x64xf32>
    %dot_general3A_148 = tpu.matmul %add3A_113, %get3A_146, %dot_general3A_147 {dimension_numbers = #tpu.dot_dimension_numbers<[1], [0], [0], [1], [0, 0, 1, 1], [], []>, transpose_lhs_hint = false} : vector<16x512xf32>, vector<512x64xf32>, vector<16x64xf32> -> vector<16x64xf32>
    %get3A_149 = arith.constant 0 : index
    %get3A_150 = arith.constant 0 : index
    %get3A_151 = vector.load %arg28[%get3A_149, %get3A_150] : memref<1x64xf32, #tpu.memory_space<vmem>>, vector<1x64xf32>
    %add3A_152 = vector.broadcast %get3A_151 : vector<1x64xf32> to vector<16x64xf32>
    %add3A_153 = arith.addf %dot_general3A_148, %add3A_152 : vector<16x64xf32>
    %get3A_154 = arith.constant 0 : index
    %get3A_155 = arith.constant 0 : index
    %get3A_156 = vector.load %arg29[%get3A_154, %get3A_155] : memref<64x64xf32, #tpu.memory_space<vmem>>, vector<64x64xf32>
    %dot_general3A_157 = arith.constant dense<0.000000e+00> : vector<16x64xf32>
    %dot_general3A_158 = tpu.matmul %add3A_153, %get3A_156, %dot_general3A_157 {dimension_numbers = #tpu.dot_dimension_numbers<[1], [0], [0], [1], [0, 0, 1, 1], [], []>, transpose_lhs_hint = false} : vector<16x64xf32>, vector<64x64xf32>, vector<16x64xf32> -> vector<16x64xf32>
    %get3A_159 = arith.constant 0 : index
    %get3A_160 = arith.constant 0 : index
    %get3A_161 = vector.load %arg30[%get3A_159, %get3A_160] : memref<1x64xf32, #tpu.memory_space<vmem>>, vector<1x64xf32>
    %add3A_162 = vector.broadcast %get3A_161 : vector<1x64xf32> to vector<16x64xf32>
    %add3A_163 = arith.addf %dot_general3A_158, %add3A_162 : vector<16x64xf32>
    %get3A_164 = arith.constant 0 : index
    %get3A_165 = arith.constant 0 : index
    %get3A_166 = vector.load %arg31[%get3A_164, %get3A_165] : memref<64x8xf32, #tpu.memory_space<vmem>>, vector<64x8xf32>
    %dot_general3A_167 = arith.constant dense<0.000000e+00> : vector<16x8xf32>
    %dot_general3A_168 = tpu.matmul %add3A_163, %get3A_166, %dot_general3A_167 {dimension_numbers = #tpu.dot_dimension_numbers<[1], [0], [0], [1], [0, 0, 1, 1], [], []>, transpose_lhs_hint = false} : vector<16x64xf32>, vector<64x8xf32>, vector<16x8xf32> -> vector<16x8xf32>
    %get3A_169 = arith.constant 0 : index
    %get3A_170 = arith.constant 0 : index
    %get3A_171 = vector.load %arg32[%get3A_169, %get3A_170] : memref<1x8xf32, #tpu.memory_space<vmem>>, vector<1x8xf32>
    %add3A_172 = vector.broadcast %get3A_171 : vector<1x8xf32> to vector<16x8xf32>
    %add3A_173 = arith.addf %dot_general3A_168, %add3A_172 : vector<16x8xf32>
    %get3A_174 = arith.constant 0 : index
    %get3A_175 = arith.constant 0 : index
    %get3A_176 = vector.load %arg33[%get3A_174, %get3A_175] : memref<8x8xf32, #tpu.memory_space<vmem>>, vector<8x8xf32>
    %dot_general3A_177 = arith.constant dense<0.000000e+00> : vector<16x8xf32>
    %dot_general3A_178 = tpu.matmul %add3A_173, %get3A_176, %dot_general3A_177 {dimension_numbers = #tpu.dot_dimension_numbers<[1], [0], [0], [1], [0, 0, 1, 1], [], []>, transpose_lhs_hint = false} : vector<16x8xf32>, vector<8x8xf32>, vector<16x8xf32> -> vector<16x8xf32>
    %get3A_179 = arith.constant 0 : index
    %get3A_180 = arith.constant 0 : index
    %get3A_181 = vector.load %arg34[%get3A_179, %get3A_180] : memref<1x8xf32, #tpu.memory_space<vmem>>, vector<1x8xf32>
    %add3A_182 = vector.broadcast %get3A_181 : vector<1x8xf32> to vector<16x8xf32>
    %add3A_183 = arith.addf %dot_general3A_178, %add3A_182 : vector<16x8xf32>
    %logistic3A = arith.negf %add3A_183 : vector<16x8xf32>
    %logistic3A_184 = math.exp %logistic3A : vector<16x8xf32>
    %logistic3A_185 = arith.constant 1.000000e+00 : f32
    %logistic3A_186 = vector.broadcast %logistic3A_185 : f32 to vector<16x8xf32>
    %logistic3A_187 = arith.addf %logistic3A_186, %logistic3A_184 : vector<16x8xf32>
    %logistic3A_188 = arith.divf %logistic3A_186, %logistic3A_187 : vector<16x8xf32>
    %get3A_189 = arith.constant 0 : index
    %get3A_190 = arith.constant 0 : index
    %get3A_191 = vector.load %arg35[%get3A_189, %get3A_190] : memref<512x64xf32, #tpu.memory_space<vmem>>, vector<512x64xf32>
    %dot_general3A_192 = arith.constant dense<0.000000e+00> : vector<16x64xf32>
    %dot_general3A_193 = tpu.matmul %add3A_113, %get3A_191, %dot_general3A_192 {dimension_numbers = #tpu.dot_dimension_numbers<[1], [0], [0], [1], [0, 0, 1, 1], [], []>, transpose_lhs_hint = false} : vector<16x512xf32>, vector<512x64xf32>, vector<16x64xf32> -> vector<16x64xf32>
    %get3A_194 = arith.constant 0 : index
    %get3A_195 = arith.constant 0 : index
    %get3A_196 = vector.load %arg36[%get3A_194, %get3A_195] : memref<1x64xf32, #tpu.memory_space<vmem>>, vector<1x64xf32>
    %add3A_197 = vector.broadcast %get3A_196 : vector<1x64xf32> to vector<16x64xf32>
    %add3A_198 = arith.addf %dot_general3A_193, %add3A_197 : vector<16x64xf32>
    %get3A_199 = arith.constant 0 : index
    %get3A_200 = arith.constant 0 : index
    %get3A_201 = vector.load %arg37[%get3A_199, %get3A_200] : memref<64x64xf32, #tpu.memory_space<vmem>>, vector<64x64xf32>
    %dot_general3A_202 = arith.constant dense<0.000000e+00> : vector<16x64xf32>
    %dot_general3A_203 = tpu.matmul %add3A_198, %get3A_201, %dot_general3A_202 {dimension_numbers = #tpu.dot_dimension_numbers<[1], [0], [0], [1], [0, 0, 1, 1], [], []>, transpose_lhs_hint = false} : vector<16x64xf32>, vector<64x64xf32>, vector<16x64xf32> -> vector<16x64xf32>
    %get3A_204 = arith.constant 0 : index
    %get3A_205 = arith.constant 0 : index
    %get3A_206 = vector.load %arg38[%get3A_204, %get3A_205] : memref<1x64xf32, #tpu.memory_space<vmem>>, vector<1x64xf32>
    %add3A_207 = vector.broadcast %get3A_206 : vector<1x64xf32> to vector<16x64xf32>
    %add3A_208 = arith.addf %dot_general3A_203, %add3A_207 : vector<16x64xf32>
    %get3A_209 = arith.constant 0 : index
    %get3A_210 = arith.constant 0 : index
    %get3A_211 = vector.load %arg39[%get3A_209, %get3A_210] : memref<64x8xf32, #tpu.memory_space<vmem>>, vector<64x8xf32>
    %dot_general3A_212 = arith.constant dense<0.000000e+00> : vector<16x8xf32>
    %dot_general3A_213 = tpu.matmul %add3A_208, %get3A_211, %dot_general3A_212 {dimension_numbers = #tpu.dot_dimension_numbers<[1], [0], [0], [1], [0, 0, 1, 1], [], []>, transpose_lhs_hint = false} : vector<16x64xf32>, vector<64x8xf32>, vector<16x8xf32> -> vector<16x8xf32>
    %get3A_214 = arith.constant 0 : index
    %get3A_215 = arith.constant 0 : index
    %get3A_216 = vector.load %arg40[%get3A_214, %get3A_215] : memref<1x8xf32, #tpu.memory_space<vmem>>, vector<1x8xf32>
    %add3A_217 = vector.broadcast %get3A_216 : vector<1x8xf32> to vector<16x8xf32>
    %add3A_218 = arith.addf %dot_general3A_213, %add3A_217 : vector<16x8xf32>
    %abs3A_219 = math.absf %add3A_218 : vector<16x8xf32>
    %add3A_220 = arith.constant 9.99999974E-6 : f32
    %add3A_221 = vector.broadcast %add3A_220 : f32 to vector<16x8xf32>
    %add3A_222 = arith.addf %abs3A_219, %add3A_221 : vector<16x8xf32>
    %swap3A = arith.constant 0 : index
    %swap3A_223 = arith.constant 0 : index
    %swap3A_224 = vector.load %arg41[%swap3A, %swap3A_223] : memref<16x8xf32, #tpu.memory_space<vmem>>, vector<16x8xf32>
    tpu.vector_store %arg41[%swap3A, %swap3A_223], %add3A_143 {strides = array<i32>} : memref<16x8xf32, #tpu.memory_space<vmem>>, vector<16x8xf32>,
    %swap3A_225 = arith.constant 0 : index
    %swap3A_226 = arith.constant 0 : index
    %swap3A_227 = vector.load %arg42[%swap3A_225, %swap3A_226] : memref<16x8xf32, #tpu.memory_space<vmem>>, vector<16x8xf32>
    tpu.vector_store %arg42[%swap3A_225, %swap3A_226], %logistic3A_188 {strides = array<i32>} : memref<16x8xf32, #tpu.memory_space<vmem>>, vector<16x8xf32>,
    %swap3A_228 = arith.constant 0 : index
    %swap3A_229 = arith.constant 0 : index
    %swap3A_230 = vector.load %arg43[%swap3A_228, %swap3A_229] : memref<16x8xf32, #tpu.memory_space<vmem>>, vector<16x8xf32>
    tpu.vector_store %arg43[%swap3A_228, %swap3A_229], %add3A_222 {strides = array<i32>} : memref<16x8xf32, #tpu.memory_space<vmem>>, vector<16x8xf32>,
    return
  }
}

</mosaic_0001>

<sc_bundles>
// kernel: kernel.20.cloned.1.call-start
scs
__scs_entry_jumppad:
0x0: {  	(pc) =	sbr.rel $0x88, $3  }
0x1: {  	(tag) =	ssettag $0x0;
	lr =	simm.s32 $0x1  }
0x2: {  	[smem:$0x3F68] =	sst lr;
	_ =	strace $0xD0000000  }
0x3: {  	_ = 	snop  }
0x4: {  	_ = 	snop  }
0x5: {  	_ = 	snop  }
0x6: {  	_ = 	snop  }
0x7: {  	_ = 	snop  }
__scs_overlays_trampoline_lowered:
0x8: {  	[smem:$0x3F77] =	sst s0  }
0x9: {  	[smem:$0x3F78] =	sst s1  }
0xa: {  	[smem:$0x3F79] =	sst s2  }
0xb: {  	[smem:$0x3F7A] =	sst s3  }
0xc: {  	[smem:$0x3F7B] =	sst s4  }
0xd: {  	[smem:$0x3F7C] =	sst s5  }
0xe: {  	[smem:$0x3F7D] =	sst s6  }
0xf: {  	[smem:$0x3F7E] =	sst s7  }
0x10: {  	[smem:$0x3F7F] =	sst s8  }
0x11: {  	[smem:$0x3F80] =	sst s9;
	s0 =	simm.s32 @!p0 $0x0  }
0x12: {  	s1 =	sld [smem:$0x3F66];
	s0 =	simm.s32 @p0 $0x1  }
0x13: {  	[smem:$0x3F81] =	sst s0;
	s0 =	simm.s32 @!p1 $0x0  }
0x14: {  	s2 =	sld [smem:$0x3F65];
	s0 =	simm.s32 @p1 $0x1  }
0x15: {  	[smem:$0x3F82] =	sst s0;
	s0 =	simm.s32 @!p2 $0x0  }
0x16: {  	s3 =	sld [smem:$0x3FDB];
	s0 =	simm.s32 @p2 $0x1  }
0x17: {  	s4 =	simm.s32 $0x1BF5;
	[smem:$0x3F84] =	sst s0  }
0x18: {  	s0 =	sld [smem:$0x3F67];
	_ =	swait.ge [sflag:s4], $0x0  }
0x19: {  	s7 =	sld [smem:$0x3F68]  }
0x1a: {  	s8 =	sadd.s32 $0xFFFFE003, lr  }
0x1b: {  	s9 =	sadd.s32 $0xFFFFFEF7, lr;
	s5 =	simm.s32 $0xFFFFFFFF;
	p2 =	slt.u32 s8, $0xFFFFF086  }
0x1c: {  	p1 =	slt.u32 s9, $0xF7A;
	s5 =	simm.s32 @!p2 $0x0  }
0x1d: {  	s5 =	simm.s32 @p1 $0x1;
	p0 =	seq.s32 s7, s2  }
0x1e: {  	s7 =	smul.u32 @!p0 $0xF7A, s2;
	p2 =	seq.s32 @!p0 s5, $0x0  }
0x1f: {  	s9 =	smul.u32 $0xF7A, s1;
	s8 =	simm.s32 @!p0 $0x1BF5;
	p2 =	por !p2, p0  }
0x20: {  	[sflag:s8] =	ssyncset.s32 @!p0 $0xFFFFF086;
	s6 =	sadd.s32 @!p0 s3, s7;
	s7 =	simm.s32 @!p0 $0x108  }
0x21: {  	s3 =	sadd.s32 s3, s9;
	s6 =	sadd.s32 @!p0 $0x88, s6;
	s7 =	simm.s32 @p2 $0x1082  }
0x22: {  	[simem:s7], [sflag:s8] =	dma.local @!p0 [hbm:s6], $0xF7A  }
0x23: {  	s9 =	sor.u32 $0xD0000000, s2;
	s6 =	simm.s32 $0x108;
	_ =	swait.ge @!p0 [sflag:s8], $0x0  }
0x24: {  	s3 =	sadd.s32 $0x88, s3;
	s6 =	simm.s32 @!p1 $0x1082;
	[sflag:s4] =	ssyncset.s32 $0xFFFFF086  }
0x25: {  	[simem:s6], [sflag:s4] =	dma.local [hbm:s3], $0xF7A  }
0x26: {  	[smem:$0x3F68] =	sst s1;
	(tag) =	ssettag s2;
	_ =	strace s9  }
0x27: {  	s1 =	sld [smem:$0x3F78]  }
0x28: {  	s2 =	sld [smem:$0x3F79]  }
0x29: {  	s4 =	sld [smem:$0x3F7B]  }
0x2a: {  	p0 =	seq.s32 s5, $0x0;
	s5 =	sld [smem:$0x3F7C]  }
0x2b: {  	s6 =	sld [smem:$0x3F7D]  }
0x2c: {  	s7 =	sld [smem:$0x3F7E]  }
0x2d: {  	s3 =	simm.s32 $0x108;
	s8 =	sld [smem:$0x3F7F]  }
0x2e: {  	s3 =	simm.s32 @!p0 $0x1082;
	s9 =	sld [smem:$0x3F80]  }
0x2f: {  	lr =	sadd.s32 s0, s3;
	s0 =	sld [smem:$0x3F77]  }
0x30: {  	s3 =	sld [smem:$0x3F7A]  }
0x31: {  	[smem:$0x3F83] =	sst s10  }
0x32: {  	s10 =	sld [smem:$0x3F81];
	_ =	sdelay $0x3  }
0x33: {  	p0 =	seq.s32 s10, $0x1;
	s10 =	sld [smem:$0x3F83];
	_ =	sdelay $0x3  }
0x34: {  	[smem:$0x3F83] =	sst s10  }
0x35: {  	s10 =	sld [smem:$0x3F82];
	_ =	sdelay $0x3  }
0x36: {  	p1 =	seq.s32 s10, $0x1;
	s10 =	sld [smem:$0x3F83];
	_ =	sdelay $0x3  }
0x37: {  	[smem:$0x3F83] =	sst s10  }
0x38: {  	s10 =	sld [smem:$0x3F84]  }
0x39: {  	_ = 	snop;
	(pc) =	sbr.ind lr, $3  }
0x3a: {  	_ = 	snop  }
0x3b: {  	_ = 	snop  }
0x3c: {  	p2 =	seq.s32 s10, $0x1;
	s10 =	sld [smem:$0x3F83]  }
0x3d: {  	_ =	shalt  }
0x3e: {  	_ =	shalt  }
0x3f: {  	_ =	shalt  }
0x40: {  	_ =	shalt  }
0x41: {  	_ =	shalt  }
0x42: {  	_ =	shalt  }
0x43: {  	_ =	shalt  }
0x44: {  	_ =	shalt  }
0x45: {  	_ =	shalt  }
0x46: {  	_ =	shalt  }
0x47: {  	_ =	shalt  }
0x48: {  	_ =	shalt  }
0x49: {  	_ =	shalt  }
0x4a: {  	_ =	shalt  }
0x4b: {  	_ =	shalt  }
0x4c: {  	_ =	shalt  }
0x4d: {  	_ =	shalt  }
0x4e: {  	_ =	shalt  }
0x4f: {  	_ =	shalt  }
0x50: {  	_ =	shalt  }
0x51: {  	_ =	shalt  }
0x52: {  	_ =	shalt  }
0x53: {  	_ =	shalt  }
0x54: {  	_ =	shalt  }
0x55: {  	_ =	shalt  }
0x56: {  	_ =	shalt  }
0x57: {  	_ =	shalt  }
0x58: {  	_ =	shalt  }
0x59: {  	_ =	shalt  }
0x5a: {  	_ =	shalt  }
0x5b: {  	_ =	shalt  }
0x5c: {  	_ =	shalt  }
0x5d: {  	_ =	shalt  }
0x5e: {  	_ =	shalt  }
0x5f: {  	_ =	shalt  }
0x60: {  	_ =	shalt  }
0x61: {  	_ =	shalt  }
0x62: {  	_ =	shalt  }
0x63: {  	_ =	shalt  }
0x64: {  	_ =	shalt  }
0x65: {  	_ =	shalt  }
0x66: {  	_ =	shalt  }
0x67: {  	_ =	shalt  }
0x68: {  	_ =	shalt  }
0x69: {  	_ =	shalt  }
0x6a: {  	_ =	shalt  }
0x6b: {  	_ =	shalt  }
0x6c: {  	_ =	shalt  }
0x6d: {  	_ =	shalt  }
0x6e: {  	_ =	shalt  }
0x6f: {  	_ =	shalt  }
0x70: {  	_ =	shalt  }
0x71: {  	_ =	shalt  }
0x72: {  	_ =	shalt  }
0x73: {  	_ =	shalt  }
0x74: {  	_ =	shalt  }
0x75: {  	_ =	shalt  }
0x76: {  	_ =	shalt  }
0x77: {  	_ =	shalt  }
0x78: {  	_ =	shalt  }
0x79: {  	_ =	shalt  }
0x7a: {  	_ =	shalt  }
0x7b: {  	_ =	shalt  }
0x7c: {  	_ =	shalt  }
0x7d: {  	_ =	shalt  }
0x7e: {  	_ =	shalt  }
0x7f: {  	_ =	shalt  }
0x80: {  	_ =	shalt  }
0x81: {  	_ =	shalt  }
0x82: {  	_ =	shalt  }
0x83: {  	_ =	shalt  }
0x84: {  	_ =	shalt  }
0x85: {  	_ =	shalt  }
0x86: {  	_ =	shalt  }
0x87: {  	_ =	shalt  }
.Lfunc_end0:
.L_simem_size_0:
called_computation_lowered:
.L_overlay_start_0:
0x88: {  	s2 =	sld [smem:$0x3FD9]  }
0x89: {  	s3 =	sld [smem:$0x3FFE];
	_ =	sdelay $0x1  }
0x8a: {  	s1 =	srdreg.scid  }
0x8b: {  	s0 =	sand.u32 $0x1, s1  }
0x8c: {  	s16 =	sshll.u32 s0, $0xA;
	s2 =	sadd.s32 s3, s2  }
0x8d: {  	s2 =	sadd.s32 s2, s16  }
0x8e: {  	[smem:$0x3F8F] =	sst s2  }
0x8f: {  	_ = 	snop  }
0x90: {  	(tm) =	ssettm $0x1  }
0x91: {  	s17 =	sld [smem:$0x3FFB];
	_ =	sdelay $0x3  }
0x92: {  	_ =	strace s17  }
0x93: {  	s2 =	sld [smem:$0x3FFC];
	_ =	sdelay $0x3  }
0x94: {  	_ =	strace s2  }
0x95: {  	s2 =	sld [smem:$0x3FFD];
	_ =	sdelay $0x3  }
0x96: {  	_ =	strace s2  }
0x97: {  	_ =	strace $0x8FFFFFFF  }
0x98: {  	s18 =	sld [smem:$0x3FDB];
	_ =	sdelay $0x1  }
0x99: {  	s19 =	simm.s32 $_scs_section_size  }
0x9a: {  	s4 =	simm.s32 $_size__tile_overlayer_lowered;
	s5 =	simm.s32 $_tile_overlayer_lowered  }
0x9b: {  	s22 =	simm.s32 $0x1BFF;
	s21 =	sshll.u32 s5, $0x1;
	s2 =	sadd.s32 s19, s18  }
0x9c: {  	s6 =	simm.s32 $0x0;
	s20 =	sshll.u32 s4, $0x1;
	s4 =	sadd.s32 s21, s2  }
0x9d: {  	[timem:s6], [sflag:s22] =	dma.local [hbm:s4], s20  }
0x9e: {  	_ =	swait.ge [sflag:s22], s20  }
0x9f: {  	s3 =	ssub.s32 $0x0, s20;
	[sflag:s22] =	ssyncset.done $0x0  }
0xa0: {  	[sflag:s22] =	ssyncadd.s32 s3;
	_ =	sdelay $0x1  }
0xa1: {  	s23 =	simm.s32 $0x1B8B  }
0xa2: {  	_ =	swait.ge [sflag:s23], $0x1  }
0xa3: {  	[sflag:s23] =	ssyncset.done $0x0  }
0xa4: {  	s25 =	simm.s32 $0x1B8E;
	s24 =	sld [smem:$0x3FFE];
	[sflag:s23] =	ssyncadd.s32 $0xFFFFFFFF  }
0xa5: {  	s26 =	simm.s32 $execute0_lowered;
	[smem:$0x3FD2] =	sst s25  }
0xa6: {  	s4 =	sshll.u32 s26, $0x1;
	_ =	strace $0x80000046;
	[dreg:$0x1] =	wrdreg $0xFFFFFFFF  }
0xa7: {  	s28 =	simm.s32 $_size_execute0_lowered;
	s2 =	sadd.s32 s2, s4;
	[dreg:$0x0] =	wrdreg $0x0  }
0xa8: {  	s4 =	sshll.u32 s28, $0x1;
	[dreg:$0x2] =	wrdreg s2  }
0xa9: {  	[dreg:$0x3] =	wrdreg s4  }
0xaa: {  	[dreg:$0x4] =	wrdreg $0xC0  }
0xab: {  	_ =	task [dreg:s6], $0x5FFFF  }
0xac: {  	[dreg:$0x1] =	wrdreg $0xFFFFFFFF  }
0xad: {  	[dreg:$0x0] =	wrdreg $0x60  }
0xae: {  	[dreg:$0x2] =	wrdreg s24  }
0xaf: {  	[dreg:$0x3] =	wrdreg $0x9  }
0xb0: {  	_ =	task.clear_ibuf [dreg:s6], $0x4FFFF;
	_ =	strace $0x90000046  }
0xb1: {  	s29 =	simm.s32 $0x9;
	_ =	strace $0x80000048  }
0xb2: {  	_ =	swait.ge [sflag:s29], $0x1  }
0xb3: {  	[sflag:s29] =	ssyncadd.s32 $0xFFFFFFFF  }
0xb4: {  	_ =	strace $0x90000048  }
0xb5: {  	_ =	sfence  }
0xb6: {  	s30 =	sld [smem:$0x0];
	_ =	sdelay $0x2  }
0xb7: {  	s31 =	sshll.u32 s1, $0xD;
	s1 =	sshrl.u32 s1, $0x2  }
0xb8: {  	s3 =	sand.u32 $0x4000, s31;
	s1 =	sadd.s32 s1, s30  }
0xb9: {  	s0 =	sor.u32 s3, s0;
	s1 =	sshll.u32 s1, $0x11  }
0xba: {  	s0 =	sor.u32 s1, s0  }
0xbb: {  	s0 =	sadd.s32 $0x8F2B, s0  }
0xbc: {  	[sflag:s0] =	ssyncadd.remote.s32 $0x1  }
0xbd: {  	_ =	sfence.sel $0xFFFF  }
0xbe: {  	[dreg:$0x0] =	wrdreg $0xFFFFFFFF;
	(pc) =	sbr.abs _section_cstart, $3  }
0xbf: {  	[dreg:$0x1] =	wrdreg $0xFFFFFFFF  }
0xc0: {  	_ =	task.clear_ibuf [dreg:s6], $0x2FFFF;
	_ =	strace $0x9FFFFFFF  }
0xc1: {  	(tm) =	ssettm $0x7FFFFFFF  }
tec
execute0_lowered:
.L_overlay_start_1:
0x0: {  	(tag) =	ssettag $0x1  }
0x1: {  	s4 =	rddreg [dreg:$0x0]  }
0x2: {  	s0 =	rddreg [dreg:$0x1]  }
0x3: {  	s3 =	srdreg.scid;
	s1 =	stileid.u32;
	s2 =	simm.s32 $0x0  }
0x4: {  	s10 =	simm.s32 $0x80;
	s11 =	simm.s32 $0x100;
	s12 =	simm.s32 $0x1  }
0x5: {  	s13 =	simm.s32 $0x4100;
	s14 =	simm.s32 $0x0;
	s6 =	smul.u32 $0x5000, s1  }
0x6: {  	s5 =	sand.u32 $0x1, s3;
	[smem:$0x7FF] =	sst s2;
	s8 =	smul.u32 $0x50000, s1  }
0x7: {  	s3 =	sadd.s32 $0x49E00, s4;
	s7 =	smul.u32 $0x2800, s5;
	s9 =	ssub.s32 $0x2, s5  }
0x8: {  	_ =	strace $0x80000047;
	s5 =	smul.u32 $0x28000, s5;
	s30 =	sshrl.u32 s9, $0x1  }
0x9: {  	s29 =	sadd.s32 s8, s4;
	s6 =	sadd.s32 s7, s6;
	s8 =	ssub.s32 s9, s30  }
0xa: {  	s7 =	sadd.s32 s5, s29;
	s9 =	simm.s32 $0x2;
	s6 =	sshrl.u32 s6, $0x3  }
0xb: {  	s5 =	sadd.s32 $0x71E00, s7;
	s31 =	sadd.s32 s6, s4;
	s4 =	smax.u32 s8, $0x1  }
0xc: {  	s6 =	sadd.s32 $0x571E00, s7;
	s7 =	sadd.s32 $0x18C00, s31;
	s8 =	sadd.s32 $0xEC00, s31  }
.LBB2_1:
0xd: {  	s15 =	sadd.s32 $0x0, s8  }
0xe: {  	[tilespmem:s2], [sflag:$0x2] =	stream.linear.gather [hbm4b:s15+s2], $0x80, $0x38;
	[tilespmem:$0x8100] =	vst v63  }
0xf: {  	_ =	swait.ge [sflag:s9], $0x80  }
0x10: {  	[sflag:s9] =	ssyncset.done $0x0  }
0x11: {  	s31 =	sadd.s32 $0x0, s7;
	[sflag:s9] =	ssyncadd.s32 $0xFFFFFF80  }
0x12: {  	[tilespmem:s10], [sflag:$0x2] =	stream.linear.gather [hbm4b:s31+s2], $0x80, $0x38;
	[tilespmem:$0x8100] =	vst v63  }
0x13: {  	_ =	swait.ge [sflag:s9], $0x80  }
0x14: {  	[sflag:s9] =	ssyncset.done $0x0  }
0x15: {  	[sflag:s9] =	ssyncadd.s32 $0xFFFFFF80  }
0x16: {  	[tilespmem:s11], [sflag:$0x1] =	stream.indirect.gather [hbm4b:s3+s10], $0x80, s2, s10, $0xb8;
	[tilespmem:$0x8100] =	vst v63  }
0x17: {  	_ =	swait.ge [sflag:s12], $0x4000  }
0x18: {  	[sflag:s12] =	ssyncset.done $0x0  }
0x19: {  	[sflag:s12] =	ssyncadd.s32 $0xFFFFC000  }
0x1a: {  	[tilespmem:s13], [sflag:$0x1] =	stream.indirect.gather [hbm4b:s3+s10], $0x80, s10, s10, $0xb8;
	[tilespmem:$0x8100] =	vst v63  }
0x1b: {  	_ =	swait.ge [sflag:s12], $0x4000  }
0x1c: {  	[sflag:s12] =	ssyncset.done $0x0  }
0x1d: {  	[sflag:s12] =	ssyncadd.s32 $0xFFFFC000  }
0x1e: {  	[hbm4b:s5+s2] =	stream.linear.scatter [tilespmem:s11], [sflag:$0x2], $0x4000, $0x38;
	[tilespmem:$0x8100] =	vst v63  }
0x1f: {  	_ =	swait.ge [sflag:s9], $0x4000  }
0x20: {  	[sflag:s9] =	ssyncset.done $0x0  }
0x21: {  	[sflag:s9] =	ssyncadd.s32 $0xFFFFC000  }
0x22: {  	[hbm4b:s6+s2] =	stream.linear.scatter [tilespmem:s13], [sflag:$0x2], $0x4000, $0x38;
	[tilespmem:$0x8100] =	vst v63  }
0x23: {  	s17 =	simm.s32 $0x10;
	s18 =	simm.s32 $0x20;
	_ =	swait.ge [sflag:s9], $0x4000  }
0x24: {  	s16 =	sadd.s32 $0x800, s5;
	s15 =	sadd.s32 $0x800, s6;
	[sflag:s9] =	ssyncset.done $0x0  }
.LBB2_2:
0x25: {  	s19 =	sadd.s32 s17, s8  }
0x26: {  	[sflag:s9] =	ssyncadd.s32 $0xFFFFC000;
	s20 =	smov.u32 s18;
	s21 =	sadd.s32 $0x10, s18  }
0x27: {  	[tilespmem:s2], [sflag:$0x2] =	stream.linear.gather [hbm4b:s19+s2], $0x80, $0x38;
	[tilespmem:$0x8100] =	vst v63  }
0x28: {  	p0 =	sne.s32 s18, $0x4F0;
	_ =	swait.ge [sflag:s9], $0x80  }
0x29: {  	[sflag:s9] =	ssyncset.done $0x0  }
0x2a: {  	s18 =	sadd.s32 s17, s7;
	s17 =	smov.u32 s20;
	[sflag:s9] =	ssyncadd.s32 $0xFFFFFF80  }
0x2b: {  	[tilespmem:s10], [sflag:$0x2] =	stream.linear.gather [hbm4b:s18+s2], $0x80, $0x38;
	[tilespmem:$0x8100] =	vst v63  }
0x2c: {  	_ =	swait.ge [sflag:s9], $0x80  }
0x2d: {  	[sflag:s9] =	ssyncset.done $0x0  }
0x2e: {  	[sflag:s9] =	ssyncadd.s32 $0xFFFFFF80  }
0x2f: {  	[tilespmem:s11], [sflag:$0x1] =	stream.indirect.gather [hbm4b:s3+s10], $0x80, s2, s10, $0xb8;
	[tilespmem:$0x8100] =	vst v63  }
0x30: {  	_ =	swait.ge [sflag:s12], $0x4000  }
0x31: {  	[sflag:s12] =	ssyncset.done $0x0  }
0x32: {  	[sflag:s12] =	ssyncadd.s32 $0xFFFFC000  }
0x33: {  	[tilespmem:s13], [sflag:$0x1] =	stream.indirect.gather [hbm4b:s3+s10], $0x80, s10, s10, $0xb8;
	[tilespmem:$0x8100] =	vst v63  }
0x34: {  	_ =	swait.ge [sflag:s12], $0x4000  }
0x35: {  	[sflag:s12] =	ssyncset.done $0x0  }
0x36: {  	[sflag:s12] =	ssyncadd.s32 $0xFFFFC000  }
0x37: {  	[hbm4b:s16+s2] =	stream.linear.scatter [tilespmem:s11], [sflag:$0x2], $0x4000, $0x38;
	[tilespmem:$0x8100] =	vst v63  }
0x38: {  	_ =	swait.ge [sflag:s9], $0x4000  }
.Ltmp0:
0x39: {  	[sflag:s9] =	ssyncset.done $0x0;
	(pc) =	sbr.rel @p0 .LBB2_2-.Ltmp0, $4  }
0x3a: {  	[sflag:s9] =	ssyncadd.s32 $0xFFFFC000  }
0x3b: {  	[hbm4b:s15+s2] =	stream.linear.scatter [tilespmem:s13], [sflag:$0x2], $0x4000, $0x38;
	[tilespmem:$0x8100] =	vst v63  }
0x3c: {  	s18 =	smov.u32 s21;
	_ =	swait.ge [sflag:s9], $0x4000  }
0x3d: {  	s16 =	sadd.s32 $0x800, s16;
	s15 =	sadd.s32 $0x800, s15;
	[sflag:s9] =	ssyncset.done $0x0  }
0x3e: {  	s18 =	sadd.s32 s17, s8;
	[sflag:s9] =	ssyncadd.s32 $0xFFFFC000  }
0x3f: {  	[tilespmem:s2], [sflag:$0x2] =	stream.linear.gather [hbm4b:s18+s2], $0x80, $0x38;
	[tilespmem:$0x8100] =	vst v63  }
0x40: {  	_ =	swait.ge [sflag:s9], $0x80  }
0x41: {  	[sflag:s9] =	ssyncset.done $0x0  }
0x42: {  	s31 =	sadd.s32 s17, s7;
	[sflag:s9] =	ssyncadd.s32 $0xFFFFFF80  }
0x43: {  	[tilespmem:s10], [sflag:$0x2] =	stream.linear.gather [hbm4b:s31+s2], $0x80, $0x38;
	[tilespmem:$0x8100] =	vst v63  }
0x44: {  	_ =	swait.ge [sflag:s9], $0x80  }
0x45: {  	[sflag:s9] =	ssyncset.done $0x0  }
0x46: {  	[sflag:s9] =	ssyncadd.s32 $0xFFFFFF80  }
0x47: {  	[tilespmem:s11], [sflag:$0x1] =	stream.indirect.gather [hbm4b:s3+s10], $0x80, s2, s10, $0xb8;
	[tilespmem:$0x8100] =	vst v63  }
0x48: {  	_ =	swait.ge [sflag:s12], $0x4000  }
0x49: {  	[sflag:s12] =	ssyncset.done $0x0  }
0x4a: {  	[sflag:s12] =	ssyncadd.s32 $0xFFFFC000  }
0x4b: {  	[tilespmem:s13], [sflag:$0x1] =	stream.indirect.gather [hbm4b:s3+s10], $0x80, s10, s10, $0xb8;
	[tilespmem:$0x8100] =	vst v63  }
0x4c: {  	_ =	swait.ge [sflag:s12], $0x4000  }
0x4d: {  	[sflag:s12] =	ssyncset.done $0x0  }
0x4e: {  	[sflag:s12] =	ssyncadd.s32 $0xFFFFC000  }
0x4f: {  	[hbm4b:s16+s2] =	stream.linear.scatter [tilespmem:s11], [sflag:$0x2], $0x4000, $0x38;
	[tilespmem:$0x8100] =	vst v63  }
0x50: {  	s14 =	sadd.s32 $0x1, s14;
	_ =	swait.ge [sflag:s9], $0x4000  }
0x51: {  	p0 =	sne.s32 s14, s4;
	[sflag:s9] =	ssyncset.done $0x0  }
.Ltmp1:
0x52: {  	[sflag:s9] =	ssyncadd.s32 $0xFFFFC000;
	(pc) =	sbr.rel @p0 .LBB2_1-.Ltmp1, $4  }
0x53: {  	[hbm4b:s15+s2] =	stream.linear.scatter [tilespmem:s13], [sflag:$0x2], $0x4000, $0x38;
	[tilespmem:$0x8100] =	vst v63  }
0x54: {  	_ =	swait.ge [sflag:s9], $0x4000  }
0x55: {  	[sflag:s9] =	ssyncset.done $0x0  }
0x56: {  	[sflag:s9] =	ssyncadd.s32 $0xFFFFC000  }
0x57: {  	_ =	sfence.sel $0x180000  }
0x58: {  	[bflag:$0x0] =	sbarrier.arrive $0xFFFF  }
0x59: {  	p0 =	sne.s32 s1, $0x0;
	_ =	strace $0x90000047  }
0x5a: {  	s0 =	sadd.s32 @!p0 $0x100000, s0;
	[bflag:$0x2] =	sbarrier.arrive $0xFFFF  }
0x5b: {  	[sflag:s0] =	ssyncadd.tile.s32 @!p0 $0x1;
	_ =	shalt  }
.Lfunc_end2:
_tile_overlayer_lowered:
.L_overlay_start_2:
0x5c: {  	(tag) =	ssettag $0x2  }
0x5d: {  	s0 =	rddreg [dreg:$0x0];
	s2 =	stileid.u32  }
0x5e: {  	s1 =	rddreg [dreg:$0x1];
	p0 =	sne.s32 s2, $0x0  }
0x5f: {  	s3 =	rddreg [dreg:$0x2];
	[bflag:$0x3] =	sbarrier.arrive $0xFFFF;
	s2 =	simm.s32 @!p0 $0x1C02  }
0x60: {  	[timem:s3], [sflag:s2] =	dma.local @!p0 [hbm:s0], s1  }
0x61: {  	s0 =	simm.s32 @!p0 $0x2  }
0x62: {  	_ =	swait.ge @!p0 [sflag:s0], s1  }
0x63: {  	s1 =	ssub.s32 @!p0 $0x0, s1;
	[sflag:s0] =	ssyncset.done @!p0 $0x0  }
0x64: {  	[sflag:s0] =	ssyncadd.s32 @!p0 s1  }
0x65: {  	[bflag:$0x3] =	sbarrier.arrive $0xFFFF  }
0x66: {  	_ =	shalt  }

// kernel: kernel.23.cloned.1.call-start
scs
__scs_entry_jumppad:
0x0: {  	(pc) =	sbr.rel $0x88, $3  }
0x1: {  	(tag) =	ssettag $0x0;
	lr =	simm.s32 $0x1  }
0x2: {  	[smem:$0x3F68] =	sst lr;
	_ =	strace $0xD0000000  }
0x3: {  	_ = 	snop  }
0x4: {  	_ = 	snop  }
0x5: {  	_ = 	snop  }
0x6: {  	_ = 	snop  }
0x7: {  	_ = 	snop  }
__scs_overlays_trampoline_lowered:
0x8: {  	[smem:$0x3F77] =	sst s0  }
0x9: {  	[smem:$0x3F78] =	sst s1  }
0xa: {  	[smem:$0x3F79] =	sst s2  }
0xb: {  	[smem:$0x3F7A] =	sst s3  }
0xc: {  	[smem:$0x3F7B] =	sst s4  }
0xd: {  	[smem:$0x3F7C] =	sst s5  }
0xe: {  	[smem:$0x3F7D] =	sst s6  }
0xf: {  	[smem:$0x3F7E] =	sst s7  }
0x10: {  	[smem:$0x3F7F] =	sst s8  }
0x11: {  	[smem:$0x3F80] =	sst s9;
	s0 =	simm.s32 @!p0 $0x0  }
0x12: {  	s1 =	sld [smem:$0x3F66];
	s0 =	simm.s32 @p0 $0x1  }
0x13: {  	[smem:$0x3F81] =	sst s0;
	s0 =	simm.s32 @!p1 $0x0  }
0x14: {  	s2 =	sld [smem:$0x3F65];
	s0 =	simm.s32 @p1 $0x1  }
0x15: {  	[smem:$0x3F82] =	sst s0;
	s0 =	simm.s32 @!p2 $0x0  }
0x16: {  	s3 =	sld [smem:$0x3FDB];
	s0 =	simm.s32 @p2 $0x1  }
0x17: {  	s4 =	simm.s32 $0x1BF5;
	[smem:$0x3F84] =	sst s0  }
0x18: {  	s0 =	sld [smem:$0x3F67];
	_ =	swait.ge [sflag:s4], $0x0  }
0x19: {  	s7 =	sld [smem:$0x3F68]  }
0x1a: {  	s8 =	sadd.s32 $0xFFFFE003, lr  }
0x1b: {  	s9 =	sadd.s32 $0xFFFFFEF7, lr;
	s5 =	simm.s32 $0xFFFFFFFF;
	p2 =	slt.u32 s8, $0xFFFFF086  }
0x1c: {  	p1 =	slt.u32 s9, $0xF7A;
	s5 =	simm.s32 @!p2 $0x0  }
0x1d: {  	s5 =	simm.s32 @p1 $0x1;
	p0 =	seq.s32 s7, s2  }
0x1e: {  	s7 =	smul.u32 @!p0 $0xF7A, s2;
	p2 =	seq.s32 @!p0 s5, $0x0  }
0x1f: {  	s9 =	smul.u32 $0xF7A, s1;
	s8 =	simm.s32 @!p0 $0x1BF5;
	p2 =	por !p2, p0  }
0x20: {  	[sflag:s8] =	ssyncset.s32 @!p0 $0xFFFFF086;
	s6 =	sadd.s32 @!p0 s3, s7;
	s7 =	simm.s32 @!p0 $0x108  }
0x21: {  	s3 =	sadd.s32 s3, s9;
	s6 =	sadd.s32 @!p0 $0x88, s6;
	s7 =	simm.s32 @p2 $0x1082  }
0x22: {  	[simem:s7], [sflag:s8] =	dma.local @!p0 [hbm:s6], $0xF7A  }
0x23: {  	s9 =	sor.u32 $0xD0000000, s2;
	s6 =	simm.s32 $0x108;
	_ =	swait.ge @!p0 [sflag:s8], $0x0  }
0x24: {  	s3 =	sadd.s32 $0x88, s3;
	s6 =	simm.s32 @!p1 $0x1082;
	[sflag:s4] =	ssyncset.s32 $0xFFFFF086  }
0x25: {  	[simem:s6], [sflag:s4] =	dma.local [hbm:s3], $0xF7A  }
0x26: {  	[smem:$0x3F68] =	sst s1;
	(tag) =	ssettag s2;
	_ =	strace s9  }
0x27: {  	s1 =	sld [smem:$0x3F78]  }
0x28: {  	s2 =	sld [smem:$0x3F79]  }
0x29: {  	s4 =	sld [smem:$0x3F7B]  }
0x2a: {  	p0 =	seq.s32 s5, $0x0;
	s5 =	sld [smem:$0x3F7C]  }
0x2b: {  	s6 =	sld [smem:$0x3F7D]  }
0x2c: {  	s7 =	sld [smem:$0x3F7E]  }
0x2d: {  	s3 =	simm.s32 $0x108;
	s8 =	sld [smem:$0x3F7F]  }
0x2e: {  	s3 =	simm.s32 @!p0 $0x1082;
	s9 =	sld [smem:$0x3F80]  }
0x2f: {  	lr =	sadd.s32 s0, s3;
	s0 =	sld [smem:$0x3F77]  }
0x30: {  	s3 =	sld [smem:$0x3F7A]  }
0x31: {  	[smem:$0x3F83] =	sst s10  }
0x32: {  	s10 =	sld [smem:$0x3F81];
	_ =	sdelay $0x3  }
0x33: {  	p0 =	seq.s32 s10, $0x1;
	s10 =	sld [smem:$0x3F83];
	_ =	sdelay $0x3  }
0x34: {  	[smem:$0x3F83] =	sst s10  }
0x35: {  	s10 =	sld [smem:$0x3F82];
	_ =	sdelay $0x3  }
0x36: {  	p1 =	seq.s32 s10, $0x1;
	s10 =	sld [smem:$0x3F83];
	_ =	sdelay $0x3  }
0x37: {  	[smem:$0x3F83] =	sst s10  }
0x38: {  	s10 =	sld [smem:$0x3F84]  }
0x39: {  	_ = 	snop;
	(pc) =	sbr.ind lr, $3  }
0x3a: {  	_ = 	snop  }
0x3b: {  	_ = 	snop  }
0x3c: {  	p2 =	seq.s32 s10, $0x1;
	s10 =	sld [smem:$0x3F83]  }
0x3d: {  	_ =	shalt  }
0x3e: {  	_ =	shalt  }
0x3f: {  	_ =	shalt  }
0x40: {  	_ =	shalt  }
0x41: {  	_ =	shalt  }
0x42: {  	_ =	shalt  }
0x43: {  	_ =	shalt  }
0x44: {  	_ =	shalt  }
0x45: {  	_ =	shalt  }
0x46: {  	_ =	shalt  }
0x47: {  	_ =	shalt  }
0x48: {  	_ =	shalt  }
0x49: {  	_ =	shalt  }
0x4a: {  	_ =	shalt  }
0x4b: {  	_ =	shalt  }
0x4c: {  	_ =	shalt  }
0x4d: {  	_ =	shalt  }
0x4e: {  	_ =	shalt  }
0x4f: {  	_ =	shalt  }
0x50: {  	_ =	shalt  }
0x51: {  	_ =	shalt  }
0x52: {  	_ =	shalt  }
0x53: {  	_ =	shalt  }
0x54: {  	_ =	shalt  }
0x55: {  	_ =	shalt  }
0x56: {  	_ =	shalt  }
0x57: {  	_ =	shalt  }
0x58: {  	_ =	shalt  }
0x59: {  	_ =	shalt  }
0x5a: {  	_ =	shalt  }
0x5b: {  	_ =	shalt  }
0x5c: {  	_ =	shalt  }
0x5d: {  	_ =	shalt  }
0x5e: {  	_ =	shalt  }
0x5f: {  	_ =	shalt  }
0x60: {  	_ =	shalt  }
0x61: {  	_ =	shalt  }
0x62: {  	_ =	shalt  }
0x63: {  	_ =	shalt  }
0x64: {  	_ =	shalt  }
0x65: {  	_ =	shalt  }
0x66: {  	_ =	shalt  }
0x67: {  	_ =	shalt  }
0x68: {  	_ =	shalt  }
0x69: {  	_ =	shalt  }
0x6a: {  	_ =	shalt  }
0x6b: {  	_ =	shalt  }
0x6c: {  	_ =	shalt  }
0x6d: {  	_ =	shalt  }
0x6e: {  	_ =	shalt  }
0x6f: {  	_ =	shalt  }
0x70: {  	_ =	shalt  }
0x71: {  	_ =	shalt  }
0x72: {  	_ =	shalt  }
0x73: {  	_ =	shalt  }
0x74: {  	_ =	shalt  }
0x75: {  	_ =	shalt  }
0x76: {  	_ =	shalt  }
0x77: {  	_ =	shalt  }
0x78: {  	_ =	shalt  }
0x79: {  	_ =	shalt  }
0x7a: {  	_ =	shalt  }
0x7b: {  	_ =	shalt  }
0x7c: {  	_ =	shalt  }
0x7d: {  	_ =	shalt  }
0x7e: {  	_ =	shalt  }
0x7f: {  	_ =	shalt  }
0x80: {  	_ =	shalt  }
0x81: {  	_ =	shalt  }
0x82: {  	_ =	shalt  }
0x83: {  	_ =	shalt  }
0x84: {  	_ =	shalt  }
0x85: {  	_ =	shalt  }
0x86: {  	_ =	shalt  }
0x87: {  	_ =	shalt  }
.Lfunc_end0:
.L_simem_size_0:
called_computation.1_lowered:
.L_overlay_start_0:
0x88: {  	s2 =	sld [smem:$0x3FD9]  }
0x89: {  	s3 =	sld [smem:$0x3FFE];
	_ =	sdelay $0x1  }
0x8a: {  	s1 =	srdreg.scid  }
0x8b: {  	s0 =	sand.u32 $0x1, s1  }
0x8c: {  	s16 =	sshll.u32 s0, $0xA;
	s2 =	sadd.s32 s3, s2  }
0x8d: {  	s2 =	sadd.s32 s2, s16  }
0x8e: {  	[smem:$0x3F8F] =	sst s2  }
0x8f: {  	_ = 	snop  }
0x90: {  	(tm) =	ssettm $0x1  }
0x91: {  	s17 =	sld [smem:$0x3FFB];
	_ =	sdelay $0x3  }
0x92: {  	_ =	strace s17  }
0x93: {  	s2 =	sld [smem:$0x3FFC];
	_ =	sdelay $0x3  }
0x94: {  	_ =	strace s2  }
0x95: {  	s2 =	sld [smem:$0x3FFD];
	_ =	sdelay $0x3  }
0x96: {  	_ =	strace s2  }
0x97: {  	_ =	strace $0x8FFFFFFF  }
0x98: {  	s18 =	sld [smem:$0x3FDB];
	_ =	sdelay $0x1  }
0x99: {  	s19 =	simm.s32 $_scs_section_size  }
0x9a: {  	s4 =	simm.s32 $_size__tile_overlayer_lowered;
	s5 =	simm.s32 $_tile_overlayer_lowered  }
0x9b: {  	s22 =	simm.s32 $0x1BFF;
	s21 =	sshll.u32 s5, $0x1;
	s2 =	sadd.s32 s19, s18  }
0x9c: {  	s6 =	simm.s32 $0x0;
	s20 =	sshll.u32 s4, $0x1;
	s4 =	sadd.s32 s21, s2  }
0x9d: {  	[timem:s6], [sflag:s22] =	dma.local [hbm:s4], s20  }
0x9e: {  	_ =	swait.ge [sflag:s22], s20  }
0x9f: {  	s3 =	ssub.s32 $0x0, s20;
	[sflag:s22] =	ssyncset.done $0x0  }
0xa0: {  	[sflag:s22] =	ssyncadd.s32 s3;
	_ =	sdelay $0x1  }
0xa1: {  	s23 =	simm.s32 $0x1B8B  }
0xa2: {  	_ =	swait.ge [sflag:s23], $0x1  }
0xa3: {  	[sflag:s23] =	ssyncset.done $0x0  }
0xa4: {  	s25 =	simm.s32 $0x1B8E;
	s24 =	sld [smem:$0x3FFE];
	[sflag:s23] =	ssyncadd.s32 $0xFFFFFFFF  }
0xa5: {  	s26 =	simm.s32 $execute0_lowered;
	[smem:$0x3FD2] =	sst s25  }
0xa6: {  	s4 =	sshll.u32 s26, $0x1;
	_ =	strace $0x80000049;
	[dreg:$0x1] =	wrdreg $0xFFFFFFFF  }
0xa7: {  	s28 =	simm.s32 $_size_execute0_lowered;
	s2 =	sadd.s32 s2, s4;
	[dreg:$0x0] =	wrdreg $0x0  }
0xa8: {  	s4 =	sshll.u32 s28, $0x1;
	[dreg:$0x2] =	wrdreg s2  }
0xa9: {  	[dreg:$0x3] =	wrdreg s4  }
0xaa: {  	[dreg:$0x4] =	wrdreg $0xC0  }
0xab: {  	_ =	task [dreg:s6], $0x5FFFF  }
0xac: {  	[dreg:$0x1] =	wrdreg $0xFFFFFFFF  }
0xad: {  	[dreg:$0x0] =	wrdreg $0x60  }
0xae: {  	[dreg:$0x2] =	wrdreg s24  }
0xaf: {  	[dreg:$0x3] =	wrdreg $0x40800  }
0xb0: {  	[dreg:$0x4] =	wrdreg $0x9  }
0xb1: {  	_ =	task.clear_ibuf [dreg:s6], $0x5FFFF;
	_ =	strace $0x90000049  }
0xb2: {  	s29 =	simm.s32 $0x9;
	_ =	strace $0x8000004B  }
0xb3: {  	_ =	swait.ge [sflag:s29], $0x1  }
0xb4: {  	[sflag:s29] =	ssyncadd.s32 $0xFFFFFFFF  }
0xb5: {  	_ =	strace $0x9000004B  }
0xb6: {  	_ =	sfence  }
0xb7: {  	s30 =	sld [smem:$0x0];
	_ =	sdelay $0x2  }
0xb8: {  	s31 =	sshll.u32 s1, $0xD;
	s1 =	sshrl.u32 s1, $0x2  }
0xb9: {  	s3 =	sand.u32 $0x4000, s31;
	s1 =	sadd.s32 s1, s30  }
0xba: {  	s0 =	sor.u32 s3, s0;
	s1 =	sshll.u32 s1, $0x11  }
0xbb: {  	s0 =	sor.u32 s1, s0  }
0xbc: {  	s0 =	sadd.s32 $0x8F2B, s0  }
0xbd: {  	[sflag:s0] =	ssyncadd.remote.s32 $0x1  }
0xbe: {  	_ =	sfence.sel $0xFFFF  }
0xbf: {  	[dreg:$0x0] =	wrdreg $0xFFFFFFFF;
	(pc) =	sbr.abs _section_cstart, $3  }
0xc0: {  	[dreg:$0x1] =	wrdreg $0xFFFFFFFF  }
0xc1: {  	_ =	task.clear_ibuf [dreg:s6], $0x2FFFF;
	_ =	strace $0x9FFFFFFF  }
0xc2: {  	(tm) =	ssettm $0x7FFFFFFF  }
0xc3: {  	_ =	shalt  }
tec
execute0_lowered:
.L_overlay_start_1:
0x0: {  	(tag) =	ssettag $0x1  }
0x1: {  	s0 =	stileid.u32  }
0x2: {  	s1 =	srdreg.scid;
	s4 =	smul.u32 $0x50000, s0  }
0x3: {  	s5 =	rddreg [dreg:$0x0];
	s7 =	smul.u32 $0x5000, s0  }
0x4: {  	s2 =	rddreg [dreg:$0x1];
	s6 =	sand.u32 $0x1, s1;
	s9 =	smul.u32 $0x14000, s0  }
0x5: {  	s3 =	simm.s32 $0x0;
	s1 =	rddreg [dreg:$0x2];
	s8 =	smul.u32 $0x2800, s6  }
0x6: {  	[smem:$0x7FF] =	sst s3;
	s29 =	sshll.u32 s0, $0x6;
	s25 =	smul.u32 $0x140000, s6  }
0x7: {  	_ =	strace $0x8000004A;
	s28 =	ssub.s32 $0x2, s6;
	s30 =	smul.u32 $0x28000, s6  }
0x8: {  	s10 =	sadd.s32 s4, s5;
	s12 =	sshrl.u32 s28, $0x1;
	s4 =	sshrl.u32 s4, $0x2  }
0x9: {  	s7 =	sadd.s32 s8, s7;
	s26 =	sadd.s32 s9, s25;
	s9 =	sshrl.u32 s9, $0x3  }
0xa: {  	s8 =	ssub.s32 s28, s12;
	s13 =	sadd.s32 s4, s2;
	s31 =	sadd.s32 s30, s10  }
0xb: {  	s12 =	simm.s32 $0x80;
	s7 =	sshrl.u32 s7, $0x3;
	s9 =	sadd.s32 s9, s5  }
0xc: {  	s10 =	sshrl.u32 s13, $0x3;
	s11 =	sadd.s32 s7, s5;
	s7 =	sshrl.u32 s26, $0x3  }
0xd: {  	s13 =	simm.s32 $0x0;
	s4 =	sadd.s32 $0xF72200, s9;
	s7 =	sadd.s32 s7, s5  }
0xe: {  	s5 =	sor.u32 $0x1C01, s29;
	s9 =	sadd.s32 $0x49E00, s11;
	s11 =	simm.s32 $0x1  }
0xf: {  	s6 =	sadd.s32 $0xF9A200, s7;
	s7 =	smax.u32 s8, $0x1;
	s8 =	sadd.s32 $0x1472200, s31  }
.LBB2_1:
0x10: {  	[spmem:s10], [sflag:s5] =	dma.local [hbm:s4], $0x2800  }
0x11: {  	_ =	swait.ge [sflag:s11], $0x2800  }
0x12: {  	[sflag:s11] =	ssyncset.done $0x0  }
0x13: {  	[sflag:s11] =	ssyncadd.s32 $0xFFFFD800  }
0x14: {  	s14 =	sadd.s32 $0x0, s9;
	[bflag:$0x0] =	sbarrier.arrive $0xFFFF  }
0x15: {  	[tilespmem:s3], [sflag:$0x1] =	stream.linear.gather [hbm4b:s14+s3], $0x80, $0x38;
	[tilespmem:$0x18080] =	vst v63  }
0x16: {  	_ =	swait.ge [sflag:s11], $0x80  }
0x17: {  	[sflag:s11] =	ssyncset.done $0x0  }
0x18: {  	[sflag:s11] =	ssyncadd.s32 $0xFFFFFF80  }
0x19: {  	[tilespmem:s12], [sflag:$0x1] =	stream.linear.gather [hbm4b:s8+s3], $0x4000, $0x38;
	[tilespmem:$0x18080] =	vst v63  }
0x1a: {  	_ =	swait.ge [sflag:s11], $0x4000  }
0x1b: {  	[sflag:s11] =	ssyncset.done $0x0  }
0x1c: {  	[sflag:s11] =	ssyncadd.s32 $0xFFFFC000  }
0x1d: {  	[spmem:s2] =	stream.indirect.scatter.add.f32 [tilespmem:s12], [sflag:$0x1], $0x80, s3, s12, $0xb8;
	[tilespmem:$0x18080] =	vst v63  }
0x1e: {  	s15 =	simm.s32 $0x10;
	_ =	swait.ge [sflag:s11], $0x4000  }
0x1f: {  	s16 =	simm.s32 $0x20;
	s14 =	sadd.s32 $0x800, s8;
	[sflag:s11] =	ssyncset.done $0x0  }
.LBB2_2:
0x20: {  	s17 =	sadd.s32 s15, s9  }
0x21: {  	[sflag:s11] =	ssyncadd.s32 $0xFFFFC000;
	s15 =	smov.u32 s16;
	s18 =	sadd.s32 $0x10, s16  }
0x22: {  	[tilespmem:s3], [sflag:$0x1] =	stream.linear.gather [hbm4b:s17+s3], $0x80, $0x38;
	[tilespmem:$0x18080] =	vst v63  }
0x23: {  	p0 =	sne.s32 s16, $0x4F0;
	_ =	swait.ge [sflag:s11], $0x80  }
0x24: {  	[sflag:s11] =	ssyncset.done $0x0  }
0x25: {  	[sflag:s11] =	ssyncadd.s32 $0xFFFFFF80  }
0x26: {  	[tilespmem:s12], [sflag:$0x1] =	stream.linear.gather [hbm4b:s14+s3], $0x4000, $0x38;
	[tilespmem:$0x18080] =	vst v63  }
0x27: {  	_ =	swait.ge [sflag:s11], $0x4000  }
.Ltmp0:
0x28: {  	[sflag:s11] =	ssyncset.done $0x0;
	(pc) =	sbr.rel @p0 .LBB2_2-.Ltmp0, $4  }
0x29: {  	[sflag:s11] =	ssyncadd.s32 $0xFFFFC000  }
0x2a: {  	[spmem:s2] =	stream.indirect.scatter.add.f32 [tilespmem:s12], [sflag:$0x1], $0x80, s3, s12, $0xb8;
	[tilespmem:$0x18080] =	vst v63  }
0x2b: {  	_ =	swait.ge [sflag:s11], $0x4000  }
0x2c: {  	s16 =	smov.u32 s18;
	s14 =	sadd.s32 $0x800, s14;
	[sflag:s11] =	ssyncset.done $0x0  }
0x2d: {  	s15 =	sadd.s32 s15, s9;
	[sflag:s11] =	ssyncadd.s32 $0xFFFFC000  }
0x2e: {  	[tilespmem:s3], [sflag:$0x1] =	stream.linear.gather [hbm4b:s15+s3], $0x80, $0x38;
	[tilespmem:$0x18080] =	vst v63  }
0x2f: {  	_ =	swait.ge [sflag:s11], $0x80  }
0x30: {  	[sflag:s11] =	ssyncset.done $0x0  }
0x31: {  	[sflag:s11] =	ssyncadd.s32 $0xFFFFFF80  }
0x32: {  	[tilespmem:s12], [sflag:$0x1] =	stream.linear.gather [hbm4b:s14+s3], $0x4000, $0x38;
	[tilespmem:$0x18080] =	vst v63  }
0x33: {  	_ =	swait.ge [sflag:s11], $0x4000  }
0x34: {  	[sflag:s11] =	ssyncset.done $0x0  }
0x35: {  	[sflag:s11] =	ssyncadd.s32 $0xFFFFC000  }
0x36: {  	[spmem:s2] =	stream.indirect.scatter.add.f32 [tilespmem:s12], [sflag:$0x1], $0x80, s3, s12, $0xb8;
	[tilespmem:$0x18080] =	vst v63  }
0x37: {  	_ =	swait.ge [sflag:s11], $0x4000  }
0x38: {  	s13 =	sadd.s32 $0x1, s13;
	[sflag:s11] =	ssyncset.done $0x0  }
0x39: {  	p0 =	sne.s32 s13, s7;
	[sflag:s11] =	ssyncadd.s32 $0xFFFFC000  }
.Ltmp1:
0x3a: {  	[bflag:$0x0] =	sbarrier.arrive $0xFFFF;
	(pc) =	sbr.rel @p0 .LBB2_1-.Ltmp1, $4  }
0x3b: {  	[hbm:s6], [sflag:s5] =	dma.local [spmem:s10], $0x2800  }
0x3c: {  	_ =	swait.ge [sflag:s11], $0x2800  }
0x3d: {  	[sflag:s11] =	ssyncset.done $0x0  }
0x3e: {  	[sflag:s11] =	ssyncadd.s32 $0xFFFFD800  }
0x3f: {  	_ =	sfence.sel $0x180000  }
0x40: {  	[bflag:$0x0] =	sbarrier.arrive $0xFFFF  }
0x41: {  	p0 =	sne.s32 s0, $0x0;
	_ =	strace $0x9000004A  }
0x42: {  	s0 =	sadd.s32 @!p0 $0x100000, s1;
	[bflag:$0x2] =	sbarrier.arrive $0xFFFF  }
0x43: {  	[sflag:s0] =	ssyncadd.tile.s32 @!p0 $0x1;
	_ =	shalt  }
.Lfunc_end2:
_tile_overlayer_lowered:
.L_overlay_start_2:
0x44: {  	(tag) =	ssettag $0x2  }
0x45: {  	s0 =	rddreg [dreg:$0x0];
	s2 =	stileid.u32  }
0x46: {  	s1 =	rddreg [dreg:$0x1];
	p0 =	sne.s32 s2, $0x0  }
0x47: {  	s3 =	rddreg [dreg:$0x2];
	[bflag:$0x3] =	sbarrier.arrive $0xFFFF;
	s2 =	simm.s32 @!p0 $0x1C01  }
0x48: {  	[timem:s3], [sflag:s2] =	dma.local @!p0 [hbm:s0], s1  }
0x49: {  	s0 =	simm.s32 @!p0 $0x1  }
0x4a: {  	_ =	swait.ge @!p0 [sflag:s0], s1  }
0x4b: {  	s1 =	ssub.s32 @!p0 $0x0, s1;
	[sflag:s0] =	ssyncset.done @!p0 $0x0  }
0x4c: {  	[sflag:s0] =	ssyncadd.s32 @!p0 s1  }
0x4d: {  	[bflag:$0x3] =	sbarrier.arrive $0xFFFF  }
0x4e: {  	_ =	shalt  }

// kernel: kernel.26.cloned.1.call-start
scs
__scs_entry_jumppad:
0x0: {  	(pc) =	sbr.rel $0x88, $3  }
0x1: {  	(tag) =	ssettag $0x0;
	lr =	simm.s32 $0x1  }
0x2: {  	[smem:$0x3F68] =	sst lr;
	_ =	strace $0xD0000000  }
0x3: {  	_ = 	snop  }
0x4: {  	_ = 	snop  }
0x5: {  	_ = 	snop  }
0x6: {  	_ = 	snop  }
0x7: {  	_ = 	snop  }
__scs_overlays_trampoline_lowered:
0x8: {  	[smem:$0x3F77] =	sst s0  }
0x9: {  	[smem:$0x3F78] =	sst s1  }
0xa: {  	[smem:$0x3F79] =	sst s2  }
0xb: {  	[smem:$0x3F7A] =	sst s3  }
0xc: {  	[smem:$0x3F7B] =	sst s4  }
0xd: {  	[smem:$0x3F7C] =	sst s5  }
0xe: {  	[smem:$0x3F7D] =	sst s6  }
0xf: {  	[smem:$0x3F7E] =	sst s7  }
0x10: {  	[smem:$0x3F7F] =	sst s8  }
0x11: {  	[smem:$0x3F80] =	sst s9;
	s0 =	simm.s32 @!p0 $0x0  }
0x12: {  	s1 =	sld [smem:$0x3F66];
	s0 =	simm.s32 @p0 $0x1  }
0x13: {  	[smem:$0x3F81] =	sst s0;
	s0 =	simm.s32 @!p1 $0x0  }
0x14: {  	s2 =	sld [smem:$0x3F65];
	s0 =	simm.s32 @p1 $0x1  }
0x15: {  	[smem:$0x3F82] =	sst s0;
	s0 =	simm.s32 @!p2 $0x0  }
0x16: {  	s3 =	sld [smem:$0x3FDB];
	s0 =	simm.s32 @p2 $0x1  }
0x17: {  	s4 =	simm.s32 $0x1BF5;
	[smem:$0x3F84] =	sst s0  }
0x18: {  	s0 =	sld [smem:$0x3F67];
	_ =	swait.ge [sflag:s4], $0x0  }
0x19: {  	s7 =	sld [smem:$0x3F68]  }
0x1a: {  	s8 =	sadd.s32 $0xFFFFE003, lr  }
0x1b: {  	s9 =	sadd.s32 $0xFFFFFEF7, lr;
	s5 =	simm.s32 $0xFFFFFFFF;
	p2 =	slt.u32 s8, $0xFFFFF086  }
0x1c: {  	p1 =	slt.u32 s9, $0xF7A;
	s5 =	simm.s32 @!p2 $0x0  }
0x1d: {  	s5 =	simm.s32 @p1 $0x1;
	p0 =	seq.s32 s7, s2  }
0x1e: {  	s7 =	smul.u32 @!p0 $0xF7A, s2;
	p2 =	seq.s32 @!p0 s5, $0x0  }
0x1f: {  	s9 =	smul.u32 $0xF7A, s1;
	s8 =	simm.s32 @!p0 $0x1BF5;
	p2 =	por !p2, p0  }
0x20: {  	[sflag:s8] =	ssyncset.s32 @!p0 $0xFFFFF086;
	s6 =	sadd.s32 @!p0 s3, s7;
	s7 =	simm.s32 @!p0 $0x108  }
0x21: {  	s3 =	sadd.s32 s3, s9;
	s6 =	sadd.s32 @!p0 $0x88, s6;
	s7 =	simm.s32 @p2 $0x1082  }
0x22: {  	[simem:s7], [sflag:s8] =	dma.local @!p0 [hbm:s6], $0xF7A  }
0x23: {  	s9 =	sor.u32 $0xD0000000, s2;
	s6 =	simm.s32 $0x108;
	_ =	swait.ge @!p0 [sflag:s8], $0x0  }
0x24: {  	s3 =	sadd.s32 $0x88, s3;
	s6 =	simm.s32 @!p1 $0x1082;
	[sflag:s4] =	ssyncset.s32 $0xFFFFF086  }
0x25: {  	[simem:s6], [sflag:s4] =	dma.local [hbm:s3], $0xF7A  }
0x26: {  	[smem:$0x3F68] =	sst s1;
	(tag) =	ssettag s2;
	_ =	strace s9  }
0x27: {  	s1 =	sld [smem:$0x3F78]  }
0x28: {  	s2 =	sld [smem:$0x3F79]  }
0x29: {  	s4 =	sld [smem:$0x3F7B]  }
0x2a: {  	p0 =	seq.s32 s5, $0x0;
	s5 =	sld [smem:$0x3F7C]  }
0x2b: {  	s6 =	sld [smem:$0x3F7D]  }
0x2c: {  	s7 =	sld [smem:$0x3F7E]  }
0x2d: {  	s3 =	simm.s32 $0x108;
	s8 =	sld [smem:$0x3F7F]  }
0x2e: {  	s3 =	simm.s32 @!p0 $0x1082;
	s9 =	sld [smem:$0x3F80]  }
0x2f: {  	lr =	sadd.s32 s0, s3;
	s0 =	sld [smem:$0x3F77]  }
0x30: {  	s3 =	sld [smem:$0x3F7A]  }
0x31: {  	[smem:$0x3F83] =	sst s10  }
0x32: {  	s10 =	sld [smem:$0x3F81];
	_ =	sdelay $0x3  }
0x33: {  	p0 =	seq.s32 s10, $0x1;
	s10 =	sld [smem:$0x3F83];
	_ =	sdelay $0x3  }
0x34: {  	[smem:$0x3F83] =	sst s10  }
0x35: {  	s10 =	sld [smem:$0x3F82];
	_ =	sdelay $0x3  }
0x36: {  	p1 =	seq.s32 s10, $0x1;
	s10 =	sld [smem:$0x3F83];
	_ =	sdelay $0x3  }
0x37: {  	[smem:$0x3F83] =	sst s10  }
0x38: {  	s10 =	sld [smem:$0x3F84]  }
0x39: {  	_ = 	snop;
	(pc) =	sbr.ind lr, $3  }
0x3a: {  	_ = 	snop  }
0x3b: {  	_ = 	snop  }
0x3c: {  	p2 =	seq.s32 s10, $0x1;
	s10 =	sld [smem:$0x3F83]  }
0x3d: {  	_ =	shalt  }
0x3e: {  	_ =	shalt  }
0x3f: {  	_ =	shalt  }
0x40: {  	_ =	shalt  }
0x41: {  	_ =	shalt  }
0x42: {  	_ =	shalt  }
0x43: {  	_ =	shalt  }
0x44: {  	_ =	shalt  }
0x45: {  	_ =	shalt  }
0x46: {  	_ =	shalt  }
0x47: {  	_ =	shalt  }
0x48: {  	_ =	shalt  }
0x49: {  	_ =	shalt  }
0x4a: {  	_ =	shalt  }
0x4b: {  	_ =	shalt  }
0x4c: {  	_ =	shalt  }
0x4d: {  	_ =	shalt  }
0x4e: {  	_ =	shalt  }
0x4f: {  	_ =	shalt  }
0x50: {  	_ =	shalt  }
0x51: {  	_ =	shalt  }
0x52: {  	_ =	shalt  }
0x53: {  	_ =	shalt  }
0x54: {  	_ =	shalt  }
0x55: {  	_ =	shalt  }
0x56: {  	_ =	shalt  }
0x57: {  	_ =	shalt  }
0x58: {  	_ =	shalt  }
0x59: {  	_ =	shalt  }
0x5a: {  	_ =	shalt  }
0x5b: {  	_ =	shalt  }
0x5c: {  	_ =	shalt  }
0x5d: {  	_ =	shalt  }
0x5e: {  	_ =	shalt  }
0x5f: {  	_ =	shalt  }
0x60: {  	_ =	shalt  }
0x61: {  	_ =	shalt  }
0x62: {  	_ =	shalt  }
0x63: {  	_ =	shalt  }
0x64: {  	_ =	shalt  }
0x65: {  	_ =	shalt  }
0x66: {  	_ =	shalt  }
0x67: {  	_ =	shalt  }
0x68: {  	_ =	shalt  }
0x69: {  	_ =	shalt  }
0x6a: {  	_ =	shalt  }
0x6b: {  	_ =	shalt  }
0x6c: {  	_ =	shalt  }
0x6d: {  	_ =	shalt  }
0x6e: {  	_ =	shalt  }
0x6f: {  	_ =	shalt  }
0x70: {  	_ =	shalt  }
0x71: {  	_ =	shalt  }
0x72: {  	_ =	shalt  }
0x73: {  	_ =	shalt  }
0x74: {  	_ =	shalt  }
0x75: {  	_ =	shalt  }
0x76: {  	_ =	shalt  }
0x77: {  	_ =	shalt  }
0x78: {  	_ =	shalt  }
0x79: {  	_ =	shalt  }
0x7a: {  	_ =	shalt  }
0x7b: {  	_ =	shalt  }
0x7c: {  	_ =	shalt  }
0x7d: {  	_ =	shalt  }
0x7e: {  	_ =	shalt  }
0x7f: {  	_ =	shalt  }
0x80: {  	_ =	shalt  }
0x81: {  	_ =	shalt  }
0x82: {  	_ =	shalt  }
0x83: {  	_ =	shalt  }
0x84: {  	_ =	shalt  }
0x85: {  	_ =	shalt  }
0x86: {  	_ =	shalt  }
0x87: {  	_ =	shalt  }
.Lfunc_end0:
.L_simem_size_0:
called_computation.2_lowered:
.L_overlay_start_0:
0x88: {  	s2 =	sld [smem:$0x3FD9]  }
0x89: {  	s3 =	sld [smem:$0x3FFE];
	_ =	sdelay $0x1  }
0x8a: {  	s1 =	srdreg.scid  }
0x8b: {  	s0 =	sand.u32 $0x1, s1  }
0x8c: {  	s16 =	sshll.u32 s0, $0xA;
	s2 =	sadd.s32 s3, s2  }
0x8d: {  	s2 =	sadd.s32 s2, s16  }
0x8e: {  	[smem:$0x3F8F] =	sst s2  }
0x8f: {  	_ = 	snop  }
0x90: {  	(tm) =	ssettm $0x1  }
0x91: {  	s17 =	sld [smem:$0x3FFB];
	_ =	sdelay $0x3  }
0x92: {  	_ =	strace s17  }
0x93: {  	s2 =	sld [smem:$0x3FFC];
	_ =	sdelay $0x3  }
0x94: {  	_ =	strace s2  }
0x95: {  	s2 =	sld [smem:$0x3FFD];
	_ =	sdelay $0x3  }
0x96: {  	_ =	strace s2  }
0x97: {  	_ =	strace $0x8FFFFFFF  }
0x98: {  	s18 =	sld [smem:$0x3FDB];
	_ =	sdelay $0x1  }
0x99: {  	s19 =	simm.s32 $_scs_section_size  }
0x9a: {  	s4 =	simm.s32 $_size__tile_overlayer_lowered;
	s5 =	simm.s32 $_tile_overlayer_lowered  }
0x9b: {  	s22 =	simm.s32 $0x1BFF;
	s21 =	sshll.u32 s5, $0x1;
	s2 =	sadd.s32 s19, s18  }
0x9c: {  	s6 =	simm.s32 $0x0;
	s20 =	sshll.u32 s4, $0x1;
	s4 =	sadd.s32 s21, s2  }
0x9d: {  	[timem:s6], [sflag:s22] =	dma.local [hbm:s4], s20  }
0x9e: {  	_ =	swait.ge [sflag:s22], s20  }
0x9f: {  	s3 =	ssub.s32 $0x0, s20;
	[sflag:s22] =	ssyncset.done $0x0  }
0xa0: {  	[sflag:s22] =	ssyncadd.s32 s3;
	_ =	sdelay $0x1  }
0xa1: {  	s23 =	simm.s32 $0x1B8B  }
0xa2: {  	_ =	swait.ge [sflag:s23], $0x1  }
0xa3: {  	[sflag:s23] =	ssyncset.done $0x0  }
0xa4: {  	s25 =	simm.s32 $0x1B8E;
	s24 =	sld [smem:$0x3FFE];
	[sflag:s23] =	ssyncadd.s32 $0xFFFFFFFF  }
0xa5: {  	s26 =	simm.s32 $execute0_lowered;
	[smem:$0x3FD2] =	sst s25  }
0xa6: {  	s4 =	sshll.u32 s26, $0x1;
	_ =	strace $0x8000004C;
	[dreg:$0x1] =	wrdreg $0xFFFFFFFF  }
0xa7: {  	s28 =	simm.s32 $_size_execute0_lowered;
	s2 =	sadd.s32 s2, s4;
	[dreg:$0x0] =	wrdreg $0x0  }
0xa8: {  	s4 =	sshll.u32 s28, $0x1;
	[dreg:$0x2] =	wrdreg s2  }
0xa9: {  	[dreg:$0x3] =	wrdreg s4  }
0xaa: {  	[dreg:$0x4] =	wrdreg $0xC0  }
0xab: {  	_ =	task [dreg:s6], $0x5FFFF  }
0xac: {  	[dreg:$0x1] =	wrdreg $0xFFFFFFFF  }
0xad: {  	[dreg:$0x0] =	wrdreg $0x60  }
0xae: {  	[dreg:$0x2] =	wrdreg s24  }
0xaf: {  	[dreg:$0x3] =	wrdreg $0x9  }
0xb0: {  	_ =	task.clear_ibuf [dreg:s6], $0x4FFFF;
	_ =	strace $0x9000004C  }
0xb1: {  	s29 =	simm.s32 $0x9;
	_ =	strace $0x8000004E  }
0xb2: {  	_ =	swait.ge [sflag:s29], $0x1  }
0xb3: {  	[sflag:s29] =	ssyncadd.s32 $0xFFFFFFFF  }
0xb4: {  	_ =	strace $0x9000004E  }
0xb5: {  	_ =	sfence  }
0xb6: {  	s30 =	sld [smem:$0x0];
	_ =	sdelay $0x2  }
0xb7: {  	s31 =	sshll.u32 s1, $0xD;
	s1 =	sshrl.u32 s1, $0x2  }
0xb8: {  	s3 =	sand.u32 $0x4000, s31;
	s1 =	sadd.s32 s1, s30  }
0xb9: {  	s0 =	sor.u32 s3, s0;
	s1 =	sshll.u32 s1, $0x11  }
0xba: {  	s0 =	sor.u32 s1, s0  }
0xbb: {  	s0 =	sadd.s32 $0x8F2B, s0  }
0xbc: {  	[sflag:s0] =	ssyncadd.remote.s32 $0x1  }
0xbd: {  	_ =	sfence.sel $0xFFFF  }
0xbe: {  	[dreg:$0x0] =	wrdreg $0xFFFFFFFF;
	(pc) =	sbr.abs _section_cstart, $3  }
0xbf: {  	[dreg:$0x1] =	wrdreg $0xFFFFFFFF  }
0xc0: {  	_ =	task.clear_ibuf [dreg:s6], $0x2FFFF;
	_ =	strace $0x9FFFFFFF  }
0xc1: {  	(tm) =	ssettm $0x7FFFFFFF  }
tec
execute0_lowered:
.L_overlay_start_1:
0x0: {  	(tag) =	ssettag $0x1  }
0x1: {  	s4 =	rddreg [dreg:$0x0]  }
0x2: {  	s0 =	rddreg [dreg:$0x1]  }
0x3: {  	s3 =	srdreg.scid;
	s1 =	stileid.u32;
	s2 =	simm.s32 $0x0  }
0x4: {  	s10 =	simm.s32 $0x80;
	s11 =	simm.s32 $0x100;
	s12 =	simm.s32 $0x1  }
0x5: {  	s13 =	simm.s32 $0x4100;
	s14 =	simm.s32 $0x0;
	s6 =	smul.u32 $0x5000, s1  }
0x6: {  	s5 =	sand.u32 $0x1, s3;
	[smem:$0x7FF] =	sst s2;
	s8 =	smul.u32 $0x50000, s1  }
0x7: {  	s3 =	sadd.s32 $0xF9A200, s4;
	s7 =	smul.u32 $0x2800, s5;
	s9 =	ssub.s32 $0x2, s5  }
0x8: {  	_ =	strace $0x8000004D;
	s5 =	smul.u32 $0x28000, s5;
	s30 =	sshrl.u32 s9, $0x1  }
0x9: {  	s29 =	sadd.s32 s8, s4;
	s6 =	sadd.s32 s7, s6;
	s8 =	ssub.s32 s9, s30  }
0xa: {  	s7 =	sadd.s32 s5, s29;
	s9 =	simm.s32 $0x2;
	s6 =	sshrl.u32 s6, $0x3  }
0xb: {  	s5 =	sadd.s32 $0xFC2200, s7;
	s31 =	sadd.s32 s6, s4;
	s4 =	smax.u32 s8, $0x1  }
0xc: {  	s6 =	sadd.s32 $0x53E00, s7;
	s7 =	sadd.s32 $0x18C00, s31;
	s8 =	sadd.s32 $0xEC00, s31  }
.LBB2_1:
0xd: {  	s15 =	sadd.s32 $0x0, s8  }
0xe: {  	[tilespmem:s2], [sflag:$0x2] =	stream.linear.gather [hbm4b:s15+s2], $0x80, $0x38;
	[tilespmem:$0x8100] =	vst v63  }
0xf: {  	_ =	swait.ge [sflag:s9], $0x80  }
0x10: {  	[sflag:s9] =	ssyncset.done $0x0  }
0x11: {  	s31 =	sadd.s32 $0x0, s7;
	[sflag:s9] =	ssyncadd.s32 $0xFFFFFF80  }
0x12: {  	[tilespmem:s10], [sflag:$0x2] =	stream.linear.gather [hbm4b:s31+s2], $0x80, $0x38;
	[tilespmem:$0x8100] =	vst v63  }
0x13: {  	_ =	swait.ge [sflag:s9], $0x80  }
0x14: {  	[sflag:s9] =	ssyncset.done $0x0  }
0x15: {  	[sflag:s9] =	ssyncadd.s32 $0xFFFFFF80  }
0x16: {  	[tilespmem:s11], [sflag:$0x1] =	stream.indirect.gather [hbm4b:s3+s10], $0x80, s2, s10, $0xb8;
	[tilespmem:$0x8100] =	vst v63  }
0x17: {  	_ =	swait.ge [sflag:s12], $0x4000  }
0x18: {  	[sflag:s12] =	ssyncset.done $0x0  }
0x19: {  	[sflag:s12] =	ssyncadd.s32 $0xFFFFC000  }
0x1a: {  	[tilespmem:s13], [sflag:$0x1] =	stream.indirect.gather [hbm4b:s3+s10], $0x80, s10, s10, $0xb8;
	[tilespmem:$0x8100] =	vst v63  }
0x1b: {  	_ =	swait.ge [sflag:s12], $0x4000  }
0x1c: {  	[sflag:s12] =	ssyncset.done $0x0  }
0x1d: {  	[sflag:s12] =	ssyncadd.s32 $0xFFFFC000  }
0x1e: {  	[hbm4b:s5+s2] =	stream.linear.scatter [tilespmem:s11], [sflag:$0x2], $0x4000, $0x38;
	[tilespmem:$0x8100] =	vst v63  }
0x1f: {  	_ =	swait.ge [sflag:s9], $0x4000  }
0x20: {  	[sflag:s9] =	ssyncset.done $0x0  }
0x21: {  	[sflag:s9] =	ssyncadd.s32 $0xFFFFC000  }
0x22: {  	[hbm4b:s6+s2] =	stream.linear.scatter [tilespmem:s13], [sflag:$0x2], $0x4000, $0x38;
	[tilespmem:$0x8100] =	vst v63  }
0x23: {  	s17 =	simm.s32 $0x10;
	s18 =	simm.s32 $0x20;
	_ =	swait.ge [sflag:s9], $0x4000  }
0x24: {  	s16 =	sadd.s32 $0x800, s5;
	s15 =	sadd.s32 $0x800, s6;
	[sflag:s9] =	ssyncset.done $0x0  }
.LBB2_2:
0x25: {  	s19 =	sadd.s32 s17, s8  }
0x26: {  	[sflag:s9] =	ssyncadd.s32 $0xFFFFC000;
	s20 =	smov.u32 s18;
	s21 =	sadd.s32 $0x10, s18  }
0x27: {  	[tilespmem:s2], [sflag:$0x2] =	stream.linear.gather [hbm4b:s19+s2], $0x80, $0x38;
	[tilespmem:$0x8100] =	vst v63  }
0x28: {  	p0 =	sne.s32 s18, $0x4F0;
	_ =	swait.ge [sflag:s9], $0x80  }
0x29: {  	[sflag:s9] =	ssyncset.done $0x0  }
0x2a: {  	s18 =	sadd.s32 s17, s7;
	s17 =	smov.u32 s20;
	[sflag:s9] =	ssyncadd.s32 $0xFFFFFF80  }
0x2b: {  	[tilespmem:s10], [sflag:$0x2] =	stream.linear.gather [hbm4b:s18+s2], $0x80, $0x38;
	[tilespmem:$0x8100] =	vst v63  }
0x2c: {  	_ =	swait.ge [sflag:s9], $0x80  }
0x2d: {  	[sflag:s9] =	ssyncset.done $0x0  }
0x2e: {  	[sflag:s9] =	ssyncadd.s32 $0xFFFFFF80  }
0x2f: {  	[tilespmem:s11], [sflag:$0x1] =	stream.indirect.gather [hbm4b:s3+s10], $0x80, s2, s10, $0xb8;
	[tilespmem:$0x8100] =	vst v63  }
0x30: {  	_ =	swait.ge [sflag:s12], $0x4000  }
0x31: {  	[sflag:s12] =	ssyncset.done $0x0  }
0x32: {  	[sflag:s12] =	ssyncadd.s32 $0xFFFFC000  }
0x33: {  	[tilespmem:s13], [sflag:$0x1] =	stream.indirect.gather [hbm4b:s3+s10], $0x80, s10, s10, $0xb8;
	[tilespmem:$0x8100] =	vst v63  }
0x34: {  	_ =	swait.ge [sflag:s12], $0x4000  }
0x35: {  	[sflag:s12] =	ssyncset.done $0x0  }
0x36: {  	[sflag:s12] =	ssyncadd.s32 $0xFFFFC000  }
0x37: {  	[hbm4b:s16+s2] =	stream.linear.scatter [tilespmem:s11], [sflag:$0x2], $0x4000, $0x38;
	[tilespmem:$0x8100] =	vst v63  }
0x38: {  	_ =	swait.ge [sflag:s9], $0x4000  }
.Ltmp0:
0x39: {  	[sflag:s9] =	ssyncset.done $0x0;
	(pc) =	sbr.rel @p0 .LBB2_2-.Ltmp0, $4  }
0x3a: {  	[sflag:s9] =	ssyncadd.s32 $0xFFFFC000  }
0x3b: {  	[hbm4b:s15+s2] =	stream.linear.scatter [tilespmem:s13], [sflag:$0x2], $0x4000, $0x38;
	[tilespmem:$0x8100] =	vst v63  }
0x3c: {  	s18 =	smov.u32 s21;
	_ =	swait.ge [sflag:s9], $0x4000  }
0x3d: {  	s16 =	sadd.s32 $0x800, s16;
	s15 =	sadd.s32 $0x800, s15;
	[sflag:s9] =	ssyncset.done $0x0  }
0x3e: {  	s18 =	sadd.s32 s17, s8;
	[sflag:s9] =	ssyncadd.s32 $0xFFFFC000  }
0x3f: {  	[tilespmem:s2], [sflag:$0x2] =	stream.linear.gather [hbm4b:s18+s2], $0x80, $0x38;
	[tilespmem:$0x8100] =	vst v63  }
0x40: {  	_ =	swait.ge [sflag:s9], $0x80  }
0x41: {  	[sflag:s9] =	ssyncset.done $0x0  }
0x42: {  	s31 =	sadd.s32 s17, s7;
	[sflag:s9] =	ssyncadd.s32 $0xFFFFFF80  }
0x43: {  	[tilespmem:s10], [sflag:$0x2] =	stream.linear.gather [hbm4b:s31+s2], $0x80, $0x38;
	[tilespmem:$0x8100] =	vst v63  }
0x44: {  	_ =	swait.ge [sflag:s9], $0x80  }
0x45: {  	[sflag:s9] =	ssyncset.done $0x0  }
0x46: {  	[sflag:s9] =	ssyncadd.s32 $0xFFFFFF80  }
0x47: {  	[tilespmem:s11], [sflag:$0x1] =	stream.indirect.gather [hbm4b:s3+s10], $0x80, s2, s10, $0xb8;
	[tilespmem:$0x8100] =	vst v63  }
0x48: {  	_ =	swait.ge [sflag:s12], $0x4000  }
0x49: {  	[sflag:s12] =	ssyncset.done $0x0  }
0x4a: {  	[sflag:s12] =	ssyncadd.s32 $0xFFFFC000  }
0x4b: {  	[tilespmem:s13], [sflag:$0x1] =	stream.indirect.gather [hbm4b:s3+s10], $0x80, s10, s10, $0xb8;
	[tilespmem:$0x8100] =	vst v63  }
0x4c: {  	_ =	swait.ge [sflag:s12], $0x4000  }
0x4d: {  	[sflag:s12] =	ssyncset.done $0x0  }
0x4e: {  	[sflag:s12] =	ssyncadd.s32 $0xFFFFC000  }
0x4f: {  	[hbm4b:s16+s2] =	stream.linear.scatter [tilespmem:s11], [sflag:$0x2], $0x4000, $0x38;
	[tilespmem:$0x8100] =	vst v63  }
0x50: {  	s14 =	sadd.s32 $0x1, s14;
	_ =	swait.ge [sflag:s9], $0x4000  }
0x51: {  	p0 =	sne.s32 s14, s4;
	[sflag:s9] =	ssyncset.done $0x0  }
.Ltmp1:
0x52: {  	[sflag:s9] =	ssyncadd.s32 $0xFFFFC000;
	(pc) =	sbr.rel @p0 .LBB2_1-.Ltmp1, $4  }
0x53: {  	[hbm4b:s15+s2] =	stream.linear.scatter [tilespmem:s13], [sflag:$0x2], $0x4000, $0x38;
	[tilespmem:$0x8100] =	vst v63  }
0x54: {  	_ =	swait.ge [sflag:s9], $0x4000  }
0x55: {  	[sflag:s9] =	ssyncset.done $0x0  }
0x56: {  	[sflag:s9] =	ssyncadd.s32 $0xFFFFC000  }
0x57: {  	_ =	sfence.sel $0x180000  }
0x58: {  	[bflag:$0x0] =	sbarrier.arrive $0xFFFF  }
0x59: {  	p0 =	sne.s32 s1, $0x0;
	_ =	strace $0x9000004D  }
0x5a: {  	s0 =	sadd.s32 @!p0 $0x100000, s0;
	[bflag:$0x2] =	sbarrier.arrive $0xFFFF  }
0x5b: {  	[sflag:s0] =	ssyncadd.tile.s32 @!p0 $0x1;
	_ =	shalt  }
.Lfunc_end2:
_tile_overlayer_lowered:
.L_overlay_start_2:
0x5c: {  	(tag) =	ssettag $0x2  }
0x5d: {  	s0 =	rddreg [dreg:$0x0];
	s2 =	stileid.u32  }
0x5e: {  	s1 =	rddreg [dreg:$0x1];
	p0 =	sne.s32 s2, $0x0  }
0x5f: {  	s3 =	rddreg [dreg:$0x2];
	[bflag:$0x3] =	sbarrier.arrive $0xFFFF;
	s2 =	simm.s32 @!p0 $0x1C02  }
0x60: {  	[timem:s3], [sflag:s2] =	dma.local @!p0 [hbm:s0], s1  }
0x61: {  	s0 =	simm.s32 @!p0 $0x2  }
0x62: {  	_ =	swait.ge @!p0 [sflag:s0], s1  }
0x63: {  	s1 =	ssub.s32 @!p0 $0x0, s1;
	[sflag:s0] =	ssyncset.done @!p0 $0x0  }
0x64: {  	[sflag:s0] =	ssyncadd.s32 @!p0 s1  }
0x65: {  	[bflag:$0x3] =	sbarrier.arrive $0xFFFF  }
0x66: {  	_ =	shalt  }

// kernel: kernel.29.cloned.1.call-start
scs
__scs_entry_jumppad:
0x0: {  	(pc) =	sbr.rel $0x88, $3  }
0x1: {  	(tag) =	ssettag $0x0;
	lr =	simm.s32 $0x1  }
0x2: {  	[smem:$0x3F68] =	sst lr;
	_ =	strace $0xD0000000  }
0x3: {  	_ = 	snop  }
0x4: {  	_ = 	snop  }
0x5: {  	_ = 	snop  }
0x6: {  	_ = 	snop  }
0x7: {  	_ = 	snop  }
__scs_overlays_trampoline_lowered:
0x8: {  	[smem:$0x3F77] =	sst s0  }
0x9: {  	[smem:$0x3F78] =	sst s1  }
0xa: {  	[smem:$0x3F79] =	sst s2  }
0xb: {  	[smem:$0x3F7A] =	sst s3  }
0xc: {  	[smem:$0x3F7B] =	sst s4  }
0xd: {  	[smem:$0x3F7C] =	sst s5  }
0xe: {  	[smem:$0x3F7D] =	sst s6  }
0xf: {  	[smem:$0x3F7E] =	sst s7  }
0x10: {  	[smem:$0x3F7F] =	sst s8  }
0x11: {  	[smem:$0x3F80] =	sst s9;
	s0 =	simm.s32 @!p0 $0x0  }
0x12: {  	s1 =	sld [smem:$0x3F66];
	s0 =	simm.s32 @p0 $0x1  }
0x13: {  	[smem:$0x3F81] =	sst s0;
	s0 =	simm.s32 @!p1 $0x0  }
0x14: {  	s2 =	sld [smem:$0x3F65];
	s0 =	simm.s32 @p1 $0x1  }
0x15: {  	[smem:$0x3F82] =	sst s0;
	s0 =	simm.s32 @!p2 $0x0  }
0x16: {  	s3 =	sld [smem:$0x3FDB];
	s0 =	simm.s32 @p2 $0x1  }
0x17: {  	s4 =	simm.s32 $0x1BF5;
	[smem:$0x3F84] =	sst s0  }
0x18: {  	s0 =	sld [smem:$0x3F67];
	_ =	swait.ge [sflag:s4], $0x0  }
0x19: {  	s7 =	sld [smem:$0x3F68]  }
0x1a: {  	s8 =	sadd.s32 $0xFFFFE003, lr  }
0x1b: {  	s9 =	sadd.s32 $0xFFFFFEF7, lr;
	s5 =	simm.s32 $0xFFFFFFFF;
	p2 =	slt.u32 s8, $0xFFFFF086  }
0x1c: {  	p1 =	slt.u32 s9, $0xF7A;
	s5 =	simm.s32 @!p2 $0x0  }
0x1d: {  	s5 =	simm.s32 @p1 $0x1;
	p0 =	seq.s32 s7, s2  }
0x1e: {  	s7 =	smul.u32 @!p0 $0xF7A, s2;
	p2 =	seq.s32 @!p0 s5, $0x0  }
0x1f: {  	s9 =	smul.u32 $0xF7A, s1;
	s8 =	simm.s32 @!p0 $0x1BF5;
	p2 =	por !p2, p0  }
0x20: {  	[sflag:s8] =	ssyncset.s32 @!p0 $0xFFFFF086;
	s6 =	sadd.s32 @!p0 s3, s7;
	s7 =	simm.s32 @!p0 $0x108  }
0x21: {  	s3 =	sadd.s32 s3, s9;
	s6 =	sadd.s32 @!p0 $0x88, s6;
	s7 =	simm.s32 @p2 $0x1082  }
0x22: {  	[simem:s7], [sflag:s8] =	dma.local @!p0 [hbm:s6], $0xF7A  }
0x23: {  	s9 =	sor.u32 $0xD0000000, s2;
	s6 =	simm.s32 $0x108;
	_ =	swait.ge @!p0 [sflag:s8], $0x0  }
0x24: {  	s3 =	sadd.s32 $0x88, s3;
	s6 =	simm.s32 @!p1 $0x1082;
	[sflag:s4] =	ssyncset.s32 $0xFFFFF086  }
0x25: {  	[simem:s6], [sflag:s4] =	dma.local [hbm:s3], $0xF7A  }
0x26: {  	[smem:$0x3F68] =	sst s1;
	(tag) =	ssettag s2;
	_ =	strace s9  }
0x27: {  	s1 =	sld [smem:$0x3F78]  }
0x28: {  	s2 =	sld [smem:$0x3F79]  }
0x29: {  	s4 =	sld [smem:$0x3F7B]  }
0x2a: {  	p0 =	seq.s32 s5, $0x0;
	s5 =	sld [smem:$0x3F7C]  }
0x2b: {  	s6 =	sld [smem:$0x3F7D]  }
0x2c: {  	s7 =	sld [smem:$0x3F7E]  }
0x2d: {  	s3 =	simm.s32 $0x108;
	s8 =	sld [smem:$0x3F7F]  }
0x2e: {  	s3 =	simm.s32 @!p0 $0x1082;
	s9 =	sld [smem:$0x3F80]  }
0x2f: {  	lr =	sadd.s32 s0, s3;
	s0 =	sld [smem:$0x3F77]  }
0x30: {  	s3 =	sld [smem:$0x3F7A]  }
0x31: {  	[smem:$0x3F83] =	sst s10  }
0x32: {  	s10 =	sld [smem:$0x3F81];
	_ =	sdelay $0x3  }
0x33: {  	p0 =	seq.s32 s10, $0x1;
	s10 =	sld [smem:$0x3F83];
	_ =	sdelay $0x3  }
0x34: {  	[smem:$0x3F83] =	sst s10  }
0x35: {  	s10 =	sld [smem:$0x3F82];
	_ =	sdelay $0x3  }
0x36: {  	p1 =	seq.s32 s10, $0x1;
	s10 =	sld [smem:$0x3F83];
	_ =	sdelay $0x3  }
0x37: {  	[smem:$0x3F83] =	sst s10  }
0x38: {  	s10 =	sld [smem:$0x3F84]  }
0x39: {  	_ = 	snop;
	(pc) =	sbr.ind lr, $3  }
0x3a: {  	_ = 	snop  }
0x3b: {  	_ = 	snop  }
0x3c: {  	p2 =	seq.s32 s10, $0x1;
	s10 =	sld [smem:$0x3F83]  }
0x3d: {  	_ =	shalt  }
0x3e: {  	_ =	shalt  }
0x3f: {  	_ =	shalt  }
0x40: {  	_ =	shalt  }
0x41: {  	_ =	shalt  }
0x42: {  	_ =	shalt  }
0x43: {  	_ =	shalt  }
0x44: {  	_ =	shalt  }
0x45: {  	_ =	shalt  }
0x46: {  	_ =	shalt  }
0x47: {  	_ =	shalt  }
0x48: {  	_ =	shalt  }
0x49: {  	_ =	shalt  }
0x4a: {  	_ =	shalt  }
0x4b: {  	_ =	shalt  }
0x4c: {  	_ =	shalt  }
0x4d: {  	_ =	shalt  }
0x4e: {  	_ =	shalt  }
0x4f: {  	_ =	shalt  }
0x50: {  	_ =	shalt  }
0x51: {  	_ =	shalt  }
0x52: {  	_ =	shalt  }
0x53: {  	_ =	shalt  }
0x54: {  	_ =	shalt  }
0x55: {  	_ =	shalt  }
0x56: {  	_ =	shalt  }
0x57: {  	_ =	shalt  }
0x58: {  	_ =	shalt  }
0x59: {  	_ =	shalt  }
0x5a: {  	_ =	shalt  }
0x5b: {  	_ =	shalt  }
0x5c: {  	_ =	shalt  }
0x5d: {  	_ =	shalt  }
0x5e: {  	_ =	shalt  }
0x5f: {  	_ =	shalt  }
0x60: {  	_ =	shalt  }
0x61: {  	_ =	shalt  }
0x62: {  	_ =	shalt  }
0x63: {  	_ =	shalt  }
0x64: {  	_ =	shalt  }
0x65: {  	_ =	shalt  }
0x66: {  	_ =	shalt  }
0x67: {  	_ =	shalt  }
0x68: {  	_ =	shalt  }
0x69: {  	_ =	shalt  }
0x6a: {  	_ =	shalt  }
0x6b: {  	_ =	shalt  }
0x6c: {  	_ =	shalt  }
0x6d: {  	_ =	shalt  }
0x6e: {  	_ =	shalt  }
0x6f: {  	_ =	shalt  }
0x70: {  	_ =	shalt  }
0x71: {  	_ =	shalt  }
0x72: {  	_ =	shalt  }
0x73: {  	_ =	shalt  }
0x74: {  	_ =	shalt  }
0x75: {  	_ =	shalt  }
0x76: {  	_ =	shalt  }
0x77: {  	_ =	shalt  }
0x78: {  	_ =	shalt  }
0x79: {  	_ =	shalt  }
0x7a: {  	_ =	shalt  }
0x7b: {  	_ =	shalt  }
0x7c: {  	_ =	shalt  }
0x7d: {  	_ =	shalt  }
0x7e: {  	_ =	shalt  }
0x7f: {  	_ =	shalt  }
0x80: {  	_ =	shalt  }
0x81: {  	_ =	shalt  }
0x82: {  	_ =	shalt  }
0x83: {  	_ =	shalt  }
0x84: {  	_ =	shalt  }
0x85: {  	_ =	shalt  }
0x86: {  	_ =	shalt  }
0x87: {  	_ =	shalt  }
.Lfunc_end0:
.L_simem_size_0:
called_computation.3_lowered:
.L_overlay_start_0:
0x88: {  	s2 =	sld [smem:$0x3FD9]  }
0x89: {  	s3 =	sld [smem:$0x3FFE];
	_ =	sdelay $0x1  }
0x8a: {  	s1 =	srdreg.scid  }
0x8b: {  	s0 =	sand.u32 $0x1, s1  }
0x8c: {  	s16 =	sshll.u32 s0, $0xA;
	s2 =	sadd.s32 s3, s2  }
0x8d: {  	s2 =	sadd.s32 s2, s16  }
0x8e: {  	[smem:$0x3F8F] =	sst s2  }
0x8f: {  	_ = 	snop  }
0x90: {  	(tm) =	ssettm $0x1  }
0x91: {  	s17 =	sld [smem:$0x3FFB];
	_ =	sdelay $0x3  }
0x92: {  	_ =	strace s17  }
0x93: {  	s2 =	sld [smem:$0x3FFC];
	_ =	sdelay $0x3  }
0x94: {  	_ =	strace s2  }
0x95: {  	s2 =	sld [smem:$0x3FFD];
	_ =	sdelay $0x3  }
0x96: {  	_ =	strace s2  }
0x97: {  	_ =	strace $0x8FFFFFFF  }
0x98: {  	s18 =	sld [smem:$0x3FDB];
	_ =	sdelay $0x1  }
0x99: {  	s19 =	simm.s32 $_scs_section_size  }
0x9a: {  	s4 =	simm.s32 $_size__tile_overlayer_lowered;
	s5 =	simm.s32 $_tile_overlayer_lowered  }
0x9b: {  	s22 =	simm.s32 $0x1BFF;
	s21 =	sshll.u32 s5, $0x1;
	s2 =	sadd.s32 s19, s18  }
0x9c: {  	s6 =	simm.s32 $0x0;
	s20 =	sshll.u32 s4, $0x1;
	s4 =	sadd.s32 s21, s2  }
0x9d: {  	[timem:s6], [sflag:s22] =	dma.local [hbm:s4], s20  }
0x9e: {  	_ =	swait.ge [sflag:s22], s20  }
0x9f: {  	s3 =	ssub.s32 $0x0, s20;
	[sflag:s22] =	ssyncset.done $0x0  }
0xa0: {  	[sflag:s22] =	ssyncadd.s32 s3;
	_ =	sdelay $0x1  }
0xa1: {  	s23 =	simm.s32 $0x1B8B  }
0xa2: {  	_ =	swait.ge [sflag:s23], $0x1  }
0xa3: {  	[sflag:s23] =	ssyncset.done $0x0  }
0xa4: {  	s25 =	simm.s32 $0x1B8E;
	s24 =	sld [smem:$0x3FFE];
	[sflag:s23] =	ssyncadd.s32 $0xFFFFFFFF  }
0xa5: {  	s26 =	simm.s32 $execute0_lowered;
	[smem:$0x3FD2] =	sst s25  }
0xa6: {  	s4 =	sshll.u32 s26, $0x1;
	_ =	strace $0x8000004F;
	[dreg:$0x1] =	wrdreg $0xFFFFFFFF  }
0xa7: {  	s28 =	simm.s32 $_size_execute0_lowered;
	s2 =	sadd.s32 s2, s4;
	[dreg:$0x0] =	wrdreg $0x0  }
0xa8: {  	s4 =	sshll.u32 s28, $0x1;
	[dreg:$0x2] =	wrdreg s2  }
0xa9: {  	[dreg:$0x3] =	wrdreg s4  }
0xaa: {  	[dreg:$0x4] =	wrdreg $0xC0  }
0xab: {  	_ =	task [dreg:s6], $0x5FFFF  }
0xac: {  	[dreg:$0x1] =	wrdreg $0xFFFFFFFF  }
0xad: {  	[dreg:$0x0] =	wrdreg $0x60  }
0xae: {  	[dreg:$0x2] =	wrdreg s24  }
0xaf: {  	[dreg:$0x3] =	wrdreg $0x40800  }
0xb0: {  	[dreg:$0x4] =	wrdreg $0x9  }
0xb1: {  	_ =	task.clear_ibuf [dreg:s6], $0x5FFFF;
	_ =	strace $0x9000004F  }
0xb2: {  	s29 =	simm.s32 $0x9;
	_ =	strace $0x80000051  }
0xb3: {  	_ =	swait.ge [sflag:s29], $0x1  }
0xb4: {  	[sflag:s29] =	ssyncadd.s32 $0xFFFFFFFF  }
0xb5: {  	_ =	strace $0x90000051  }
0xb6: {  	_ =	sfence  }
0xb7: {  	s30 =	sld [smem:$0x0];
	_ =	sdelay $0x2  }
0xb8: {  	s31 =	sshll.u32 s1, $0xD;
	s1 =	sshrl.u32 s1, $0x2  }
0xb9: {  	s3 =	sand.u32 $0x4000, s31;
	s1 =	sadd.s32 s1, s30  }
0xba: {  	s0 =	sor.u32 s3, s0;
	s1 =	sshll.u32 s1, $0x11  }
0xbb: {  	s0 =	sor.u32 s1, s0  }
0xbc: {  	s0 =	sadd.s32 $0x8F2B, s0  }
0xbd: {  	[sflag:s0] =	ssyncadd.remote.s32 $0x1  }
0xbe: {  	_ =	sfence.sel $0xFFFF  }
0xbf: {  	[dreg:$0x0] =	wrdreg $0xFFFFFFFF;
	(pc) =	sbr.abs _section_cstart, $3  }
0xc0: {  	[dreg:$0x1] =	wrdreg $0xFFFFFFFF  }
0xc1: {  	_ =	task.clear_ibuf [dreg:s6], $0x2FFFF;
	_ =	strace $0x9FFFFFFF  }
0xc2: {  	(tm) =	ssettm $0x7FFFFFFF  }
0xc3: {  	_ =	shalt  }
tec
execute0_lowered:
.L_overlay_start_1:
0x0: {  	(tag) =	ssettag $0x1  }
0x1: {  	s0 =	stileid.u32  }
0x2: {  	s1 =	srdreg.scid;
	s4 =	smul.u32 $0x50000, s0  }
0x3: {  	s5 =	rddreg [dreg:$0x0];
	s7 =	smul.u32 $0x5000, s0  }
0x4: {  	s2 =	rddreg [dreg:$0x1];
	s6 =	sand.u32 $0x1, s1;
	s9 =	smul.u32 $0x14000, s0  }
0x5: {  	s3 =	simm.s32 $0x0;
	s1 =	rddreg [dreg:$0x2];
	s8 =	smul.u32 $0x2800, s6  }
0x6: {  	[smem:$0x7FF] =	sst s3;
	s29 =	sshll.u32 s0, $0x6;
	s25 =	smul.u32 $0x140000, s6  }
0x7: {  	_ =	strace $0x80000050;
	s28 =	ssub.s32 $0x2, s6;
	s30 =	smul.u32 $0x28000, s6  }
0x8: {  	s10 =	sadd.s32 s4, s5;
	s12 =	sshrl.u32 s28, $0x1;
	s4 =	sshrl.u32 s4, $0x2  }
0x9: {  	s7 =	sadd.s32 s8, s7;
	s26 =	sadd.s32 s9, s25;
	s9 =	sshrl.u32 s9, $0x3  }
0xa: {  	s8 =	ssub.s32 s28, s12;
	s13 =	sadd.s32 s4, s2;
	s31 =	sadd.s32 s30, s10  }
0xb: {  	s12 =	simm.s32 $0x80;
	s7 =	sshrl.u32 s7, $0x3;
	s9 =	sadd.s32 s9, s5  }
0xc: {  	s10 =	sshrl.u32 s13, $0x3;
	s11 =	sadd.s32 s7, s5;
	s7 =	sshrl.u32 s26, $0x3  }
0xd: {  	s13 =	simm.s32 $0x0;
	s4 =	sadd.s32 $0xF72200, s9;
	s7 =	sadd.s32 s7, s5  }
0xe: {  	s5 =	sor.u32 $0x1C01, s29;
	s9 =	sadd.s32 $0x49E00, s11;
	s11 =	simm.s32 $0x1  }
0xf: {  	s6 =	sadd.s32 $0x53E00, s7;
	s7 =	smax.u32 s8, $0x1;
	s8 =	sadd.s32 $0x553E00, s31  }
.LBB2_1:
0x10: {  	[spmem:s10], [sflag:s5] =	dma.local [hbm:s4], $0x2800  }
0x11: {  	_ =	swait.ge [sflag:s11], $0x2800  }
0x12: {  	[sflag:s11] =	ssyncset.done $0x0  }
0x13: {  	[sflag:s11] =	ssyncadd.s32 $0xFFFFD800  }
0x14: {  	s14 =	sadd.s32 $0x0, s9;
	[bflag:$0x0] =	sbarrier.arrive $0xFFFF  }
0x15: {  	[tilespmem:s3], [sflag:$0x1] =	stream.linear.gather [hbm4b:s14+s3], $0x80, $0x38;
	[tilespmem:$0x18080] =	vst v63  }
0x16: {  	_ =	swait.ge [sflag:s11], $0x80  }
0x17: {  	[sflag:s11] =	ssyncset.done $0x0  }
0x18: {  	[sflag:s11] =	ssyncadd.s32 $0xFFFFFF80  }
0x19: {  	[tilespmem:s12], [sflag:$0x1] =	stream.linear.gather [hbm4b:s8+s3], $0x4000, $0x38;
	[tilespmem:$0x18080] =	vst v63  }
0x1a: {  	_ =	swait.ge [sflag:s11], $0x4000  }
0x1b: {  	[sflag:s11] =	ssyncset.done $0x0  }
0x1c: {  	[sflag:s11] =	ssyncadd.s32 $0xFFFFC000  }
0x1d: {  	[spmem:s2] =	stream.indirect.scatter.add.f32 [tilespmem:s12], [sflag:$0x1], $0x80, s3, s12, $0xb8;
	[tilespmem:$0x18080] =	vst v63  }
0x1e: {  	s15 =	simm.s32 $0x10;
	_ =	swait.ge [sflag:s11], $0x4000  }
0x1f: {  	s16 =	simm.s32 $0x20;
	s14 =	sadd.s32 $0x800, s8;
	[sflag:s11] =	ssyncset.done $0x0  }
.LBB2_2:
0x20: {  	s17 =	sadd.s32 s15, s9  }
0x21: {  	[sflag:s11] =	ssyncadd.s32 $0xFFFFC000;
	s15 =	smov.u32 s16;
	s18 =	sadd.s32 $0x10, s16  }
0x22: {  	[tilespmem:s3], [sflag:$0x1] =	stream.linear.gather [hbm4b:s17+s3], $0x80, $0x38;
	[tilespmem:$0x18080] =	vst v63  }
0x23: {  	p0 =	sne.s32 s16, $0x4F0;
	_ =	swait.ge [sflag:s11], $0x80  }
0x24: {  	[sflag:s11] =	ssyncset.done $0x0  }
0x25: {  	[sflag:s11] =	ssyncadd.s32 $0xFFFFFF80  }
0x26: {  	[tilespmem:s12], [sflag:$0x1] =	stream.linear.gather [hbm4b:s14+s3], $0x4000, $0x38;
	[tilespmem:$0x18080] =	vst v63  }
0x27: {  	_ =	swait.ge [sflag:s11], $0x4000  }
.Ltmp0:
0x28: {  	[sflag:s11] =	ssyncset.done $0x0;
	(pc) =	sbr.rel @p0 .LBB2_2-.Ltmp0, $4  }
0x29: {  	[sflag:s11] =	ssyncadd.s32 $0xFFFFC000  }
0x2a: {  	[spmem:s2] =	stream.indirect.scatter.add.f32 [tilespmem:s12], [sflag:$0x1], $0x80, s3, s12, $0xb8;
	[tilespmem:$0x18080] =	vst v63  }
0x2b: {  	_ =	swait.ge [sflag:s11], $0x4000  }
0x2c: {  	s16 =	smov.u32 s18;
	s14 =	sadd.s32 $0x800, s14;
	[sflag:s11] =	ssyncset.done $0x0  }
0x2d: {  	s15 =	sadd.s32 s15, s9;
	[sflag:s11] =	ssyncadd.s32 $0xFFFFC000  }
0x2e: {  	[tilespmem:s3], [sflag:$0x1] =	stream.linear.gather [hbm4b:s15+s3], $0x80, $0x38;
	[tilespmem:$0x18080] =	vst v63  }
0x2f: {  	_ =	swait.ge [sflag:s11], $0x80  }
0x30: {  	[sflag:s11] =	ssyncset.done $0x0  }
0x31: {  	[sflag:s11] =	ssyncadd.s32 $0xFFFFFF80  }
0x32: {  	[tilespmem:s12], [sflag:$0x1] =	stream.linear.gather [hbm4b:s14+s3], $0x4000, $0x38;
	[tilespmem:$0x18080] =	vst v63  }
0x33: {  	_ =	swait.ge [sflag:s11], $0x4000  }
0x34: {  	[sflag:s11] =	ssyncset.done $0x0  }
0x35: {  	[sflag:s11] =	ssyncadd.s32 $0xFFFFC000  }
0x36: {  	[spmem:s2] =	stream.indirect.scatter.add.f32 [tilespmem:s12], [sflag:$0x1], $0x80, s3, s12, $0xb8;
	[tilespmem:$0x18080] =	vst v63  }
0x37: {  	_ =	swait.ge [sflag:s11], $0x4000  }
0x38: {  	s13 =	sadd.s32 $0x1, s13;
	[sflag:s11] =	ssyncset.done $0x0  }
0x39: {  	p0 =	sne.s32 s13, s7;
	[sflag:s11] =	ssyncadd.s32 $0xFFFFC000  }
.Ltmp1:
0x3a: {  	[bflag:$0x0] =	sbarrier.arrive $0xFFFF;
	(pc) =	sbr.rel @p0 .LBB2_1-.Ltmp1, $4  }
0x3b: {  	[hbm:s6], [sflag:s5] =	dma.local [spmem:s10], $0x2800  }
0x3c: {  	_ =	swait.ge [sflag:s11], $0x2800  }
0x3d: {  	[sflag:s11] =	ssyncset.done $0x0  }
0x3e: {  	[sflag:s11] =	ssyncadd.s32 $0xFFFFD800  }
0x3f: {  	_ =	sfence.sel $0x180000  }
0x40: {  	[bflag:$0x0] =	sbarrier.arrive $0xFFFF  }
0x41: {  	p0 =	sne.s32 s0, $0x0;
	_ =	strace $0x90000050  }
0x42: {  	s0 =	sadd.s32 @!p0 $0x100000, s1;
	[bflag:$0x2] =	sbarrier.arrive $0xFFFF  }
0x43: {  	[sflag:s0] =	ssyncadd.tile.s32 @!p0 $0x1;
	_ =	shalt  }
.Lfunc_end2:
_tile_overlayer_lowered:
.L_overlay_start_2:
0x44: {  	(tag) =	ssettag $0x2  }
0x45: {  	s0 =	rddreg [dreg:$0x0];
	s2 =	stileid.u32  }
0x46: {  	s1 =	rddreg [dreg:$0x1];
	p0 =	sne.s32 s2, $0x0  }
0x47: {  	s3 =	rddreg [dreg:$0x2];
	[bflag:$0x3] =	sbarrier.arrive $0xFFFF;
	s2 =	simm.s32 @!p0 $0x1C01  }
0x48: {  	[timem:s3], [sflag:s2] =	dma.local @!p0 [hbm:s0], s1  }
0x49: {  	s0 =	simm.s32 @!p0 $0x1  }
0x4a: {  	_ =	swait.ge @!p0 [sflag:s0], s1  }
0x4b: {  	s1 =	ssub.s32 @!p0 $0x0, s1;
	[sflag:s0] =	ssyncset.done @!p0 $0x0  }
0x4c: {  	[sflag:s0] =	ssyncadd.s32 @!p0 s1  }
0x4d: {  	[bflag:$0x3] =	sbarrier.arrive $0xFFFF  }
0x4e: {  	_ =	shalt  }

// kernel: kernel.32.cloned.1.call-start
scs
__scs_entry_jumppad:
0x0: {  	(pc) =	sbr.rel $0x88, $3  }
0x1: {  	(tag) =	ssettag $0x0;
	lr =	simm.s32 $0x1  }
0x2: {  	[smem:$0x3F68] =	sst lr;
	_ =	strace $0xD0000000  }
0x3: {  	_ = 	snop  }
0x4: {  	_ = 	snop  }
0x5: {  	_ = 	snop  }
0x6: {  	_ = 	snop  }
0x7: {  	_ = 	snop  }
__scs_overlays_trampoline_lowered:
0x8: {  	[smem:$0x3F77] =	sst s0  }
0x9: {  	[smem:$0x3F78] =	sst s1  }
0xa: {  	[smem:$0x3F79] =	sst s2  }
0xb: {  	[smem:$0x3F7A] =	sst s3  }
0xc: {  	[smem:$0x3F7B] =	sst s4  }
0xd: {  	[smem:$0x3F7C] =	sst s5  }
0xe: {  	[smem:$0x3F7D] =	sst s6  }
0xf: {  	[smem:$0x3F7E] =	sst s7  }
0x10: {  	[smem:$0x3F7F] =	sst s8  }
0x11: {  	[smem:$0x3F80] =	sst s9;
	s0 =	simm.s32 @!p0 $0x0  }
0x12: {  	s1 =	sld [smem:$0x3F66];
	s0 =	simm.s32 @p0 $0x1  }
0x13: {  	[smem:$0x3F81] =	sst s0;
	s0 =	simm.s32 @!p1 $0x0  }
0x14: {  	s2 =	sld [smem:$0x3F65];
	s0 =	simm.s32 @p1 $0x1  }
0x15: {  	[smem:$0x3F82] =	sst s0;
	s0 =	simm.s32 @!p2 $0x0  }
0x16: {  	s3 =	sld [smem:$0x3FDB];
	s0 =	simm.s32 @p2 $0x1  }
0x17: {  	s4 =	simm.s32 $0x1BF5;
	[smem:$0x3F84] =	sst s0  }
0x18: {  	s0 =	sld [smem:$0x3F67];
	_ =	swait.ge [sflag:s4], $0x0  }
0x19: {  	s7 =	sld [smem:$0x3F68]  }
0x1a: {  	s8 =	sadd.s32 $0xFFFFE003, lr  }
0x1b: {  	s9 =	sadd.s32 $0xFFFFFEF7, lr;
	s5 =	simm.s32 $0xFFFFFFFF;
	p2 =	slt.u32 s8, $0xFFFFF086  }
0x1c: {  	p1 =	slt.u32 s9, $0xF7A;
	s5 =	simm.s32 @!p2 $0x0  }
0x1d: {  	s5 =	simm.s32 @p1 $0x1;
	p0 =	seq.s32 s7, s2  }
0x1e: {  	s7 =	smul.u32 @!p0 $0xF7A, s2;
	p2 =	seq.s32 @!p0 s5, $0x0  }
0x1f: {  	s9 =	smul.u32 $0xF7A, s1;
	s8 =	simm.s32 @!p0 $0x1BF5;
	p2 =	por !p2, p0  }
0x20: {  	[sflag:s8] =	ssyncset.s32 @!p0 $0xFFFFF086;
	s6 =	sadd.s32 @!p0 s3, s7;
	s7 =	simm.s32 @!p0 $0x108  }
0x21: {  	s3 =	sadd.s32 s3, s9;
	s6 =	sadd.s32 @!p0 $0x88, s6;
	s7 =	simm.s32 @p2 $0x1082  }
0x22: {  	[simem:s7], [sflag:s8] =	dma.local @!p0 [hbm:s6], $0xF7A  }
0x23: {  	s9 =	sor.u32 $0xD0000000, s2;
	s6 =	simm.s32 $0x108;
	_ =	swait.ge @!p0 [sflag:s8], $0x0  }
0x24: {  	s3 =	sadd.s32 $0x88, s3;
	s6 =	simm.s32 @!p1 $0x1082;
	[sflag:s4] =	ssyncset.s32 $0xFFFFF086  }
0x25: {  	[simem:s6], [sflag:s4] =	dma.local [hbm:s3], $0xF7A  }
0x26: {  	[smem:$0x3F68] =	sst s1;
	(tag) =	ssettag s2;
	_ =	strace s9  }
0x27: {  	s1 =	sld [smem:$0x3F78]  }
0x28: {  	s2 =	sld [smem:$0x3F79]  }
0x29: {  	s4 =	sld [smem:$0x3F7B]  }
0x2a: {  	p0 =	seq.s32 s5, $0x0;
	s5 =	sld [smem:$0x3F7C]  }
0x2b: {  	s6 =	sld [smem:$0x3F7D]  }
0x2c: {  	s7 =	sld [smem:$0x3F7E]  }
0x2d: {  	s3 =	simm.s32 $0x108;
	s8 =	sld [smem:$0x3F7F]  }
0x2e: {  	s3 =	simm.s32 @!p0 $0x1082;
	s9 =	sld [smem:$0x3F80]  }
0x2f: {  	lr =	sadd.s32 s0, s3;
	s0 =	sld [smem:$0x3F77]  }
0x30: {  	s3 =	sld [smem:$0x3F7A]  }
0x31: {  	[smem:$0x3F83] =	sst s10  }
0x32: {  	s10 =	sld [smem:$0x3F81];
	_ =	sdelay $0x3  }
0x33: {  	p0 =	seq.s32 s10, $0x1;
	s10 =	sld [smem:$0x3F83];
	_ =	sdelay $0x3  }
0x34: {  	[smem:$0x3F83] =	sst s10  }
0x35: {  	s10 =	sld [smem:$0x3F82];
	_ =	sdelay $0x3  }
0x36: {  	p1 =	seq.s32 s10, $0x1;
	s10 =	sld [smem:$0x3F83];
	_ =	sdelay $0x3  }
0x37: {  	[smem:$0x3F83] =	sst s10  }
0x38: {  	s10 =	sld [smem:$0x3F84]  }
0x39: {  	_ = 	snop;
	(pc) =	sbr.ind lr, $3  }
0x3a: {  	_ = 	snop  }
0x3b: {  	_ = 	snop  }
0x3c: {  	p2 =	seq.s32 s10, $0x1;
	s10 =	sld [smem:$0x3F83]  }
0x3d: {  	_ =	shalt  }
0x3e: {  	_ =	shalt  }
0x3f: {  	_ =	shalt  }
0x40: {  	_ =	shalt  }
0x41: {  	_ =	shalt  }
0x42: {  	_ =	shalt  }
0x43: {  	_ =	shalt  }
0x44: {  	_ =	shalt  }
0x45: {  	_ =	shalt  }
0x46: {  	_ =	shalt  }
0x47: {  	_ =	shalt  }
0x48: {  	_ =	shalt  }
0x49: {  	_ =	shalt  }
0x4a: {  	_ =	shalt  }
0x4b: {  	_ =	shalt  }
0x4c: {  	_ =	shalt  }
0x4d: {  	_ =	shalt  }
0x4e: {  	_ =	shalt  }
0x4f: {  	_ =	shalt  }
0x50: {  	_ =	shalt  }
0x51: {  	_ =	shalt  }
0x52: {  	_ =	shalt  }
0x53: {  	_ =	shalt  }
0x54: {  	_ =	shalt  }
0x55: {  	_ =	shalt  }
0x56: {  	_ =	shalt  }
0x57: {  	_ =	shalt  }
0x58: {  	_ =	shalt  }
0x59: {  	_ =	shalt  }
0x5a: {  	_ =	shalt  }
0x5b: {  	_ =	shalt  }
0x5c: {  	_ =	shalt  }
0x5d: {  	_ =	shalt  }
0x5e: {  	_ =	shalt  }
0x5f: {  	_ =	shalt  }
0x60: {  	_ =	shalt  }
0x61: {  	_ =	shalt  }
0x62: {  	_ =	shalt  }
0x63: {  	_ =	shalt  }
0x64: {  	_ =	shalt  }
0x65: {  	_ =	shalt  }
0x66: {  	_ =	shalt  }
0x67: {  	_ =	shalt  }
0x68: {  	_ =	shalt  }
0x69: {  	_ =	shalt  }
0x6a: {  	_ =	shalt  }
0x6b: {  	_ =	shalt  }
0x6c: {  	_ =	shalt  }
0x6d: {  	_ =	shalt  }
0x6e: {  	_ =	shalt  }
0x6f: {  	_ =	shalt  }
0x70: {  	_ =	shalt  }
0x71: {  	_ =	shalt  }
0x72: {  	_ =	shalt  }
0x73: {  	_ =	shalt  }
0x74: {  	_ =	shalt  }
0x75: {  	_ =	shalt  }
0x76: {  	_ =	shalt  }
0x77: {  	_ =	shalt  }
0x78: {  	_ =	shalt  }
0x79: {  	_ =	shalt  }
0x7a: {  	_ =	shalt  }
0x7b: {  	_ =	shalt  }
0x7c: {  	_ =	shalt  }
0x7d: {  	_ =	shalt  }
0x7e: {  	_ =	shalt  }
0x7f: {  	_ =	shalt  }
0x80: {  	_ =	shalt  }
0x81: {  	_ =	shalt  }
0x82: {  	_ =	shalt  }
0x83: {  	_ =	shalt  }
0x84: {  	_ =	shalt  }
0x85: {  	_ =	shalt  }
0x86: {  	_ =	shalt  }
0x87: {  	_ =	shalt  }
.Lfunc_end0:
.L_simem_size_0:
called_computation.4_lowered:
.L_overlay_start_0:
0x88: {  	s2 =	sld [smem:$0x3FD9]  }
0x89: {  	s3 =	sld [smem:$0x3FFE];
	_ =	sdelay $0x1  }
0x8a: {  	s1 =	srdreg.scid  }
0x8b: {  	s0 =	sand.u32 $0x1, s1  }
0x8c: {  	s16 =	sshll.u32 s0, $0xA;
	s2 =	sadd.s32 s3, s2  }
0x8d: {  	s2 =	sadd.s32 s2, s16  }
0x8e: {  	[smem:$0x3F8F] =	sst s2  }
0x8f: {  	_ = 	snop  }
0x90: {  	(tm) =	ssettm $0x1  }
0x91: {  	s17 =	sld [smem:$0x3FFB];
	_ =	sdelay $0x3  }
0x92: {  	_ =	strace s17  }
0x93: {  	s2 =	sld [smem:$0x3FFC];
	_ =	sdelay $0x3  }
0x94: {  	_ =	strace s2  }
0x95: {  	s2 =	sld [smem:$0x3FFD];
	_ =	sdelay $0x3  }
0x96: {  	_ =	strace s2  }
0x97: {  	_ =	strace $0x8FFFFFFF  }
0x98: {  	s18 =	sld [smem:$0x3FDB];
	_ =	sdelay $0x1  }
0x99: {  	s19 =	simm.s32 $_scs_section_size  }
0x9a: {  	s4 =	simm.s32 $_size__tile_overlayer_lowered;
	s5 =	simm.s32 $_tile_overlayer_lowered  }
0x9b: {  	s22 =	simm.s32 $0x1BFF;
	s21 =	sshll.u32 s5, $0x1;
	s2 =	sadd.s32 s19, s18  }
0x9c: {  	s6 =	simm.s32 $0x0;
	s20 =	sshll.u32 s4, $0x1;
	s4 =	sadd.s32 s21, s2  }
0x9d: {  	[timem:s6], [sflag:s22] =	dma.local [hbm:s4], s20  }
0x9e: {  	_ =	swait.ge [sflag:s22], s20  }
0x9f: {  	s3 =	ssub.s32 $0x0, s20;
	[sflag:s22] =	ssyncset.done $0x0  }
0xa0: {  	[sflag:s22] =	ssyncadd.s32 s3;
	_ =	sdelay $0x1  }
0xa1: {  	s23 =	simm.s32 $0x1B8B  }
0xa2: {  	_ =	swait.ge [sflag:s23], $0x1  }
0xa3: {  	[sflag:s23] =	ssyncset.done $0x0  }
0xa4: {  	s25 =	simm.s32 $0x1B8E;
	s24 =	sld [smem:$0x3FFE];
	[sflag:s23] =	ssyncadd.s32 $0xFFFFFFFF  }
0xa5: {  	s26 =	simm.s32 $execute0_lowered;
	[smem:$0x3FD2] =	sst s25  }
0xa6: {  	s4 =	sshll.u32 s26, $0x1;
	_ =	strace $0x80000052;
	[dreg:$0x1] =	wrdreg $0xFFFFFFFF  }
0xa7: {  	s28 =	simm.s32 $_size_execute0_lowered;
	s2 =	sadd.s32 s2, s4;
	[dreg:$0x0] =	wrdreg $0x0  }
0xa8: {  	s4 =	sshll.u32 s28, $0x1;
	[dreg:$0x2] =	wrdreg s2  }
0xa9: {  	[dreg:$0x3] =	wrdreg s4  }
0xaa: {  	[dreg:$0x4] =	wrdreg $0xC0  }
0xab: {  	_ =	task [dreg:s6], $0x5FFFF  }
0xac: {  	[dreg:$0x1] =	wrdreg $0xFFFFFFFF  }
0xad: {  	[dreg:$0x0] =	wrdreg $0x60  }
0xae: {  	[dreg:$0x2] =	wrdreg s24  }
0xaf: {  	[dreg:$0x3] =	wrdreg $0x9  }
0xb0: {  	_ =	task.clear_ibuf [dreg:s6], $0x4FFFF;
	_ =	strace $0x90000052  }
0xb1: {  	s29 =	simm.s32 $0x9;
	_ =	strace $0x80000054  }
0xb2: {  	_ =	swait.ge [sflag:s29], $0x1  }
0xb3: {  	[sflag:s29] =	ssyncadd.s32 $0xFFFFFFFF  }
0xb4: {  	_ =	strace $0x90000054  }
0xb5: {  	_ =	sfence  }
0xb6: {  	s30 =	sld [smem:$0x0];
	_ =	sdelay $0x2  }
0xb7: {  	s31 =	sshll.u32 s1, $0xD;
	s1 =	sshrl.u32 s1, $0x2  }
0xb8: {  	s3 =	sand.u32 $0x4000, s31;
	s1 =	sadd.s32 s1, s30  }
0xb9: {  	s0 =	sor.u32 s3, s0;
	s1 =	sshll.u32 s1, $0x11  }
0xba: {  	s0 =	sor.u32 s1, s0  }
0xbb: {  	s0 =	sadd.s32 $0x8F2B, s0  }
0xbc: {  	[sflag:s0] =	ssyncadd.remote.s32 $0x1  }
0xbd: {  	_ =	sfence.sel $0xFFFF  }
0xbe: {  	[dreg:$0x0] =	wrdreg $0xFFFFFFFF;
	(pc) =	sbr.abs _section_cstart, $3  }
0xbf: {  	[dreg:$0x1] =	wrdreg $0xFFFFFFFF  }
0xc0: {  	_ =	task.clear_ibuf [dreg:s6], $0x2FFFF;
	_ =	strace $0x9FFFFFFF  }
0xc1: {  	(tm) =	ssettm $0x7FFFFFFF  }
tec
execute0_lowered:
.L_overlay_start_1:
0x0: {  	(tag) =	ssettag $0x1  }
0x1: {  	s4 =	rddreg [dreg:$0x0]  }
0x2: {  	s0 =	rddreg [dreg:$0x1]  }
0x3: {  	s3 =	srdreg.scid;
	s1 =	stileid.u32;
	s2 =	simm.s32 $0x0  }
0x4: {  	s10 =	simm.s32 $0x80;
	s11 =	simm.s32 $0x100;
	s12 =	simm.s32 $0x1  }
0x5: {  	s13 =	simm.s32 $0x4100;
	s14 =	simm.s32 $0x0;
	s6 =	smul.u32 $0x5000, s1  }
0x6: {  	s5 =	sand.u32 $0x1, s3;
	[smem:$0x7FF] =	sst s2;
	s8 =	smul.u32 $0x50000, s1  }
0x7: {  	s3 =	sadd.s32 $0xF9A200, s4;
	s7 =	smul.u32 $0x2800, s5;
	s9 =	ssub.s32 $0x2, s5  }
0x8: {  	_ =	strace $0x80000053;
	s5 =	smul.u32 $0x28000, s5;
	s30 =	sshrl.u32 s9, $0x1  }
0x9: {  	s29 =	sadd.s32 s8, s4;
	s6 =	sadd.s32 s7, s6;
	s8 =	ssub.s32 s9, s30  }
0xa: {  	s7 =	sadd.s32 s5, s29;
	s9 =	simm.s32 $0x2;
	s6 =	sshrl.u32 s6, $0x3  }
0xb: {  	s5 =	sadd.s32 $0xFC2200, s7;
	s31 =	sadd.s32 s6, s4;
	s4 =	smax.u32 s8, $0x1  }
0xc: {  	s6 =	sadd.s32 $0x53E00, s7;
	s7 =	sadd.s32 $0x18C00, s31;
	s8 =	sadd.s32 $0xEC00, s31  }
.LBB2_1:
0xd: {  	s15 =	sadd.s32 $0x0, s8  }
0xe: {  	[tilespmem:s2], [sflag:$0x2] =	stream.linear.gather [hbm4b:s15+s2], $0x80, $0x38;
	[tilespmem:$0x8100] =	vst v63  }
0xf: {  	_ =	swait.ge [sflag:s9], $0x80  }
0x10: {  	[sflag:s9] =	ssyncset.done $0x0  }
0x11: {  	s31 =	sadd.s32 $0x0, s7;
	[sflag:s9] =	ssyncadd.s32 $0xFFFFFF80  }
0x12: {  	[tilespmem:s10], [sflag:$0x2] =	stream.linear.gather [hbm4b:s31+s2], $0x80, $0x38;
	[tilespmem:$0x8100] =	vst v63  }
0x13: {  	_ =	swait.ge [sflag:s9], $0x80  }
0x14: {  	[sflag:s9] =	ssyncset.done $0x0  }
0x15: {  	[sflag:s9] =	ssyncadd.s32 $0xFFFFFF80  }
0x16: {  	[tilespmem:s11], [sflag:$0x1] =	stream.indirect.gather [hbm4b:s3+s10], $0x80, s2, s10, $0xb8;
	[tilespmem:$0x8100] =	vst v63  }
0x17: {  	_ =	swait.ge [sflag:s12], $0x4000  }
0x18: {  	[sflag:s12] =	ssyncset.done $0x0  }
0x19: {  	[sflag:s12] =	ssyncadd.s32 $0xFFFFC000  }
0x1a: {  	[tilespmem:s13], [sflag:$0x1] =	stream.indirect.gather [hbm4b:s3+s10], $0x80, s10, s10, $0xb8;
	[tilespmem:$0x8100] =	vst v63  }
0x1b: {  	_ =	swait.ge [sflag:s12], $0x4000  }
0x1c: {  	[sflag:s12] =	ssyncset.done $0x0  }
0x1d: {  	[sflag:s12] =	ssyncadd.s32 $0xFFFFC000  }
0x1e: {  	[hbm4b:s5+s2] =	stream.linear.scatter [tilespmem:s11], [sflag:$0x2], $0x4000, $0x38;
	[tilespmem:$0x8100] =	vst v63  }
0x1f: {  	_ =	swait.ge [sflag:s9], $0x4000  }
0x20: {  	[sflag:s9] =	ssyncset.done $0x0  }
0x21: {  	[sflag:s9] =	ssyncadd.s32 $0xFFFFC000  }
0x22: {  	[hbm4b:s6+s2] =	stream.linear.scatter [tilespmem:s13], [sflag:$0x2], $0x4000, $0x38;
	[tilespmem:$0x8100] =	vst v63  }
0x23: {  	s17 =	simm.s32 $0x10;
	s18 =	simm.s32 $0x20;
	_ =	swait.ge [sflag:s9], $0x4000  }
0x24: {  	s16 =	sadd.s32 $0x800, s5;
	s15 =	sadd.s32 $0x800, s6;
	[sflag:s9] =	ssyncset.done $0x0  }
.LBB2_2:
0x25: {  	s19 =	sadd.s32 s17, s8  }
0x26: {  	[sflag:s9] =	ssyncadd.s32 $0xFFFFC000;
	s20 =	smov.u32 s18;
	s21 =	sadd.s32 $0x10, s18  }
0x27: {  	[tilespmem:s2], [sflag:$0x2] =	stream.linear.gather [hbm4b:s19+s2], $0x80, $0x38;
	[tilespmem:$0x8100] =	vst v63  }
0x28: {  	p0 =	sne.s32 s18, $0x4F0;
	_ =	swait.ge [sflag:s9], $0x80  }
0x29: {  	[sflag:s9] =	ssyncset.done $0x0  }
0x2a: {  	s18 =	sadd.s32 s17, s7;
	s17 =	smov.u32 s20;
	[sflag:s9] =	ssyncadd.s32 $0xFFFFFF80  }
0x2b: {  	[tilespmem:s10], [sflag:$0x2] =	stream.linear.gather [hbm4b:s18+s2], $0x80, $0x38;
	[tilespmem:$0x8100] =	vst v63  }
0x2c: {  	_ =	swait.ge [sflag:s9], $0x80  }
0x2d: {  	[sflag:s9] =	ssyncset.done $0x0  }
0x2e: {  	[sflag:s9] =	ssyncadd.s32 $0xFFFFFF80  }
0x2f: {  	[tilespmem:s11], [sflag:$0x1] =	stream.indirect.gather [hbm4b:s3+s10], $0x80, s2, s10, $0xb8;
	[tilespmem:$0x8100] =	vst v63  }
0x30: {  	_ =	swait.ge [sflag:s12], $0x4000  }
0x31: {  	[sflag:s12] =	ssyncset.done $0x0  }
0x32: {  	[sflag:s12] =	ssyncadd.s32 $0xFFFFC000  }
0x33: {  	[tilespmem:s13], [sflag:$0x1] =	stream.indirect.gather [hbm4b:s3+s10], $0x80, s10, s10, $0xb8;
	[tilespmem:$0x8100] =	vst v63  }
0x34: {  	_ =	swait.ge [sflag:s12], $0x4000  }
0x35: {  	[sflag:s12] =	ssyncset.done $0x0  }
0x36: {  	[sflag:s12] =	ssyncadd.s32 $0xFFFFC000  }
0x37: {  	[hbm4b:s16+s2] =	stream.linear.scatter [tilespmem:s11], [sflag:$0x2], $0x4000, $0x38;
	[tilespmem:$0x8100] =	vst v63  }
0x38: {  	_ =	swait.ge [sflag:s9], $0x4000  }
.Ltmp0:
0x39: {  	[sflag:s9] =	ssyncset.done $0x0;
	(pc) =	sbr.rel @p0 .LBB2_2-.Ltmp0, $4  }
0x3a: {  	[sflag:s9] =	ssyncadd.s32 $0xFFFFC000  }
0x3b: {  	[hbm4b:s15+s2] =	stream.linear.scatter [tilespmem:s13], [sflag:$0x2], $0x4000, $0x38;
	[tilespmem:$0x8100] =	vst v63  }
0x3c: {  	s18 =	smov.u32 s21;
	_ =	swait.ge [sflag:s9], $0x4000  }
0x3d: {  	s16 =	sadd.s32 $0x800, s16;
	s15 =	sadd.s32 $0x800, s15;
	[sflag:s9] =	ssyncset.done $0x0  }
0x3e: {  	s18 =	sadd.s32 s17, s8;
	[sflag:s9] =	ssyncadd.s32 $0xFFFFC000  }
0x3f: {  	[tilespmem:s2], [sflag:$0x2] =	stream.linear.gather [hbm4b:s18+s2], $0x80, $0x38;
	[tilespmem:$0x8100] =	vst v63  }
0x40: {  	_ =	swait.ge [sflag:s9], $0x80  }
0x41: {  	[sflag:s9] =	ssyncset.done $0x0  }
0x42: {  	s31 =	sadd.s32 s17, s7;
	[sflag:s9] =	ssyncadd.s32 $0xFFFFFF80  }
0x43: {  	[tilespmem:s10], [sflag:$0x2] =	stream.linear.gather [hbm4b:s31+s2], $0x80, $0x38;
	[tilespmem:$0x8100] =	vst v63  }
0x44: {  	_ =	swait.ge [sflag:s9], $0x80  }
0x45: {  	[sflag:s9] =	ssyncset.done $0x0  }
0x46: {  	[sflag:s9] =	ssyncadd.s32 $0xFFFFFF80  }
0x47: {  	[tilespmem:s11], [sflag:$0x1] =	stream.indirect.gather [hbm4b:s3+s10], $0x80, s2, s10, $0xb8;
	[tilespmem:$0x8100] =	vst v63  }
0x48: {  	_ =	swait.ge [sflag:s12], $0x4000  }
0x49: {  	[sflag:s12] =	ssyncset.done $0x0  }
0x4a: {  	[sflag:s12] =	ssyncadd.s32 $0xFFFFC000  }
0x4b: {  	[tilespmem:s13], [sflag:$0x1] =	stream.indirect.gather [hbm4b:s3+s10], $0x80, s10, s10, $0xb8;
	[tilespmem:$0x8100] =	vst v63  }
0x4c: {  	_ =	swait.ge [sflag:s12], $0x4000  }
0x4d: {  	[sflag:s12] =	ssyncset.done $0x0  }
0x4e: {  	[sflag:s12] =	ssyncadd.s32 $0xFFFFC000  }
0x4f: {  	[hbm4b:s16+s2] =	stream.linear.scatter [tilespmem:s11], [sflag:$0x2], $0x4000, $0x38;
	[tilespmem:$0x8100] =	vst v63  }
0x50: {  	s14 =	sadd.s32 $0x1, s14;
	_ =	swait.ge [sflag:s9], $0x4000  }
0x51: {  	p0 =	sne.s32 s14, s4;
	[sflag:s9] =	ssyncset.done $0x0  }
.Ltmp1:
0x52: {  	[sflag:s9] =	ssyncadd.s32 $0xFFFFC000;
	(pc) =	sbr.rel @p0 .LBB2_1-.Ltmp1, $4  }
0x53: {  	[hbm4b:s15+s2] =	stream.linear.scatter [tilespmem:s13], [sflag:$0x2], $0x4000, $0x38;
	[tilespmem:$0x8100] =	vst v63  }
0x54: {  	_ =	swait.ge [sflag:s9], $0x4000  }
0x55: {  	[sflag:s9] =	ssyncset.done $0x0  }
0x56: {  	[sflag:s9] =	ssyncadd.s32 $0xFFFFC000  }
0x57: {  	_ =	sfence.sel $0x180000  }
0x58: {  	[bflag:$0x0] =	sbarrier.arrive $0xFFFF  }
0x59: {  	p0 =	sne.s32 s1, $0x0;
	_ =	strace $0x90000053  }
0x5a: {  	s0 =	sadd.s32 @!p0 $0x100000, s0;
	[bflag:$0x2] =	sbarrier.arrive $0xFFFF  }
0x5b: {  	[sflag:s0] =	ssyncadd.tile.s32 @!p0 $0x1;
	_ =	shalt  }
.Lfunc_end2:
_tile_overlayer_lowered:
.L_overlay_start_2:
0x5c: {  	(tag) =	ssettag $0x2  }
0x5d: {  	s0 =	rddreg [dreg:$0x0];
	s2 =	stileid.u32  }
0x5e: {  	s1 =	rddreg [dreg:$0x1];
	p0 =	sne.s32 s2, $0x0  }
0x5f: {  	s3 =	rddreg [dreg:$0x2];
	[bflag:$0x3] =	sbarrier.arrive $0xFFFF;
	s2 =	simm.s32 @!p0 $0x1C02  }
0x60: {  	[timem:s3], [sflag:s2] =	dma.local @!p0 [hbm:s0], s1  }
0x61: {  	s0 =	simm.s32 @!p0 $0x2  }
0x62: {  	_ =	swait.ge @!p0 [sflag:s0], s1  }
0x63: {  	s1 =	ssub.s32 @!p0 $0x0, s1;
	[sflag:s0] =	ssyncset.done @!p0 $0x0  }
0x64: {  	[sflag:s0] =	ssyncadd.s32 @!p0 s1  }
0x65: {  	[bflag:$0x3] =	sbarrier.arrive $0xFFFF  }
0x66: {  	_ =	shalt  }

// kernel: kernel.35.cloned.1.call-start
scs
__scs_entry_jumppad:
0x0: {  	(pc) =	sbr.rel $0x88, $3  }
0x1: {  	(tag) =	ssettag $0x0;
	lr =	simm.s32 $0x1  }
0x2: {  	[smem:$0x3F68] =	sst lr;
	_ =	strace $0xD0000000  }
0x3: {  	_ = 	snop  }
0x4: {  	_ = 	snop  }
0x5: {  	_ = 	snop  }
0x6: {  	_ = 	snop  }
0x7: {  	_ = 	snop  }
__scs_overlays_trampoline_lowered:
0x8: {  	[smem:$0x3F77] =	sst s0  }
0x9: {  	[smem:$0x3F78] =	sst s1  }
0xa: {  	[smem:$0x3F79] =	sst s2  }
0xb: {  	[smem:$0x3F7A] =	sst s3  }
0xc: {  	[smem:$0x3F7B] =	sst s4  }
0xd: {  	[smem:$0x3F7C] =	sst s5  }
0xe: {  	[smem:$0x3F7D] =	sst s6  }
0xf: {  	[smem:$0x3F7E] =	sst s7  }
0x10: {  	[smem:$0x3F7F] =	sst s8  }
0x11: {  	[smem:$0x3F80] =	sst s9;
	s0 =	simm.s32 @!p0 $0x0  }
0x12: {  	s1 =	sld [smem:$0x3F66];
	s0 =	simm.s32 @p0 $0x1  }
0x13: {  	[smem:$0x3F81] =	sst s0;
	s0 =	simm.s32 @!p1 $0x0  }
0x14: {  	s2 =	sld [smem:$0x3F65];
	s0 =	simm.s32 @p1 $0x1  }
0x15: {  	[smem:$0x3F82] =	sst s0;
	s0 =	simm.s32 @!p2 $0x0  }
0x16: {  	s3 =	sld [smem:$0x3FDB];
	s0 =	simm.s32 @p2 $0x1  }
0x17: {  	s4 =	simm.s32 $0x1BF5;
	[smem:$0x3F84] =	sst s0  }
0x18: {  	s0 =	sld [smem:$0x3F67];
	_ =	swait.ge [sflag:s4], $0x0  }
0x19: {  	s7 =	sld [smem:$0x3F68]  }
0x1a: {  	s8 =	sadd.s32 $0xFFFFE003, lr  }
0x1b: {  	s9 =	sadd.s32 $0xFFFFFEF7, lr;
	s5 =	simm.s32 $0xFFFFFFFF;
	p2 =	slt.u32 s8, $0xFFFFF086  }
0x1c: {  	p1 =	slt.u32 s9, $0xF7A;
	s5 =	simm.s32 @!p2 $0x0  }
0x1d: {  	s5 =	simm.s32 @p1 $0x1;
	p0 =	seq.s32 s7, s2  }
0x1e: {  	s7 =	smul.u32 @!p0 $0xF7A, s2;
	p2 =	seq.s32 @!p0 s5, $0x0  }
0x1f: {  	s9 =	smul.u32 $0xF7A, s1;
	s8 =	simm.s32 @!p0 $0x1BF5;
	p2 =	por !p2, p0  }
0x20: {  	[sflag:s8] =	ssyncset.s32 @!p0 $0xFFFFF086;
	s6 =	sadd.s32 @!p0 s3, s7;
	s7 =	simm.s32 @!p0 $0x108  }
0x21: {  	s3 =	sadd.s32 s3, s9;
	s6 =	sadd.s32 @!p0 $0x88, s6;
	s7 =	simm.s32 @p2 $0x1082  }
0x22: {  	[simem:s7], [sflag:s8] =	dma.local @!p0 [hbm:s6], $0xF7A  }
0x23: {  	s9 =	sor.u32 $0xD0000000, s2;
	s6 =	simm.s32 $0x108;
	_ =	swait.ge @!p0 [sflag:s8], $0x0  }
0x24: {  	s3 =	sadd.s32 $0x88, s3;
	s6 =	simm.s32 @!p1 $0x1082;
	[sflag:s4] =	ssyncset.s32 $0xFFFFF086  }
0x25: {  	[simem:s6], [sflag:s4] =	dma.local [hbm:s3], $0xF7A  }
0x26: {  	[smem:$0x3F68] =	sst s1;
	(tag) =	ssettag s2;
	_ =	strace s9  }
0x27: {  	s1 =	sld [smem:$0x3F78]  }
0x28: {  	s2 =	sld [smem:$0x3F79]  }
0x29: {  	s4 =	sld [smem:$0x3F7B]  }
0x2a: {  	p0 =	seq.s32 s5, $0x0;
	s5 =	sld [smem:$0x3F7C]  }
0x2b: {  	s6 =	sld [smem:$0x3F7D]  }
0x2c: {  	s7 =	sld [smem:$0x3F7E]  }
0x2d: {  	s3 =	simm.s32 $0x108;
	s8 =	sld [smem:$0x3F7F]  }
0x2e: {  	s3 =	simm.s32 @!p0 $0x1082;
	s9 =	sld [smem:$0x3F80]  }
0x2f: {  	lr =	sadd.s32 s0, s3;
	s0 =	sld [smem:$0x3F77]  }
0x30: {  	s3 =	sld [smem:$0x3F7A]  }
0x31: {  	[smem:$0x3F83] =	sst s10  }
0x32: {  	s10 =	sld [smem:$0x3F81];
	_ =	sdelay $0x3  }
0x33: {  	p0 =	seq.s32 s10, $0x1;
	s10 =	sld [smem:$0x3F83];
	_ =	sdelay $0x3  }
0x34: {  	[smem:$0x3F83] =	sst s10  }
0x35: {  	s10 =	sld [smem:$0x3F82];
	_ =	sdelay $0x3  }
0x36: {  	p1 =	seq.s32 s10, $0x1;
	s10 =	sld [smem:$0x3F83];
	_ =	sdelay $0x3  }
0x37: {  	[smem:$0x3F83] =	sst s10  }
0x38: {  	s10 =	sld [smem:$0x3F84]  }
0x39: {  	_ = 	snop;
	(pc) =	sbr.ind lr, $3  }
0x3a: {  	_ = 	snop  }
0x3b: {  	_ = 	snop  }
0x3c: {  	p2 =	seq.s32 s10, $0x1;
	s10 =	sld [smem:$0x3F83]  }
0x3d: {  	_ =	shalt  }
0x3e: {  	_ =	shalt  }
0x3f: {  	_ =	shalt  }
0x40: {  	_ =	shalt  }
0x41: {  	_ =	shalt  }
0x42: {  	_ =	shalt  }
0x43: {  	_ =	shalt  }
0x44: {  	_ =	shalt  }
0x45: {  	_ =	shalt  }
0x46: {  	_ =	shalt  }
0x47: {  	_ =	shalt  }
0x48: {  	_ =	shalt  }
0x49: {  	_ =	shalt  }
0x4a: {  	_ =	shalt  }
0x4b: {  	_ =	shalt  }
0x4c: {  	_ =	shalt  }
0x4d: {  	_ =	shalt  }
0x4e: {  	_ =	shalt  }
0x4f: {  	_ =	shalt  }
0x50: {  	_ =	shalt  }
0x51: {  	_ =	shalt  }
0x52: {  	_ =	shalt  }
0x53: {  	_ =	shalt  }
0x54: {  	_ =	shalt  }
0x55: {  	_ =	shalt  }
0x56: {  	_ =	shalt  }
0x57: {  	_ =	shalt  }
0x58: {  	_ =	shalt  }
0x59: {  	_ =	shalt  }
0x5a: {  	_ =	shalt  }
0x5b: {  	_ =	shalt  }
0x5c: {  	_ =	shalt  }
0x5d: {  	_ =	shalt  }
0x5e: {  	_ =	shalt  }
0x5f: {  	_ =	shalt  }
0x60: {  	_ =	shalt  }
0x61: {  	_ =	shalt  }
0x62: {  	_ =	shalt  }
0x63: {  	_ =	shalt  }
0x64: {  	_ =	shalt  }
0x65: {  	_ =	shalt  }
0x66: {  	_ =	shalt  }
0x67: {  	_ =	shalt  }
0x68: {  	_ =	shalt  }
0x69: {  	_ =	shalt  }
0x6a: {  	_ =	shalt  }
0x6b: {  	_ =	shalt  }
0x6c: {  	_ =	shalt  }
0x6d: {  	_ =	shalt  }
0x6e: {  	_ =	shalt  }
0x6f: {  	_ =	shalt  }
0x70: {  	_ =	shalt  }
0x71: {  	_ =	shalt  }
0x72: {  	_ =	shalt  }
0x73: {  	_ =	shalt  }
0x74: {  	_ =	shalt  }
0x75: {  	_ =	shalt  }
0x76: {  	_ =	shalt  }
0x77: {  	_ =	shalt  }
0x78: {  	_ =	shalt  }
0x79: {  	_ =	shalt  }
0x7a: {  	_ =	shalt  }
0x7b: {  	_ =	shalt  }
0x7c: {  	_ =	shalt  }
0x7d: {  	_ =	shalt  }
0x7e: {  	_ =	shalt  }
0x7f: {  	_ =	shalt  }
0x80: {  	_ =	shalt  }
0x81: {  	_ =	shalt  }
0x82: {  	_ =	shalt  }
0x83: {  	_ =	shalt  }
0x84: {  	_ =	shalt  }
0x85: {  	_ =	shalt  }
0x86: {  	_ =	shalt  }
0x87: {  	_ =	shalt  }
.Lfunc_end0:
.L_simem_size_0:
called_computation.5_lowered:
.L_overlay_start_0:
0x88: {  	s2 =	sld [smem:$0x3FD9]  }
0x89: {  	s3 =	sld [smem:$0x3FFE];
	_ =	sdelay $0x1  }
0x8a: {  	s1 =	srdreg.scid  }
0x8b: {  	s0 =	sand.u32 $0x1, s1  }
0x8c: {  	s16 =	sshll.u32 s0, $0xA;
	s2 =	sadd.s32 s3, s2  }
0x8d: {  	s2 =	sadd.s32 s2, s16  }
0x8e: {  	[smem:$0x3F8F] =	sst s2  }
0x8f: {  	_ = 	snop  }
0x90: {  	(tm) =	ssettm $0x1  }
0x91: {  	s17 =	sld [smem:$0x3FFB];
	_ =	sdelay $0x3  }
0x92: {  	_ =	strace s17  }
0x93: {  	s2 =	sld [smem:$0x3FFC];
	_ =	sdelay $0x3  }
0x94: {  	_ =	strace s2  }
0x95: {  	s2 =	sld [smem:$0x3FFD];
	_ =	sdelay $0x3  }
0x96: {  	_ =	strace s2  }
0x97: {  	_ =	strace $0x8FFFFFFF  }
0x98: {  	s18 =	sld [smem:$0x3FDB];
	_ =	sdelay $0x1  }
0x99: {  	s19 =	simm.s32 $_scs_section_size  }
0x9a: {  	s4 =	simm.s32 $_size__tile_overlayer_lowered;
	s5 =	simm.s32 $_tile_overlayer_lowered  }
0x9b: {  	s22 =	simm.s32 $0x1BFF;
	s21 =	sshll.u32 s5, $0x1;
	s2 =	sadd.s32 s19, s18  }
0x9c: {  	s6 =	simm.s32 $0x0;
	s20 =	sshll.u32 s4, $0x1;
	s4 =	sadd.s32 s21, s2  }
0x9d: {  	[timem:s6], [sflag:s22] =	dma.local [hbm:s4], s20  }
0x9e: {  	_ =	swait.ge [sflag:s22], s20  }
0x9f: {  	s3 =	ssub.s32 $0x0, s20;
	[sflag:s22] =	ssyncset.done $0x0  }
0xa0: {  	[sflag:s22] =	ssyncadd.s32 s3;
	_ =	sdelay $0x1  }
0xa1: {  	s23 =	simm.s32 $0x1B8B  }
0xa2: {  	_ =	swait.ge [sflag:s23], $0x1  }
0xa3: {  	[sflag:s23] =	ssyncset.done $0x0  }
0xa4: {  	s25 =	simm.s32 $0x1B8E;
	s24 =	sld [smem:$0x3FFE];
	[sflag:s23] =	ssyncadd.s32 $0xFFFFFFFF  }
0xa5: {  	s26 =	simm.s32 $execute0_lowered;
	[smem:$0x3FD2] =	sst s25  }
0xa6: {  	s4 =	sshll.u32 s26, $0x1;
	_ =	strace $0x80000055;
	[dreg:$0x1] =	wrdreg $0xFFFFFFFF  }
0xa7: {  	s28 =	simm.s32 $_size_execute0_lowered;
	s2 =	sadd.s32 s2, s4;
	[dreg:$0x0] =	wrdreg $0x0  }
0xa8: {  	s4 =	sshll.u32 s28, $0x1;
	[dreg:$0x2] =	wrdreg s2  }
0xa9: {  	[dreg:$0x3] =	wrdreg s4  }
0xaa: {  	[dreg:$0x4] =	wrdreg $0xC0  }
0xab: {  	_ =	task [dreg:s6], $0x5FFFF  }
0xac: {  	[dreg:$0x1] =	wrdreg $0xFFFFFFFF  }
0xad: {  	[dreg:$0x0] =	wrdreg $0x60  }
0xae: {  	[dreg:$0x2] =	wrdreg s24  }
0xaf: {  	[dreg:$0x3] =	wrdreg $0x40800  }
0xb0: {  	[dreg:$0x4] =	wrdreg $0x9  }
0xb1: {  	_ =	task.clear_ibuf [dreg:s6], $0x5FFFF;
	_ =	strace $0x90000055  }
0xb2: {  	s29 =	simm.s32 $0x9;
	_ =	strace $0x80000057  }
0xb3: {  	_ =	swait.ge [sflag:s29], $0x1  }
0xb4: {  	[sflag:s29] =	ssyncadd.s32 $0xFFFFFFFF  }
0xb5: {  	_ =	strace $0x90000057  }
0xb6: {  	_ =	sfence  }
0xb7: {  	s30 =	sld [smem:$0x0];
	_ =	sdelay $0x2  }
0xb8: {  	s31 =	sshll.u32 s1, $0xD;
	s1 =	sshrl.u32 s1, $0x2  }
0xb9: {  	s3 =	sand.u32 $0x4000, s31;
	s1 =	sadd.s32 s1, s30  }
0xba: {  	s0 =	sor.u32 s3, s0;
	s1 =	sshll.u32 s1, $0x11  }
0xbb: {  	s0 =	sor.u32 s1, s0  }
0xbc: {  	s0 =	sadd.s32 $0x8F2B, s0  }
0xbd: {  	[sflag:s0] =	ssyncadd.remote.s32 $0x1  }
0xbe: {  	_ =	sfence.sel $0xFFFF  }
0xbf: {  	[dreg:$0x0] =	wrdreg $0xFFFFFFFF;
	(pc) =	sbr.abs _section_cstart, $3  }
0xc0: {  	[dreg:$0x1] =	wrdreg $0xFFFFFFFF  }
0xc1: {  	_ =	task.clear_ibuf [dreg:s6], $0x2FFFF;
	_ =	strace $0x9FFFFFFF  }
0xc2: {  	(tm) =	ssettm $0x7FFFFFFF  }
0xc3: {  	_ =	shalt  }
tec
execute0_lowered:
.L_overlay_start_1:
0x0: {  	(tag) =	ssettag $0x1  }
0x1: {  	s0 =	stileid.u32  }
0x2: {  	s1 =	srdreg.scid;
	s4 =	smul.u32 $0x50000, s0  }
0x3: {  	s5 =	rddreg [dreg:$0x0];
	s7 =	smul.u32 $0x5000, s0  }
0x4: {  	s2 =	rddreg [dreg:$0x1];
	s6 =	sand.u32 $0x1, s1;
	s9 =	smul.u32 $0x14000, s0  }
0x5: {  	s3 =	simm.s32 $0x0;
	s1 =	rddreg [dreg:$0x2];
	s8 =	smul.u32 $0x2800, s6  }
0x6: {  	[smem:$0x7FF] =	sst s3;
	s29 =	sshll.u32 s0, $0x6;
	s25 =	smul.u32 $0x140000, s6  }
0x7: {  	_ =	strace $0x80000056;
	s28 =	ssub.s32 $0x2, s6;
	s30 =	smul.u32 $0x28000, s6  }
0x8: {  	s10 =	sadd.s32 s4, s5;
	s12 =	sshrl.u32 s28, $0x1;
	s4 =	sshrl.u32 s4, $0x2  }
0x9: {  	s7 =	sadd.s32 s8, s7;
	s26 =	sadd.s32 s9, s25;
	s9 =	sshrl.u32 s9, $0x3  }
0xa: {  	s8 =	ssub.s32 s28, s12;
	s13 =	sadd.s32 s4, s2;
	s31 =	sadd.s32 s30, s10  }
0xb: {  	s12 =	simm.s32 $0x80;
	s7 =	sshrl.u32 s7, $0x3;
	s9 =	sadd.s32 s9, s5  }
0xc: {  	s10 =	sshrl.u32 s13, $0x3;
	s11 =	sadd.s32 s7, s5;
	s7 =	sshrl.u32 s26, $0x3  }
0xd: {  	s13 =	simm.s32 $0x0;
	s4 =	sadd.s32 $0xF72200, s9;
	s7 =	sadd.s32 s7, s5  }
0xe: {  	s5 =	sor.u32 $0x1C01, s29;
	s9 =	sadd.s32 $0x49E00, s11;
	s11 =	simm.s32 $0x1  }
0xf: {  	s6 =	sadd.s32 $0x53E00, s7;
	s7 =	smax.u32 s8, $0x1;
	s8 =	sadd.s32 $0x553E00, s31  }
.LBB2_1:
0x10: {  	[spmem:s10], [sflag:s5] =	dma.local [hbm:s4], $0x2800  }
0x11: {  	_ =	swait.ge [sflag:s11], $0x2800  }
0x12: {  	[sflag:s11] =	ssyncset.done $0x0  }
0x13: {  	[sflag:s11] =	ssyncadd.s32 $0xFFFFD800  }
0x14: {  	s14 =	sadd.s32 $0x0, s9;
	[bflag:$0x0] =	sbarrier.arrive $0xFFFF  }
0x15: {  	[tilespmem:s3], [sflag:$0x1] =	stream.linear.gather [hbm4b:s14+s3], $0x80, $0x38;
	[tilespmem:$0x18080] =	vst v63  }
0x16: {  	_ =	swait.ge [sflag:s11], $0x80  }
0x17: {  	[sflag:s11] =	ssyncset.done $0x0  }
0x18: {  	[sflag:s11] =	ssyncadd.s32 $0xFFFFFF80  }
0x19: {  	[tilespmem:s12], [sflag:$0x1] =	stream.linear.gather [hbm4b:s8+s3], $0x4000, $0x38;
	[tilespmem:$0x18080] =	vst v63  }
0x1a: {  	_ =	swait.ge [sflag:s11], $0x4000  }
0x1b: {  	[sflag:s11] =	ssyncset.done $0x0  }
0x1c: {  	[sflag:s11] =	ssyncadd.s32 $0xFFFFC000  }
0x1d: {  	[spmem:s2] =	stream.indirect.scatter.add.f32 [tilespmem:s12], [sflag:$0x1], $0x80, s3, s12, $0xb8;
	[tilespmem:$0x18080] =	vst v63  }
0x1e: {  	s15 =	simm.s32 $0x10;
	_ =	swait.ge [sflag:s11], $0x4000  }
0x1f: {  	s16 =	simm.s32 $0x20;
	s14 =	sadd.s32 $0x800, s8;
	[sflag:s11] =	ssyncset.done $0x0  }
.LBB2_2:
0x20: {  	s17 =	sadd.s32 s15, s9  }
0x21: {  	[sflag:s11] =	ssyncadd.s32 $0xFFFFC000;
	s15 =	smov.u32 s16;
	s18 =	sadd.s32 $0x10, s16  }
0x22: {  	[tilespmem:s3], [sflag:$0x1] =	stream.linear.gather [hbm4b:s17+s3], $0x80, $0x38;
	[tilespmem:$0x18080] =	vst v63  }
0x23: {  	p0 =	sne.s32 s16, $0x4F0;
	_ =	swait.ge [sflag:s11], $0x80  }
0x24: {  	[sflag:s11] =	ssyncset.done $0x0  }
0x25: {  	[sflag:s11] =	ssyncadd.s32 $0xFFFFFF80  }
0x26: {  	[tilespmem:s12], [sflag:$0x1] =	stream.linear.gather [hbm4b:s14+s3], $0x4000, $0x38;
	[tilespmem:$0x18080] =	vst v63  }
0x27: {  	_ =	swait.ge [sflag:s11], $0x4000  }
.Ltmp0:
0x28: {  	[sflag:s11] =	ssyncset.done $0x0;
	(pc) =	sbr.rel @p0 .LBB2_2-.Ltmp0, $4  }
0x29: {  	[sflag:s11] =	ssyncadd.s32 $0xFFFFC000  }
0x2a: {  	[spmem:s2] =	stream.indirect.scatter.add.f32 [tilespmem:s12], [sflag:$0x1], $0x80, s3, s12, $0xb8;
	[tilespmem:$0x18080] =	vst v63  }
0x2b: {  	_ =	swait.ge [sflag:s11], $0x4000  }
0x2c: {  	s16 =	smov.u32 s18;
	s14 =	sadd.s32 $0x800, s14;
	[sflag:s11] =	ssyncset.done $0x0  }
0x2d: {  	s15 =	sadd.s32 s15, s9;
	[sflag:s11] =	ssyncadd.s32 $0xFFFFC000  }
0x2e: {  	[tilespmem:s3], [sflag:$0x1] =	stream.linear.gather [hbm4b:s15+s3], $0x80, $0x38;
	[tilespmem:$0x18080] =	vst v63  }
0x2f: {  	_ =	swait.ge [sflag:s11], $0x80  }
0x30: {  	[sflag:s11] =	ssyncset.done $0x0  }
0x31: {  	[sflag:s11] =	ssyncadd.s32 $0xFFFFFF80  }
0x32: {  	[tilespmem:s12], [sflag:$0x1] =	stream.linear.gather [hbm4b:s14+s3], $0x4000, $0x38;
	[tilespmem:$0x18080] =	vst v63  }
0x33: {  	_ =	swait.ge [sflag:s11], $0x4000  }
0x34: {  	[sflag:s11] =	ssyncset.done $0x0  }
0x35: {  	[sflag:s11] =	ssyncadd.s32 $0xFFFFC000  }
0x36: {  	[spmem:s2] =	stream.indirect.scatter.add.f32 [tilespmem:s12], [sflag:$0x1], $0x80, s3, s12, $0xb8;
	[tilespmem:$0x18080] =	vst v63  }
0x37: {  	_ =	swait.ge [sflag:s11], $0x4000  }
0x38: {  	s13 =	sadd.s32 $0x1, s13;
	[sflag:s11] =	ssyncset.done $0x0  }
0x39: {  	p0 =	sne.s32 s13, s7;
	[sflag:s11] =	ssyncadd.s32 $0xFFFFC000  }
.Ltmp1:
0x3a: {  	[bflag:$0x0] =	sbarrier.arrive $0xFFFF;
	(pc) =	sbr.rel @p0 .LBB2_1-.Ltmp1, $4  }
0x3b: {  	[hbm:s6], [sflag:s5] =	dma.local [spmem:s10], $0x2800  }
0x3c: {  	_ =	swait.ge [sflag:s11], $0x2800  }
0x3d: {  	[sflag:s11] =	ssyncset.done $0x0  }
0x3e: {  	[sflag:s11] =	ssyncadd.s32 $0xFFFFD800  }
0x3f: {  	_ =	sfence.sel $0x180000  }
0x40: {  	[bflag:$0x0] =	sbarrier.arrive $0xFFFF  }
0x41: {  	p0 =	sne.s32 s0, $0x0;
	_ =	strace $0x90000056  }
0x42: {  	s0 =	sadd.s32 @!p0 $0x100000, s1;
	[bflag:$0x2] =	sbarrier.arrive $0xFFFF  }
0x43: {  	[sflag:s0] =	ssyncadd.tile.s32 @!p0 $0x1;
	_ =	shalt  }
.Lfunc_end2:
_tile_overlayer_lowered:
.L_overlay_start_2:
0x44: {  	(tag) =	ssettag $0x2  }
0x45: {  	s0 =	rddreg [dreg:$0x0];
	s2 =	stileid.u32  }
0x46: {  	s1 =	rddreg [dreg:$0x1];
	p0 =	sne.s32 s2, $0x0  }
0x47: {  	s3 =	rddreg [dreg:$0x2];
	[bflag:$0x3] =	sbarrier.arrive $0xFFFF;
	s2 =	simm.s32 @!p0 $0x1C01  }
0x48: {  	[timem:s3], [sflag:s2] =	dma.local @!p0 [hbm:s0], s1  }
0x49: {  	s0 =	simm.s32 @!p0 $0x1  }
0x4a: {  	_ =	swait.ge @!p0 [sflag:s0], s1  }
0x4b: {  	s1 =	ssub.s32 @!p0 $0x0, s1;
	[sflag:s0] =	ssyncset.done @!p0 $0x0  }
0x4c: {  	[sflag:s0] =	ssyncadd.s32 @!p0 s1  }
0x4d: {  	[bflag:$0x3] =	sbarrier.arrive $0xFFFF  }
0x4e: {  	_ =	shalt  }

// kernel: kernel.38.cloned.1.call-start
scs
__scs_entry_jumppad:
0x0: {  	(pc) =	sbr.rel $0x88, $3  }
0x1: {  	(tag) =	ssettag $0x0;
	lr =	simm.s32 $0x1  }
0x2: {  	[smem:$0x3F68] =	sst lr;
	_ =	strace $0xD0000000  }
0x3: {  	_ = 	snop  }
0x4: {  	_ = 	snop  }
0x5: {  	_ = 	snop  }
0x6: {  	_ = 	snop  }
0x7: {  	_ = 	snop  }
__scs_overlays_trampoline_lowered:
0x8: {  	[smem:$0x3F77] =	sst s0  }
0x9: {  	[smem:$0x3F78] =	sst s1  }
0xa: {  	[smem:$0x3F79] =	sst s2  }
0xb: {  	[smem:$0x3F7A] =	sst s3  }
0xc: {  	[smem:$0x3F7B] =	sst s4  }
0xd: {  	[smem:$0x3F7C] =	sst s5  }
0xe: {  	[smem:$0x3F7D] =	sst s6  }
0xf: {  	[smem:$0x3F7E] =	sst s7  }
0x10: {  	[smem:$0x3F7F] =	sst s8  }
0x11: {  	[smem:$0x3F80] =	sst s9;
	s0 =	simm.s32 @!p0 $0x0  }
0x12: {  	s1 =	sld [smem:$0x3F66];
	s0 =	simm.s32 @p0 $0x1  }
0x13: {  	[smem:$0x3F81] =	sst s0;
	s0 =	simm.s32 @!p1 $0x0  }
0x14: {  	s2 =	sld [smem:$0x3F65];
	s0 =	simm.s32 @p1 $0x1  }
0x15: {  	[smem:$0x3F82] =	sst s0;
	s0 =	simm.s32 @!p2 $0x0  }
0x16: {  	s3 =	sld [smem:$0x3FDB];
	s0 =	simm.s32 @p2 $0x1  }
0x17: {  	s4 =	simm.s32 $0x1BF5;
	[smem:$0x3F84] =	sst s0  }
0x18: {  	s0 =	sld [smem:$0x3F67];
	_ =	swait.ge [sflag:s4], $0x0  }
0x19: {  	s7 =	sld [smem:$0x3F68]  }
0x1a: {  	s8 =	sadd.s32 $0xFFFFE003, lr  }
0x1b: {  	s9 =	sadd.s32 $0xFFFFFEF7, lr;
	s5 =	simm.s32 $0xFFFFFFFF;
	p2 =	slt.u32 s8, $0xFFFFF086  }
0x1c: {  	p1 =	slt.u32 s9, $0xF7A;
	s5 =	simm.s32 @!p2 $0x0  }
0x1d: {  	s5 =	simm.s32 @p1 $0x1;
	p0 =	seq.s32 s7, s2  }
0x1e: {  	s7 =	smul.u32 @!p0 $0xF7A, s2;
	p2 =	seq.s32 @!p0 s5, $0x0  }
0x1f: {  	s9 =	smul.u32 $0xF7A, s1;
	s8 =	simm.s32 @!p0 $0x1BF5;
	p2 =	por !p2, p0  }
0x20: {  	[sflag:s8] =	ssyncset.s32 @!p0 $0xFFFFF086;
	s6 =	sadd.s32 @!p0 s3, s7;
	s7 =	simm.s32 @!p0 $0x108  }
0x21: {  	s3 =	sadd.s32 s3, s9;
	s6 =	sadd.s32 @!p0 $0x88, s6;
	s7 =	simm.s32 @p2 $0x1082  }
0x22: {  	[simem:s7], [sflag:s8] =	dma.local @!p0 [hbm:s6], $0xF7A  }
0x23: {  	s9 =	sor.u32 $0xD0000000, s2;
	s6 =	simm.s32 $0x108;
	_ =	swait.ge @!p0 [sflag:s8], $0x0  }
0x24: {  	s3 =	sadd.s32 $0x88, s3;
	s6 =	simm.s32 @!p1 $0x1082;
	[sflag:s4] =	ssyncset.s32 $0xFFFFF086  }
0x25: {  	[simem:s6], [sflag:s4] =	dma.local [hbm:s3], $0xF7A  }
0x26: {  	[smem:$0x3F68] =	sst s1;
	(tag) =	ssettag s2;
	_ =	strace s9  }
0x27: {  	s1 =	sld [smem:$0x3F78]  }
0x28: {  	s2 =	sld [smem:$0x3F79]  }
0x29: {  	s4 =	sld [smem:$0x3F7B]  }
0x2a: {  	p0 =	seq.s32 s5, $0x0;
	s5 =	sld [smem:$0x3F7C]  }
0x2b: {  	s6 =	sld [smem:$0x3F7D]  }
0x2c: {  	s7 =	sld [smem:$0x3F7E]  }
0x2d: {  	s3 =	simm.s32 $0x108;
	s8 =	sld [smem:$0x3F7F]  }
0x2e: {  	s3 =	simm.s32 @!p0 $0x1082;
	s9 =	sld [smem:$0x3F80]  }
0x2f: {  	lr =	sadd.s32 s0, s3;
	s0 =	sld [smem:$0x3F77]  }
0x30: {  	s3 =	sld [smem:$0x3F7A]  }
0x31: {  	[smem:$0x3F83] =	sst s10  }
0x32: {  	s10 =	sld [smem:$0x3F81];
	_ =	sdelay $0x3  }
0x33: {  	p0 =	seq.s32 s10, $0x1;
	s10 =	sld [smem:$0x3F83];
	_ =	sdelay $0x3  }
0x34: {  	[smem:$0x3F83] =	sst s10  }
0x35: {  	s10 =	sld [smem:$0x3F82];
	_ =	sdelay $0x3  }
0x36: {  	p1 =	seq.s32 s10, $0x1;
	s10 =	sld [smem:$0x3F83];
	_ =	sdelay $0x3  }
0x37: {  	[smem:$0x3F83] =	sst s10  }
0x38: {  	s10 =	sld [smem:$0x3F84]  }
0x39: {  	_ = 	snop;
	(pc) =	sbr.ind lr, $3  }
0x3a: {  	_ = 	snop  }
0x3b: {  	_ = 	snop  }
0x3c: {  	p2 =	seq.s32 s10, $0x1;
	s10 =	sld [smem:$0x3F83]  }
0x3d: {  	_ =	shalt  }
0x3e: {  	_ =	shalt  }
0x3f: {  	_ =	shalt  }
0x40: {  	_ =	shalt  }
0x41: {  	_ =	shalt  }
0x42: {  	_ =	shalt  }
0x43: {  	_ =	shalt  }
0x44: {  	_ =	shalt  }
0x45: {  	_ =	shalt  }
0x46: {  	_ =	shalt  }
0x47: {  	_ =	shalt  }
0x48: {  	_ =	shalt  }
0x49: {  	_ =	shalt  }
0x4a: {  	_ =	shalt  }
0x4b: {  	_ =	shalt  }
0x4c: {  	_ =	shalt  }
0x4d: {  	_ =	shalt  }
0x4e: {  	_ =	shalt  }
0x4f: {  	_ =	shalt  }
0x50: {  	_ =	shalt  }
0x51: {  	_ =	shalt  }
0x52: {  	_ =	shalt  }
0x53: {  	_ =	shalt  }
0x54: {  	_ =	shalt  }
0x55: {  	_ =	shalt  }
0x56: {  	_ =	shalt  }
0x57: {  	_ =	shalt  }
0x58: {  	_ =	shalt  }
0x59: {  	_ =	shalt  }
0x5a: {  	_ =	shalt  }
0x5b: {  	_ =	shalt  }
0x5c: {  	_ =	shalt  }
0x5d: {  	_ =	shalt  }
0x5e: {  	_ =	shalt  }
0x5f: {  	_ =	shalt  }
0x60: {  	_ =	shalt  }
0x61: {  	_ =	shalt  }
0x62: {  	_ =	shalt  }
0x63: {  	_ =	shalt  }
0x64: {  	_ =	shalt  }
0x65: {  	_ =	shalt  }
0x66: {  	_ =	shalt  }
0x67: {  	_ =	shalt  }
0x68: {  	_ =	shalt  }
0x69: {  	_ =	shalt  }
0x6a: {  	_ =	shalt  }
0x6b: {  	_ =	shalt  }
0x6c: {  	_ =	shalt  }
0x6d: {  	_ =	shalt  }
0x6e: {  	_ =	shalt  }
0x6f: {  	_ =	shalt  }
0x70: {  	_ =	shalt  }
0x71: {  	_ =	shalt  }
0x72: {  	_ =	shalt  }
0x73: {  	_ =	shalt  }
0x74: {  	_ =	shalt  }
0x75: {  	_ =	shalt  }
0x76: {  	_ =	shalt  }
0x77: {  	_ =	shalt  }
0x78: {  	_ =	shalt  }
0x79: {  	_ =	shalt  }
0x7a: {  	_ =	shalt  }
0x7b: {  	_ =	shalt  }
0x7c: {  	_ =	shalt  }
0x7d: {  	_ =	shalt  }
0x7e: {  	_ =	shalt  }
0x7f: {  	_ =	shalt  }
0x80: {  	_ =	shalt  }
0x81: {  	_ =	shalt  }
0x82: {  	_ =	shalt  }
0x83: {  	_ =	shalt  }
0x84: {  	_ =	shalt  }
0x85: {  	_ =	shalt  }
0x86: {  	_ =	shalt  }
0x87: {  	_ =	shalt  }
.Lfunc_end0:
.L_simem_size_0:
called_computation.6_lowered:
.L_overlay_start_0:
0x88: {  	s2 =	sld [smem:$0x3FD9]  }
0x89: {  	s3 =	sld [smem:$0x3FFE];
	_ =	sdelay $0x1  }
0x8a: {  	s1 =	srdreg.scid  }
0x8b: {  	s0 =	sand.u32 $0x1, s1  }
0x8c: {  	s16 =	sshll.u32 s0, $0xA;
	s2 =	sadd.s32 s3, s2  }
0x8d: {  	s2 =	sadd.s32 s2, s16  }
0x8e: {  	[smem:$0x3F8F] =	sst s2  }
0x8f: {  	_ = 	snop  }
0x90: {  	(tm) =	ssettm $0x1  }
0x91: {  	s17 =	sld [smem:$0x3FFB];
	_ =	sdelay $0x3  }
0x92: {  	_ =	strace s17  }
0x93: {  	s2 =	sld [smem:$0x3FFC];
	_ =	sdelay $0x3  }
0x94: {  	_ =	strace s2  }
0x95: {  	s2 =	sld [smem:$0x3FFD];
	_ =	sdelay $0x3  }
0x96: {  	_ =	strace s2  }
0x97: {  	_ =	strace $0x8FFFFFFF  }
0x98: {  	s18 =	sld [smem:$0x3FDB];
	_ =	sdelay $0x1  }
0x99: {  	s19 =	simm.s32 $_scs_section_size  }
0x9a: {  	s4 =	simm.s32 $_size__tile_overlayer_lowered;
	s5 =	simm.s32 $_tile_overlayer_lowered  }
0x9b: {  	s22 =	simm.s32 $0x1BFF;
	s21 =	sshll.u32 s5, $0x1;
	s2 =	sadd.s32 s19, s18  }
0x9c: {  	s6 =	simm.s32 $0x0;
	s20 =	sshll.u32 s4, $0x1;
	s4 =	sadd.s32 s21, s2  }
0x9d: {  	[timem:s6], [sflag:s22] =	dma.local [hbm:s4], s20  }
0x9e: {  	_ =	swait.ge [sflag:s22], s20  }
0x9f: {  	s3 =	ssub.s32 $0x0, s20;
	[sflag:s22] =	ssyncset.done $0x0  }
0xa0: {  	[sflag:s22] =	ssyncadd.s32 s3;
	_ =	sdelay $0x1  }
0xa1: {  	s23 =	simm.s32 $0x1B8B  }
0xa2: {  	_ =	swait.ge [sflag:s23], $0x1  }
0xa3: {  	[sflag:s23] =	ssyncset.done $0x0  }
0xa4: {  	s25 =	simm.s32 $0x1B8E;
	s24 =	sld [smem:$0x3FFE];
	[sflag:s23] =	ssyncadd.s32 $0xFFFFFFFF  }
0xa5: {  	s26 =	simm.s32 $execute0_lowered;
	[smem:$0x3FD2] =	sst s25  }
0xa6: {  	s4 =	sshll.u32 s26, $0x1;
	_ =	strace $0x80000058;
	[dreg:$0x1] =	wrdreg $0xFFFFFFFF  }
0xa7: {  	s28 =	simm.s32 $_size_execute0_lowered;
	s2 =	sadd.s32 s2, s4;
	[dreg:$0x0] =	wrdreg $0x0  }
0xa8: {  	s4 =	sshll.u32 s28, $0x1;
	[dreg:$0x2] =	wrdreg s2  }
0xa9: {  	[dreg:$0x3] =	wrdreg s4  }
0xaa: {  	[dreg:$0x4] =	wrdreg $0xC0  }
0xab: {  	_ =	task [dreg:s6], $0x5FFFF  }
0xac: {  	[dreg:$0x1] =	wrdreg $0xFFFFFFFF  }
0xad: {  	[dreg:$0x0] =	wrdreg $0x60  }
0xae: {  	[dreg:$0x2] =	wrdreg s24  }
0xaf: {  	[dreg:$0x3] =	wrdreg $0x41000  }
0xb0: {  	[dreg:$0x4] =	wrdreg $0x9  }
0xb1: {  	_ =	task.clear_ibuf [dreg:s6], $0x5FFFF;
	_ =	strace $0x90000058  }
0xb2: {  	s29 =	simm.s32 $0x9;
	_ =	strace $0x8000005A  }
0xb3: {  	_ =	swait.ge [sflag:s29], $0x1  }
0xb4: {  	[sflag:s29] =	ssyncadd.s32 $0xFFFFFFFF  }
0xb5: {  	_ =	strace $0x9000005A  }
0xb6: {  	_ =	sfence  }
0xb7: {  	s30 =	sld [smem:$0x0];
	_ =	sdelay $0x2  }
0xb8: {  	s31 =	sshll.u32 s1, $0xD;
	s1 =	sshrl.u32 s1, $0x2  }
0xb9: {  	s3 =	sand.u32 $0x4000, s31;
	s1 =	sadd.s32 s1, s30  }
0xba: {  	s0 =	sor.u32 s3, s0;
	s1 =	sshll.u32 s1, $0x11  }
0xbb: {  	s0 =	sor.u32 s1, s0  }
0xbc: {  	s0 =	sadd.s32 $0x8F2B, s0  }
0xbd: {  	[sflag:s0] =	ssyncadd.remote.s32 $0x1  }
0xbe: {  	_ =	sfence.sel $0xFFFF  }
0xbf: {  	[dreg:$0x0] =	wrdreg $0xFFFFFFFF;
	(pc) =	sbr.abs _section_cstart, $3  }
0xc0: {  	[dreg:$0x1] =	wrdreg $0xFFFFFFFF  }
0xc1: {  	_ =	task.clear_ibuf [dreg:s6], $0x2FFFF;
	_ =	strace $0x9FFFFFFF  }
0xc2: {  	(tm) =	ssettm $0x7FFFFFFF  }
0xc3: {  	_ =	shalt  }
tec
execute0_lowered:
.L_overlay_start_1:
0x0: {  	(tag) =	ssettag $0x1  }
0x1: {  	s5 =	rddreg [dreg:$0x0]  }
0x2: {  	s2 =	rddreg [dreg:$0x1]  }
0x3: {  	s0 =	rddreg [dreg:$0x2];
	s1 =	stileid.u32  }
0x4: {  	s4 =	srdreg.scid;
	s3 =	simm.s32 $0x0;
	s12 =	simm.s32 $0x2  }
0x5: {  	s13 =	simm.s32 $0x80;
	s14 =	simm.s32 $0x100;
	s6 =	smul.u32 $0xA00, s1  }
0x6: {  	s15 =	simm.s32 $0x1;
	s16 =	simm.s32 $0x0;
	s7 =	smul.u32 $0x14000, s1  }
0x7: {  	s8 =	sand.u32 $0x1, s4;
	[smem:$0x7FF] =	sst s3;
	s11 =	smul.u32 $0x50000, s1  }
0x8: {  	s4 =	sadd.s32 $0x53E00, s5;
	s31 =	sshll.u32 s1, $0x6;
	s9 =	smul.u32 $0x140000, s8  }
0x9: {  	_ =	strace $0x80000059;
	s28 =	ssub.s32 $0x2, s8;
	s8 =	smul.u32 $0x500, s8  }
0xa: {  	s10 =	sadd.s32 s6, s5;
	s26 =	sshrl.u32 s7, $0x3;
	s29 =	sshrl.u32 s28, $0x1  }
0xb: {  	s30 =	sshrl.u32 s11, $0x2;
	s7 =	sadd.s32 s7, s9;
	s6 =	sadd.s32 s26, s5  }
0xc: {  	s9 =	ssub.s32 s28, s29;
	s11 =	sadd.s32 s30, s2;
	s10 =	sadd.s32 s8, s10  }
0xd: {  	s7 =	sshrl.u32 s7, $0x3;
	s8 =	smax.u32 s9, $0x1;
	s9 =	sadd.s32 $0x49E00, s10  }
0xe: {  	s10 =	sadd.s32 $0xEC00, s10;
	s11 =	sshrl.u32 s11, $0x3;
	s7 =	sadd.s32 s7, s5  }
0xf: {  	s5 =	sadd.s32 $0xF72200, s6;
	s6 =	sor.u32 $0x1C02, s31;
	s7 =	sadd.s32 $0x7BE00, s7  }
.LBB2_1:
0x10: {  	[spmem:s11], [sflag:s6] =	dma.local [hbm:s5], $0x2800  }
0x11: {  	_ =	swait.ge [sflag:s12], $0x2800  }
0x12: {  	[sflag:s12] =	ssyncset.done $0x0  }
0x13: {  	[sflag:s12] =	ssyncadd.s32 $0xFFFFD800  }
0x14: {  	s17 =	sadd.s32 $0x0, s10;
	[bflag:$0x0] =	sbarrier.arrive $0xFFFF  }
0x15: {  	[tilespmem:s3], [sflag:$0x2] =	stream.linear.gather [hbm4b:s17+s3], $0x80, $0x38;
	[tilespmem:$0x18100] =	vst v63  }
0x16: {  	_ =	swait.ge [sflag:s12], $0x80  }
0x17: {  	[sflag:s12] =	ssyncset.done $0x0  }
0x18: {  	s31 =	sadd.s32 $0x0, s9;
	[sflag:s12] =	ssyncadd.s32 $0xFFFFFF80  }
0x19: {  	[tilespmem:s13], [sflag:$0x2] =	stream.linear.gather [hbm4b:s31+s3], $0x80, $0x38;
	[tilespmem:$0x18100] =	vst v63  }
0x1a: {  	_ =	swait.ge [sflag:s12], $0x80  }
0x1b: {  	[sflag:s12] =	ssyncset.done $0x0  }
0x1c: {  	[sflag:s12] =	ssyncadd.s32 $0xFFFFFF80  }
0x1d: {  	[tilespmem:s14], [sflag:$0x1] =	stream.indirect.gather [hbm4b:s4+s13], $0x80, s3, s13, $0xb8;
	[tilespmem:$0x18100] =	vst v63  }
0x1e: {  	_ =	swait.ge [sflag:s15], $0x4000  }
0x1f: {  	[sflag:s15] =	ssyncset.done $0x0  }
0x20: {  	[sflag:s15] =	ssyncadd.s32 $0xFFFFC000  }
0x21: {  	[spmem:s2] =	stream.indirect.scatter.add.f32 [tilespmem:s14], [sflag:$0x2], $0x80, s13, s13, $0xb8;
	[tilespmem:$0x18100] =	vst v63  }
0x22: {  	_ =	swait.ge [sflag:s12], $0x4000  }
0x23: {  	s18 =	simm.s32 $0x20;
	s17 =	simm.s32 $0x10;
	[sflag:s12] =	ssyncset.done $0x0  }
.LBB2_2:
0x24: {  	s19 =	sadd.s32 s17, s10  }
0x25: {  	[sflag:s12] =	ssyncadd.s32 $0xFFFFC000;
	s20 =	smov.u32 s18;
	s21 =	sadd.s32 $0x10, s18  }
0x26: {  	[tilespmem:s3], [sflag:$0x2] =	stream.linear.gather [hbm4b:s19+s3], $0x80, $0x38;
	[tilespmem:$0x18100] =	vst v63  }
0x27: {  	p0 =	sne.s32 s18, $0x4F0;
	_ =	swait.ge [sflag:s12], $0x80  }
0x28: {  	[sflag:s12] =	ssyncset.done $0x0  }
0x29: {  	s18 =	sadd.s32 s17, s9;
	s17 =	smov.u32 s20;
	[sflag:s12] =	ssyncadd.s32 $0xFFFFFF80  }
0x2a: {  	[tilespmem:s13], [sflag:$0x2] =	stream.linear.gather [hbm4b:s18+s3], $0x80, $0x38;
	[tilespmem:$0x18100] =	vst v63  }
0x2b: {  	_ =	swait.ge [sflag:s12], $0x80  }
0x2c: {  	[sflag:s12] =	ssyncset.done $0x0  }
0x2d: {  	[sflag:s12] =	ssyncadd.s32 $0xFFFFFF80  }
0x2e: {  	[tilespmem:s14], [sflag:$0x1] =	stream.indirect.gather [hbm4b:s4+s13], $0x80, s3, s13, $0xb8;
	[tilespmem:$0x18100] =	vst v63  }
0x2f: {  	_ =	swait.ge [sflag:s15], $0x4000  }
.Ltmp0:
0x30: {  	[sflag:s15] =	ssyncset.done $0x0;
	(pc) =	sbr.rel @p0 .LBB2_2-.Ltmp0, $4  }
0x31: {  	[sflag:s15] =	ssyncadd.s32 $0xFFFFC000  }
0x32: {  	[spmem:s2] =	stream.indirect.scatter.add.f32 [tilespmem:s14], [sflag:$0x2], $0x80, s13, s13, $0xb8;
	[tilespmem:$0x18100] =	vst v63  }
0x33: {  	_ =	swait.ge [sflag:s12], $0x4000  }
0x34: {  	s18 =	smov.u32 s21;
	[sflag:s12] =	ssyncset.done $0x0  }
0x35: {  	s18 =	sadd.s32 s17, s10;
	[sflag:s12] =	ssyncadd.s32 $0xFFFFC000  }
0x36: {  	[tilespmem:s3], [sflag:$0x2] =	stream.linear.gather [hbm4b:s18+s3], $0x80, $0x38;
	[tilespmem:$0x18100] =	vst v63  }
0x37: {  	_ =	swait.ge [sflag:s12], $0x80  }
0x38: {  	[sflag:s12] =	ssyncset.done $0x0  }
0x39: {  	s31 =	sadd.s32 s17, s9;
	[sflag:s12] =	ssyncadd.s32 $0xFFFFFF80  }
0x3a: {  	[tilespmem:s13], [sflag:$0x2] =	stream.linear.gather [hbm4b:s31+s3], $0x80, $0x38;
	[tilespmem:$0x18100] =	vst v63  }
0x3b: {  	_ =	swait.ge [sflag:s12], $0x80  }
0x3c: {  	[sflag:s12] =	ssyncset.done $0x0  }
0x3d: {  	[sflag:s12] =	ssyncadd.s32 $0xFFFFFF80  }
0x3e: {  	[tilespmem:s14], [sflag:$0x1] =	stream.indirect.gather [hbm4b:s4+s13], $0x80, s3, s13, $0xb8;
	[tilespmem:$0x18100] =	vst v63  }
0x3f: {  	_ =	swait.ge [sflag:s15], $0x4000  }
0x40: {  	[sflag:s15] =	ssyncset.done $0x0  }
0x41: {  	[sflag:s15] =	ssyncadd.s32 $0xFFFFC000  }
0x42: {  	[spmem:s2] =	stream.indirect.scatter.add.f32 [tilespmem:s14], [sflag:$0x2], $0x80, s13, s13, $0xb8;
	[tilespmem:$0x18100] =	vst v63  }
0x43: {  	_ =	swait.ge [sflag:s12], $0x4000  }
0x44: {  	[sflag:s12] =	ssyncset.done $0x0  }
0x45: {  	s16 =	sadd.s32 $0x1, s16;
	[sflag:s12] =	ssyncadd.s32 $0xFFFFC000  }
0x46: {  	p0 =	sne.s32 s16, s8;
	[bflag:$0x0] =	sbarrier.arrive $0xFFFF  }
0x47: {  	[hbm:s7], [sflag:s6] =	dma.local [spmem:s11], $0x2800  }
.Ltmp1:
0x48: {  	_ =	swait.ge [sflag:s12], $0x2800;
	(pc) =	sbr.rel @p0 .LBB2_1-.Ltmp1, $3  }
0x49: {  	[sflag:s12] =	ssyncset.done $0x0  }
0x4a: {  	[sflag:s12] =	ssyncadd.s32 $0xFFFFD800  }
0x4b: {  	[bflag:$0x0] =	sbarrier.arrive $0xFFFF;
	_ =	sdelay $0x1  }
0x4c: {  	_ =	sfence.sel $0x180000  }
0x4d: {  	[bflag:$0x0] =	sbarrier.arrive $0xFFFF  }
0x4e: {  	p0 =	sne.s32 s1, $0x0;
	_ =	strace $0x90000059  }
0x4f: {  	s0 =	sadd.s32 @!p0 $0x100000, s0;
	[bflag:$0x2] =	sbarrier.arrive $0xFFFF  }
0x50: {  	[sflag:s0] =	ssyncadd.tile.s32 @!p0 $0x1;
	_ =	shalt  }
.Lfunc_end2:
_tile_overlayer_lowered:
.L_overlay_start_2:
0x51: {  	(tag) =	ssettag $0x2  }
0x52: {  	s0 =	rddreg [dreg:$0x0];
	s2 =	stileid.u32  }
0x53: {  	s1 =	rddreg [dreg:$0x1];
	p0 =	sne.s32 s2, $0x0  }
0x54: {  	s3 =	rddreg [dreg:$0x2];
	[bflag:$0x3] =	sbarrier.arrive $0xFFFF;
	s2 =	simm.s32 @!p0 $0x1C02  }
0x55: {  	[timem:s3], [sflag:s2] =	dma.local @!p0 [hbm:s0], s1  }
0x56: {  	s0 =	simm.s32 @!p0 $0x2  }
0x57: {  	_ =	swait.ge @!p0 [sflag:s0], s1  }
0x58: {  	s1 =	ssub.s32 @!p0 $0x0, s1;
	[sflag:s0] =	ssyncset.done @!p0 $0x0  }
0x59: {  	[sflag:s0] =	ssyncadd.s32 @!p0 s1  }
0x5a: {  	[bflag:$0x3] =	sbarrier.arrive $0xFFFF  }
0x5b: {  	_ =	shalt  }

// kernel: kernel.41.cloned.1.call-start
scs
__scs_entry_jumppad:
0x0: {  	(pc) =	sbr.rel $0x88, $3  }
0x1: {  	(tag) =	ssettag $0x0;
	lr =	simm.s32 $0x1  }
0x2: {  	[smem:$0x3F68] =	sst lr;
	_ =	strace $0xD0000000  }
0x3: {  	_ = 	snop  }
0x4: {  	_ = 	snop  }
0x5: {  	_ = 	snop  }
0x6: {  	_ = 	snop  }
0x7: {  	_ = 	snop  }
__scs_overlays_trampoline_lowered:
0x8: {  	[smem:$0x3F77] =	sst s0  }
0x9: {  	[smem:$0x3F78] =	sst s1  }
0xa: {  	[smem:$0x3F79] =	sst s2  }
0xb: {  	[smem:$0x3F7A] =	sst s3  }
0xc: {  	[smem:$0x3F7B] =	sst s4  }
0xd: {  	[smem:$0x3F7C] =	sst s5  }
0xe: {  	[smem:$0x3F7D] =	sst s6  }
0xf: {  	[smem:$0x3F7E] =	sst s7  }
0x10: {  	[smem:$0x3F7F] =	sst s8  }
0x11: {  	[smem:$0x3F80] =	sst s9;
	s0 =	simm.s32 @!p0 $0x0  }
0x12: {  	s1 =	sld [smem:$0x3F66];
	s0 =	simm.s32 @p0 $0x1  }
0x13: {  	[smem:$0x3F81] =	sst s0;
	s0 =	simm.s32 @!p1 $0x0  }
0x14: {  	s2 =	sld [smem:$0x3F65];
	s0 =	simm.s32 @p1 $0x1  }
0x15: {  	[smem:$0x3F82] =	sst s0;
	s0 =	simm.s32 @!p2 $0x0  }
0x16: {  	s3 =	sld [smem:$0x3FDB];
	s0 =	simm.s32 @p2 $0x1  }
0x17: {  	s4 =	simm.s32 $0x1BF5;
	[smem:$0x3F84] =	sst s0  }
0x18: {  	s0 =	sld [smem:$0x3F67];
	_ =	swait.ge [sflag:s4], $0x0  }
0x19: {  	s7 =	sld [smem:$0x3F68]  }
0x1a: {  	s8 =	sadd.s32 $0xFFFFE003, lr  }
0x1b: {  	s9 =	sadd.s32 $0xFFFFFEF7, lr;
	s5 =	simm.s32 $0xFFFFFFFF;
	p2 =	slt.u32 s8, $0xFFFFF086  }
0x1c: {  	p1 =	slt.u32 s9, $0xF7A;
	s5 =	simm.s32 @!p2 $0x0  }
0x1d: {  	s5 =	simm.s32 @p1 $0x1;
	p0 =	seq.s32 s7, s2  }
0x1e: {  	s7 =	smul.u32 @!p0 $0xF7A, s2;
	p2 =	seq.s32 @!p0 s5, $0x0  }
0x1f: {  	s9 =	smul.u32 $0xF7A, s1;
	s8 =	simm.s32 @!p0 $0x1BF5;
	p2 =	por !p2, p0  }
0x20: {  	[sflag:s8] =	ssyncset.s32 @!p0 $0xFFFFF086;
	s6 =	sadd.s32 @!p0 s3, s7;
	s7 =	simm.s32 @!p0 $0x108  }
0x21: {  	s3 =	sadd.s32 s3, s9;
	s6 =	sadd.s32 @!p0 $0x88, s6;
	s7 =	simm.s32 @p2 $0x1082  }
0x22: {  	[simem:s7], [sflag:s8] =	dma.local @!p0 [hbm:s6], $0xF7A  }
0x23: {  	s9 =	sor.u32 $0xD0000000, s2;
	s6 =	simm.s32 $0x108;
	_ =	swait.ge @!p0 [sflag:s8], $0x0  }
0x24: {  	s3 =	sadd.s32 $0x88, s3;
	s6 =	simm.s32 @!p1 $0x1082;
	[sflag:s4] =	ssyncset.s32 $0xFFFFF086  }
0x25: {  	[simem:s6], [sflag:s4] =	dma.local [hbm:s3], $0xF7A  }
0x26: {  	[smem:$0x3F68] =	sst s1;
	(tag) =	ssettag s2;
	_ =	strace s9  }
0x27: {  	s1 =	sld [smem:$0x3F78]  }
0x28: {  	s2 =	sld [smem:$0x3F79]  }
0x29: {  	s4 =	sld [smem:$0x3F7B]  }
0x2a: {  	p0 =	seq.s32 s5, $0x0;
	s5 =	sld [smem:$0x3F7C]  }
0x2b: {  	s6 =	sld [smem:$0x3F7D]  }
0x2c: {  	s7 =	sld [smem:$0x3F7E]  }
0x2d: {  	s3 =	simm.s32 $0x108;
	s8 =	sld [smem:$0x3F7F]  }
0x2e: {  	s3 =	simm.s32 @!p0 $0x1082;
	s9 =	sld [smem:$0x3F80]  }
0x2f: {  	lr =	sadd.s32 s0, s3;
	s0 =	sld [smem:$0x3F77]  }
0x30: {  	s3 =	sld [smem:$0x3F7A]  }
0x31: {  	[smem:$0x3F83] =	sst s10  }
0x32: {  	s10 =	sld [smem:$0x3F81];
	_ =	sdelay $0x3  }
0x33: {  	p0 =	seq.s32 s10, $0x1;
	s10 =	sld [smem:$0x3F83];
	_ =	sdelay $0x3  }
0x34: {  	[smem:$0x3F83] =	sst s10  }
0x35: {  	s10 =	sld [smem:$0x3F82];
	_ =	sdelay $0x3  }
0x36: {  	p1 =	seq.s32 s10, $0x1;
	s10 =	sld [smem:$0x3F83];
	_ =	sdelay $0x3  }
0x37: {  	[smem:$0x3F83] =	sst s10  }
0x38: {  	s10 =	sld [smem:$0x3F84]  }
0x39: {  	_ = 	snop;
	(pc) =	sbr.ind lr, $3  }
0x3a: {  	_ = 	snop  }
0x3b: {  	_ = 	snop  }
0x3c: {  	p2 =	seq.s32 s10, $0x1;
	s10 =	sld [smem:$0x3F83]  }
0x3d: {  	_ =	shalt  }
0x3e: {  	_ =	shalt  }
0x3f: {  	_ =	shalt  }
0x40: {  	_ =	shalt  }
0x41: {  	_ =	shalt  }
0x42: {  	_ =	shalt  }
0x43: {  	_ =	shalt  }
0x44: {  	_ =	shalt  }
0x45: {  	_ =	shalt  }
0x46: {  	_ =	shalt  }
0x47: {  	_ =	shalt  }
0x48: {  	_ =	shalt  }
0x49: {  	_ =	shalt  }
0x4a: {  	_ =	shalt  }
0x4b: {  	_ =	shalt  }
0x4c: {  	_ =	shalt  }
0x4d: {  	_ =	shalt  }
0x4e: {  	_ =	shalt  }
0x4f: {  	_ =	shalt  }
0x50: {  	_ =	shalt  }
0x51: {  	_ =	shalt  }
0x52: {  	_ =	shalt  }
0x53: {  	_ =	shalt  }
0x54: {  	_ =	shalt  }
0x55: {  	_ =	shalt  }
0x56: {  	_ =	shalt  }
0x57: {  	_ =	shalt  }
0x58: {  	_ =	shalt  }
0x59: {  	_ =	shalt  }
0x5a: {  	_ =	shalt  }
0x5b: {  	_ =	shalt  }
0x5c: {  	_ =	shalt  }
0x5d: {  	_ =	shalt  }
0x5e: {  	_ =	shalt  }
0x5f: {  	_ =	shalt  }
0x60: {  	_ =	shalt  }
0x61: {  	_ =	shalt  }
0x62: {  	_ =	shalt  }
0x63: {  	_ =	shalt  }
0x64: {  	_ =	shalt  }
0x65: {  	_ =	shalt  }
0x66: {  	_ =	shalt  }
0x67: {  	_ =	shalt  }
0x68: {  	_ =	shalt  }
0x69: {  	_ =	shalt  }
0x6a: {  	_ =	shalt  }
0x6b: {  	_ =	shalt  }
0x6c: {  	_ =	shalt  }
0x6d: {  	_ =	shalt  }
0x6e: {  	_ =	shalt  }
0x6f: {  	_ =	shalt  }
0x70: {  	_ =	shalt  }
0x71: {  	_ =	shalt  }
0x72: {  	_ =	shalt  }
0x73: {  	_ =	shalt  }
0x74: {  	_ =	shalt  }
0x75: {  	_ =	shalt  }
0x76: {  	_ =	shalt  }
0x77: {  	_ =	shalt  }
0x78: {  	_ =	shalt  }
0x79: {  	_ =	shalt  }
0x7a: {  	_ =	shalt  }
0x7b: {  	_ =	shalt  }
0x7c: {  	_ =	shalt  }
0x7d: {  	_ =	shalt  }
0x7e: {  	_ =	shalt  }
0x7f: {  	_ =	shalt  }
0x80: {  	_ =	shalt  }
0x81: {  	_ =	shalt  }
0x82: {  	_ =	shalt  }
0x83: {  	_ =	shalt  }
0x84: {  	_ =	shalt  }
0x85: {  	_ =	shalt  }
0x86: {  	_ =	shalt  }
0x87: {  	_ =	shalt  }
.Lfunc_end0:
.L_simem_size_0:
called_computation.7_lowered:
.L_overlay_start_0:
0x88: {  	s2 =	sld [smem:$0x3FD9]  }
0x89: {  	s3 =	sld [smem:$0x3FFE];
	_ =	sdelay $0x1  }
0x8a: {  	s1 =	srdreg.scid  }
0x8b: {  	s0 =	sand.u32 $0x1, s1  }
0x8c: {  	s16 =	sshll.u32 s0, $0xA;
	s2 =	sadd.s32 s3, s2  }
0x8d: {  	s2 =	sadd.s32 s2, s16  }
0x8e: {  	[smem:$0x3F8F] =	sst s2  }
0x8f: {  	_ = 	snop  }
0x90: {  	(tm) =	ssettm $0x1  }
0x91: {  	s17 =	sld [smem:$0x3FFB];
	_ =	sdelay $0x3  }
0x92: {  	_ =	strace s17  }
0x93: {  	s2 =	sld [smem:$0x3FFC];
	_ =	sdelay $0x3  }
0x94: {  	_ =	strace s2  }
0x95: {  	s2 =	sld [smem:$0x3FFD];
	_ =	sdelay $0x3  }
0x96: {  	_ =	strace s2  }
0x97: {  	_ =	strace $0x8FFFFFFF  }
0x98: {  	s18 =	sld [smem:$0x3FDB];
	_ =	sdelay $0x1  }
0x99: {  	s19 =	simm.s32 $_scs_section_size  }
0x9a: {  	s4 =	simm.s32 $_size__tile_overlayer_lowered;
	s5 =	simm.s32 $_tile_overlayer_lowered  }
0x9b: {  	s22 =	simm.s32 $0x1BFF;
	s21 =	sshll.u32 s5, $0x1;
	s2 =	sadd.s32 s19, s18  }
0x9c: {  	s6 =	simm.s32 $0x0;
	s20 =	sshll.u32 s4, $0x1;
	s4 =	sadd.s32 s21, s2  }
0x9d: {  	[timem:s6], [sflag:s22] =	dma.local [hbm:s4], s20  }
0x9e: {  	_ =	swait.ge [sflag:s22], s20  }
0x9f: {  	s3 =	ssub.s32 $0x0, s20;
	[sflag:s22] =	ssyncset.done $0x0  }
0xa0: {  	[sflag:s22] =	ssyncadd.s32 s3;
	_ =	sdelay $0x1  }
0xa1: {  	s23 =	simm.s32 $0x1B8B  }
0xa2: {  	_ =	swait.ge [sflag:s23], $0x1  }
0xa3: {  	[sflag:s23] =	ssyncset.done $0x0  }
0xa4: {  	s25 =	simm.s32 $0x1B8E;
	s24 =	sld [smem:$0x3FFE];
	[sflag:s23] =	ssyncadd.s32 $0xFFFFFFFF  }
0xa5: {  	s26 =	simm.s32 $execute0_lowered;
	[smem:$0x3FD2] =	sst s25  }
0xa6: {  	s4 =	sshll.u32 s26, $0x1;
	_ =	strace $0x8000005B;
	[dreg:$0x1] =	wrdreg $0xFFFFFFFF  }
0xa7: {  	s28 =	simm.s32 $_size_execute0_lowered;
	s2 =	sadd.s32 s2, s4;
	[dreg:$0x0] =	wrdreg $0x0  }
0xa8: {  	s4 =	sshll.u32 s28, $0x1;
	[dreg:$0x2] =	wrdreg s2  }
0xa9: {  	[dreg:$0x3] =	wrdreg s4  }
0xaa: {  	[dreg:$0x4] =	wrdreg $0xC0  }
0xab: {  	_ =	task [dreg:s6], $0x5FFFF  }
0xac: {  	[dreg:$0x1] =	wrdreg $0xFFFFFFFF  }
0xad: {  	[dreg:$0x0] =	wrdreg $0x60  }
0xae: {  	[dreg:$0x2] =	wrdreg s24  }
0xaf: {  	[dreg:$0x3] =	wrdreg $0x41000  }
0xb0: {  	[dreg:$0x4] =	wrdreg $0x9  }
0xb1: {  	_ =	task.clear_ibuf [dreg:s6], $0x5FFFF;
	_ =	strace $0x9000005B  }
0xb2: {  	s29 =	simm.s32 $0x9;
	_ =	strace $0x8000005D  }
0xb3: {  	_ =	swait.ge [sflag:s29], $0x1  }
0xb4: {  	[sflag:s29] =	ssyncadd.s32 $0xFFFFFFFF  }
0xb5: {  	_ =	strace $0x9000005D  }
0xb6: {  	_ =	sfence  }
0xb7: {  	s30 =	sld [smem:$0x0];
	_ =	sdelay $0x2  }
0xb8: {  	s31 =	sshll.u32 s1, $0xD;
	s1 =	sshrl.u32 s1, $0x2  }
0xb9: {  	s3 =	sand.u32 $0x4000, s31;
	s1 =	sadd.s32 s1, s30  }
0xba: {  	s0 =	sor.u32 s3, s0;
	s1 =	sshll.u32 s1, $0x11  }
0xbb: {  	s0 =	sor.u32 s1, s0  }
0xbc: {  	s0 =	sadd.s32 $0x8F2B, s0  }
0xbd: {  	[sflag:s0] =	ssyncadd.remote.s32 $0x1  }
0xbe: {  	_ =	sfence.sel $0xFFFF  }
0xbf: {  	[dreg:$0x0] =	wrdreg $0xFFFFFFFF;
	(pc) =	sbr.abs _section_cstart, $3  }
0xc0: {  	[dreg:$0x1] =	wrdreg $0xFFFFFFFF  }
0xc1: {  	_ =	task.clear_ibuf [dreg:s6], $0x2FFFF;
	_ =	strace $0x9FFFFFFF  }
0xc2: {  	(tm) =	ssettm $0x7FFFFFFF  }
0xc3: {  	_ =	shalt  }
tec
execute0_lowered:
.L_overlay_start_1:
0x0: {  	(tag) =	ssettag $0x1  }
0x1: {  	s6 =	rddreg [dreg:$0x0];
	s1 =	srdreg.scid  }
0x2: {  	s0 =	stileid.u32;
	s2 =	rddreg [dreg:$0x1]  }
0x3: {  	s3 =	simm.s32 $0x0;
	s15 =	simm.s32 $0x80;
	s4 =	smul.u32 $0x5000, s0  }
0x4: {  	s16 =	simm.s32 $0x100;
	s17 =	simm.s32 $0x1;
	s8 =	smul.u32 $0x14000, s0  }
0x5: {  	s7 =	sand.u32 $0x1, s1;
	s1 =	rddreg [dreg:$0x2];
	s29 =	smul.u32 $0x50000, s0  }
0x6: {  	s18 =	simm.s32 $0x0;
	[smem:$0x7FF] =	sst s3;
	s5 =	smul.u32 $0x2800, s7  }
0x7: {  	s31 =	sshll.u32 s0, $0x6;
	s10 =	smul.u32 $0x280000, s7;
	s7 =	ssub.s32 $0x2, s7  }
0x8: {  	_ =	strace $0x8000005C;
	s28 =	sshrl.u32 s8, $0x3;
	s11 =	sshrl.u32 s7, $0x1  }
0x9: {  	s30 =	sshrl.u32 s29, $0x2;
	s5 =	sadd.s32 s5, s4;
	s4 =	sadd.s32 $0x53E00, s6  }
0xa: {  	s8 =	sadd.s32 s8, s10;
	s11 =	ssub.s32 s7, s11;
	s14 =	sadd.s32 s30, s2  }
0xb: {  	s7 =	sor.u32 $0x1C02, s31;
	s9 =	sshrl.u32 s5, $0x3;
	s5 =	sadd.s32 $0x7BE00, s6  }
0xc: {  	s8 =	sshrl.u32 s8, $0x3;
	s12 =	sadd.s32 s9, s6;
	s9 =	sadd.s32 s28, s6  }
0xd: {  	s10 =	smax.u32 s11, $0x1;
	s13 =	sadd.s32 s8, s6;
	s6 =	sadd.s32 $0xF72200, s9  }
0xe: {  	s8 =	sadd.s32 $0xCBE00, s13;
	s9 =	sadd.s32 $0xF3E00, s13;
	s11 =	sadd.s32 $0x49E00, s12  }
0xf: {  	s12 =	sadd.s32 $0xEC00, s12;
	s13 =	sshrl.u32 s14, $0x3;
	s14 =	simm.s32 $0x2  }
.LBB2_1:
0x10: {  	[spmem:s13], [sflag:s7] =	dma.local [hbm:s6], $0x2800  }
0x11: {  	_ =	swait.ge [sflag:s14], $0x2800  }
0x12: {  	[sflag:s14] =	ssyncset.done $0x0  }
0x13: {  	[sflag:s14] =	ssyncadd.s32 $0xFFFFD800  }
0x14: {  	s19 =	sadd.s32 $0x0, s12;
	[bflag:$0x0] =	sbarrier.arrive $0xFFFF  }
0x15: {  	[tilespmem:s3], [sflag:$0x2] =	stream.linear.gather [hbm4b:s19+s3], $0x80, $0x38;
	[tilespmem:$0x18100] =	vst v63  }
0x16: {  	_ =	swait.ge [sflag:s14], $0x80  }
0x17: {  	[sflag:s14] =	ssyncset.done $0x0  }
0x18: {  	s31 =	sadd.s32 $0x0, s11;
	[sflag:s14] =	ssyncadd.s32 $0xFFFFFF80  }
0x19: {  	[tilespmem:s15], [sflag:$0x2] =	stream.linear.gather [hbm4b:s31+s3], $0x80, $0x38;
	[tilespmem:$0x18100] =	vst v63  }
0x1a: {  	_ =	swait.ge [sflag:s14], $0x80  }
0x1b: {  	[sflag:s14] =	ssyncset.done $0x0  }
0x1c: {  	[sflag:s14] =	ssyncadd.s32 $0xFFFFFF80  }
0x1d: {  	[tilespmem:s16], [sflag:$0x1] =	stream.indirect.gather [hbm4b:s4+s15], $0x80, s3, s15, $0xb8;
	[tilespmem:$0x18100] =	vst v63  }
0x1e: {  	_ =	swait.ge [sflag:s17], $0x4000  }
0x1f: {  	[sflag:s17] =	ssyncset.done $0x0  }
0x20: {  	[sflag:s17] =	ssyncadd.s32 $0xFFFFC000  }
0x21: {  	[spmem:s2] =	stream.indirect.scatter.add.f32 [tilespmem:s16], [sflag:$0x2], $0x80, s15, s15, $0xb8;
	[tilespmem:$0x18100] =	vst v63  }
0x22: {  	_ =	swait.ge [sflag:s14], $0x4000  }
0x23: {  	s20 =	simm.s32 $0x20;
	s19 =	simm.s32 $0x10;
	[sflag:s14] =	ssyncset.done $0x0  }
.LBB2_2:
0x24: {  	s21 =	sadd.s32 s19, s12  }
0x25: {  	[sflag:s14] =	ssyncadd.s32 $0xFFFFC000;
	s22 =	smov.u32 s20;
	s23 =	sadd.s32 $0x10, s20  }
0x26: {  	[tilespmem:s3], [sflag:$0x2] =	stream.linear.gather [hbm4b:s21+s3], $0x80, $0x38;
	[tilespmem:$0x18100] =	vst v63  }
0x27: {  	p0 =	sne.s32 s20, $0x4F0;
	_ =	swait.ge [sflag:s14], $0x80  }
0x28: {  	[sflag:s14] =	ssyncset.done $0x0  }
0x29: {  	s20 =	sadd.s32 s19, s11;
	s19 =	smov.u32 s22;
	[sflag:s14] =	ssyncadd.s32 $0xFFFFFF80  }
0x2a: {  	[tilespmem:s15], [sflag:$0x2] =	stream.linear.gather [hbm4b:s20+s3], $0x80, $0x38;
	[tilespmem:$0x18100] =	vst v63  }
0x2b: {  	_ =	swait.ge [sflag:s14], $0x80  }
0x2c: {  	[sflag:s14] =	ssyncset.done $0x0  }
0x2d: {  	[sflag:s14] =	ssyncadd.s32 $0xFFFFFF80  }
0x2e: {  	[tilespmem:s16], [sflag:$0x1] =	stream.indirect.gather [hbm4b:s4+s15], $0x80, s3, s15, $0xb8;
	[tilespmem:$0x18100] =	vst v63  }
0x2f: {  	_ =	swait.ge [sflag:s17], $0x4000  }
.Ltmp0:
0x30: {  	[sflag:s17] =	ssyncset.done $0x0;
	(pc) =	sbr.rel @p0 .LBB2_2-.Ltmp0, $4  }
0x31: {  	[sflag:s17] =	ssyncadd.s32 $0xFFFFC000  }
0x32: {  	[spmem:s2] =	stream.indirect.scatter.add.f32 [tilespmem:s16], [sflag:$0x2], $0x80, s15, s15, $0xb8;
	[tilespmem:$0x18100] =	vst v63  }
0x33: {  	_ =	swait.ge [sflag:s14], $0x4000  }
0x34: {  	s20 =	smov.u32 s23;
	[sflag:s14] =	ssyncset.done $0x0  }
0x35: {  	s20 =	sadd.s32 s19, s12;
	[sflag:s14] =	ssyncadd.s32 $0xFFFFC000  }
0x36: {  	[tilespmem:s3], [sflag:$0x2] =	stream.linear.gather [hbm4b:s20+s3], $0x80, $0x38;
	[tilespmem:$0x18100] =	vst v63  }
0x37: {  	_ =	swait.ge [sflag:s14], $0x80  }
0x38: {  	[sflag:s14] =	ssyncset.done $0x0  }
0x39: {  	s29 =	sadd.s32 s19, s11;
	[sflag:s14] =	ssyncadd.s32 $0xFFFFFF80  }
0x3a: {  	[tilespmem:s15], [sflag:$0x2] =	stream.linear.gather [hbm4b:s29+s3], $0x80, $0x38;
	[tilespmem:$0x18100] =	vst v63  }
0x3b: {  	_ =	swait.ge [sflag:s14], $0x80  }
0x3c: {  	[sflag:s14] =	ssyncset.done $0x0  }
0x3d: {  	[sflag:s14] =	ssyncadd.s32 $0xFFFFFF80  }
0x3e: {  	[tilespmem:s16], [sflag:$0x1] =	stream.indirect.gather [hbm4b:s4+s15], $0x80, s3, s15, $0xb8;
	[tilespmem:$0x18100] =	vst v63  }
0x3f: {  	_ =	swait.ge [sflag:s17], $0x4000  }
0x40: {  	[sflag:s17] =	ssyncset.done $0x0  }
0x41: {  	[sflag:s17] =	ssyncadd.s32 $0xFFFFC000  }
0x42: {  	[spmem:s2] =	stream.indirect.scatter.add.f32 [tilespmem:s16], [sflag:$0x2], $0x80, s15, s15, $0xb8;
	[tilespmem:$0x18100] =	vst v63  }
0x43: {  	_ =	swait.ge [sflag:s14], $0x4000  }
0x44: {  	[sflag:s14] =	ssyncset.done $0x0  }
0x45: {  	[sflag:s14] =	ssyncadd.s32 $0xFFFFC000  }
0x46: {  	[bflag:$0x0] =	sbarrier.arrive $0xFFFF  }
0x47: {  	[hbm:s8], [sflag:s7] =	dma.local [spmem:s13], $0x2800  }
0x48: {  	_ =	swait.ge [sflag:s14], $0x2800  }
0x49: {  	[sflag:s14] =	ssyncset.done $0x0  }
0x4a: {  	[sflag:s14] =	ssyncadd.s32 $0xFFFFD800  }
0x4b: {  	[bflag:$0x0] =	sbarrier.arrive $0xFFFF  }
0x4c: {  	[spmem:s13], [sflag:s7] =	dma.local [hbm:s6], $0x2800  }
0x4d: {  	_ =	swait.ge [sflag:s14], $0x2800  }
0x4e: {  	[sflag:s14] =	ssyncset.done $0x0  }
0x4f: {  	[sflag:s14] =	ssyncadd.s32 $0xFFFFD800  }
0x50: {  	s30 =	sadd.s32 $0x0, s12;
	[bflag:$0x0] =	sbarrier.arrive $0xFFFF  }
0x51: {  	[tilespmem:s3], [sflag:$0x2] =	stream.linear.gather [hbm4b:s30+s3], $0x80, $0x38;
	[tilespmem:$0x18100] =	vst v63  }
0x52: {  	_ =	swait.ge [sflag:s14], $0x80  }
0x53: {  	[sflag:s14] =	ssyncset.done $0x0  }
0x54: {  	s31 =	sadd.s32 $0x0, s11;
	[sflag:s14] =	ssyncadd.s32 $0xFFFFFF80  }
0x55: {  	[tilespmem:s15], [sflag:$0x2] =	stream.linear.gather [hbm4b:s31+s3], $0x80, $0x38;
	[tilespmem:$0x18100] =	vst v63  }
0x56: {  	_ =	swait.ge [sflag:s14], $0x80  }
0x57: {  	[sflag:s14] =	ssyncset.done $0x0  }
0x58: {  	[sflag:s14] =	ssyncadd.s32 $0xFFFFFF80  }
0x59: {  	[tilespmem:s16], [sflag:$0x1] =	stream.indirect.gather [hbm4b:s5+s15], $0x80, s3, s15, $0xb8;
	[tilespmem:$0x18100] =	vst v63  }
0x5a: {  	_ =	swait.ge [sflag:s17], $0x4000  }
0x5b: {  	[sflag:s17] =	ssyncset.done $0x0  }
0x5c: {  	[sflag:s17] =	ssyncadd.s32 $0xFFFFC000  }
0x5d: {  	[spmem:s2] =	stream.indirect.scatter.add.f32 [tilespmem:s16], [sflag:$0x2], $0x80, s15, s15, $0xb8;
	[tilespmem:$0x18100] =	vst v63  }
0x5e: {  	_ =	swait.ge [sflag:s14], $0x4000  }
0x5f: {  	s19 =	simm.s32 $0x10;
	s20 =	simm.s32 $0x20;
	[sflag:s14] =	ssyncset.done $0x0  }
.LBB2_4:
0x60: {  	s21 =	sadd.s32 s19, s12  }
0x61: {  	[sflag:s14] =	ssyncadd.s32 $0xFFFFC000;
	s22 =	smov.u32 s20;
	s23 =	sadd.s32 $0x10, s20  }
0x62: {  	[tilespmem:s3], [sflag:$0x2] =	stream.linear.gather [hbm4b:s21+s3], $0x80, $0x38;
	[tilespmem:$0x18100] =	vst v63  }
0x63: {  	p0 =	sne.s32 s20, $0x4F0;
	_ =	swait.ge [sflag:s14], $0x80  }
0x64: {  	[sflag:s14] =	ssyncset.done $0x0  }
0x65: {  	s20 =	sadd.s32 s19, s11;
	s19 =	smov.u32 s22;
	[sflag:s14] =	ssyncadd.s32 $0xFFFFFF80  }
0x66: {  	[tilespmem:s15], [sflag:$0x2] =	stream.linear.gather [hbm4b:s20+s3], $0x80, $0x38;
	[tilespmem:$0x18100] =	vst v63  }
0x67: {  	_ =	swait.ge [sflag:s14], $0x80  }
0x68: {  	[sflag:s14] =	ssyncset.done $0x0  }
0x69: {  	[sflag:s14] =	ssyncadd.s32 $0xFFFFFF80  }
0x6a: {  	[tilespmem:s16], [sflag:$0x1] =	stream.indirect.gather [hbm4b:s5+s15], $0x80, s3, s15, $0xb8;
	[tilespmem:$0x18100] =	vst v63  }
0x6b: {  	_ =	swait.ge [sflag:s17], $0x4000  }
.Ltmp1:
0x6c: {  	[sflag:s17] =	ssyncset.done $0x0;
	(pc) =	sbr.rel @p0 .LBB2_4-.Ltmp1, $4  }
0x6d: {  	[sflag:s17] =	ssyncadd.s32 $0xFFFFC000  }
0x6e: {  	[spmem:s2] =	stream.indirect.scatter.add.f32 [tilespmem:s16], [sflag:$0x2], $0x80, s15, s15, $0xb8;
	[tilespmem:$0x18100] =	vst v63  }
0x6f: {  	_ =	swait.ge [sflag:s14], $0x4000  }
0x70: {  	s20 =	smov.u32 s23;
	[sflag:s14] =	ssyncset.done $0x0  }
0x71: {  	s20 =	sadd.s32 s19, s12;
	[sflag:s14] =	ssyncadd.s32 $0xFFFFC000  }
0x72: {  	[tilespmem:s3], [sflag:$0x2] =	stream.linear.gather [hbm4b:s20+s3], $0x80, $0x38;
	[tilespmem:$0x18100] =	vst v63  }
0x73: {  	_ =	swait.ge [sflag:s14], $0x80  }
0x74: {  	[sflag:s14] =	ssyncset.done $0x0  }
0x75: {  	s31 =	sadd.s32 s19, s11;
	[sflag:s14] =	ssyncadd.s32 $0xFFFFFF80  }
0x76: {  	[tilespmem:s15], [sflag:$0x2] =	stream.linear.gather [hbm4b:s31+s3], $0x80, $0x38;
	[tilespmem:$0x18100] =	vst v63  }
0x77: {  	_ =	swait.ge [sflag:s14], $0x80  }
0x78: {  	[sflag:s14] =	ssyncset.done $0x0  }
0x79: {  	[sflag:s14] =	ssyncadd.s32 $0xFFFFFF80  }
0x7a: {  	[tilespmem:s16], [sflag:$0x1] =	stream.indirect.gather [hbm4b:s5+s15], $0x80, s3, s15, $0xb8;
	[tilespmem:$0x18100] =	vst v63  }
0x7b: {  	_ =	swait.ge [sflag:s17], $0x4000  }
0x7c: {  	[sflag:s17] =	ssyncset.done $0x0  }
0x7d: {  	[sflag:s17] =	ssyncadd.s32 $0xFFFFC000  }
0x7e: {  	[spmem:s2] =	stream.indirect.scatter.add.f32 [tilespmem:s16], [sflag:$0x2], $0x80, s15, s15, $0xb8;
	[tilespmem:$0x18100] =	vst v63  }
0x7f: {  	_ =	swait.ge [sflag:s14], $0x4000  }
0x80: {  	[sflag:s14] =	ssyncset.done $0x0  }
0x81: {  	s18 =	sadd.s32 $0x1, s18;
	[sflag:s14] =	ssyncadd.s32 $0xFFFFC000  }
0x82: {  	p0 =	sne.s32 s18, s10;
	[bflag:$0x0] =	sbarrier.arrive $0xFFFF  }
0x83: {  	[hbm:s9], [sflag:s7] =	dma.local [spmem:s13], $0x2800  }
.Ltmp2:
0x84: {  	_ =	swait.ge [sflag:s14], $0x2800;
	(pc) =	sbr.rel @p0 .LBB2_1-.Ltmp2, $3  }
0x85: {  	[sflag:s14] =	ssyncset.done $0x0  }
0x86: {  	[sflag:s14] =	ssyncadd.s32 $0xFFFFD800  }
0x87: {  	[bflag:$0x0] =	sbarrier.arrive $0xFFFF;
	_ =	sdelay $0x1  }
0x88: {  	_ =	sfence.sel $0x180000  }
0x89: {  	[bflag:$0x0] =	sbarrier.arrive $0xFFFF  }
0x8a: {  	p0 =	sne.s32 s0, $0x0;
	_ =	strace $0x9000005C  }
0x8b: {  	s0 =	sadd.s32 @!p0 $0x100000, s1;
	[bflag:$0x2] =	sbarrier.arrive $0xFFFF  }
0x8c: {  	[sflag:s0] =	ssyncadd.tile.s32 @!p0 $0x1;
	_ =	shalt  }
.Lfunc_end2:
_tile_overlayer_lowered:
.L_overlay_start_2:
0x8d: {  	(tag) =	ssettag $0x2  }
0x8e: {  	s0 =	rddreg [dreg:$0x0];
	s2 =	stileid.u32  }
0x8f: {  	s1 =	rddreg [dreg:$0x1];
	p0 =	sne.s32 s2, $0x0  }
0x90: {  	s3 =	rddreg [dreg:$0x2];
	[bflag:$0x3] =	sbarrier.arrive $0xFFFF;
	s2 =	simm.s32 @!p0 $0x1C02  }
0x91: {  	[timem:s3], [sflag:s2] =	dma.local @!p0 [hbm:s0], s1  }
0x92: {  	s0 =	simm.s32 @!p0 $0x2  }
0x93: {  	_ =	swait.ge @!p0 [sflag:s0], s1  }
0x94: {  	s1 =	ssub.s32 @!p0 $0x0, s1;
	[sflag:s0] =	ssyncset.done @!p0 $0x0  }
0x95: {  	[sflag:s0] =	ssyncadd.s32 @!p0 s1  }
0x96: {  	[bflag:$0x3] =	sbarrier.arrive $0xFFFF  }
0x97: {  	_ =	shalt  }

</sc_bundles>
